<compile_context>
chip_gen: v7x
topology: tpu7x:2x2x1
jax: 0.10.2.dev20260603
libtpu: 0.0.44.dev20260713+nightly
codegen_flags: <defaults>
</compile_context>

<pallas_src>
import functools

import jax
import jax.numpy as jnp
from jax import lax
from jax.experimental import pallas as pl
from jax.experimental.pallas import tpu as pltpu
from jax.experimental.pallas import tpu_sc as plsc

N = 10000
E = 320000
D_IN = 128
D_OUT = 64
EPS = 1e-5

NS = 16
CH = 80
EPT = E // NS
NCH = EPT // CH
NBUF = 5
NPAD = 10240
RPT = NPAD // NS
RB = 40
ROWS_PER_SIGN = E // CH
DST_BASE = 2 * ROWS_PER_SIGN


def _mm_l_body(x_ref, w_ref, h_ref):
    h_ref[...] = jnp.dot(x_ref[...], w_ref[...],
                         preferred_element_type=jnp.float32)


def _mm_l(x, w_l):
    return pl.pallas_call(
        _mm_l_body,
        out_shape=jax.ShapeDtypeStruct((N, D_IN), jnp.float32),
    )(x, w_l)


def _mm_r_body(x_ref, w_ref, r_ref):
    r_ref[...] = jnp.dot(x_ref[...], w_ref[...],
                         preferred_element_type=jnp.float32)


def _mm_r(x, w_r):
    return pl.pallas_call(
        _mm_r_body,
        out_shape=jax.ShapeDtypeStruct((N, D_IN), jnp.float32),
    )(x, w_r)


def _sc_body(h_hbm, sp_hbm, sn_hbm, dp_hbm, dn_hbm, mean_hbm,
             sidx, didx, rows, ones, zb64, zb16, buf64, cbuf,
             accum_sh, cnt_sh,
             *sems):
    c = lax.axis_index("c")
    s = lax.axis_index("s")
    gsems = sems[:NBUF]
    ssems = sems[NBUF:2 * NBUF]
    osem = sems[2 * NBUF]

    zero16 = jnp.zeros((16,), jnp.float32)
    one16 = jnp.ones((16,), jnp.float32)
    for i in range(RB):
        for j in range(4):
            zb64[i, pl.ds(j * 16, 16)] = zero16
        zb16[i, :] = zero16
    for i in range(CH):
        ones[i, :] = one16

    def zloop(i, _):
        r0 = s * RPT + i * RB
        pltpu.sync_copy(zb64, accum_sh.at[pl.ds(r0, RB)])
        pltpu.sync_copy(zb16, cnt_sh.at[pl.ds(r0, RB)])
        return 0

    lax.fori_loop(0, RPT // RB, zloop, 0)
    plsc.subcore_barrier()

    tbase = s * NCH

    @pl.when(c == 0)
    def _():
        pltpu.sync_copy(sp_hbm.at[pl.ds(tbase, NCH)], sidx)
        pltpu.sync_copy(dp_hbm.at[pl.ds(tbase, NCH)], didx)

    @pl.when(c == 1)
    def _():
        pltpu.sync_copy(sn_hbm.at[pl.ds(tbase, NCH)], sidx)
        pltpu.sync_copy(dn_hbm.at[pl.ds(tbase, NCH)], didx)
    for b in range(NBUF):
        pltpu.async_copy(h_hbm.at[sidx.at[b]], rows.at[b], gsems[b])

    def outer(it, _):
        for b in range(NBUF):
            i = it * NBUF + b
            pltpu.make_async_copy(h_hbm.at[sidx.at[b]],
                                  rows.at[b], gsems[b]).wait()
            pltpu.async_copy(rows.at[b], accum_sh.at[didx.at[i]], ssems[b],
                             add=True)
            pltpu.async_copy(ones, cnt_sh.at[didx.at[i]], osem, add=True)
            pltpu.make_async_copy(rows.at[b], accum_sh.at[didx.at[i]],
                                  ssems[b]).wait()
            inext = i + NBUF

            @pl.when(inext < NCH)
            def _():
                pltpu.async_copy(h_hbm.at[sidx.at[inext]], rows.at[b],
                                 gsems[b])
        return 0

    lax.fori_loop(0, NCH // NBUF, outer, 0)

    def drain(i, _):
        pltpu.make_async_copy(ones, cnt_sh.at[didx.at[0]], osem).wait()
        return 0

    lax.fori_loop(0, NCH, drain, 0)
    plsc.subcore_barrier()

    def wloop(i, _):
        r0 = s * RPT + i * RB
        pltpu.sync_copy(accum_sh.at[pl.ds(r0, RB)], buf64)
        pltpu.sync_copy(cnt_sh.at[pl.ds(r0, RB)], cbuf)
        for r in range(RB):
            rec = 1.0 / jnp.maximum(cbuf[r, :], 1.0)
            for g in range(4):
                buf64[r, pl.ds(g * 16, 16)] = (
                    buf64[r, pl.ds(g * 16, 16)] * rec)
        pltpu.sync_copy(buf64, mean_hbm.at[pl.ds(c * NPAD + r0, RB)])
        return 0

    lax.fori_loop(0, RPT // RB, wloop, 0)


_sc_aggregate = functools.partial(
    pl.kernel,
    out_type=jax.ShapeDtypeStruct((2 * NPAD, D_OUT), jnp.float32),
    mesh=plsc.VectorSubcoreMesh(core_axis_name="c", subcore_axis_name="s"),
    compiler_params=pltpu.CompilerParams(use_tc_tiling_on_sc=False),
    scratch_types=(
        pltpu.VMEM((NCH, CH), jnp.int32),
        pltpu.VMEM((NCH, CH), jnp.int32),
        pltpu.VMEM((NBUF, CH, D_OUT), jnp.float32),
        pltpu.VMEM((CH, 16), jnp.float32),
        pltpu.VMEM((RB, D_OUT), jnp.float32),
        pltpu.VMEM((RB, 16), jnp.float32),
        pltpu.VMEM((RB, D_OUT), jnp.float32),
        pltpu.VMEM((RB, 16), jnp.float32),
        pltpu.VMEM_SHARED((NPAD, D_OUT), jnp.float32),
        pltpu.VMEM_SHARED((NPAD, 16), jnp.float32),
    ) + tuple([pltpu.SemaphoreType.DMA] * (2 * NBUF + 1)),
)(_sc_body)


def _finish_body(r_ref, mean_ref, g_ref, be_ref, out_ref):
    m = jnp.concatenate([mean_ref[0:N, :], mean_ref[NPAD:NPAD + N, :]],
                        axis=1)
    y = m + r_ref[...]
    s1 = jnp.sum(y, axis=0, keepdims=True)
    s2 = jnp.sum(y * y, axis=0, keepdims=True)
    mu = s1 * (1.0 / N)
    var = s2 * (1.0 / N) - mu * mu
    out = (y - mu) * jax.lax.rsqrt(var + EPS) * g_ref[...] + be_ref[...]
    out_ref[...] = jnp.maximum(out, 0.0)


def _finish(r, means, g, be):
    return pl.pallas_call(
        _finish_body,
        out_shape=jax.ShapeDtypeStruct((N, 2 * D_OUT), jnp.float32),
    )(r, means, g, be)


def kernel(x, pos_edge_index, neg_edge_index, W_pos_l, W_pos_r, b_pos,
           W_neg_l, W_neg_r, b_neg, gamma, beta):
    w_l = jnp.concatenate([W_pos_l, W_neg_l], axis=1)
    w_r = jnp.concatenate([W_pos_r, W_neg_r], axis=1)
    sp = (pos_edge_index[0].astype(jnp.int32) * 2
          ).reshape(ROWS_PER_SIGN, CH)
    sn = (neg_edge_index[0].astype(jnp.int32) * 2 + 1
          ).reshape(ROWS_PER_SIGN, CH)
    dp = pos_edge_index[1].astype(jnp.int32).reshape(ROWS_PER_SIGN, CH)
    dn = neg_edge_index[1].astype(jnp.int32).reshape(ROWS_PER_SIGN, CH)
    g = gamma.reshape(1, 2 * D_OUT)
    be = beta.reshape(1, 2 * D_OUT)

    h2 = _mm_l(x, w_l)
    h_flat = h2.reshape(2 * N, D_OUT)
    means = _sc_aggregate(h_flat, sp, sn, dp, dn)
    r = _mm_r(x, w_r)
    return _finish(r, means, g, be)

# --- scband reference (transcript-rebuilt; emitter-appended) ---
"""Pipeline reference for scband-signed-gcnblock-17540646437113 (READ-ONLY COPY).

The authoritative reference and input builder live on the scoring server;
editing this copy changes nothing except your own understanding.
"""

import jax, jax.numpy as jnp
import numpy as np

N_NODES = 10000
N_EDGES = 320000
IN_DIMS = 128
OUT_DIMS = 64
EPS = 1e-5


def _mean_aggregate(x, edge_index, num_nodes):
    # PyG flow 'source_to_target': row 0 = source (j), row 1 = target (i)
    src = edge_index[0]
    dst = edge_index[1]
    msgs = jnp.take(x, src, axis=0)
    summed = jax.ops.segment_sum(msgs, dst, num_segments=num_nodes)
    cnt = jax.ops.segment_sum(jnp.ones((src.shape[0],), dtype=x.dtype), dst, num_segments=num_nodes)
    cnt = jnp.clip(cnt, 1.0, None)
    return summed / cnt[:, None]


def setup_inputs(seed: int = 0) -> dict:
    key = jax.random.key(seed)
    ks = jax.random.split(key, 12)
    x = jax.random.normal(ks[0], (N_NODES, IN_DIMS), dtype=jnp.float32)
    pos_edge_index = jax.random.randint(ks[1], (2, N_EDGES), 0, N_NODES, dtype=jnp.int64)
    neg_edge_index = jax.random.randint(ks[2], (2, N_EDGES), 0, N_NODES, dtype=jnp.int64)
    scale = 1.0 / np.sqrt(IN_DIMS)
    W_pos_l = jax.random.normal(ks[3], (IN_DIMS, OUT_DIMS), dtype=jnp.float32) * scale
    W_pos_r = jax.random.normal(ks[4], (IN_DIMS, OUT_DIMS), dtype=jnp.float32) * scale
    b_pos = jnp.zeros((OUT_DIMS,), dtype=jnp.float32)
    W_neg_l = jax.random.normal(ks[5], (IN_DIMS, OUT_DIMS), dtype=jnp.float32) * scale
    W_neg_r = jax.random.normal(ks[6], (IN_DIMS, OUT_DIMS), dtype=jnp.float32) * scale
    b_neg = jnp.zeros((OUT_DIMS,), dtype=jnp.float32)
    gamma = jnp.ones((2 * OUT_DIMS,), dtype=jnp.float32)
    beta = jnp.zeros((2 * OUT_DIMS,), dtype=jnp.float32)
    return {
        'x': x,
        'pos_edge_index': pos_edge_index,
        'neg_edge_index': neg_edge_index,
        'W_pos_l': W_pos_l, 'W_pos_r': W_pos_r, 'b_pos': b_pos,
        'W_neg_l': W_neg_l, 'W_neg_r': W_neg_r, 'b_neg': b_neg,
        'gamma': gamma, 'beta': beta,
    }


def reference(x, pos_edge_index, neg_edge_index, W_pos_l, W_pos_r, b_pos, W_neg_l, W_neg_r, b_neg, gamma, beta):
    # SignedConv with first_aggr=True
    agg_pos = _mean_aggregate(x, pos_edge_index, N_NODES)
    out_pos = agg_pos @ W_pos_l + x @ W_pos_r + b_pos
    agg_neg = _mean_aggregate(x, neg_edge_index, N_NODES)
    out_neg = agg_neg @ W_neg_l + x @ W_neg_r + b_neg
    out = jnp.concatenate([out_pos, out_neg], axis=-1)
    # BatchNorm1d (training mode: batch statistics, biased variance)
    mu = jnp.mean(out, axis=0)
    var = jnp.mean((out - mu) ** 2, axis=0)
    out = (out - mu) / jnp.sqrt(var + EPS) * gamma + beta
    # ReLU
    out = jnp.maximum(out, 0.0)
    return out

if __name__ == "__main__":
    import jax
    _d = setup_inputs()
    print(jax.jit(kernel)(*tuple(_d.values())))

</pallas_src>

<mosaic_0001>
#map = affine_map<(d0, d1) -> (0, 0)>
module attributes {stable_mosaic.version = 14 : i64} {
  func.func @_sc_body(%arg0: i32, %arg1: i32, %arg2: memref<20000x64xf32, #tpu.memory_space<hbm>>, %arg3: memref<4000x80xi32, #tpu.memory_space<hbm>>, %arg4: memref<4000x80xi32, #tpu.memory_space<hbm>>, %arg5: memref<4000x80xi32, #tpu.memory_space<hbm>>, %arg6: memref<4000x80xi32, #tpu.memory_space<hbm>>, %arg7: memref<20480x64xf32, #tpu.memory_space<hbm>>, %arg8: memref<250x80xi32, #tpu.memory_space<vmem>>, %arg9: memref<250x80xi32, #tpu.memory_space<vmem>>, %arg10: memref<5x80x64xf32, #tpu.memory_space<vmem>>, %arg11: memref<80x16xf32, #tpu.memory_space<vmem>>, %arg12: memref<40x64xf32, #tpu.memory_space<vmem>>, %arg13: memref<40x16xf32, #tpu.memory_space<vmem>>, %arg14: memref<40x64xf32, #tpu.memory_space<vmem>>, %arg15: memref<40x16xf32, #tpu.memory_space<vmem>>, %arg16: memref<10240x64xf32, #tpu.memory_space<vmem_shared>>, %arg17: memref<10240x16xf32, #tpu.memory_space<vmem_shared>>, %arg18: memref<!tpu.dma_semaphore, #tpu.memory_space<semaphore_mem>>, %arg19: memref<!tpu.dma_semaphore, #tpu.memory_space<semaphore_mem>>, %arg20: memref<!tpu.dma_semaphore, #tpu.memory_space<semaphore_mem>>, %arg21: memref<!tpu.dma_semaphore, #tpu.memory_space<semaphore_mem>>, %arg22: memref<!tpu.dma_semaphore, #tpu.memory_space<semaphore_mem>>, %arg23: memref<!tpu.dma_semaphore, #tpu.memory_space<semaphore_mem>>, %arg24: memref<!tpu.dma_semaphore, #tpu.memory_space<semaphore_mem>>, %arg25: memref<!tpu.dma_semaphore, #tpu.memory_space<semaphore_mem>>, %arg26: memref<!tpu.dma_semaphore, #tpu.memory_space<semaphore_mem>>, %arg27: memref<!tpu.dma_semaphore, #tpu.memory_space<semaphore_mem>>, %arg28: memref<!tpu.dma_semaphore, #tpu.memory_space<semaphore_mem>>) attributes {dimension_semantics = [#tpu.dimension_semantics<core_parallel>, #tpu.dimension_semantics<subcore_parallel>], iteration_bounds = array<i64: 2, 16>, scalar_prefetch = 0 : i64, scratch_operands = 21 : i64, tpu.core_type = #tpu.core_type<sc_vector_subcore>, window_params = [{transform_indices = #map}, {transform_indices = #map}, {transform_indices = #map}, {transform_indices = #map}, {transform_indices = #map}, {transform_indices = #map}]} {
    %broadcast_in_dim3A = arith.constant 0.000000e+00 : f32
    %broadcast_in_dim3A_0 = vector.broadcast %broadcast_in_dim3A : f32 to vector<16xf32>
    %broadcast_in_dim3A_1 = arith.constant 1.000000e+00 : f32
    %broadcast_in_dim3A_2 = vector.broadcast %broadcast_in_dim3A_1 : f32 to vector<16xf32>
    %swap3A = arith.constant 0 : i32
    %swap3A_3 = arith.index_cast %swap3A : i32 to index
    %swap3A_4 = arith.constant 0 : index
    %swap3A_5 = tpu.vector_load %arg12[%swap3A_3, %swap3A_4] {strides = array<i32>} : memref<40x64xf32, #tpu.memory_space<vmem>>, vector<1x16xf32>,
    %swap3A_6 = vector.shape_cast %swap3A_5 : vector<1x16xf32> to vector<16xf32>
    %swap3A_7 = vector.shape_cast %broadcast_in_dim3A_0 : vector<16xf32> to vector<1x16xf32>
    tpu.vector_store %arg12[%swap3A_3, %swap3A_4], %swap3A_7 {strides = array<i32>} : memref<40x64xf32, #tpu.memory_space<vmem>>, vector<1x16xf32>,
    %swap3A_8 = arith.constant 0 : i32
    %swap3A_9 = arith.index_cast %swap3A_8 : i32 to index
    %swap3A_10 = arith.constant 16 : index
    %swap3A_11 = tpu.vector_load %arg12[%swap3A_9, %swap3A_10] {strides = array<i32>} : memref<40x64xf32, #tpu.memory_space<vmem>>, vector<1x16xf32>,
    %swap3A_12 = vector.shape_cast %swap3A_11 : vector<1x16xf32> to vector<16xf32>
    %swap3A_13 = vector.shape_cast %broadcast_in_dim3A_0 : vector<16xf32> to vector<1x16xf32>
    tpu.vector_store %arg12[%swap3A_9, %swap3A_10], %swap3A_13 {strides = array<i32>} : memref<40x64xf32, #tpu.memory_space<vmem>>, vector<1x16xf32>,
    %swap3A_14 = arith.constant 0 : i32
    %swap3A_15 = arith.index_cast %swap3A_14 : i32 to index
    %swap3A_16 = arith.constant 32 : index
    %swap3A_17 = tpu.vector_load %arg12[%swap3A_15, %swap3A_16] {strides = array<i32>} : memref<40x64xf32, #tpu.memory_space<vmem>>, vector<1x16xf32>,
    %swap3A_18 = vector.shape_cast %swap3A_17 : vector<1x16xf32> to vector<16xf32>
    %swap3A_19 = vector.shape_cast %broadcast_in_dim3A_0 : vector<16xf32> to vector<1x16xf32>
    tpu.vector_store %arg12[%swap3A_15, %swap3A_16], %swap3A_19 {strides = array<i32>} : memref<40x64xf32, #tpu.memory_space<vmem>>, vector<1x16xf32>,
    %swap3A_20 = arith.constant 0 : i32
    %swap3A_21 = arith.index_cast %swap3A_20 : i32 to index
    %swap3A_22 = arith.constant 48 : index
    %swap3A_23 = tpu.vector_load %arg12[%swap3A_21, %swap3A_22] {strides = array<i32>} : memref<40x64xf32, #tpu.memory_space<vmem>>, vector<1x16xf32>,
    %swap3A_24 = vector.shape_cast %swap3A_23 : vector<1x16xf32> to vector<16xf32>
    %swap3A_25 = vector.shape_cast %broadcast_in_dim3A_0 : vector<16xf32> to vector<1x16xf32>
    tpu.vector_store %arg12[%swap3A_21, %swap3A_22], %swap3A_25 {strides = array<i32>} : memref<40x64xf32, #tpu.memory_space<vmem>>, vector<1x16xf32>,
    %swap3A_26 = arith.constant 0 : i32
    %swap3A_27 = arith.index_cast %swap3A_26 : i32 to index
    %swap3A_28 = arith.constant 0 : index
    %swap3A_29 = tpu.vector_load %arg13[%swap3A_27, %swap3A_28] {strides = array<i32>} : memref<40x16xf32, #tpu.memory_space<vmem>>, vector<1x16xf32>,
    %swap3A_30 = vector.shape_cast %swap3A_29 : vector<1x16xf32> to vector<16xf32>
    %swap3A_31 = vector.shape_cast %broadcast_in_dim3A_0 : vector<16xf32> to vector<1x16xf32>
    tpu.vector_store %arg13[%swap3A_27, %swap3A_28], %swap3A_31 {strides = array<i32>} : memref<40x16xf32, #tpu.memory_space<vmem>>, vector<1x16xf32>,
    %swap3A_32 = arith.constant 1 : i32
    %swap3A_33 = arith.index_cast %swap3A_32 : i32 to index
    %swap3A_34 = arith.constant 0 : index
    %swap3A_35 = tpu.vector_load %arg12[%swap3A_33, %swap3A_34] {strides = array<i32>} : memref<40x64xf32, #tpu.memory_space<vmem>>, vector<1x16xf32>,
    %swap3A_36 = vector.shape_cast %swap3A_35 : vector<1x16xf32> to vector<16xf32>
    %swap3A_37 = vector.shape_cast %broadcast_in_dim3A_0 : vector<16xf32> to vector<1x16xf32>
    tpu.vector_store %arg12[%swap3A_33, %swap3A_34], %swap3A_37 {strides = array<i32>} : memref<40x64xf32, #tpu.memory_space<vmem>>, vector<1x16xf32>,
    %swap3A_38 = arith.constant 1 : i32
    %swap3A_39 = arith.index_cast %swap3A_38 : i32 to index
    %swap3A_40 = arith.constant 16 : index
    %swap3A_41 = tpu.vector_load %arg12[%swap3A_39, %swap3A_40] {strides = array<i32>} : memref<40x64xf32, #tpu.memory_space<vmem>>, vector<1x16xf32>,
    %swap3A_42 = vector.shape_cast %swap3A_41 : vector<1x16xf32> to vector<16xf32>
    %swap3A_43 = vector.shape_cast %broadcast_in_dim3A_0 : vector<16xf32> to vector<1x16xf32>
    tpu.vector_store %arg12[%swap3A_39, %swap3A_40], %swap3A_43 {strides = array<i32>} : memref<40x64xf32, #tpu.memory_space<vmem>>, vector<1x16xf32>,
    %swap3A_44 = arith.constant 1 : i32
    %swap3A_45 = arith.index_cast %swap3A_44 : i32 to index
    %swap3A_46 = arith.constant 32 : index
    %swap3A_47 = tpu.vector_load %arg12[%swap3A_45, %swap3A_46] {strides = array<i32>} : memref<40x64xf32, #tpu.memory_space<vmem>>, vector<1x16xf32>,
    %swap3A_48 = vector.shape_cast %swap3A_47 : vector<1x16xf32> to vector<16xf32>
    %swap3A_49 = vector.shape_cast %broadcast_in_dim3A_0 : vector<16xf32> to vector<1x16xf32>
    tpu.vector_store %arg12[%swap3A_45, %swap3A_46], %swap3A_49 {strides = array<i32>} : memref<40x64xf32, #tpu.memory_space<vmem>>, vector<1x16xf32>,
    %swap3A_50 = arith.constant 1 : i32
    %swap3A_51 = arith.index_cast %swap3A_50 : i32 to index
    %swap3A_52 = arith.constant 48 : index
    %swap3A_53 = tpu.vector_load %arg12[%swap3A_51, %swap3A_52] {strides = array<i32>} : memref<40x64xf32, #tpu.memory_space<vmem>>, vector<1x16xf32>,
    %swap3A_54 = vector.shape_cast %swap3A_53 : vector<1x16xf32> to vector<16xf32>
    %swap3A_55 = vector.shape_cast %broadcast_in_dim3A_0 : vector<16xf32> to vector<1x16xf32>
    tpu.vector_store %arg12[%swap3A_51, %swap3A_52], %swap3A_55 {strides = array<i32>} : memref<40x64xf32, #tpu.memory_space<vmem>>, vector<1x16xf32>,
    %swap3A_56 = arith.constant 1 : i32
    %swap3A_57 = arith.index_cast %swap3A_56 : i32 to index
    %swap3A_58 = arith.constant 0 : index
    %swap3A_59 = tpu.vector_load %arg13[%swap3A_57, %swap3A_58] {strides = array<i32>} : memref<40x16xf32, #tpu.memory_space<vmem>>, vector<1x16xf32>,
    %swap3A_60 = vector.shape_cast %swap3A_59 : vector<1x16xf32> to vector<16xf32>
    %swap3A_61 = vector.shape_cast %broadcast_in_dim3A_0 : vector<16xf32> to vector<1x16xf32>
    tpu.vector_store %arg13[%swap3A_57, %swap3A_58], %swap3A_61 {strides = array<i32>} : memref<40x16xf32, #tpu.memory_space<vmem>>, vector<1x16xf32>,
    %swap3A_62 = arith.constant 2 : i32
    %swap3A_63 = arith.index_cast %swap3A_62 : i32 to index
    %swap3A_64 = arith.constant 0 : index
    %swap3A_65 = tpu.vector_load %arg12[%swap3A_63, %swap3A_64] {strides = array<i32>} : memref<40x64xf32, #tpu.memory_space<vmem>>, vector<1x16xf32>,
    %swap3A_66 = vector.shape_cast %swap3A_65 : vector<1x16xf32> to vector<16xf32>
    %swap3A_67 = vector.shape_cast %broadcast_in_dim3A_0 : vector<16xf32> to vector<1x16xf32>
    tpu.vector_store %arg12[%swap3A_63, %swap3A_64], %swap3A_67 {strides = array<i32>} : memref<40x64xf32, #tpu.memory_space<vmem>>, vector<1x16xf32>,
    %swap3A_68 = arith.constant 2 : i32
    %swap3A_69 = arith.index_cast %swap3A_68 : i32 to index
    %swap3A_70 = arith.constant 16 : index
    %swap3A_71 = tpu.vector_load %arg12[%swap3A_69, %swap3A_70] {strides = array<i32>} : memref<40x64xf32, #tpu.memory_space<vmem>>, vector<1x16xf32>,
    %swap3A_72 = vector.shape_cast %swap3A_71 : vector<1x16xf32> to vector<16xf32>
    %swap3A_73 = vector.shape_cast %broadcast_in_dim3A_0 : vector<16xf32> to vector<1x16xf32>
    tpu.vector_store %arg12[%swap3A_69, %swap3A_70], %swap3A_73 {strides = array<i32>} : memref<40x64xf32, #tpu.memory_space<vmem>>, vector<1x16xf32>,
    %swap3A_74 = arith.constant 2 : i32
    %swap3A_75 = arith.index_cast %swap3A_74 : i32 to index
    %swap3A_76 = arith.constant 32 : index
    %swap3A_77 = tpu.vector_load %arg12[%swap3A_75, %swap3A_76] {strides = array<i32>} : memref<40x64xf32, #tpu.memory_space<vmem>>, vector<1x16xf32>,
    %swap3A_78 = vector.shape_cast %swap3A_77 : vector<1x16xf32> to vector<16xf32>
    %swap3A_79 = vector.shape_cast %broadcast_in_dim3A_0 : vector<16xf32> to vector<1x16xf32>
    tpu.vector_store %arg12[%swap3A_75, %swap3A_76], %swap3A_79 {strides = array<i32>} : memref<40x64xf32, #tpu.memory_space<vmem>>, vector<1x16xf32>,
    %swap3A_80 = arith.constant 2 : i32
    %swap3A_81 = arith.index_cast %swap3A_80 : i32 to index
    %swap3A_82 = arith.constant 48 : index
    %swap3A_83 = tpu.vector_load %arg12[%swap3A_81, %swap3A_82] {strides = array<i32>} : memref<40x64xf32, #tpu.memory_space<vmem>>, vector<1x16xf32>,
    %swap3A_84 = vector.shape_cast %swap3A_83 : vector<1x16xf32> to vector<16xf32>
    %swap3A_85 = vector.shape_cast %broadcast_in_dim3A_0 : vector<16xf32> to vector<1x16xf32>
    tpu.vector_store %arg12[%swap3A_81, %swap3A_82], %swap3A_85 {strides = array<i32>} : memref<40x64xf32, #tpu.memory_space<vmem>>, vector<1x16xf32>,
    %swap3A_86 = arith.constant 2 : i32
    %swap3A_87 = arith.index_cast %swap3A_86 : i32 to index
    %swap3A_88 = arith.constant 0 : index
    %swap3A_89 = tpu.vector_load %arg13[%swap3A_87, %swap3A_88] {strides = array<i32>} : memref<40x16xf32, #tpu.memory_space<vmem>>, vector<1x16xf32>,
    %swap3A_90 = vector.shape_cast %swap3A_89 : vector<1x16xf32> to vector<16xf32>
    %swap3A_91 = vector.shape_cast %broadcast_in_dim3A_0 : vector<16xf32> to vector<1x16xf32>
    tpu.vector_store %arg13[%swap3A_87, %swap3A_88], %swap3A_91 {strides = array<i32>} : memref<40x16xf32, #tpu.memory_space<vmem>>, vector<1x16xf32>,
    %swap3A_92 = arith.constant 3 : i32
    %swap3A_93 = arith.index_cast %swap3A_92 : i32 to index
    %swap3A_94 = arith.constant 0 : index
    %swap3A_95 = tpu.vector_load %arg12[%swap3A_93, %swap3A_94] {strides = array<i32>} : memref<40x64xf32, #tpu.memory_space<vmem>>, vector<1x16xf32>,
    %swap3A_96 = vector.shape_cast %swap3A_95 : vector<1x16xf32> to vector<16xf32>
    %swap3A_97 = vector.shape_cast %broadcast_in_dim3A_0 : vector<16xf32> to vector<1x16xf32>
    tpu.vector_store %arg12[%swap3A_93, %swap3A_94], %swap3A_97 {strides = array<i32>} : memref<40x64xf32, #tpu.memory_space<vmem>>, vector<1x16xf32>,
    %swap3A_98 = arith.constant 3 : i32
    %swap3A_99 = arith.index_cast %swap3A_98 : i32 to index
    %swap3A_100 = arith.constant 16 : index
    %swap3A_101 = tpu.vector_load %arg12[%swap3A_99, %swap3A_100] {strides = array<i32>} : memref<40x64xf32, #tpu.memory_space<vmem>>, vector<1x16xf32>,
    %swap3A_102 = vector.shape_cast %swap3A_101 : vector<1x16xf32> to vector<16xf32>
    %swap3A_103 = vector.shape_cast %broadcast_in_dim3A_0 : vector<16xf32> to vector<1x16xf32>
    tpu.vector_store %arg12[%swap3A_99, %swap3A_100], %swap3A_103 {strides = array<i32>} : memref<40x64xf32, #tpu.memory_space<vmem>>, vector<1x16xf32>,
    %swap3A_104 = arith.constant 3 : i32
    %swap3A_105 = arith.index_cast %swap3A_104 : i32 to index
    %swap3A_106 = arith.constant 32 : index
    %swap3A_107 = tpu.vector_load %arg12[%swap3A_105, %swap3A_106] {strides = array<i32>} : memref<40x64xf32, #tpu.memory_space<vmem>>, vector<1x16xf32>,
    %swap3A_108 = vector.shape_cast %swap3A_107 : vector<1x16xf32> to vector<16xf32>
    %swap3A_109 = vector.shape_cast %broadcast_in_dim3A_0 : vector<16xf32> to vector<1x16xf32>
    tpu.vector_store %arg12[%swap3A_105, %swap3A_106], %swap3A_109 {strides = array<i32>} : memref<40x64xf32, #tpu.memory_space<vmem>>, vector<1x16xf32>,
    %swap3A_110 = arith.constant 3 : i32
    %swap3A_111 = arith.index_cast %swap3A_110 : i32 to index
    %swap3A_112 = arith.constant 48 : index
    %swap3A_113 = tpu.vector_load %arg12[%swap3A_111, %swap3A_112] {strides = array<i32>} : memref<40x64xf32, #tpu.memory_space<vmem>>, vector<1x16xf32>,
    %swap3A_114 = vector.shape_cast %swap3A_113 : vector<1x16xf32> to vector<16xf32>
    %swap3A_115 = vector.shape_cast %broadcast_in_dim3A_0 : vector<16xf32> to vector<1x16xf32>
    tpu.vector_store %arg12[%swap3A_111, %swap3A_112], %swap3A_115 {strides = array<i32>} : memref<40x64xf32, #tpu.memory_space<vmem>>, vector<1x16xf32>,
    %swap3A_116 = arith.constant 3 : i32
    %swap3A_117 = arith.index_cast %swap3A_116 : i32 to index
    %swap3A_118 = arith.constant 0 : index
    %swap3A_119 = tpu.vector_load %arg13[%swap3A_117, %swap3A_118] {strides = array<i32>} : memref<40x16xf32, #tpu.memory_space<vmem>>, vector<1x16xf32>,
    %swap3A_120 = vector.shape_cast %swap3A_119 : vector<1x16xf32> to vector<16xf32>
    %swap3A_121 = vector.shape_cast %broadcast_in_dim3A_0 : vector<16xf32> to vector<1x16xf32>
    tpu.vector_store %arg13[%swap3A_117, %swap3A_118], %swap3A_121 {strides = array<i32>} : memref<40x16xf32, #tpu.memory_space<vmem>>, vector<1x16xf32>,
    %swap3A_122 = arith.constant 4 : i32
    %swap3A_123 = arith.index_cast %swap3A_122 : i32 to index
    %swap3A_124 = arith.constant 0 : index
    %swap3A_125 = tpu.vector_load %arg12[%swap3A_123, %swap3A_124] {strides = array<i32>} : memref<40x64xf32, #tpu.memory_space<vmem>>, vector<1x16xf32>,
    %swap3A_126 = vector.shape_cast %swap3A_125 : vector<1x16xf32> to vector<16xf32>
    %swap3A_127 = vector.shape_cast %broadcast_in_dim3A_0 : vector<16xf32> to vector<1x16xf32>
    tpu.vector_store %arg12[%swap3A_123, %swap3A_124], %swap3A_127 {strides = array<i32>} : memref<40x64xf32, #tpu.memory_space<vmem>>, vector<1x16xf32>,
    %swap3A_128 = arith.constant 4 : i32
    %swap3A_129 = arith.index_cast %swap3A_128 : i32 to index
    %swap3A_130 = arith.constant 16 : index
    %swap3A_131 = tpu.vector_load %arg12[%swap3A_129, %swap3A_130] {strides = array<i32>} : memref<40x64xf32, #tpu.memory_space<vmem>>, vector<1x16xf32>,
    %swap3A_132 = vector.shape_cast %swap3A_131 : vector<1x16xf32> to vector<16xf32>
    %swap3A_133 = vector.shape_cast %broadcast_in_dim3A_0 : vector<16xf32> to vector<1x16xf32>
    tpu.vector_store %arg12[%swap3A_129, %swap3A_130], %swap3A_133 {strides = array<i32>} : memref<40x64xf32, #tpu.memory_space<vmem>>, vector<1x16xf32>,
    %swap3A_134 = arith.constant 4 : i32
    %swap3A_135 = arith.index_cast %swap3A_134 : i32 to index
    %swap3A_136 = arith.constant 32 : index
    %swap3A_137 = tpu.vector_load %arg12[%swap3A_135, %swap3A_136] {strides = array<i32>} : memref<40x64xf32, #tpu.memory_space<vmem>>, vector<1x16xf32>,
    %swap3A_138 = vector.shape_cast %swap3A_137 : vector<1x16xf32> to vector<16xf32>
    %swap3A_139 = vector.shape_cast %broadcast_in_dim3A_0 : vector<16xf32> to vector<1x16xf32>
    tpu.vector_store %arg12[%swap3A_135, %swap3A_136], %swap3A_139 {strides = array<i32>} : memref<40x64xf32, #tpu.memory_space<vmem>>, vector<1x16xf32>,
    %swap3A_140 = arith.constant 4 : i32
    %swap3A_141 = arith.index_cast %swap3A_140 : i32 to index
    %swap3A_142 = arith.constant 48 : index
    %swap3A_143 = tpu.vector_load %arg12[%swap3A_141, %swap3A_142] {strides = array<i32>} : memref<40x64xf32, #tpu.memory_space<vmem>>, vector<1x16xf32>,
    %swap3A_144 = vector.shape_cast %swap3A_143 : vector<1x16xf32> to vector<16xf32>
    %swap3A_145 = vector.shape_cast %broadcast_in_dim3A_0 : vector<16xf32> to vector<1x16xf32>
    tpu.vector_store %arg12[%swap3A_141, %swap3A_142], %swap3A_145 {strides = array<i32>} : memref<40x64xf32, #tpu.memory_space<vmem>>, vector<1x16xf32>,
    %swap3A_146 = arith.constant 4 : i32
    %swap3A_147 = arith.index_cast %swap3A_146 : i32 to index
    %swap3A_148 = arith.constant 0 : index
    %swap3A_149 = tpu.vector_load %arg13[%swap3A_147, %swap3A_148] {strides = array<i32>} : memref<40x16xf32, #tpu.memory_space<vmem>>, vector<1x16xf32>,
    %swap3A_150 = vector.shape_cast %swap3A_149 : vector<1x16xf32> to vector<16xf32>
    %swap3A_151 = vector.shape_cast %broadcast_in_dim3A_0 : vector<16xf32> to vector<1x16xf32>
    tpu.vector_store %arg13[%swap3A_147, %swap3A_148], %swap3A_151 {strides = array<i32>} : memref<40x16xf32, #tpu.memory_space<vmem>>, vector<1x16xf32>,
    %swap3A_152 = arith.constant 5 : i32
    %swap3A_153 = arith.index_cast %swap3A_152 : i32 to index
    %swap3A_154 = arith.constant 0 : index
    %swap3A_155 = tpu.vector_load %arg12[%swap3A_153, %swap3A_154] {strides = array<i32>} : memref<40x64xf32, #tpu.memory_space<vmem>>, vector<1x16xf32>,
    %swap3A_156 = vector.shape_cast %swap3A_155 : vector<1x16xf32> to vector<16xf32>
    %swap3A_157 = vector.shape_cast %broadcast_in_dim3A_0 : vector<16xf32> to vector<1x16xf32>
    tpu.vector_store %arg12[%swap3A_153, %swap3A_154], %swap3A_157 {strides = array<i32>} : memref<40x64xf32, #tpu.memory_space<vmem>>, vector<1x16xf32>,
    %swap3A_158 = arith.constant 5 : i32
    %swap3A_159 = arith.index_cast %swap3A_158 : i32 to index
    %swap3A_160 = arith.constant 16 : index
    %swap3A_161 = tpu.vector_load %arg12[%swap3A_159, %swap3A_160] {strides = array<i32>} : memref<40x64xf32, #tpu.memory_space<vmem>>, vector<1x16xf32>,
    %swap3A_162 = vector.shape_cast %swap3A_161 : vector<1x16xf32> to vector<16xf32>
    %swap3A_163 = vector.shape_cast %broadcast_in_dim3A_0 : vector<16xf32> to vector<1x16xf32>
    tpu.vector_store %arg12[%swap3A_159, %swap3A_160], %swap3A_163 {strides = array<i32>} : memref<40x64xf32, #tpu.memory_space<vmem>>, vector<1x16xf32>,
    %swap3A_164 = arith.constant 5 : i32
    %swap3A_165 = arith.index_cast %swap3A_164 : i32 to index
    %swap3A_166 = arith.constant 32 : index
    %swap3A_167 = tpu.vector_load %arg12[%swap3A_165, %swap3A_166] {strides = array<i32>} : memref<40x64xf32, #tpu.memory_space<vmem>>, vector<1x16xf32>,
    %swap3A_168 = vector.shape_cast %swap3A_167 : vector<1x16xf32> to vector<16xf32>
    %swap3A_169 = vector.shape_cast %broadcast_in_dim3A_0 : vector<16xf32> to vector<1x16xf32>
    tpu.vector_store %arg12[%swap3A_165, %swap3A_166], %swap3A_169 {strides = array<i32>} : memref<40x64xf32, #tpu.memory_space<vmem>>, vector<1x16xf32>,
    %swap3A_170 = arith.constant 5 : i32
    %swap3A_171 = arith.index_cast %swap3A_170 : i32 to index
    %swap3A_172 = arith.constant 48 : index
    %swap3A_173 = tpu.vector_load %arg12[%swap3A_171, %swap3A_172] {strides = array<i32>} : memref<40x64xf32, #tpu.memory_space<vmem>>, vector<1x16xf32>,
    %swap3A_174 = vector.shape_cast %swap3A_173 : vector<1x16xf32> to vector<16xf32>
    %swap3A_175 = vector.shape_cast %broadcast_in_dim3A_0 : vector<16xf32> to vector<1x16xf32>
    tpu.vector_store %arg12[%swap3A_171, %swap3A_172], %swap3A_175 {strides = array<i32>} : memref<40x64xf32, #tpu.memory_space<vmem>>, vector<1x16xf32>,
    %swap3A_176 = arith.constant 5 : i32
    %swap3A_177 = arith.index_cast %swap3A_176 : i32 to index
    %swap3A_178 = arith.constant 0 : index
    %swap3A_179 = tpu.vector_load %arg13[%swap3A_177, %swap3A_178] {strides = array<i32>} : memref<40x16xf32, #tpu.memory_space<vmem>>, vector<1x16xf32>,
    %swap3A_180 = vector.shape_cast %swap3A_179 : vector<1x16xf32> to vector<16xf32>
    %swap3A_181 = vector.shape_cast %broadcast_in_dim3A_0 : vector<16xf32> to vector<1x16xf32>
    tpu.vector_store %arg13[%swap3A_177, %swap3A_178], %swap3A_181 {strides = array<i32>} : memref<40x16xf32, #tpu.memory_space<vmem>>, vector<1x16xf32>,
    %swap3A_182 = arith.constant 6 : i32
    %swap3A_183 = arith.index_cast %swap3A_182 : i32 to index
    %swap3A_184 = arith.constant 0 : index
    %swap3A_185 = tpu.vector_load %arg12[%swap3A_183, %swap3A_184] {strides = array<i32>} : memref<40x64xf32, #tpu.memory_space<vmem>>, vector<1x16xf32>,
    %swap3A_186 = vector.shape_cast %swap3A_185 : vector<1x16xf32> to vector<16xf32>
    %swap3A_187 = vector.shape_cast %broadcast_in_dim3A_0 : vector<16xf32> to vector<1x16xf32>
    tpu.vector_store %arg12[%swap3A_183, %swap3A_184], %swap3A_187 {strides = array<i32>} : memref<40x64xf32, #tpu.memory_space<vmem>>, vector<1x16xf32>,
    %swap3A_188 = arith.constant 6 : i32
    %swap3A_189 = arith.index_cast %swap3A_188 : i32 to index
    %swap3A_190 = arith.constant 16 : index
    %swap3A_191 = tpu.vector_load %arg12[%swap3A_189, %swap3A_190] {strides = array<i32>} : memref<40x64xf32, #tpu.memory_space<vmem>>, vector<1x16xf32>,
    %swap3A_192 = vector.shape_cast %swap3A_191 : vector<1x16xf32> to vector<16xf32>
    %swap3A_193 = vector.shape_cast %broadcast_in_dim3A_0 : vector<16xf32> to vector<1x16xf32>
    tpu.vector_store %arg12[%swap3A_189, %swap3A_190], %swap3A_193 {strides = array<i32>} : memref<40x64xf32, #tpu.memory_space<vmem>>, vector<1x16xf32>,
    %swap3A_194 = arith.constant 6 : i32
    %swap3A_195 = arith.index_cast %swap3A_194 : i32 to index
    %swap3A_196 = arith.constant 32 : index
    %swap3A_197 = tpu.vector_load %arg12[%swap3A_195, %swap3A_196] {strides = array<i32>} : memref<40x64xf32, #tpu.memory_space<vmem>>, vector<1x16xf32>,
    %swap3A_198 = vector.shape_cast %swap3A_197 : vector<1x16xf32> to vector<16xf32>
    %swap3A_199 = vector.shape_cast %broadcast_in_dim3A_0 : vector<16xf32> to vector<1x16xf32>
    tpu.vector_store %arg12[%swap3A_195, %swap3A_196], %swap3A_199 {strides = array<i32>} : memref<40x64xf32, #tpu.memory_space<vmem>>, vector<1x16xf32>,
    %swap3A_200 = arith.constant 6 : i32
    %swap3A_201 = arith.index_cast %swap3A_200 : i32 to index
    %swap3A_202 = arith.constant 48 : index
    %swap3A_203 = tpu.vector_load %arg12[%swap3A_201, %swap3A_202] {strides = array<i32>} : memref<40x64xf32, #tpu.memory_space<vmem>>, vector<1x16xf32>,
    %swap3A_204 = vector.shape_cast %swap3A_203 : vector<1x16xf32> to vector<16xf32>
    %swap3A_205 = vector.shape_cast %broadcast_in_dim3A_0 : vector<16xf32> to vector<1x16xf32>
    tpu.vector_store %arg12[%swap3A_201, %swap3A_202], %swap3A_205 {strides = array<i32>} : memref<40x64xf32, #tpu.memory_space<vmem>>, vector<1x16xf32>,
    %swap3A_206 = arith.constant 6 : i32
    %swap3A_207 = arith.index_cast %swap3A_206 : i32 to index
    %swap3A_208 = arith.constant 0 : index
    %swap3A_209 = tpu.vector_load %arg13[%swap3A_207, %swap3A_208] {strides = array<i32>} : memref<40x16xf32, #tpu.memory_space<vmem>>, vector<1x16xf32>,
    %swap3A_210 = vector.shape_cast %swap3A_209 : vector<1x16xf32> to vector<16xf32>
    %swap3A_211 = vector.shape_cast %broadcast_in_dim3A_0 : vector<16xf32> to vector<1x16xf32>
    tpu.vector_store %arg13[%swap3A_207, %swap3A_208], %swap3A_211 {strides = array<i32>} : memref<40x16xf32, #tpu.memory_space<vmem>>, vector<1x16xf32>,
    %swap3A_212 = arith.constant 7 : i32
    %swap3A_213 = arith.index_cast %swap3A_212 : i32 to index
    %swap3A_214 = arith.constant 0 : index
    %swap3A_215 = tpu.vector_load %arg12[%swap3A_213, %swap3A_214] {strides = array<i32>} : memref<40x64xf32, #tpu.memory_space<vmem>>, vector<1x16xf32>,
    %swap3A_216 = vector.shape_cast %swap3A_215 : vector<1x16xf32> to vector<16xf32>
    %swap3A_217 = vector.shape_cast %broadcast_in_dim3A_0 : vector<16xf32> to vector<1x16xf32>
    tpu.vector_store %arg12[%swap3A_213, %swap3A_214], %swap3A_217 {strides = array<i32>} : memref<40x64xf32, #tpu.memory_space<vmem>>, vector<1x16xf32>,
    %swap3A_218 = arith.constant 7 : i32
    %swap3A_219 = arith.index_cast %swap3A_218 : i32 to index
    %swap3A_220 = arith.constant 16 : index
    %swap3A_221 = tpu.vector_load %arg12[%swap3A_219, %swap3A_220] {strides = array<i32>} : memref<40x64xf32, #tpu.memory_space<vmem>>, vector<1x16xf32>,
    %swap3A_222 = vector.shape_cast %swap3A_221 : vector<1x16xf32> to vector<16xf32>
    %swap3A_223 = vector.shape_cast %broadcast_in_dim3A_0 : vector<16xf32> to vector<1x16xf32>
    tpu.vector_store %arg12[%swap3A_219, %swap3A_220], %swap3A_223 {strides = array<i32>} : memref<40x64xf32, #tpu.memory_space<vmem>>, vector<1x16xf32>,
    %swap3A_224 = arith.constant 7 : i32
    %swap3A_225 = arith.index_cast %swap3A_224 : i32 to index
    %swap3A_226 = arith.constant 32 : index
    %swap3A_227 = tpu.vector_load %arg12[%swap3A_225, %swap3A_226] {strides = array<i32>} : memref<40x64xf32, #tpu.memory_space<vmem>>, vector<1x16xf32>,
    %swap3A_228 = vector.shape_cast %swap3A_227 : vector<1x16xf32> to vector<16xf32>
    %swap3A_229 = vector.shape_cast %broadcast_in_dim3A_0 : vector<16xf32> to vector<1x16xf32>
    tpu.vector_store %arg12[%swap3A_225, %swap3A_226], %swap3A_229 {strides = array<i32>} : memref<40x64xf32, #tpu.memory_space<vmem>>, vector<1x16xf32>,
    %swap3A_230 = arith.constant 7 : i32
    %swap3A_231 = arith.index_cast %swap3A_230 : i32 to index
    %swap3A_232 = arith.constant 48 : index
    %swap3A_233 = tpu.vector_load %arg12[%swap3A_231, %swap3A_232] {strides = array<i32>} : memref<40x64xf32, #tpu.memory_space<vmem>>, vector<1x16xf32>,
    %swap3A_234 = vector.shape_cast %swap3A_233 : vector<1x16xf32> to vector<16xf32>
    %swap3A_235 = vector.shape_cast %broadcast_in_dim3A_0 : vector<16xf32> to vector<1x16xf32>
    tpu.vector_store %arg12[%swap3A_231, %swap3A_232], %swap3A_235 {strides = array<i32>} : memref<40x64xf32, #tpu.memory_space<vmem>>, vector<1x16xf32>,
    %swap3A_236 = arith.constant 7 : i32
    %swap3A_237 = arith.index_cast %swap3A_236 : i32 to index
    %swap3A_238 = arith.constant 0 : index
    %swap3A_239 = tpu.vector_load %arg13[%swap3A_237, %swap3A_238] {strides = array<i32>} : memref<40x16xf32, #tpu.memory_space<vmem>>, vector<1x16xf32>,
    %swap3A_240 = vector.shape_cast %swap3A_239 : vector<1x16xf32> to vector<16xf32>
    %swap3A_241 = vector.shape_cast %broadcast_in_dim3A_0 : vector<16xf32> to vector<1x16xf32>
    tpu.vector_store %arg13[%swap3A_237, %swap3A_238], %swap3A_241 {strides = array<i32>} : memref<40x16xf32, #tpu.memory_space<vmem>>, vector<1x16xf32>,
    %swap3A_242 = arith.constant 8 : i32
    %swap3A_243 = arith.index_cast %swap3A_242 : i32 to index
    %swap3A_244 = arith.constant 0 : index
    %swap3A_245 = tpu.vector_load %arg12[%swap3A_243, %swap3A_244] {strides = array<i32>} : memref<40x64xf32, #tpu.memory_space<vmem>>, vector<1x16xf32>,
    %swap3A_246 = vector.shape_cast %swap3A_245 : vector<1x16xf32> to vector<16xf32>
    %swap3A_247 = vector.shape_cast %broadcast_in_dim3A_0 : vector<16xf32> to vector<1x16xf32>
    tpu.vector_store %arg12[%swap3A_243, %swap3A_244], %swap3A_247 {strides = array<i32>} : memref<40x64xf32, #tpu.memory_space<vmem>>, vector<1x16xf32>,
    %swap3A_248 = arith.constant 8 : i32
    %swap3A_249 = arith.index_cast %swap3A_248 : i32 to index
    %swap3A_250 = arith.constant 16 : index
    %swap3A_251 = tpu.vector_load %arg12[%swap3A_249, %swap3A_250] {strides = array<i32>} : memref<40x64xf32, #tpu.memory_space<vmem>>, vector<1x16xf32>,
    %swap3A_252 = vector.shape_cast %swap3A_251 : vector<1x16xf32> to vector<16xf32>
    %swap3A_253 = vector.shape_cast %broadcast_in_dim3A_0 : vector<16xf32> to vector<1x16xf32>
    tpu.vector_store %arg12[%swap3A_249, %swap3A_250], %swap3A_253 {strides = array<i32>} : memref<40x64xf32, #tpu.memory_space<vmem>>, vector<1x16xf32>,
    %swap3A_254 = arith.constant 8 : i32
    %swap3A_255 = arith.index_cast %swap3A_254 : i32 to index
    %swap3A_256 = arith.constant 32 : index
    %swap3A_257 = tpu.vector_load %arg12[%swap3A_255, %swap3A_256] {strides = array<i32>} : memref<40x64xf32, #tpu.memory_space<vmem>>, vector<1x16xf32>,
    %swap3A_258 = vector.shape_cast %swap3A_257 : vector<1x16xf32> to vector<16xf32>
    %swap3A_259 = vector.shape_cast %broadcast_in_dim3A_0 : vector<16xf32> to vector<1x16xf32>
    tpu.vector_store %arg12[%swap3A_255, %swap3A_256], %swap3A_259 {strides = array<i32>} : memref<40x64xf32, #tpu.memory_space<vmem>>, vector<1x16xf32>,
    %swap3A_260 = arith.constant 8 : i32
    %swap3A_261 = arith.index_cast %swap3A_260 : i32 to index
    %swap3A_262 = arith.constant 48 : index
    %swap3A_263 = tpu.vector_load %arg12[%swap3A_261, %swap3A_262] {strides = array<i32>} : memref<40x64xf32, #tpu.memory_space<vmem>>, vector<1x16xf32>,
    %swap3A_264 = vector.shape_cast %swap3A_263 : vector<1x16xf32> to vector<16xf32>
    %swap3A_265 = vector.shape_cast %broadcast_in_dim3A_0 : vector<16xf32> to vector<1x16xf32>
    tpu.vector_store %arg12[%swap3A_261, %swap3A_262], %swap3A_265 {strides = array<i32>} : memref<40x64xf32, #tpu.memory_space<vmem>>, vector<1x16xf32>,
    %swap3A_266 = arith.constant 8 : i32
    %swap3A_267 = arith.index_cast %swap3A_266 : i32 to index
    %swap3A_268 = arith.constant 0 : index
    %swap3A_269 = tpu.vector_load %arg13[%swap3A_267, %swap3A_268] {strides = array<i32>} : memref<40x16xf32, #tpu.memory_space<vmem>>, vector<1x16xf32>,
    %swap3A_270 = vector.shape_cast %swap3A_269 : vector<1x16xf32> to vector<16xf32>
    %swap3A_271 = vector.shape_cast %broadcast_in_dim3A_0 : vector<16xf32> to vector<1x16xf32>
    tpu.vector_store %arg13[%swap3A_267, %swap3A_268], %swap3A_271 {strides = array<i32>} : memref<40x16xf32, #tpu.memory_space<vmem>>, vector<1x16xf32>,
    %swap3A_272 = arith.constant 9 : i32
    %swap3A_273 = arith.index_cast %swap3A_272 : i32 to index
    %swap3A_274 = arith.constant 0 : index
    %swap3A_275 = tpu.vector_load %arg12[%swap3A_273, %swap3A_274] {strides = array<i32>} : memref<40x64xf32, #tpu.memory_space<vmem>>, vector<1x16xf32>,
    %swap3A_276 = vector.shape_cast %swap3A_275 : vector<1x16xf32> to vector<16xf32>
    %swap3A_277 = vector.shape_cast %broadcast_in_dim3A_0 : vector<16xf32> to vector<1x16xf32>
    tpu.vector_store %arg12[%swap3A_273, %swap3A_274], %swap3A_277 {strides = array<i32>} : memref<40x64xf32, #tpu.memory_space<vmem>>, vector<1x16xf32>,
    %swap3A_278 = arith.constant 9 : i32
    %swap3A_279 = arith.index_cast %swap3A_278 : i32 to index
    %swap3A_280 = arith.constant 16 : index
    %swap3A_281 = tpu.vector_load %arg12[%swap3A_279, %swap3A_280] {strides = array<i32>} : memref<40x64xf32, #tpu.memory_space<vmem>>, vector<1x16xf32>,
    %swap3A_282 = vector.shape_cast %swap3A_281 : vector<1x16xf32> to vector<16xf32>
    %swap3A_283 = vector.shape_cast %broadcast_in_dim3A_0 : vector<16xf32> to vector<1x16xf32>
    tpu.vector_store %arg12[%swap3A_279, %swap3A_280], %swap3A_283 {strides = array<i32>} : memref<40x64xf32, #tpu.memory_space<vmem>>, vector<1x16xf32>,
    %swap3A_284 = arith.constant 9 : i32
    %swap3A_285 = arith.index_cast %swap3A_284 : i32 to index
    %swap3A_286 = arith.constant 32 : index
    %swap3A_287 = tpu.vector_load %arg12[%swap3A_285, %swap3A_286] {strides = array<i32>} : memref<40x64xf32, #tpu.memory_space<vmem>>, vector<1x16xf32>,
    %swap3A_288 = vector.shape_cast %swap3A_287 : vector<1x16xf32> to vector<16xf32>
    %swap3A_289 = vector.shape_cast %broadcast_in_dim3A_0 : vector<16xf32> to vector<1x16xf32>
    tpu.vector_store %arg12[%swap3A_285, %swap3A_286], %swap3A_289 {strides = array<i32>} : memref<40x64xf32, #tpu.memory_space<vmem>>, vector<1x16xf32>,
    %swap3A_290 = arith.constant 9 : i32
    %swap3A_291 = arith.index_cast %swap3A_290 : i32 to index
    %swap3A_292 = arith.constant 48 : index
    %swap3A_293 = tpu.vector_load %arg12[%swap3A_291, %swap3A_292] {strides = array<i32>} : memref<40x64xf32, #tpu.memory_space<vmem>>, vector<1x16xf32>,
    %swap3A_294 = vector.shape_cast %swap3A_293 : vector<1x16xf32> to vector<16xf32>
    %swap3A_295 = vector.shape_cast %broadcast_in_dim3A_0 : vector<16xf32> to vector<1x16xf32>
    tpu.vector_store %arg12[%swap3A_291, %swap3A_292], %swap3A_295 {strides = array<i32>} : memref<40x64xf32, #tpu.memory_space<vmem>>, vector<1x16xf32>,
    %swap3A_296 = arith.constant 9 : i32
    %swap3A_297 = arith.index_cast %swap3A_296 : i32 to index
    %swap3A_298 = arith.constant 0 : index
    %swap3A_299 = tpu.vector_load %arg13[%swap3A_297, %swap3A_298] {strides = array<i32>} : memref<40x16xf32, #tpu.memory_space<vmem>>, vector<1x16xf32>,
    %swap3A_300 = vector.shape_cast %swap3A_299 : vector<1x16xf32> to vector<16xf32>
    %swap3A_301 = vector.shape_cast %broadcast_in_dim3A_0 : vector<16xf32> to vector<1x16xf32>
    tpu.vector_store %arg13[%swap3A_297, %swap3A_298], %swap3A_301 {strides = array<i32>} : memref<40x16xf32, #tpu.memory_space<vmem>>, vector<1x16xf32>,
    %swap3A_302 = arith.constant 10 : i32
    %swap3A_303 = arith.index_cast %swap3A_302 : i32 to index
    %swap3A_304 = arith.constant 0 : index
    %swap3A_305 = tpu.vector_load %arg12[%swap3A_303, %swap3A_304] {strides = array<i32>} : memref<40x64xf32, #tpu.memory_space<vmem>>, vector<1x16xf32>,
    %swap3A_306 = vector.shape_cast %swap3A_305 : vector<1x16xf32> to vector<16xf32>
    %swap3A_307 = vector.shape_cast %broadcast_in_dim3A_0 : vector<16xf32> to vector<1x16xf32>
    tpu.vector_store %arg12[%swap3A_303, %swap3A_304], %swap3A_307 {strides = array<i32>} : memref<40x64xf32, #tpu.memory_space<vmem>>, vector<1x16xf32>,
    %swap3A_308 = arith.constant 10 : i32
    %swap3A_309 = arith.index_cast %swap3A_308 : i32 to index
    %swap3A_310 = arith.constant 16 : index
    %swap3A_311 = tpu.vector_load %arg12[%swap3A_309, %swap3A_310] {strides = array<i32>} : memref<40x64xf32, #tpu.memory_space<vmem>>, vector<1x16xf32>,
    %swap3A_312 = vector.shape_cast %swap3A_311 : vector<1x16xf32> to vector<16xf32>
    %swap3A_313 = vector.shape_cast %broadcast_in_dim3A_0 : vector<16xf32> to vector<1x16xf32>
    tpu.vector_store %arg12[%swap3A_309, %swap3A_310], %swap3A_313 {strides = array<i32>} : memref<40x64xf32, #tpu.memory_space<vmem>>, vector<1x16xf32>,
    %swap3A_314 = arith.constant 10 : i32
    %swap3A_315 = arith.index_cast %swap3A_314 : i32 to index
    %swap3A_316 = arith.constant 32 : index
    %swap3A_317 = tpu.vector_load %arg12[%swap3A_315, %swap3A_316] {strides = array<i32>} : memref<40x64xf32, #tpu.memory_space<vmem>>, vector<1x16xf32>,
    %swap3A_318 = vector.shape_cast %swap3A_317 : vector<1x16xf32> to vector<16xf32>
    %swap3A_319 = vector.shape_cast %broadcast_in_dim3A_0 : vector<16xf32> to vector<1x16xf32>
    tpu.vector_store %arg12[%swap3A_315, %swap3A_316], %swap3A_319 {strides = array<i32>} : memref<40x64xf32, #tpu.memory_space<vmem>>, vector<1x16xf32>,
    %swap3A_320 = arith.constant 10 : i32
    %swap3A_321 = arith.index_cast %swap3A_320 : i32 to index
    %swap3A_322 = arith.constant 48 : index
    %swap3A_323 = tpu.vector_load %arg12[%swap3A_321, %swap3A_322] {strides = array<i32>} : memref<40x64xf32, #tpu.memory_space<vmem>>, vector<1x16xf32>,
    %swap3A_324 = vector.shape_cast %swap3A_323 : vector<1x16xf32> to vector<16xf32>
    %swap3A_325 = vector.shape_cast %broadcast_in_dim3A_0 : vector<16xf32> to vector<1x16xf32>
    tpu.vector_store %arg12[%swap3A_321, %swap3A_322], %swap3A_325 {strides = array<i32>} : memref<40x64xf32, #tpu.memory_space<vmem>>, vector<1x16xf32>,
    %swap3A_326 = arith.constant 10 : i32
    %swap3A_327 = arith.index_cast %swap3A_326 : i32 to index
    %swap3A_328 = arith.constant 0 : index
    %swap3A_329 = tpu.vector_load %arg13[%swap3A_327, %swap3A_328] {strides = array<i32>} : memref<40x16xf32, #tpu.memory_space<vmem>>, vector<1x16xf32>,
    %swap3A_330 = vector.shape_cast %swap3A_329 : vector<1x16xf32> to vector<16xf32>
    %swap3A_331 = vector.shape_cast %broadcast_in_dim3A_0 : vector<16xf32> to vector<1x16xf32>
    tpu.vector_store %arg13[%swap3A_327, %swap3A_328], %swap3A_331 {strides = array<i32>} : memref<40x16xf32, #tpu.memory_space<vmem>>, vector<1x16xf32>,
    %swap3A_332 = arith.constant 11 : i32
    %swap3A_333 = arith.index_cast %swap3A_332 : i32 to index
    %swap3A_334 = arith.constant 0 : index
    %swap3A_335 = tpu.vector_load %arg12[%swap3A_333, %swap3A_334] {strides = array<i32>} : memref<40x64xf32, #tpu.memory_space<vmem>>, vector<1x16xf32>,
    %swap3A_336 = vector.shape_cast %swap3A_335 : vector<1x16xf32> to vector<16xf32>
    %swap3A_337 = vector.shape_cast %broadcast_in_dim3A_0 : vector<16xf32> to vector<1x16xf32>
    tpu.vector_store %arg12[%swap3A_333, %swap3A_334], %swap3A_337 {strides = array<i32>} : memref<40x64xf32, #tpu.memory_space<vmem>>, vector<1x16xf32>,
    %swap3A_338 = arith.constant 11 : i32
    %swap3A_339 = arith.index_cast %swap3A_338 : i32 to index
    %swap3A_340 = arith.constant 16 : index
    %swap3A_341 = tpu.vector_load %arg12[%swap3A_339, %swap3A_340] {strides = array<i32>} : memref<40x64xf32, #tpu.memory_space<vmem>>, vector<1x16xf32>,
    %swap3A_342 = vector.shape_cast %swap3A_341 : vector<1x16xf32> to vector<16xf32>
    %swap3A_343 = vector.shape_cast %broadcast_in_dim3A_0 : vector<16xf32> to vector<1x16xf32>
    tpu.vector_store %arg12[%swap3A_339, %swap3A_340], %swap3A_343 {strides = array<i32>} : memref<40x64xf32, #tpu.memory_space<vmem>>, vector<1x16xf32>,
    %swap3A_344 = arith.constant 11 : i32
    %swap3A_345 = arith.index_cast %swap3A_344 : i32 to index
    %swap3A_346 = arith.constant 32 : index
    %swap3A_347 = tpu.vector_load %arg12[%swap3A_345, %swap3A_346] {strides = array<i32>} : memref<40x64xf32, #tpu.memory_space<vmem>>, vector<1x16xf32>,
    %swap3A_348 = vector.shape_cast %swap3A_347 : vector<1x16xf32> to vector<16xf32>
    %swap3A_349 = vector.shape_cast %broadcast_in_dim3A_0 : vector<16xf32> to vector<1x16xf32>
    tpu.vector_store %arg12[%swap3A_345, %swap3A_346], %swap3A_349 {strides = array<i32>} : memref<40x64xf32, #tpu.memory_space<vmem>>, vector<1x16xf32>,
    %swap3A_350 = arith.constant 11 : i32
    %swap3A_351 = arith.index_cast %swap3A_350 : i32 to index
    %swap3A_352 = arith.constant 48 : index
    %swap3A_353 = tpu.vector_load %arg12[%swap3A_351, %swap3A_352] {strides = array<i32>} : memref<40x64xf32, #tpu.memory_space<vmem>>, vector<1x16xf32>,
    %swap3A_354 = vector.shape_cast %swap3A_353 : vector<1x16xf32> to vector<16xf32>
    %swap3A_355 = vector.shape_cast %broadcast_in_dim3A_0 : vector<16xf32> to vector<1x16xf32>
    tpu.vector_store %arg12[%swap3A_351, %swap3A_352], %swap3A_355 {strides = array<i32>} : memref<40x64xf32, #tpu.memory_space<vmem>>, vector<1x16xf32>,
    %swap3A_356 = arith.constant 11 : i32
    %swap3A_357 = arith.index_cast %swap3A_356 : i32 to index
    %swap3A_358 = arith.constant 0 : index
    %swap3A_359 = tpu.vector_load %arg13[%swap3A_357, %swap3A_358] {strides = array<i32>} : memref<40x16xf32, #tpu.memory_space<vmem>>, vector<1x16xf32>,
    %swap3A_360 = vector.shape_cast %swap3A_359 : vector<1x16xf32> to vector<16xf32>
    %swap3A_361 = vector.shape_cast %broadcast_in_dim3A_0 : vector<16xf32> to vector<1x16xf32>
    tpu.vector_store %arg13[%swap3A_357, %swap3A_358], %swap3A_361 {strides = array<i32>} : memref<40x16xf32, #tpu.memory_space<vmem>>, vector<1x16xf32>,
    %swap3A_362 = arith.constant 12 : i32
    %swap3A_363 = arith.index_cast %swap3A_362 : i32 to index
    %swap3A_364 = arith.constant 0 : index
    %swap3A_365 = tpu.vector_load %arg12[%swap3A_363, %swap3A_364] {strides = array<i32>} : memref<40x64xf32, #tpu.memory_space<vmem>>, vector<1x16xf32>,
    %swap3A_366 = vector.shape_cast %swap3A_365 : vector<1x16xf32> to vector<16xf32>
    %swap3A_367 = vector.shape_cast %broadcast_in_dim3A_0 : vector<16xf32> to vector<1x16xf32>
    tpu.vector_store %arg12[%swap3A_363, %swap3A_364], %swap3A_367 {strides = array<i32>} : memref<40x64xf32, #tpu.memory_space<vmem>>, vector<1x16xf32>,
    %swap3A_368 = arith.constant 12 : i32
    %swap3A_369 = arith.index_cast %swap3A_368 : i32 to index
    %swap3A_370 = arith.constant 16 : index
    %swap3A_371 = tpu.vector_load %arg12[%swap3A_369, %swap3A_370] {strides = array<i32>} : memref<40x64xf32, #tpu.memory_space<vmem>>, vector<1x16xf32>,
    %swap3A_372 = vector.shape_cast %swap3A_371 : vector<1x16xf32> to vector<16xf32>
    %swap3A_373 = vector.shape_cast %broadcast_in_dim3A_0 : vector<16xf32> to vector<1x16xf32>
    tpu.vector_store %arg12[%swap3A_369, %swap3A_370], %swap3A_373 {strides = array<i32>} : memref<40x64xf32, #tpu.memory_space<vmem>>, vector<1x16xf32>,
    %swap3A_374 = arith.constant 12 : i32
    %swap3A_375 = arith.index_cast %swap3A_374 : i32 to index
    %swap3A_376 = arith.constant 32 : index
    %swap3A_377 = tpu.vector_load %arg12[%swap3A_375, %swap3A_376] {strides = array<i32>} : memref<40x64xf32, #tpu.memory_space<vmem>>, vector<1x16xf32>,
    %swap3A_378 = vector.shape_cast %swap3A_377 : vector<1x16xf32> to vector<16xf32>
    %swap3A_379 = vector.shape_cast %broadcast_in_dim3A_0 : vector<16xf32> to vector<1x16xf32>
    tpu.vector_store %arg12[%swap3A_375, %swap3A_376], %swap3A_379 {strides = array<i32>} : memref<40x64xf32, #tpu.memory_space<vmem>>, vector<1x16xf32>,
    %swap3A_380 = arith.constant 12 : i32
    %swap3A_381 = arith.index_cast %swap3A_380 : i32 to index
    %swap3A_382 = arith.constant 48 : index
    %swap3A_383 = tpu.vector_load %arg12[%swap3A_381, %swap3A_382] {strides = array<i32>} : memref<40x64xf32, #tpu.memory_space<vmem>>, vector<1x16xf32>,
    %swap3A_384 = vector.shape_cast %swap3A_383 : vector<1x16xf32> to vector<16xf32>
    %swap3A_385 = vector.shape_cast %broadcast_in_dim3A_0 : vector<16xf32> to vector<1x16xf32>
    tpu.vector_store %arg12[%swap3A_381, %swap3A_382], %swap3A_385 {strides = array<i32>} : memref<40x64xf32, #tpu.memory_space<vmem>>, vector<1x16xf32>,
    %swap3A_386 = arith.constant 12 : i32
    %swap3A_387 = arith.index_cast %swap3A_386 : i32 to index
    %swap3A_388 = arith.constant 0 : index
    %swap3A_389 = tpu.vector_load %arg13[%swap3A_387, %swap3A_388] {strides = array<i32>} : memref<40x16xf32, #tpu.memory_space<vmem>>, vector<1x16xf32>,
    %swap3A_390 = vector.shape_cast %swap3A_389 : vector<1x16xf32> to vector<16xf32>
    %swap3A_391 = vector.shape_cast %broadcast_in_dim3A_0 : vector<16xf32> to vector<1x16xf32>
    tpu.vector_store %arg13[%swap3A_387, %swap3A_388], %swap3A_391 {strides = array<i32>} : memref<40x16xf32, #tpu.memory_space<vmem>>, vector<1x16xf32>,
    %swap3A_392 = arith.constant 13 : i32
    %swap3A_393 = arith.index_cast %swap3A_392 : i32 to index
    %swap3A_394 = arith.constant 0 : index
    %swap3A_395 = tpu.vector_load %arg12[%swap3A_393, %swap3A_394] {strides = array<i32>} : memref<40x64xf32, #tpu.memory_space<vmem>>, vector<1x16xf32>,
    %swap3A_396 = vector.shape_cast %swap3A_395 : vector<1x16xf32> to vector<16xf32>
    %swap3A_397 = vector.shape_cast %broadcast_in_dim3A_0 : vector<16xf32> to vector<1x16xf32>
    tpu.vector_store %arg12[%swap3A_393, %swap3A_394], %swap3A_397 {strides = array<i32>} : memref<40x64xf32, #tpu.memory_space<vmem>>, vector<1x16xf32>,
    %swap3A_398 = arith.constant 13 : i32
    %swap3A_399 = arith.index_cast %swap3A_398 : i32 to index
    %swap3A_400 = arith.constant 16 : index
    %swap3A_401 = tpu.vector_load %arg12[%swap3A_399, %swap3A_400] {strides = array<i32>} : memref<40x64xf32, #tpu.memory_space<vmem>>, vector<1x16xf32>,
    %swap3A_402 = vector.shape_cast %swap3A_401 : vector<1x16xf32> to vector<16xf32>
    %swap3A_403 = vector.shape_cast %broadcast_in_dim3A_0 : vector<16xf32> to vector<1x16xf32>
    tpu.vector_store %arg12[%swap3A_399, %swap3A_400], %swap3A_403 {strides = array<i32>} : memref<40x64xf32, #tpu.memory_space<vmem>>, vector<1x16xf32>,
    %swap3A_404 = arith.constant 13 : i32
    %swap3A_405 = arith.index_cast %swap3A_404 : i32 to index
    %swap3A_406 = arith.constant 32 : index
    %swap3A_407 = tpu.vector_load %arg12[%swap3A_405, %swap3A_406] {strides = array<i32>} : memref<40x64xf32, #tpu.memory_space<vmem>>, vector<1x16xf32>,
    %swap3A_408 = vector.shape_cast %swap3A_407 : vector<1x16xf32> to vector<16xf32>
    %swap3A_409 = vector.shape_cast %broadcast_in_dim3A_0 : vector<16xf32> to vector<1x16xf32>
    tpu.vector_store %arg12[%swap3A_405, %swap3A_406], %swap3A_409 {strides = array<i32>} : memref<40x64xf32, #tpu.memory_space<vmem>>, vector<1x16xf32>,
    %swap3A_410 = arith.constant 13 : i32
    %swap3A_411 = arith.index_cast %swap3A_410 : i32 to index
    %swap3A_412 = arith.constant 48 : index
    %swap3A_413 = tpu.vector_load %arg12[%swap3A_411, %swap3A_412] {strides = array<i32>} : memref<40x64xf32, #tpu.memory_space<vmem>>, vector<1x16xf32>,
    %swap3A_414 = vector.shape_cast %swap3A_413 : vector<1x16xf32> to vector<16xf32>
    %swap3A_415 = vector.shape_cast %broadcast_in_dim3A_0 : vector<16xf32> to vector<1x16xf32>
    tpu.vector_store %arg12[%swap3A_411, %swap3A_412], %swap3A_415 {strides = array<i32>} : memref<40x64xf32, #tpu.memory_space<vmem>>, vector<1x16xf32>,
    %swap3A_416 = arith.constant 13 : i32
    %swap3A_417 = arith.index_cast %swap3A_416 : i32 to index
    %swap3A_418 = arith.constant 0 : index
    %swap3A_419 = tpu.vector_load %arg13[%swap3A_417, %swap3A_418] {strides = array<i32>} : memref<40x16xf32, #tpu.memory_space<vmem>>, vector<1x16xf32>,
    %swap3A_420 = vector.shape_cast %swap3A_419 : vector<1x16xf32> to vector<16xf32>
    %swap3A_421 = vector.shape_cast %broadcast_in_dim3A_0 : vector<16xf32> to vector<1x16xf32>
    tpu.vector_store %arg13[%swap3A_417, %swap3A_418], %swap3A_421 {strides = array<i32>} : memref<40x16xf32, #tpu.memory_space<vmem>>, vector<1x16xf32>,
    %swap3A_422 = arith.constant 14 : i32
    %swap3A_423 = arith.index_cast %swap3A_422 : i32 to index
    %swap3A_424 = arith.constant 0 : index
    %swap3A_425 = tpu.vector_load %arg12[%swap3A_423, %swap3A_424] {strides = array<i32>} : memref<40x64xf32, #tpu.memory_space<vmem>>, vector<1x16xf32>,
    %swap3A_426 = vector.shape_cast %swap3A_425 : vector<1x16xf32> to vector<16xf32>
    %swap3A_427 = vector.shape_cast %broadcast_in_dim3A_0 : vector<16xf32> to vector<1x16xf32>
    tpu.vector_store %arg12[%swap3A_423, %swap3A_424], %swap3A_427 {strides = array<i32>} : memref<40x64xf32, #tpu.memory_space<vmem>>, vector<1x16xf32>,
    %swap3A_428 = arith.constant 14 : i32
    %swap3A_429 = arith.index_cast %swap3A_428 : i32 to index
    %swap3A_430 = arith.constant 16 : index
    %swap3A_431 = tpu.vector_load %arg12[%swap3A_429, %swap3A_430] {strides = array<i32>} : memref<40x64xf32, #tpu.memory_space<vmem>>, vector<1x16xf32>,
    %swap3A_432 = vector.shape_cast %swap3A_431 : vector<1x16xf32> to vector<16xf32>
    %swap3A_433 = vector.shape_cast %broadcast_in_dim3A_0 : vector<16xf32> to vector<1x16xf32>
    tpu.vector_store %arg12[%swap3A_429, %swap3A_430], %swap3A_433 {strides = array<i32>} : memref<40x64xf32, #tpu.memory_space<vmem>>, vector<1x16xf32>,
    %swap3A_434 = arith.constant 14 : i32
    %swap3A_435 = arith.index_cast %swap3A_434 : i32 to index
    %swap3A_436 = arith.constant 32 : index
    %swap3A_437 = tpu.vector_load %arg12[%swap3A_435, %swap3A_436] {strides = array<i32>} : memref<40x64xf32, #tpu.memory_space<vmem>>, vector<1x16xf32>,
    %swap3A_438 = vector.shape_cast %swap3A_437 : vector<1x16xf32> to vector<16xf32>
    %swap3A_439 = vector.shape_cast %broadcast_in_dim3A_0 : vector<16xf32> to vector<1x16xf32>
    tpu.vector_store %arg12[%swap3A_435, %swap3A_436], %swap3A_439 {strides = array<i32>} : memref<40x64xf32, #tpu.memory_space<vmem>>, vector<1x16xf32>,
    %swap3A_440 = arith.constant 14 : i32
    %swap3A_441 = arith.index_cast %swap3A_440 : i32 to index
    %swap3A_442 = arith.constant 48 : index
    %swap3A_443 = tpu.vector_load %arg12[%swap3A_441, %swap3A_442] {strides = array<i32>} : memref<40x64xf32, #tpu.memory_space<vmem>>, vector<1x16xf32>,
    %swap3A_444 = vector.shape_cast %swap3A_443 : vector<1x16xf32> to vector<16xf32>
    %swap3A_445 = vector.shape_cast %broadcast_in_dim3A_0 : vector<16xf32> to vector<1x16xf32>
    tpu.vector_store %arg12[%swap3A_441, %swap3A_442], %swap3A_445 {strides = array<i32>} : memref<40x64xf32, #tpu.memory_space<vmem>>, vector<1x16xf32>,
    %swap3A_446 = arith.constant 14 : i32
    %swap3A_447 = arith.index_cast %swap3A_446 : i32 to index
    %swap3A_448 = arith.constant 0 : index
    %swap3A_449 = tpu.vector_load %arg13[%swap3A_447, %swap3A_448] {strides = array<i32>} : memref<40x16xf32, #tpu.memory_space<vmem>>, vector<1x16xf32>,
    %swap3A_450 = vector.shape_cast %swap3A_449 : vector<1x16xf32> to vector<16xf32>
    %swap3A_451 = vector.shape_cast %broadcast_in_dim3A_0 : vector<16xf32> to vector<1x16xf32>
    tpu.vector_store %arg13[%swap3A_447, %swap3A_448], %swap3A_451 {strides = array<i32>} : memref<40x16xf32, #tpu.memory_space<vmem>>, vector<1x16xf32>,
    %swap3A_452 = arith.constant 15 : i32
    %swap3A_453 = arith.index_cast %swap3A_452 : i32 to index
    %swap3A_454 = arith.constant 0 : index
    %swap3A_455 = tpu.vector_load %arg12[%swap3A_453, %swap3A_454] {strides = array<i32>} : memref<40x64xf32, #tpu.memory_space<vmem>>, vector<1x16xf32>,
    %swap3A_456 = vector.shape_cast %swap3A_455 : vector<1x16xf32> to vector<16xf32>
    %swap3A_457 = vector.shape_cast %broadcast_in_dim3A_0 : vector<16xf32> to vector<1x16xf32>
    tpu.vector_store %arg12[%swap3A_453, %swap3A_454], %swap3A_457 {strides = array<i32>} : memref<40x64xf32, #tpu.memory_space<vmem>>, vector<1x16xf32>,
    %swap3A_458 = arith.constant 15 : i32
    %swap3A_459 = arith.index_cast %swap3A_458 : i32 to index
    %swap3A_460 = arith.constant 16 : index
    %swap3A_461 = tpu.vector_load %arg12[%swap3A_459, %swap3A_460] {strides = array<i32>} : memref<40x64xf32, #tpu.memory_space<vmem>>, vector<1x16xf32>,
    %swap3A_462 = vector.shape_cast %swap3A_461 : vector<1x16xf32> to vector<16xf32>
    %swap3A_463 = vector.shape_cast %broadcast_in_dim3A_0 : vector<16xf32> to vector<1x16xf32>
    tpu.vector_store %arg12[%swap3A_459, %swap3A_460], %swap3A_463 {strides = array<i32>} : memref<40x64xf32, #tpu.memory_space<vmem>>, vector<1x16xf32>,
    %swap3A_464 = arith.constant 15 : i32
    %swap3A_465 = arith.index_cast %swap3A_464 : i32 to index
    %swap3A_466 = arith.constant 32 : index
    %swap3A_467 = tpu.vector_load %arg12[%swap3A_465, %swap3A_466] {strides = array<i32>} : memref<40x64xf32, #tpu.memory_space<vmem>>, vector<1x16xf32>,
    %swap3A_468 = vector.shape_cast %swap3A_467 : vector<1x16xf32> to vector<16xf32>
    %swap3A_469 = vector.shape_cast %broadcast_in_dim3A_0 : vector<16xf32> to vector<1x16xf32>
    tpu.vector_store %arg12[%swap3A_465, %swap3A_466], %swap3A_469 {strides = array<i32>} : memref<40x64xf32, #tpu.memory_space<vmem>>, vector<1x16xf32>,
    %swap3A_470 = arith.constant 15 : i32
    %swap3A_471 = arith.index_cast %swap3A_470 : i32 to index
    %swap3A_472 = arith.constant 48 : index
    %swap3A_473 = tpu.vector_load %arg12[%swap3A_471, %swap3A_472] {strides = array<i32>} : memref<40x64xf32, #tpu.memory_space<vmem>>, vector<1x16xf32>,
    %swap3A_474 = vector.shape_cast %swap3A_473 : vector<1x16xf32> to vector<16xf32>
    %swap3A_475 = vector.shape_cast %broadcast_in_dim3A_0 : vector<16xf32> to vector<1x16xf32>
    tpu.vector_store %arg12[%swap3A_471, %swap3A_472], %swap3A_475 {strides = array<i32>} : memref<40x64xf32, #tpu.memory_space<vmem>>, vector<1x16xf32>,
    %swap3A_476 = arith.constant 15 : i32
    %swap3A_477 = arith.index_cast %swap3A_476 : i32 to index
    %swap3A_478 = arith.constant 0 : index
    %swap3A_479 = tpu.vector_load %arg13[%swap3A_477, %swap3A_478] {strides = array<i32>} : memref<40x16xf32, #tpu.memory_space<vmem>>, vector<1x16xf32>,
    %swap3A_480 = vector.shape_cast %swap3A_479 : vector<1x16xf32> to vector<16xf32>
    %swap3A_481 = vector.shape_cast %broadcast_in_dim3A_0 : vector<16xf32> to vector<1x16xf32>
    tpu.vector_store %arg13[%swap3A_477, %swap3A_478], %swap3A_481 {strides = array<i32>} : memref<40x16xf32, #tpu.memory_space<vmem>>, vector<1x16xf32>,
    %swap3A_482 = arith.constant 16 : i32
    %swap3A_483 = arith.index_cast %swap3A_482 : i32 to index
    %swap3A_484 = arith.constant 0 : index
    %swap3A_485 = tpu.vector_load %arg12[%swap3A_483, %swap3A_484] {strides = array<i32>} : memref<40x64xf32, #tpu.memory_space<vmem>>, vector<1x16xf32>,
    %swap3A_486 = vector.shape_cast %swap3A_485 : vector<1x16xf32> to vector<16xf32>
    %swap3A_487 = vector.shape_cast %broadcast_in_dim3A_0 : vector<16xf32> to vector<1x16xf32>
    tpu.vector_store %arg12[%swap3A_483, %swap3A_484], %swap3A_487 {strides = array<i32>} : memref<40x64xf32, #tpu.memory_space<vmem>>, vector<1x16xf32>,
    %swap3A_488 = arith.constant 16 : i32
    %swap3A_489 = arith.index_cast %swap3A_488 : i32 to index
    %swap3A_490 = arith.constant 16 : index
    %swap3A_491 = tpu.vector_load %arg12[%swap3A_489, %swap3A_490] {strides = array<i32>} : memref<40x64xf32, #tpu.memory_space<vmem>>, vector<1x16xf32>,
    %swap3A_492 = vector.shape_cast %swap3A_491 : vector<1x16xf32> to vector<16xf32>
    %swap3A_493 = vector.shape_cast %broadcast_in_dim3A_0 : vector<16xf32> to vector<1x16xf32>
    tpu.vector_store %arg12[%swap3A_489, %swap3A_490], %swap3A_493 {strides = array<i32>} : memref<40x64xf32, #tpu.memory_space<vmem>>, vector<1x16xf32>,
    %swap3A_494 = arith.constant 16 : i32
    %swap3A_495 = arith.index_cast %swap3A_494 : i32 to index
    %swap3A_496 = arith.constant 32 : index
    %swap3A_497 = tpu.vector_load %arg12[%swap3A_495, %swap3A_496] {strides = array<i32>} : memref<40x64xf32, #tpu.memory_space<vmem>>, vector<1x16xf32>,
    %swap3A_498 = vector.shape_cast %swap3A_497 : vector<1x16xf32> to vector<16xf32>
    %swap3A_499 = vector.shape_cast %broadcast_in_dim3A_0 : vector<16xf32> to vector<1x16xf32>
    tpu.vector_store %arg12[%swap3A_495, %swap3A_496], %swap3A_499 {strides = array<i32>} : memref<40x64xf32, #tpu.memory_space<vmem>>, vector<1x16xf32>,
    %swap3A_500 = arith.constant 16 : i32
    %swap3A_501 = arith.index_cast %swap3A_500 : i32 to index
    %swap3A_502 = arith.constant 48 : index
    %swap3A_503 = tpu.vector_load %arg12[%swap3A_501, %swap3A_502] {strides = array<i32>} : memref<40x64xf32, #tpu.memory_space<vmem>>, vector<1x16xf32>,
    %swap3A_504 = vector.shape_cast %swap3A_503 : vector<1x16xf32> to vector<16xf32>
    %swap3A_505 = vector.shape_cast %broadcast_in_dim3A_0 : vector<16xf32> to vector<1x16xf32>
    tpu.vector_store %arg12[%swap3A_501, %swap3A_502], %swap3A_505 {strides = array<i32>} : memref<40x64xf32, #tpu.memory_space<vmem>>, vector<1x16xf32>,
    %swap3A_506 = arith.constant 16 : i32
    %swap3A_507 = arith.index_cast %swap3A_506 : i32 to index
    %swap3A_508 = arith.constant 0 : index
    %swap3A_509 = tpu.vector_load %arg13[%swap3A_507, %swap3A_508] {strides = array<i32>} : memref<40x16xf32, #tpu.memory_space<vmem>>, vector<1x16xf32>,
    %swap3A_510 = vector.shape_cast %swap3A_509 : vector<1x16xf32> to vector<16xf32>
    %swap3A_511 = vector.shape_cast %broadcast_in_dim3A_0 : vector<16xf32> to vector<1x16xf32>
    tpu.vector_store %arg13[%swap3A_507, %swap3A_508], %swap3A_511 {strides = array<i32>} : memref<40x16xf32, #tpu.memory_space<vmem>>, vector<1x16xf32>,
    %swap3A_512 = arith.constant 17 : i32
    %swap3A_513 = arith.index_cast %swap3A_512 : i32 to index
    %swap3A_514 = arith.constant 0 : index
    %swap3A_515 = tpu.vector_load %arg12[%swap3A_513, %swap3A_514] {strides = array<i32>} : memref<40x64xf32, #tpu.memory_space<vmem>>, vector<1x16xf32>,
    %swap3A_516 = vector.shape_cast %swap3A_515 : vector<1x16xf32> to vector<16xf32>
    %swap3A_517 = vector.shape_cast %broadcast_in_dim3A_0 : vector<16xf32> to vector<1x16xf32>
    tpu.vector_store %arg12[%swap3A_513, %swap3A_514], %swap3A_517 {strides = array<i32>} : memref<40x64xf32, #tpu.memory_space<vmem>>, vector<1x16xf32>,
    %swap3A_518 = arith.constant 17 : i32
    %swap3A_519 = arith.index_cast %swap3A_518 : i32 to index
    %swap3A_520 = arith.constant 16 : index
    %swap3A_521 = tpu.vector_load %arg12[%swap3A_519, %swap3A_520] {strides = array<i32>} : memref<40x64xf32, #tpu.memory_space<vmem>>, vector<1x16xf32>,
    %swap3A_522 = vector.shape_cast %swap3A_521 : vector<1x16xf32> to vector<16xf32>
    %swap3A_523 = vector.shape_cast %broadcast_in_dim3A_0 : vector<16xf32> to vector<1x16xf32>
    tpu.vector_store %arg12[%swap3A_519, %swap3A_520], %swap3A_523 {strides = array<i32>} : memref<40x64xf32, #tpu.memory_space<vmem>>, vector<1x16xf32>,
    %swap3A_524 = arith.constant 17 : i32
    %swap3A_525 = arith.index_cast %swap3A_524 : i32 to index
    %swap3A_526 = arith.constant 32 : index
    %swap3A_527 = tpu.vector_load %arg12[%swap3A_525, %swap3A_526] {strides = array<i32>} : memref<40x64xf32, #tpu.memory_space<vmem>>, vector<1x16xf32>,
    %swap3A_528 = vector.shape_cast %swap3A_527 : vector<1x16xf32> to vector<16xf32>
    %swap3A_529 = vector.shape_cast %broadcast_in_dim3A_0 : vector<16xf32> to vector<1x16xf32>
    tpu.vector_store %arg12[%swap3A_525, %swap3A_526], %swap3A_529 {strides = array<i32>} : memref<40x64xf32, #tpu.memory_space<vmem>>, vector<1x16xf32>,
    %swap3A_530 = arith.constant 17 : i32
    %swap3A_531 = arith.index_cast %swap3A_530 : i32 to index
    %swap3A_532 = arith.constant 48 : index
    %swap3A_533 = tpu.vector_load %arg12[%swap3A_531, %swap3A_532] {strides = array<i32>} : memref<40x64xf32, #tpu.memory_space<vmem>>, vector<1x16xf32>,
    %swap3A_534 = vector.shape_cast %swap3A_533 : vector<1x16xf32> to vector<16xf32>
    %swap3A_535 = vector.shape_cast %broadcast_in_dim3A_0 : vector<16xf32> to vector<1x16xf32>
    tpu.vector_store %arg12[%swap3A_531, %swap3A_532], %swap3A_535 {strides = array<i32>} : memref<40x64xf32, #tpu.memory_space<vmem>>, vector<1x16xf32>,
    %swap3A_536 = arith.constant 17 : i32
    %swap3A_537 = arith.index_cast %swap3A_536 : i32 to index
    %swap3A_538 = arith.constant 0 : index
    %swap3A_539 = tpu.vector_load %arg13[%swap3A_537, %swap3A_538] {strides = array<i32>} : memref<40x16xf32, #tpu.memory_space<vmem>>, vector<1x16xf32>,
    %swap3A_540 = vector.shape_cast %swap3A_539 : vector<1x16xf32> to vector<16xf32>
    %swap3A_541 = vector.shape_cast %broadcast_in_dim3A_0 : vector<16xf32> to vector<1x16xf32>
    tpu.vector_store %arg13[%swap3A_537, %swap3A_538], %swap3A_541 {strides = array<i32>} : memref<40x16xf32, #tpu.memory_space<vmem>>, vector<1x16xf32>,
    %swap3A_542 = arith.constant 18 : i32
    %swap3A_543 = arith.index_cast %swap3A_542 : i32 to index
    %swap3A_544 = arith.constant 0 : index
    %swap3A_545 = tpu.vector_load %arg12[%swap3A_543, %swap3A_544] {strides = array<i32>} : memref<40x64xf32, #tpu.memory_space<vmem>>, vector<1x16xf32>,
    %swap3A_546 = vector.shape_cast %swap3A_545 : vector<1x16xf32> to vector<16xf32>
    %swap3A_547 = vector.shape_cast %broadcast_in_dim3A_0 : vector<16xf32> to vector<1x16xf32>
    tpu.vector_store %arg12[%swap3A_543, %swap3A_544], %swap3A_547 {strides = array<i32>} : memref<40x64xf32, #tpu.memory_space<vmem>>, vector<1x16xf32>,
    %swap3A_548 = arith.constant 18 : i32
    %swap3A_549 = arith.index_cast %swap3A_548 : i32 to index
    %swap3A_550 = arith.constant 16 : index
    %swap3A_551 = tpu.vector_load %arg12[%swap3A_549, %swap3A_550] {strides = array<i32>} : memref<40x64xf32, #tpu.memory_space<vmem>>, vector<1x16xf32>,
    %swap3A_552 = vector.shape_cast %swap3A_551 : vector<1x16xf32> to vector<16xf32>
    %swap3A_553 = vector.shape_cast %broadcast_in_dim3A_0 : vector<16xf32> to vector<1x16xf32>
    tpu.vector_store %arg12[%swap3A_549, %swap3A_550], %swap3A_553 {strides = array<i32>} : memref<40x64xf32, #tpu.memory_space<vmem>>, vector<1x16xf32>,
    %swap3A_554 = arith.constant 18 : i32
    %swap3A_555 = arith.index_cast %swap3A_554 : i32 to index
    %swap3A_556 = arith.constant 32 : index
    %swap3A_557 = tpu.vector_load %arg12[%swap3A_555, %swap3A_556] {strides = array<i32>} : memref<40x64xf32, #tpu.memory_space<vmem>>, vector<1x16xf32>,
    %swap3A_558 = vector.shape_cast %swap3A_557 : vector<1x16xf32> to vector<16xf32>
    %swap3A_559 = vector.shape_cast %broadcast_in_dim3A_0 : vector<16xf32> to vector<1x16xf32>
    tpu.vector_store %arg12[%swap3A_555, %swap3A_556], %swap3A_559 {strides = array<i32>} : memref<40x64xf32, #tpu.memory_space<vmem>>, vector<1x16xf32>,
    %swap3A_560 = arith.constant 18 : i32
    %swap3A_561 = arith.index_cast %swap3A_560 : i32 to index
    %swap3A_562 = arith.constant 48 : index
    %swap3A_563 = tpu.vector_load %arg12[%swap3A_561, %swap3A_562] {strides = array<i32>} : memref<40x64xf32, #tpu.memory_space<vmem>>, vector<1x16xf32>,
    %swap3A_564 = vector.shape_cast %swap3A_563 : vector<1x16xf32> to vector<16xf32>
    %swap3A_565 = vector.shape_cast %broadcast_in_dim3A_0 : vector<16xf32> to vector<1x16xf32>
    tpu.vector_store %arg12[%swap3A_561, %swap3A_562], %swap3A_565 {strides = array<i32>} : memref<40x64xf32, #tpu.memory_space<vmem>>, vector<1x16xf32>,
    %swap3A_566 = arith.constant 18 : i32
    %swap3A_567 = arith.index_cast %swap3A_566 : i32 to index
    %swap3A_568 = arith.constant 0 : index
    %swap3A_569 = tpu.vector_load %arg13[%swap3A_567, %swap3A_568] {strides = array<i32>} : memref<40x16xf32, #tpu.memory_space<vmem>>, vector<1x16xf32>,
    %swap3A_570 = vector.shape_cast %swap3A_569 : vector<1x16xf32> to vector<16xf32>
    %swap3A_571 = vector.shape_cast %broadcast_in_dim3A_0 : vector<16xf32> to vector<1x16xf32>
    tpu.vector_store %arg13[%swap3A_567, %swap3A_568], %swap3A_571 {strides = array<i32>} : memref<40x16xf32, #tpu.memory_space<vmem>>, vector<1x16xf32>,
    %swap3A_572 = arith.constant 19 : i32
    %swap3A_573 = arith.index_cast %swap3A_572 : i32 to index
    %swap3A_574 = arith.constant 0 : index
    %swap3A_575 = tpu.vector_load %arg12[%swap3A_573, %swap3A_574] {strides = array<i32>} : memref<40x64xf32, #tpu.memory_space<vmem>>, vector<1x16xf32>,
    %swap3A_576 = vector.shape_cast %swap3A_575 : vector<1x16xf32> to vector<16xf32>
    %swap3A_577 = vector.shape_cast %broadcast_in_dim3A_0 : vector<16xf32> to vector<1x16xf32>
    tpu.vector_store %arg12[%swap3A_573, %swap3A_574], %swap3A_577 {strides = array<i32>} : memref<40x64xf32, #tpu.memory_space<vmem>>, vector<1x16xf32>,
    %swap3A_578 = arith.constant 19 : i32
    %swap3A_579 = arith.index_cast %swap3A_578 : i32 to index
    %swap3A_580 = arith.constant 16 : index
    %swap3A_581 = tpu.vector_load %arg12[%swap3A_579, %swap3A_580] {strides = array<i32>} : memref<40x64xf32, #tpu.memory_space<vmem>>, vector<1x16xf32>,
    %swap3A_582 = vector.shape_cast %swap3A_581 : vector<1x16xf32> to vector<16xf32>
    %swap3A_583 = vector.shape_cast %broadcast_in_dim3A_0 : vector<16xf32> to vector<1x16xf32>
    tpu.vector_store %arg12[%swap3A_579, %swap3A_580], %swap3A_583 {strides = array<i32>} : memref<40x64xf32, #tpu.memory_space<vmem>>, vector<1x16xf32>,
    %swap3A_584 = arith.constant 19 : i32
    %swap3A_585 = arith.index_cast %swap3A_584 : i32 to index
    %swap3A_586 = arith.constant 32 : index
    %swap3A_587 = tpu.vector_load %arg12[%swap3A_585, %swap3A_586] {strides = array<i32>} : memref<40x64xf32, #tpu.memory_space<vmem>>, vector<1x16xf32>,
    %swap3A_588 = vector.shape_cast %swap3A_587 : vector<1x16xf32> to vector<16xf32>
    %swap3A_589 = vector.shape_cast %broadcast_in_dim3A_0 : vector<16xf32> to vector<1x16xf32>
    tpu.vector_store %arg12[%swap3A_585, %swap3A_586], %swap3A_589 {strides = array<i32>} : memref<40x64xf32, #tpu.memory_space<vmem>>, vector<1x16xf32>,
    %swap3A_590 = arith.constant 19 : i32
    %swap3A_591 = arith.index_cast %swap3A_590 : i32 to index
    %swap3A_592 = arith.constant 48 : index
    %swap3A_593 = tpu.vector_load %arg12[%swap3A_591, %swap3A_592] {strides = array<i32>} : memref<40x64xf32, #tpu.memory_space<vmem>>, vector<1x16xf32>,
    %swap3A_594 = vector.shape_cast %swap3A_593 : vector<1x16xf32> to vector<16xf32>
    %swap3A_595 = vector.shape_cast %broadcast_in_dim3A_0 : vector<16xf32> to vector<1x16xf32>
    tpu.vector_store %arg12[%swap3A_591, %swap3A_592], %swap3A_595 {strides = array<i32>} : memref<40x64xf32, #tpu.memory_space<vmem>>, vector<1x16xf32>,
    %swap3A_596 = arith.constant 19 : i32
    %swap3A_597 = arith.index_cast %swap3A_596 : i32 to index
    %swap3A_598 = arith.constant 0 : index
    %swap3A_599 = tpu.vector_load %arg13[%swap3A_597, %swap3A_598] {strides = array<i32>} : memref<40x16xf32, #tpu.memory_space<vmem>>, vector<1x16xf32>,
    %swap3A_600 = vector.shape_cast %swap3A_599 : vector<1x16xf32> to vector<16xf32>
    %swap3A_601 = vector.shape_cast %broadcast_in_dim3A_0 : vector<16xf32> to vector<1x16xf32>
    tpu.vector_store %arg13[%swap3A_597, %swap3A_598], %swap3A_601 {strides = array<i32>} : memref<40x16xf32, #tpu.memory_space<vmem>>, vector<1x16xf32>,
    %swap3A_602 = arith.constant 20 : i32
    %swap3A_603 = arith.index_cast %swap3A_602 : i32 to index
    %swap3A_604 = arith.constant 0 : index
    %swap3A_605 = tpu.vector_load %arg12[%swap3A_603, %swap3A_604] {strides = array<i32>} : memref<40x64xf32, #tpu.memory_space<vmem>>, vector<1x16xf32>,
    %swap3A_606 = vector.shape_cast %swap3A_605 : vector<1x16xf32> to vector<16xf32>
    %swap3A_607 = vector.shape_cast %broadcast_in_dim3A_0 : vector<16xf32> to vector<1x16xf32>
    tpu.vector_store %arg12[%swap3A_603, %swap3A_604], %swap3A_607 {strides = array<i32>} : memref<40x64xf32, #tpu.memory_space<vmem>>, vector<1x16xf32>,
    %swap3A_608 = arith.constant 20 : i32
    %swap3A_609 = arith.index_cast %swap3A_608 : i32 to index
    %swap3A_610 = arith.constant 16 : index
    %swap3A_611 = tpu.vector_load %arg12[%swap3A_609, %swap3A_610] {strides = array<i32>} : memref<40x64xf32, #tpu.memory_space<vmem>>, vector<1x16xf32>,
    %swap3A_612 = vector.shape_cast %swap3A_611 : vector<1x16xf32> to vector<16xf32>
    %swap3A_613 = vector.shape_cast %broadcast_in_dim3A_0 : vector<16xf32> to vector<1x16xf32>
    tpu.vector_store %arg12[%swap3A_609, %swap3A_610], %swap3A_613 {strides = array<i32>} : memref<40x64xf32, #tpu.memory_space<vmem>>, vector<1x16xf32>,
    %swap3A_614 = arith.constant 20 : i32
    %swap3A_615 = arith.index_cast %swap3A_614 : i32 to index
    %swap3A_616 = arith.constant 32 : index
    %swap3A_617 = tpu.vector_load %arg12[%swap3A_615, %swap3A_616] {strides = array<i32>} : memref<40x64xf32, #tpu.memory_space<vmem>>, vector<1x16xf32>,
    %swap3A_618 = vector.shape_cast %swap3A_617 : vector<1x16xf32> to vector<16xf32>
    %swap3A_619 = vector.shape_cast %broadcast_in_dim3A_0 : vector<16xf32> to vector<1x16xf32>
    tpu.vector_store %arg12[%swap3A_615, %swap3A_616], %swap3A_619 {strides = array<i32>} : memref<40x64xf32, #tpu.memory_space<vmem>>, vector<1x16xf32>,
    %swap3A_620 = arith.constant 20 : i32
    %swap3A_621 = arith.index_cast %swap3A_620 : i32 to index
    %swap3A_622 = arith.constant 48 : index
    %swap3A_623 = tpu.vector_load %arg12[%swap3A_621, %swap3A_622] {strides = array<i32>} : memref<40x64xf32, #tpu.memory_space<vmem>>, vector<1x16xf32>,
    %swap3A_624 = vector.shape_cast %swap3A_623 : vector<1x16xf32> to vector<16xf32>
    %swap3A_625 = vector.shape_cast %broadcast_in_dim3A_0 : vector<16xf32> to vector<1x16xf32>
    tpu.vector_store %arg12[%swap3A_621, %swap3A_622], %swap3A_625 {strides = array<i32>} : memref<40x64xf32, #tpu.memory_space<vmem>>, vector<1x16xf32>,
    %swap3A_626 = arith.constant 20 : i32
    %swap3A_627 = arith.index_cast %swap3A_626 : i32 to index
    %swap3A_628 = arith.constant 0 : index
    %swap3A_629 = tpu.vector_load %arg13[%swap3A_627, %swap3A_628] {strides = array<i32>} : memref<40x16xf32, #tpu.memory_space<vmem>>, vector<1x16xf32>,
    %swap3A_630 = vector.shape_cast %swap3A_629 : vector<1x16xf32> to vector<16xf32>
    %swap3A_631 = vector.shape_cast %broadcast_in_dim3A_0 : vector<16xf32> to vector<1x16xf32>
    tpu.vector_store %arg13[%swap3A_627, %swap3A_628], %swap3A_631 {strides = array<i32>} : memref<40x16xf32, #tpu.memory_space<vmem>>, vector<1x16xf32>,
    %swap3A_632 = arith.constant 21 : i32
    %swap3A_633 = arith.index_cast %swap3A_632 : i32 to index
    %swap3A_634 = arith.constant 0 : index
    %swap3A_635 = tpu.vector_load %arg12[%swap3A_633, %swap3A_634] {strides = array<i32>} : memref<40x64xf32, #tpu.memory_space<vmem>>, vector<1x16xf32>,
    %swap3A_636 = vector.shape_cast %swap3A_635 : vector<1x16xf32> to vector<16xf32>
    %swap3A_637 = vector.shape_cast %broadcast_in_dim3A_0 : vector<16xf32> to vector<1x16xf32>
    tpu.vector_store %arg12[%swap3A_633, %swap3A_634], %swap3A_637 {strides = array<i32>} : memref<40x64xf32, #tpu.memory_space<vmem>>, vector<1x16xf32>,
    %swap3A_638 = arith.constant 21 : i32
    %swap3A_639 = arith.index_cast %swap3A_638 : i32 to index
    %swap3A_640 = arith.constant 16 : index
    %swap3A_641 = tpu.vector_load %arg12[%swap3A_639, %swap3A_640] {strides = array<i32>} : memref<40x64xf32, #tpu.memory_space<vmem>>, vector<1x16xf32>,
    %swap3A_642 = vector.shape_cast %swap3A_641 : vector<1x16xf32> to vector<16xf32>
    %swap3A_643 = vector.shape_cast %broadcast_in_dim3A_0 : vector<16xf32> to vector<1x16xf32>
    tpu.vector_store %arg12[%swap3A_639, %swap3A_640], %swap3A_643 {strides = array<i32>} : memref<40x64xf32, #tpu.memory_space<vmem>>, vector<1x16xf32>,
    %swap3A_644 = arith.constant 21 : i32
    %swap3A_645 = arith.index_cast %swap3A_644 : i32 to index
    %swap3A_646 = arith.constant 32 : index
    %swap3A_647 = tpu.vector_load %arg12[%swap3A_645, %swap3A_646] {strides = array<i32>} : memref<40x64xf32, #tpu.memory_space<vmem>>, vector<1x16xf32>,
    %swap3A_648 = vector.shape_cast %swap3A_647 : vector<1x16xf32> to vector<16xf32>
    %swap3A_649 = vector.shape_cast %broadcast_in_dim3A_0 : vector<16xf32> to vector<1x16xf32>
    tpu.vector_store %arg12[%swap3A_645, %swap3A_646], %swap3A_649 {strides = array<i32>} : memref<40x64xf32, #tpu.memory_space<vmem>>, vector<1x16xf32>,
    %swap3A_650 = arith.constant 21 : i32
    %swap3A_651 = arith.index_cast %swap3A_650 : i32 to index
    %swap3A_652 = arith.constant 48 : index
    %swap3A_653 = tpu.vector_load %arg12[%swap3A_651, %swap3A_652] {strides = array<i32>} : memref<40x64xf32, #tpu.memory_space<vmem>>, vector<1x16xf32>,
    %swap3A_654 = vector.shape_cast %swap3A_653 : vector<1x16xf32> to vector<16xf32>
    %swap3A_655 = vector.shape_cast %broadcast_in_dim3A_0 : vector<16xf32> to vector<1x16xf32>
    tpu.vector_store %arg12[%swap3A_651, %swap3A_652], %swap3A_655 {strides = array<i32>} : memref<40x64xf32, #tpu.memory_space<vmem>>, vector<1x16xf32>,
    %swap3A_656 = arith.constant 21 : i32
    %swap3A_657 = arith.index_cast %swap3A_656 : i32 to index
    %swap3A_658 = arith.constant 0 : index
    %swap3A_659 = tpu.vector_load %arg13[%swap3A_657, %swap3A_658] {strides = array<i32>} : memref<40x16xf32, #tpu.memory_space<vmem>>, vector<1x16xf32>,
    %swap3A_660 = vector.shape_cast %swap3A_659 : vector<1x16xf32> to vector<16xf32>
    %swap3A_661 = vector.shape_cast %broadcast_in_dim3A_0 : vector<16xf32> to vector<1x16xf32>
    tpu.vector_store %arg13[%swap3A_657, %swap3A_658], %swap3A_661 {strides = array<i32>} : memref<40x16xf32, #tpu.memory_space<vmem>>, vector<1x16xf32>,
    %swap3A_662 = arith.constant 22 : i32
    %swap3A_663 = arith.index_cast %swap3A_662 : i32 to index
    %swap3A_664 = arith.constant 0 : index
    %swap3A_665 = tpu.vector_load %arg12[%swap3A_663, %swap3A_664] {strides = array<i32>} : memref<40x64xf32, #tpu.memory_space<vmem>>, vector<1x16xf32>,
    %swap3A_666 = vector.shape_cast %swap3A_665 : vector<1x16xf32> to vector<16xf32>
    %swap3A_667 = vector.shape_cast %broadcast_in_dim3A_0 : vector<16xf32> to vector<1x16xf32>
    tpu.vector_store %arg12[%swap3A_663, %swap3A_664], %swap3A_667 {strides = array<i32>} : memref<40x64xf32, #tpu.memory_space<vmem>>, vector<1x16xf32>,
    %swap3A_668 = arith.constant 22 : i32
    %swap3A_669 = arith.index_cast %swap3A_668 : i32 to index
    %swap3A_670 = arith.constant 16 : index
    %swap3A_671 = tpu.vector_load %arg12[%swap3A_669, %swap3A_670] {strides = array<i32>} : memref<40x64xf32, #tpu.memory_space<vmem>>, vector<1x16xf32>,
    %swap3A_672 = vector.shape_cast %swap3A_671 : vector<1x16xf32> to vector<16xf32>
    %swap3A_673 = vector.shape_cast %broadcast_in_dim3A_0 : vector<16xf32> to vector<1x16xf32>
    tpu.vector_store %arg12[%swap3A_669, %swap3A_670], %swap3A_673 {strides = array<i32>} : memref<40x64xf32, #tpu.memory_space<vmem>>, vector<1x16xf32>,
    %swap3A_674 = arith.constant 22 : i32
    %swap3A_675 = arith.index_cast %swap3A_674 : i32 to index
    %swap3A_676 = arith.constant 32 : index
    %swap3A_677 = tpu.vector_load %arg12[%swap3A_675, %swap3A_676] {strides = array<i32>} : memref<40x64xf32, #tpu.memory_space<vmem>>, vector<1x16xf32>,
    %swap3A_678 = vector.shape_cast %swap3A_677 : vector<1x16xf32> to vector<16xf32>
    %swap3A_679 = vector.shape_cast %broadcast_in_dim3A_0 : vector<16xf32> to vector<1x16xf32>
    tpu.vector_store %arg12[%swap3A_675, %swap3A_676], %swap3A_679 {strides = array<i32>} : memref<40x64xf32, #tpu.memory_space<vmem>>, vector<1x16xf32>,
    %swap3A_680 = arith.constant 22 : i32
    %swap3A_681 = arith.index_cast %swap3A_680 : i32 to index
    %swap3A_682 = arith.constant 48 : index
    %swap3A_683 = tpu.vector_load %arg12[%swap3A_681, %swap3A_682] {strides = array<i32>} : memref<40x64xf32, #tpu.memory_space<vmem>>, vector<1x16xf32>,
    %swap3A_684 = vector.shape_cast %swap3A_683 : vector<1x16xf32> to vector<16xf32>
    %swap3A_685 = vector.shape_cast %broadcast_in_dim3A_0 : vector<16xf32> to vector<1x16xf32>
    tpu.vector_store %arg12[%swap3A_681, %swap3A_682], %swap3A_685 {strides = array<i32>} : memref<40x64xf32, #tpu.memory_space<vmem>>, vector<1x16xf32>,
    %swap3A_686 = arith.constant 22 : i32
    %swap3A_687 = arith.index_cast %swap3A_686 : i32 to index
    %swap3A_688 = arith.constant 0 : index
    %swap3A_689 = tpu.vector_load %arg13[%swap3A_687, %swap3A_688] {strides = array<i32>} : memref<40x16xf32, #tpu.memory_space<vmem>>, vector<1x16xf32>,
    %swap3A_690 = vector.shape_cast %swap3A_689 : vector<1x16xf32> to vector<16xf32>
    %swap3A_691 = vector.shape_cast %broadcast_in_dim3A_0 : vector<16xf32> to vector<1x16xf32>
    tpu.vector_store %arg13[%swap3A_687, %swap3A_688], %swap3A_691 {strides = array<i32>} : memref<40x16xf32, #tpu.memory_space<vmem>>, vector<1x16xf32>,
    %swap3A_692 = arith.constant 23 : i32
    %swap3A_693 = arith.index_cast %swap3A_692 : i32 to index
    %swap3A_694 = arith.constant 0 : index
    %swap3A_695 = tpu.vector_load %arg12[%swap3A_693, %swap3A_694] {strides = array<i32>} : memref<40x64xf32, #tpu.memory_space<vmem>>, vector<1x16xf32>,
    %swap3A_696 = vector.shape_cast %swap3A_695 : vector<1x16xf32> to vector<16xf32>
    %swap3A_697 = vector.shape_cast %broadcast_in_dim3A_0 : vector<16xf32> to vector<1x16xf32>
    tpu.vector_store %arg12[%swap3A_693, %swap3A_694], %swap3A_697 {strides = array<i32>} : memref<40x64xf32, #tpu.memory_space<vmem>>, vector<1x16xf32>,
    %swap3A_698 = arith.constant 23 : i32
    %swap3A_699 = arith.index_cast %swap3A_698 : i32 to index
    %swap3A_700 = arith.constant 16 : index
    %swap3A_701 = tpu.vector_load %arg12[%swap3A_699, %swap3A_700] {strides = array<i32>} : memref<40x64xf32, #tpu.memory_space<vmem>>, vector<1x16xf32>,
    %swap3A_702 = vector.shape_cast %swap3A_701 : vector<1x16xf32> to vector<16xf32>
    %swap3A_703 = vector.shape_cast %broadcast_in_dim3A_0 : vector<16xf32> to vector<1x16xf32>
    tpu.vector_store %arg12[%swap3A_699, %swap3A_700], %swap3A_703 {strides = array<i32>} : memref<40x64xf32, #tpu.memory_space<vmem>>, vector<1x16xf32>,
    %swap3A_704 = arith.constant 23 : i32
    %swap3A_705 = arith.index_cast %swap3A_704 : i32 to index
    %swap3A_706 = arith.constant 32 : index
    %swap3A_707 = tpu.vector_load %arg12[%swap3A_705, %swap3A_706] {strides = array<i32>} : memref<40x64xf32, #tpu.memory_space<vmem>>, vector<1x16xf32>,
    %swap3A_708 = vector.shape_cast %swap3A_707 : vector<1x16xf32> to vector<16xf32>
    %swap3A_709 = vector.shape_cast %broadcast_in_dim3A_0 : vector<16xf32> to vector<1x16xf32>
    tpu.vector_store %arg12[%swap3A_705, %swap3A_706], %swap3A_709 {strides = array<i32>} : memref<40x64xf32, #tpu.memory_space<vmem>>, vector<1x16xf32>,
    %swap3A_710 = arith.constant 23 : i32
    %swap3A_711 = arith.index_cast %swap3A_710 : i32 to index
    %swap3A_712 = arith.constant 48 : index
    %swap3A_713 = tpu.vector_load %arg12[%swap3A_711, %swap3A_712] {strides = array<i32>} : memref<40x64xf32, #tpu.memory_space<vmem>>, vector<1x16xf32>,
    %swap3A_714 = vector.shape_cast %swap3A_713 : vector<1x16xf32> to vector<16xf32>
    %swap3A_715 = vector.shape_cast %broadcast_in_dim3A_0 : vector<16xf32> to vector<1x16xf32>
    tpu.vector_store %arg12[%swap3A_711, %swap3A_712], %swap3A_715 {strides = array<i32>} : memref<40x64xf32, #tpu.memory_space<vmem>>, vector<1x16xf32>,
    %swap3A_716 = arith.constant 23 : i32
    %swap3A_717 = arith.index_cast %swap3A_716 : i32 to index
    %swap3A_718 = arith.constant 0 : index
    %swap3A_719 = tpu.vector_load %arg13[%swap3A_717, %swap3A_718] {strides = array<i32>} : memref<40x16xf32, #tpu.memory_space<vmem>>, vector<1x16xf32>,
    %swap3A_720 = vector.shape_cast %swap3A_719 : vector<1x16xf32> to vector<16xf32>
    %swap3A_721 = vector.shape_cast %broadcast_in_dim3A_0 : vector<16xf32> to vector<1x16xf32>
    tpu.vector_store %arg13[%swap3A_717, %swap3A_718], %swap3A_721 {strides = array<i32>} : memref<40x16xf32, #tpu.memory_space<vmem>>, vector<1x16xf32>,
    %swap3A_722 = arith.constant 24 : i32
    %swap3A_723 = arith.index_cast %swap3A_722 : i32 to index
    %swap3A_724 = arith.constant 0 : index
    %swap3A_725 = tpu.vector_load %arg12[%swap3A_723, %swap3A_724] {strides = array<i32>} : memref<40x64xf32, #tpu.memory_space<vmem>>, vector<1x16xf32>,
    %swap3A_726 = vector.shape_cast %swap3A_725 : vector<1x16xf32> to vector<16xf32>
    %swap3A_727 = vector.shape_cast %broadcast_in_dim3A_0 : vector<16xf32> to vector<1x16xf32>
    tpu.vector_store %arg12[%swap3A_723, %swap3A_724], %swap3A_727 {strides = array<i32>} : memref<40x64xf32, #tpu.memory_space<vmem>>, vector<1x16xf32>,
    %swap3A_728 = arith.constant 24 : i32
    %swap3A_729 = arith.index_cast %swap3A_728 : i32 to index
    %swap3A_730 = arith.constant 16 : index
    %swap3A_731 = tpu.vector_load %arg12[%swap3A_729, %swap3A_730] {strides = array<i32>} : memref<40x64xf32, #tpu.memory_space<vmem>>, vector<1x16xf32>,
    %swap3A_732 = vector.shape_cast %swap3A_731 : vector<1x16xf32> to vector<16xf32>
    %swap3A_733 = vector.shape_cast %broadcast_in_dim3A_0 : vector<16xf32> to vector<1x16xf32>
    tpu.vector_store %arg12[%swap3A_729, %swap3A_730], %swap3A_733 {strides = array<i32>} : memref<40x64xf32, #tpu.memory_space<vmem>>, vector<1x16xf32>,
    %swap3A_734 = arith.constant 24 : i32
    %swap3A_735 = arith.index_cast %swap3A_734 : i32 to index
    %swap3A_736 = arith.constant 32 : index
    %swap3A_737 = tpu.vector_load %arg12[%swap3A_735, %swap3A_736] {strides = array<i32>} : memref<40x64xf32, #tpu.memory_space<vmem>>, vector<1x16xf32>,
    %swap3A_738 = vector.shape_cast %swap3A_737 : vector<1x16xf32> to vector<16xf32>
    %swap3A_739 = vector.shape_cast %broadcast_in_dim3A_0 : vector<16xf32> to vector<1x16xf32>
    tpu.vector_store %arg12[%swap3A_735, %swap3A_736], %swap3A_739 {strides = array<i32>} : memref<40x64xf32, #tpu.memory_space<vmem>>, vector<1x16xf32>,
    %swap3A_740 = arith.constant 24 : i32
    %swap3A_741 = arith.index_cast %swap3A_740 : i32 to index
    %swap3A_742 = arith.constant 48 : index
    %swap3A_743 = tpu.vector_load %arg12[%swap3A_741, %swap3A_742] {strides = array<i32>} : memref<40x64xf32, #tpu.memory_space<vmem>>, vector<1x16xf32>,
    %swap3A_744 = vector.shape_cast %swap3A_743 : vector<1x16xf32> to vector<16xf32>
    %swap3A_745 = vector.shape_cast %broadcast_in_dim3A_0 : vector<16xf32> to vector<1x16xf32>
    tpu.vector_store %arg12[%swap3A_741, %swap3A_742], %swap3A_745 {strides = array<i32>} : memref<40x64xf32, #tpu.memory_space<vmem>>, vector<1x16xf32>,
    %swap3A_746 = arith.constant 24 : i32
    %swap3A_747 = arith.index_cast %swap3A_746 : i32 to index
    %swap3A_748 = arith.constant 0 : index
    %swap3A_749 = tpu.vector_load %arg13[%swap3A_747, %swap3A_748] {strides = array<i32>} : memref<40x16xf32, #tpu.memory_space<vmem>>, vector<1x16xf32>,
    %swap3A_750 = vector.shape_cast %swap3A_749 : vector<1x16xf32> to vector<16xf32>
    %swap3A_751 = vector.shape_cast %broadcast_in_dim3A_0 : vector<16xf32> to vector<1x16xf32>
    tpu.vector_store %arg13[%swap3A_747, %swap3A_748], %swap3A_751 {strides = array<i32>} : memref<40x16xf32, #tpu.memory_space<vmem>>, vector<1x16xf32>,
    %swap3A_752 = arith.constant 25 : i32
    %swap3A_753 = arith.index_cast %swap3A_752 : i32 to index
    %swap3A_754 = arith.constant 0 : index
    %swap3A_755 = tpu.vector_load %arg12[%swap3A_753, %swap3A_754] {strides = array<i32>} : memref<40x64xf32, #tpu.memory_space<vmem>>, vector<1x16xf32>,
    %swap3A_756 = vector.shape_cast %swap3A_755 : vector<1x16xf32> to vector<16xf32>
    %swap3A_757 = vector.shape_cast %broadcast_in_dim3A_0 : vector<16xf32> to vector<1x16xf32>
    tpu.vector_store %arg12[%swap3A_753, %swap3A_754], %swap3A_757 {strides = array<i32>} : memref<40x64xf32, #tpu.memory_space<vmem>>, vector<1x16xf32>,
    %swap3A_758 = arith.constant 25 : i32
    %swap3A_759 = arith.index_cast %swap3A_758 : i32 to index
    %swap3A_760 = arith.constant 16 : index
    %swap3A_761 = tpu.vector_load %arg12[%swap3A_759, %swap3A_760] {strides = array<i32>} : memref<40x64xf32, #tpu.memory_space<vmem>>, vector<1x16xf32>,
    %swap3A_762 = vector.shape_cast %swap3A_761 : vector<1x16xf32> to vector<16xf32>
    %swap3A_763 = vector.shape_cast %broadcast_in_dim3A_0 : vector<16xf32> to vector<1x16xf32>
    tpu.vector_store %arg12[%swap3A_759, %swap3A_760], %swap3A_763 {strides = array<i32>} : memref<40x64xf32, #tpu.memory_space<vmem>>, vector<1x16xf32>,
    %swap3A_764 = arith.constant 25 : i32
    %swap3A_765 = arith.index_cast %swap3A_764 : i32 to index
    %swap3A_766 = arith.constant 32 : index
    %swap3A_767 = tpu.vector_load %arg12[%swap3A_765, %swap3A_766] {strides = array<i32>} : memref<40x64xf32, #tpu.memory_space<vmem>>, vector<1x16xf32>,
    %swap3A_768 = vector.shape_cast %swap3A_767 : vector<1x16xf32> to vector<16xf32>
    %swap3A_769 = vector.shape_cast %broadcast_in_dim3A_0 : vector<16xf32> to vector<1x16xf32>
    tpu.vector_store %arg12[%swap3A_765, %swap3A_766], %swap3A_769 {strides = array<i32>} : memref<40x64xf32, #tpu.memory_space<vmem>>, vector<1x16xf32>,
    %swap3A_770 = arith.constant 25 : i32
    %swap3A_771 = arith.index_cast %swap3A_770 : i32 to index
    %swap3A_772 = arith.constant 48 : index
    %swap3A_773 = tpu.vector_load %arg12[%swap3A_771, %swap3A_772] {strides = array<i32>} : memref<40x64xf32, #tpu.memory_space<vmem>>, vector<1x16xf32>,
    %swap3A_774 = vector.shape_cast %swap3A_773 : vector<1x16xf32> to vector<16xf32>
    %swap3A_775 = vector.shape_cast %broadcast_in_dim3A_0 : vector<16xf32> to vector<1x16xf32>
    tpu.vector_store %arg12[%swap3A_771, %swap3A_772], %swap3A_775 {strides = array<i32>} : memref<40x64xf32, #tpu.memory_space<vmem>>, vector<1x16xf32>,
    %swap3A_776 = arith.constant 25 : i32
    %swap3A_777 = arith.index_cast %swap3A_776 : i32 to index
    %swap3A_778 = arith.constant 0 : index
    %swap3A_779 = tpu.vector_load %arg13[%swap3A_777, %swap3A_778] {strides = array<i32>} : memref<40x16xf32, #tpu.memory_space<vmem>>, vector<1x16xf32>,
    %swap3A_780 = vector.shape_cast %swap3A_779 : vector<1x16xf32> to vector<16xf32>
    %swap3A_781 = vector.shape_cast %broadcast_in_dim3A_0 : vector<16xf32> to vector<1x16xf32>
    tpu.vector_store %arg13[%swap3A_777, %swap3A_778], %swap3A_781 {strides = array<i32>} : memref<40x16xf32, #tpu.memory_space<vmem>>, vector<1x16xf32>,
    %swap3A_782 = arith.constant 26 : i32
    %swap3A_783 = arith.index_cast %swap3A_782 : i32 to index
    %swap3A_784 = arith.constant 0 : index
    %swap3A_785 = tpu.vector_load %arg12[%swap3A_783, %swap3A_784] {strides = array<i32>} : memref<40x64xf32, #tpu.memory_space<vmem>>, vector<1x16xf32>,
    %swap3A_786 = vector.shape_cast %swap3A_785 : vector<1x16xf32> to vector<16xf32>
    %swap3A_787 = vector.shape_cast %broadcast_in_dim3A_0 : vector<16xf32> to vector<1x16xf32>
    tpu.vector_store %arg12[%swap3A_783, %swap3A_784], %swap3A_787 {strides = array<i32>} : memref<40x64xf32, #tpu.memory_space<vmem>>, vector<1x16xf32>,
    %swap3A_788 = arith.constant 26 : i32
    %swap3A_789 = arith.index_cast %swap3A_788 : i32 to index
    %swap3A_790 = arith.constant 16 : index
    %swap3A_791 = tpu.vector_load %arg12[%swap3A_789, %swap3A_790] {strides = array<i32>} : memref<40x64xf32, #tpu.memory_space<vmem>>, vector<1x16xf32>,
    %swap3A_792 = vector.shape_cast %swap3A_791 : vector<1x16xf32> to vector<16xf32>
    %swap3A_793 = vector.shape_cast %broadcast_in_dim3A_0 : vector<16xf32> to vector<1x16xf32>
    tpu.vector_store %arg12[%swap3A_789, %swap3A_790], %swap3A_793 {strides = array<i32>} : memref<40x64xf32, #tpu.memory_space<vmem>>, vector<1x16xf32>,
    %swap3A_794 = arith.constant 26 : i32
    %swap3A_795 = arith.index_cast %swap3A_794 : i32 to index
    %swap3A_796 = arith.constant 32 : index
    %swap3A_797 = tpu.vector_load %arg12[%swap3A_795, %swap3A_796] {strides = array<i32>} : memref<40x64xf32, #tpu.memory_space<vmem>>, vector<1x16xf32>,
    %swap3A_798 = vector.shape_cast %swap3A_797 : vector<1x16xf32> to vector<16xf32>
    %swap3A_799 = vector.shape_cast %broadcast_in_dim3A_0 : vector<16xf32> to vector<1x16xf32>
    tpu.vector_store %arg12[%swap3A_795, %swap3A_796], %swap3A_799 {strides = array<i32>} : memref<40x64xf32, #tpu.memory_space<vmem>>, vector<1x16xf32>,
    %swap3A_800 = arith.constant 26 : i32
    %swap3A_801 = arith.index_cast %swap3A_800 : i32 to index
    %swap3A_802 = arith.constant 48 : index
    %swap3A_803 = tpu.vector_load %arg12[%swap3A_801, %swap3A_802] {strides = array<i32>} : memref<40x64xf32, #tpu.memory_space<vmem>>, vector<1x16xf32>,
    %swap3A_804 = vector.shape_cast %swap3A_803 : vector<1x16xf32> to vector<16xf32>
    %swap3A_805 = vector.shape_cast %broadcast_in_dim3A_0 : vector<16xf32> to vector<1x16xf32>
    tpu.vector_store %arg12[%swap3A_801, %swap3A_802], %swap3A_805 {strides = array<i32>} : memref<40x64xf32, #tpu.memory_space<vmem>>, vector<1x16xf32>,
    %swap3A_806 = arith.constant 26 : i32
    %swap3A_807 = arith.index_cast %swap3A_806 : i32 to index
    %swap3A_808 = arith.constant 0 : index
    %swap3A_809 = tpu.vector_load %arg13[%swap3A_807, %swap3A_808] {strides = array<i32>} : memref<40x16xf32, #tpu.memory_space<vmem>>, vector<1x16xf32>,
    %swap3A_810 = vector.shape_cast %swap3A_809 : vector<1x16xf32> to vector<16xf32>
    %swap3A_811 = vector.shape_cast %broadcast_in_dim3A_0 : vector<16xf32> to vector<1x16xf32>
    tpu.vector_store %arg13[%swap3A_807, %swap3A_808], %swap3A_811 {strides = array<i32>} : memref<40x16xf32, #tpu.memory_space<vmem>>, vector<1x16xf32>,
    %swap3A_812 = arith.constant 27 : i32
    %swap3A_813 = arith.index_cast %swap3A_812 : i32 to index
    %swap3A_814 = arith.constant 0 : index
    %swap3A_815 = tpu.vector_load %arg12[%swap3A_813, %swap3A_814] {strides = array<i32>} : memref<40x64xf32, #tpu.memory_space<vmem>>, vector<1x16xf32>,
    %swap3A_816 = vector.shape_cast %swap3A_815 : vector<1x16xf32> to vector<16xf32>
    %swap3A_817 = vector.shape_cast %broadcast_in_dim3A_0 : vector<16xf32> to vector<1x16xf32>
    tpu.vector_store %arg12[%swap3A_813, %swap3A_814], %swap3A_817 {strides = array<i32>} : memref<40x64xf32, #tpu.memory_space<vmem>>, vector<1x16xf32>,
    %swap3A_818 = arith.constant 27 : i32
    %swap3A_819 = arith.index_cast %swap3A_818 : i32 to index
    %swap3A_820 = arith.constant 16 : index
    %swap3A_821 = tpu.vector_load %arg12[%swap3A_819, %swap3A_820] {strides = array<i32>} : memref<40x64xf32, #tpu.memory_space<vmem>>, vector<1x16xf32>,
    %swap3A_822 = vector.shape_cast %swap3A_821 : vector<1x16xf32> to vector<16xf32>
    %swap3A_823 = vector.shape_cast %broadcast_in_dim3A_0 : vector<16xf32> to vector<1x16xf32>
    tpu.vector_store %arg12[%swap3A_819, %swap3A_820], %swap3A_823 {strides = array<i32>} : memref<40x64xf32, #tpu.memory_space<vmem>>, vector<1x16xf32>,
    %swap3A_824 = arith.constant 27 : i32
    %swap3A_825 = arith.index_cast %swap3A_824 : i32 to index
    %swap3A_826 = arith.constant 32 : index
    %swap3A_827 = tpu.vector_load %arg12[%swap3A_825, %swap3A_826] {strides = array<i32>} : memref<40x64xf32, #tpu.memory_space<vmem>>, vector<1x16xf32>,
    %swap3A_828 = vector.shape_cast %swap3A_827 : vector<1x16xf32> to vector<16xf32>
    %swap3A_829 = vector.shape_cast %broadcast_in_dim3A_0 : vector<16xf32> to vector<1x16xf32>
    tpu.vector_store %arg12[%swap3A_825, %swap3A_826], %swap3A_829 {strides = array<i32>} : memref<40x64xf32, #tpu.memory_space<vmem>>, vector<1x16xf32>,
    %swap3A_830 = arith.constant 27 : i32
    %swap3A_831 = arith.index_cast %swap3A_830 : i32 to index
    %swap3A_832 = arith.constant 48 : index
    %swap3A_833 = tpu.vector_load %arg12[%swap3A_831, %swap3A_832] {strides = array<i32>} : memref<40x64xf32, #tpu.memory_space<vmem>>, vector<1x16xf32>,
    %swap3A_834 = vector.shape_cast %swap3A_833 : vector<1x16xf32> to vector<16xf32>
    %swap3A_835 = vector.shape_cast %broadcast_in_dim3A_0 : vector<16xf32> to vector<1x16xf32>
    tpu.vector_store %arg12[%swap3A_831, %swap3A_832], %swap3A_835 {strides = array<i32>} : memref<40x64xf32, #tpu.memory_space<vmem>>, vector<1x16xf32>,
    %swap3A_836 = arith.constant 27 : i32
    %swap3A_837 = arith.index_cast %swap3A_836 : i32 to index
    %swap3A_838 = arith.constant 0 : index
    %swap3A_839 = tpu.vector_load %arg13[%swap3A_837, %swap3A_838] {strides = array<i32>} : memref<40x16xf32, #tpu.memory_space<vmem>>, vector<1x16xf32>,
    %swap3A_840 = vector.shape_cast %swap3A_839 : vector<1x16xf32> to vector<16xf32>
    %swap3A_841 = vector.shape_cast %broadcast_in_dim3A_0 : vector<16xf32> to vector<1x16xf32>
    tpu.vector_store %arg13[%swap3A_837, %swap3A_838], %swap3A_841 {strides = array<i32>} : memref<40x16xf32, #tpu.memory_space<vmem>>, vector<1x16xf32>,
    %swap3A_842 = arith.constant 28 : i32
    %swap3A_843 = arith.index_cast %swap3A_842 : i32 to index
    %swap3A_844 = arith.constant 0 : index
    %swap3A_845 = tpu.vector_load %arg12[%swap3A_843, %swap3A_844] {strides = array<i32>} : memref<40x64xf32, #tpu.memory_space<vmem>>, vector<1x16xf32>,
    %swap3A_846 = vector.shape_cast %swap3A_845 : vector<1x16xf32> to vector<16xf32>
    %swap3A_847 = vector.shape_cast %broadcast_in_dim3A_0 : vector<16xf32> to vector<1x16xf32>
    tpu.vector_store %arg12[%swap3A_843, %swap3A_844], %swap3A_847 {strides = array<i32>} : memref<40x64xf32, #tpu.memory_space<vmem>>, vector<1x16xf32>,
    %swap3A_848 = arith.constant 28 : i32
    %swap3A_849 = arith.index_cast %swap3A_848 : i32 to index
    %swap3A_850 = arith.constant 16 : index
    %swap3A_851 = tpu.vector_load %arg12[%swap3A_849, %swap3A_850] {strides = array<i32>} : memref<40x64xf32, #tpu.memory_space<vmem>>, vector<1x16xf32>,
    %swap3A_852 = vector.shape_cast %swap3A_851 : vector<1x16xf32> to vector<16xf32>
    %swap3A_853 = vector.shape_cast %broadcast_in_dim3A_0 : vector<16xf32> to vector<1x16xf32>
    tpu.vector_store %arg12[%swap3A_849, %swap3A_850], %swap3A_853 {strides = array<i32>} : memref<40x64xf32, #tpu.memory_space<vmem>>, vector<1x16xf32>,
    %swap3A_854 = arith.constant 28 : i32
    %swap3A_855 = arith.index_cast %swap3A_854 : i32 to index
    %swap3A_856 = arith.constant 32 : index
    %swap3A_857 = tpu.vector_load %arg12[%swap3A_855, %swap3A_856] {strides = array<i32>} : memref<40x64xf32, #tpu.memory_space<vmem>>, vector<1x16xf32>,
    %swap3A_858 = vector.shape_cast %swap3A_857 : vector<1x16xf32> to vector<16xf32>
    %swap3A_859 = vector.shape_cast %broadcast_in_dim3A_0 : vector<16xf32> to vector<1x16xf32>
    tpu.vector_store %arg12[%swap3A_855, %swap3A_856], %swap3A_859 {strides = array<i32>} : memref<40x64xf32, #tpu.memory_space<vmem>>, vector<1x16xf32>,
    %swap3A_860 = arith.constant 28 : i32
    %swap3A_861 = arith.index_cast %swap3A_860 : i32 to index
    %swap3A_862 = arith.constant 48 : index
    %swap3A_863 = tpu.vector_load %arg12[%swap3A_861, %swap3A_862] {strides = array<i32>} : memref<40x64xf32, #tpu.memory_space<vmem>>, vector<1x16xf32>,
    %swap3A_864 = vector.shape_cast %swap3A_863 : vector<1x16xf32> to vector<16xf32>
    %swap3A_865 = vector.shape_cast %broadcast_in_dim3A_0 : vector<16xf32> to vector<1x16xf32>
    tpu.vector_store %arg12[%swap3A_861, %swap3A_862], %swap3A_865 {strides = array<i32>} : memref<40x64xf32, #tpu.memory_space<vmem>>, vector<1x16xf32>,
    %swap3A_866 = arith.constant 28 : i32
    %swap3A_867 = arith.index_cast %swap3A_866 : i32 to index
    %swap3A_868 = arith.constant 0 : index
    %swap3A_869 = tpu.vector_load %arg13[%swap3A_867, %swap3A_868] {strides = array<i32>} : memref<40x16xf32, #tpu.memory_space<vmem>>, vector<1x16xf32>,
    %swap3A_870 = vector.shape_cast %swap3A_869 : vector<1x16xf32> to vector<16xf32>
    %swap3A_871 = vector.shape_cast %broadcast_in_dim3A_0 : vector<16xf32> to vector<1x16xf32>
    tpu.vector_store %arg13[%swap3A_867, %swap3A_868], %swap3A_871 {strides = array<i32>} : memref<40x16xf32, #tpu.memory_space<vmem>>, vector<1x16xf32>,
    %swap3A_872 = arith.constant 29 : i32
    %swap3A_873 = arith.index_cast %swap3A_872 : i32 to index
    %swap3A_874 = arith.constant 0 : index
    %swap3A_875 = tpu.vector_load %arg12[%swap3A_873, %swap3A_874] {strides = array<i32>} : memref<40x64xf32, #tpu.memory_space<vmem>>, vector<1x16xf32>,
    %swap3A_876 = vector.shape_cast %swap3A_875 : vector<1x16xf32> to vector<16xf32>
    %swap3A_877 = vector.shape_cast %broadcast_in_dim3A_0 : vector<16xf32> to vector<1x16xf32>
    tpu.vector_store %arg12[%swap3A_873, %swap3A_874], %swap3A_877 {strides = array<i32>} : memref<40x64xf32, #tpu.memory_space<vmem>>, vector<1x16xf32>,
    %swap3A_878 = arith.constant 29 : i32
    %swap3A_879 = arith.index_cast %swap3A_878 : i32 to index
    %swap3A_880 = arith.constant 16 : index
    %swap3A_881 = tpu.vector_load %arg12[%swap3A_879, %swap3A_880] {strides = array<i32>} : memref<40x64xf32, #tpu.memory_space<vmem>>, vector<1x16xf32>,
    %swap3A_882 = vector.shape_cast %swap3A_881 : vector<1x16xf32> to vector<16xf32>
    %swap3A_883 = vector.shape_cast %broadcast_in_dim3A_0 : vector<16xf32> to vector<1x16xf32>
    tpu.vector_store %arg12[%swap3A_879, %swap3A_880], %swap3A_883 {strides = array<i32>} : memref<40x64xf32, #tpu.memory_space<vmem>>, vector<1x16xf32>,
    %swap3A_884 = arith.constant 29 : i32
    %swap3A_885 = arith.index_cast %swap3A_884 : i32 to index
    %swap3A_886 = arith.constant 32 : index
    %swap3A_887 = tpu.vector_load %arg12[%swap3A_885, %swap3A_886] {strides = array<i32>} : memref<40x64xf32, #tpu.memory_space<vmem>>, vector<1x16xf32>,
    %swap3A_888 = vector.shape_cast %swap3A_887 : vector<1x16xf32> to vector<16xf32>
    %swap3A_889 = vector.shape_cast %broadcast_in_dim3A_0 : vector<16xf32> to vector<1x16xf32>
    tpu.vector_store %arg12[%swap3A_885, %swap3A_886], %swap3A_889 {strides = array<i32>} : memref<40x64xf32, #tpu.memory_space<vmem>>, vector<1x16xf32>,
    %swap3A_890 = arith.constant 29 : i32
    %swap3A_891 = arith.index_cast %swap3A_890 : i32 to index
    %swap3A_892 = arith.constant 48 : index
    %swap3A_893 = tpu.vector_load %arg12[%swap3A_891, %swap3A_892] {strides = array<i32>} : memref<40x64xf32, #tpu.memory_space<vmem>>, vector<1x16xf32>,
    %swap3A_894 = vector.shape_cast %swap3A_893 : vector<1x16xf32> to vector<16xf32>
    %swap3A_895 = vector.shape_cast %broadcast_in_dim3A_0 : vector<16xf32> to vector<1x16xf32>
    tpu.vector_store %arg12[%swap3A_891, %swap3A_892], %swap3A_895 {strides = array<i32>} : memref<40x64xf32, #tpu.memory_space<vmem>>, vector<1x16xf32>,
    %swap3A_896 = arith.constant 29 : i32
    %swap3A_897 = arith.index_cast %swap3A_896 : i32 to index
    %swap3A_898 = arith.constant 0 : index
    %swap3A_899 = tpu.vector_load %arg13[%swap3A_897, %swap3A_898] {strides = array<i32>} : memref<40x16xf32, #tpu.memory_space<vmem>>, vector<1x16xf32>,
    %swap3A_900 = vector.shape_cast %swap3A_899 : vector<1x16xf32> to vector<16xf32>
    %swap3A_901 = vector.shape_cast %broadcast_in_dim3A_0 : vector<16xf32> to vector<1x16xf32>
    tpu.vector_store %arg13[%swap3A_897, %swap3A_898], %swap3A_901 {strides = array<i32>} : memref<40x16xf32, #tpu.memory_space<vmem>>, vector<1x16xf32>,
    %swap3A_902 = arith.constant 30 : i32
    %swap3A_903 = arith.index_cast %swap3A_902 : i32 to index
    %swap3A_904 = arith.constant 0 : index
    %swap3A_905 = tpu.vector_load %arg12[%swap3A_903, %swap3A_904] {strides = array<i32>} : memref<40x64xf32, #tpu.memory_space<vmem>>, vector<1x16xf32>,
    %swap3A_906 = vector.shape_cast %swap3A_905 : vector<1x16xf32> to vector<16xf32>
    %swap3A_907 = vector.shape_cast %broadcast_in_dim3A_0 : vector<16xf32> to vector<1x16xf32>
    tpu.vector_store %arg12[%swap3A_903, %swap3A_904], %swap3A_907 {strides = array<i32>} : memref<40x64xf32, #tpu.memory_space<vmem>>, vector<1x16xf32>,
    %swap3A_908 = arith.constant 30 : i32
    %swap3A_909 = arith.index_cast %swap3A_908 : i32 to index
    %swap3A_910 = arith.constant 16 : index
    %swap3A_911 = tpu.vector_load %arg12[%swap3A_909, %swap3A_910] {strides = array<i32>} : memref<40x64xf32, #tpu.memory_space<vmem>>, vector<1x16xf32>,
    %swap3A_912 = vector.shape_cast %swap3A_911 : vector<1x16xf32> to vector<16xf32>
    %swap3A_913 = vector.shape_cast %broadcast_in_dim3A_0 : vector<16xf32> to vector<1x16xf32>
    tpu.vector_store %arg12[%swap3A_909, %swap3A_910], %swap3A_913 {strides = array<i32>} : memref<40x64xf32, #tpu.memory_space<vmem>>, vector<1x16xf32>,
    %swap3A_914 = arith.constant 30 : i32
    %swap3A_915 = arith.index_cast %swap3A_914 : i32 to index
    %swap3A_916 = arith.constant 32 : index
    %swap3A_917 = tpu.vector_load %arg12[%swap3A_915, %swap3A_916] {strides = array<i32>} : memref<40x64xf32, #tpu.memory_space<vmem>>, vector<1x16xf32>,
    %swap3A_918 = vector.shape_cast %swap3A_917 : vector<1x16xf32> to vector<16xf32>
    %swap3A_919 = vector.shape_cast %broadcast_in_dim3A_0 : vector<16xf32> to vector<1x16xf32>
    tpu.vector_store %arg12[%swap3A_915, %swap3A_916], %swap3A_919 {strides = array<i32>} : memref<40x64xf32, #tpu.memory_space<vmem>>, vector<1x16xf32>,
    %swap3A_920 = arith.constant 30 : i32
    %swap3A_921 = arith.index_cast %swap3A_920 : i32 to index
    %swap3A_922 = arith.constant 48 : index
    %swap3A_923 = tpu.vector_load %arg12[%swap3A_921, %swap3A_922] {strides = array<i32>} : memref<40x64xf32, #tpu.memory_space<vmem>>, vector<1x16xf32>,
    %swap3A_924 = vector.shape_cast %swap3A_923 : vector<1x16xf32> to vector<16xf32>
    %swap3A_925 = vector.shape_cast %broadcast_in_dim3A_0 : vector<16xf32> to vector<1x16xf32>
    tpu.vector_store %arg12[%swap3A_921, %swap3A_922], %swap3A_925 {strides = array<i32>} : memref<40x64xf32, #tpu.memory_space<vmem>>, vector<1x16xf32>,
    %swap3A_926 = arith.constant 30 : i32
    %swap3A_927 = arith.index_cast %swap3A_926 : i32 to index
    %swap3A_928 = arith.constant 0 : index
    %swap3A_929 = tpu.vector_load %arg13[%swap3A_927, %swap3A_928] {strides = array<i32>} : memref<40x16xf32, #tpu.memory_space<vmem>>, vector<1x16xf32>,
    %swap3A_930 = vector.shape_cast %swap3A_929 : vector<1x16xf32> to vector<16xf32>
    %swap3A_931 = vector.shape_cast %broadcast_in_dim3A_0 : vector<16xf32> to vector<1x16xf32>
    tpu.vector_store %arg13[%swap3A_927, %swap3A_928], %swap3A_931 {strides = array<i32>} : memref<40x16xf32, #tpu.memory_space<vmem>>, vector<1x16xf32>,
    %swap3A_932 = arith.constant 31 : i32
    %swap3A_933 = arith.index_cast %swap3A_932 : i32 to index
    %swap3A_934 = arith.constant 0 : index
    %swap3A_935 = tpu.vector_load %arg12[%swap3A_933, %swap3A_934] {strides = array<i32>} : memref<40x64xf32, #tpu.memory_space<vmem>>, vector<1x16xf32>,
    %swap3A_936 = vector.shape_cast %swap3A_935 : vector<1x16xf32> to vector<16xf32>
    %swap3A_937 = vector.shape_cast %broadcast_in_dim3A_0 : vector<16xf32> to vector<1x16xf32>
    tpu.vector_store %arg12[%swap3A_933, %swap3A_934], %swap3A_937 {strides = array<i32>} : memref<40x64xf32, #tpu.memory_space<vmem>>, vector<1x16xf32>,
    %swap3A_938 = arith.constant 31 : i32
    %swap3A_939 = arith.index_cast %swap3A_938 : i32 to index
    %swap3A_940 = arith.constant 16 : index
    %swap3A_941 = tpu.vector_load %arg12[%swap3A_939, %swap3A_940] {strides = array<i32>} : memref<40x64xf32, #tpu.memory_space<vmem>>, vector<1x16xf32>,
    %swap3A_942 = vector.shape_cast %swap3A_941 : vector<1x16xf32> to vector<16xf32>
    %swap3A_943 = vector.shape_cast %broadcast_in_dim3A_0 : vector<16xf32> to vector<1x16xf32>
    tpu.vector_store %arg12[%swap3A_939, %swap3A_940], %swap3A_943 {strides = array<i32>} : memref<40x64xf32, #tpu.memory_space<vmem>>, vector<1x16xf32>,
    %swap3A_944 = arith.constant 31 : i32
    %swap3A_945 = arith.index_cast %swap3A_944 : i32 to index
    %swap3A_946 = arith.constant 32 : index
    %swap3A_947 = tpu.vector_load %arg12[%swap3A_945, %swap3A_946] {strides = array<i32>} : memref<40x64xf32, #tpu.memory_space<vmem>>, vector<1x16xf32>,
    %swap3A_948 = vector.shape_cast %swap3A_947 : vector<1x16xf32> to vector<16xf32>
    %swap3A_949 = vector.shape_cast %broadcast_in_dim3A_0 : vector<16xf32> to vector<1x16xf32>
    tpu.vector_store %arg12[%swap3A_945, %swap3A_946], %swap3A_949 {strides = array<i32>} : memref<40x64xf32, #tpu.memory_space<vmem>>, vector<1x16xf32>,
    %swap3A_950 = arith.constant 31 : i32
    %swap3A_951 = arith.index_cast %swap3A_950 : i32 to index
    %swap3A_952 = arith.constant 48 : index
    %swap3A_953 = tpu.vector_load %arg12[%swap3A_951, %swap3A_952] {strides = array<i32>} : memref<40x64xf32, #tpu.memory_space<vmem>>, vector<1x16xf32>,
    %swap3A_954 = vector.shape_cast %swap3A_953 : vector<1x16xf32> to vector<16xf32>
    %swap3A_955 = vector.shape_cast %broadcast_in_dim3A_0 : vector<16xf32> to vector<1x16xf32>
    tpu.vector_store %arg12[%swap3A_951, %swap3A_952], %swap3A_955 {strides = array<i32>} : memref<40x64xf32, #tpu.memory_space<vmem>>, vector<1x16xf32>,
    %swap3A_956 = arith.constant 31 : i32
    %swap3A_957 = arith.index_cast %swap3A_956 : i32 to index
    %swap3A_958 = arith.constant 0 : index
    %swap3A_959 = tpu.vector_load %arg13[%swap3A_957, %swap3A_958] {strides = array<i32>} : memref<40x16xf32, #tpu.memory_space<vmem>>, vector<1x16xf32>,
    %swap3A_960 = vector.shape_cast %swap3A_959 : vector<1x16xf32> to vector<16xf32>
    %swap3A_961 = vector.shape_cast %broadcast_in_dim3A_0 : vector<16xf32> to vector<1x16xf32>
    tpu.vector_store %arg13[%swap3A_957, %swap3A_958], %swap3A_961 {strides = array<i32>} : memref<40x16xf32, #tpu.memory_space<vmem>>, vector<1x16xf32>,
    %swap3A_962 = arith.constant 32 : i32
    %swap3A_963 = arith.index_cast %swap3A_962 : i32 to index
    %swap3A_964 = arith.constant 0 : index
    %swap3A_965 = tpu.vector_load %arg12[%swap3A_963, %swap3A_964] {strides = array<i32>} : memref<40x64xf32, #tpu.memory_space<vmem>>, vector<1x16xf32>,
    %swap3A_966 = vector.shape_cast %swap3A_965 : vector<1x16xf32> to vector<16xf32>
    %swap3A_967 = vector.shape_cast %broadcast_in_dim3A_0 : vector<16xf32> to vector<1x16xf32>
    tpu.vector_store %arg12[%swap3A_963, %swap3A_964], %swap3A_967 {strides = array<i32>} : memref<40x64xf32, #tpu.memory_space<vmem>>, vector<1x16xf32>,
    %swap3A_968 = arith.constant 32 : i32
    %swap3A_969 = arith.index_cast %swap3A_968 : i32 to index
    %swap3A_970 = arith.constant 16 : index
    %swap3A_971 = tpu.vector_load %arg12[%swap3A_969, %swap3A_970] {strides = array<i32>} : memref<40x64xf32, #tpu.memory_space<vmem>>, vector<1x16xf32>,
    %swap3A_972 = vector.shape_cast %swap3A_971 : vector<1x16xf32> to vector<16xf32>
    %swap3A_973 = vector.shape_cast %broadcast_in_dim3A_0 : vector<16xf32> to vector<1x16xf32>
    tpu.vector_store %arg12[%swap3A_969, %swap3A_970], %swap3A_973 {strides = array<i32>} : memref<40x64xf32, #tpu.memory_space<vmem>>, vector<1x16xf32>,
    %swap3A_974 = arith.constant 32 : i32
    %swap3A_975 = arith.index_cast %swap3A_974 : i32 to index
    %swap3A_976 = arith.constant 32 : index
    %swap3A_977 = tpu.vector_load %arg12[%swap3A_975, %swap3A_976] {strides = array<i32>} : memref<40x64xf32, #tpu.memory_space<vmem>>, vector<1x16xf32>,
    %swap3A_978 = vector.shape_cast %swap3A_977 : vector<1x16xf32> to vector<16xf32>
    %swap3A_979 = vector.shape_cast %broadcast_in_dim3A_0 : vector<16xf32> to vector<1x16xf32>
    tpu.vector_store %arg12[%swap3A_975, %swap3A_976], %swap3A_979 {strides = array<i32>} : memref<40x64xf32, #tpu.memory_space<vmem>>, vector<1x16xf32>,
    %swap3A_980 = arith.constant 32 : i32
    %swap3A_981 = arith.index_cast %swap3A_980 : i32 to index
    %swap3A_982 = arith.constant 48 : index
    %swap3A_983 = tpu.vector_load %arg12[%swap3A_981, %swap3A_982] {strides = array<i32>} : memref<40x64xf32, #tpu.memory_space<vmem>>, vector<1x16xf32>,
    %swap3A_984 = vector.shape_cast %swap3A_983 : vector<1x16xf32> to vector<16xf32>
    %swap3A_985 = vector.shape_cast %broadcast_in_dim3A_0 : vector<16xf32> to vector<1x16xf32>
    tpu.vector_store %arg12[%swap3A_981, %swap3A_982], %swap3A_985 {strides = array<i32>} : memref<40x64xf32, #tpu.memory_space<vmem>>, vector<1x16xf32>,
    %swap3A_986 = arith.constant 32 : i32
    %swap3A_987 = arith.index_cast %swap3A_986 : i32 to index
    %swap3A_988 = arith.constant 0 : index
    %swap3A_989 = tpu.vector_load %arg13[%swap3A_987, %swap3A_988] {strides = array<i32>} : memref<40x16xf32, #tpu.memory_space<vmem>>, vector<1x16xf32>,
    %swap3A_990 = vector.shape_cast %swap3A_989 : vector<1x16xf32> to vector<16xf32>
    %swap3A_991 = vector.shape_cast %broadcast_in_dim3A_0 : vector<16xf32> to vector<1x16xf32>
    tpu.vector_store %arg13[%swap3A_987, %swap3A_988], %swap3A_991 {strides = array<i32>} : memref<40x16xf32, #tpu.memory_space<vmem>>, vector<1x16xf32>,
    %swap3A_992 = arith.constant 33 : i32
    %swap3A_993 = arith.index_cast %swap3A_992 : i32 to index
    %swap3A_994 = arith.constant 0 : index
    %swap3A_995 = tpu.vector_load %arg12[%swap3A_993, %swap3A_994] {strides = array<i32>} : memref<40x64xf32, #tpu.memory_space<vmem>>, vector<1x16xf32>,
    %swap3A_996 = vector.shape_cast %swap3A_995 : vector<1x16xf32> to vector<16xf32>
    %swap3A_997 = vector.shape_cast %broadcast_in_dim3A_0 : vector<16xf32> to vector<1x16xf32>
    tpu.vector_store %arg12[%swap3A_993, %swap3A_994], %swap3A_997 {strides = array<i32>} : memref<40x64xf32, #tpu.memory_space<vmem>>, vector<1x16xf32>,
    %swap3A_998 = arith.constant 33 : i32
    %swap3A_999 = arith.index_cast %swap3A_998 : i32 to index
    %swap3A_1000 = arith.constant 16 : index
    %swap3A_1001 = tpu.vector_load %arg12[%swap3A_999, %swap3A_1000] {strides = array<i32>} : memref<40x64xf32, #tpu.memory_space<vmem>>, vector<1x16xf32>,
    %swap3A_1002 = vector.shape_cast %swap3A_1001 : vector<1x16xf32> to vector<16xf32>
    %swap3A_1003 = vector.shape_cast %broadcast_in_dim3A_0 : vector<16xf32> to vector<1x16xf32>
    tpu.vector_store %arg12[%swap3A_999, %swap3A_1000], %swap3A_1003 {strides = array<i32>} : memref<40x64xf32, #tpu.memory_space<vmem>>, vector<1x16xf32>,
    %swap3A_1004 = arith.constant 33 : i32
    %swap3A_1005 = arith.index_cast %swap3A_1004 : i32 to index
    %swap3A_1006 = arith.constant 32 : index
    %swap3A_1007 = tpu.vector_load %arg12[%swap3A_1005, %swap3A_1006] {strides = array<i32>} : memref<40x64xf32, #tpu.memory_space<vmem>>, vector<1x16xf32>,
    %swap3A_1008 = vector.shape_cast %swap3A_1007 : vector<1x16xf32> to vector<16xf32>
    %swap3A_1009 = vector.shape_cast %broadcast_in_dim3A_0 : vector<16xf32> to vector<1x16xf32>
    tpu.vector_store %arg12[%swap3A_1005, %swap3A_1006], %swap3A_1009 {strides = array<i32>} : memref<40x64xf32, #tpu.memory_space<vmem>>, vector<1x16xf32>,
    %swap3A_1010 = arith.constant 33 : i32
    %swap3A_1011 = arith.index_cast %swap3A_1010 : i32 to index
    %swap3A_1012 = arith.constant 48 : index
    %swap3A_1013 = tpu.vector_load %arg12[%swap3A_1011, %swap3A_1012] {strides = array<i32>} : memref<40x64xf32, #tpu.memory_space<vmem>>, vector<1x16xf32>,
    %swap3A_1014 = vector.shape_cast %swap3A_1013 : vector<1x16xf32> to vector<16xf32>
    %swap3A_1015 = vector.shape_cast %broadcast_in_dim3A_0 : vector<16xf32> to vector<1x16xf32>
    tpu.vector_store %arg12[%swap3A_1011, %swap3A_1012], %swap3A_1015 {strides = array<i32>} : memref<40x64xf32, #tpu.memory_space<vmem>>, vector<1x16xf32>,
    %swap3A_1016 = arith.constant 33 : i32
    %swap3A_1017 = arith.index_cast %swap3A_1016 : i32 to index
    %swap3A_1018 = arith.constant 0 : index
    %swap3A_1019 = tpu.vector_load %arg13[%swap3A_1017, %swap3A_1018] {strides = array<i32>} : memref<40x16xf32, #tpu.memory_space<vmem>>, vector<1x16xf32>,
    %swap3A_1020 = vector.shape_cast %swap3A_1019 : vector<1x16xf32> to vector<16xf32>
    %swap3A_1021 = vector.shape_cast %broadcast_in_dim3A_0 : vector<16xf32> to vector<1x16xf32>
    tpu.vector_store %arg13[%swap3A_1017, %swap3A_1018], %swap3A_1021 {strides = array<i32>} : memref<40x16xf32, #tpu.memory_space<vmem>>, vector<1x16xf32>,
    %swap3A_1022 = arith.constant 34 : i32
    %swap3A_1023 = arith.index_cast %swap3A_1022 : i32 to index
    %swap3A_1024 = arith.constant 0 : index
    %swap3A_1025 = tpu.vector_load %arg12[%swap3A_1023, %swap3A_1024] {strides = array<i32>} : memref<40x64xf32, #tpu.memory_space<vmem>>, vector<1x16xf32>,
    %swap3A_1026 = vector.shape_cast %swap3A_1025 : vector<1x16xf32> to vector<16xf32>
    %swap3A_1027 = vector.shape_cast %broadcast_in_dim3A_0 : vector<16xf32> to vector<1x16xf32>
    tpu.vector_store %arg12[%swap3A_1023, %swap3A_1024], %swap3A_1027 {strides = array<i32>} : memref<40x64xf32, #tpu.memory_space<vmem>>, vector<1x16xf32>,
    %swap3A_1028 = arith.constant 34 : i32
    %swap3A_1029 = arith.index_cast %swap3A_1028 : i32 to index
    %swap3A_1030 = arith.constant 16 : index
    %swap3A_1031 = tpu.vector_load %arg12[%swap3A_1029, %swap3A_1030] {strides = array<i32>} : memref<40x64xf32, #tpu.memory_space<vmem>>, vector<1x16xf32>,
    %swap3A_1032 = vector.shape_cast %swap3A_1031 : vector<1x16xf32> to vector<16xf32>
    %swap3A_1033 = vector.shape_cast %broadcast_in_dim3A_0 : vector<16xf32> to vector<1x16xf32>
    tpu.vector_store %arg12[%swap3A_1029, %swap3A_1030], %swap3A_1033 {strides = array<i32>} : memref<40x64xf32, #tpu.memory_space<vmem>>, vector<1x16xf32>,
    %swap3A_1034 = arith.constant 34 : i32
    %swap3A_1035 = arith.index_cast %swap3A_1034 : i32 to index
    %swap3A_1036 = arith.constant 32 : index
    %swap3A_1037 = tpu.vector_load %arg12[%swap3A_1035, %swap3A_1036] {strides = array<i32>} : memref<40x64xf32, #tpu.memory_space<vmem>>, vector<1x16xf32>,
    %swap3A_1038 = vector.shape_cast %swap3A_1037 : vector<1x16xf32> to vector<16xf32>
    %swap3A_1039 = vector.shape_cast %broadcast_in_dim3A_0 : vector<16xf32> to vector<1x16xf32>
    tpu.vector_store %arg12[%swap3A_1035, %swap3A_1036], %swap3A_1039 {strides = array<i32>} : memref<40x64xf32, #tpu.memory_space<vmem>>, vector<1x16xf32>,
    %swap3A_1040 = arith.constant 34 : i32
    %swap3A_1041 = arith.index_cast %swap3A_1040 : i32 to index
    %swap3A_1042 = arith.constant 48 : index
    %swap3A_1043 = tpu.vector_load %arg12[%swap3A_1041, %swap3A_1042] {strides = array<i32>} : memref<40x64xf32, #tpu.memory_space<vmem>>, vector<1x16xf32>,
    %swap3A_1044 = vector.shape_cast %swap3A_1043 : vector<1x16xf32> to vector<16xf32>
    %swap3A_1045 = vector.shape_cast %broadcast_in_dim3A_0 : vector<16xf32> to vector<1x16xf32>
    tpu.vector_store %arg12[%swap3A_1041, %swap3A_1042], %swap3A_1045 {strides = array<i32>} : memref<40x64xf32, #tpu.memory_space<vmem>>, vector<1x16xf32>,
    %swap3A_1046 = arith.constant 34 : i32
    %swap3A_1047 = arith.index_cast %swap3A_1046 : i32 to index
    %swap3A_1048 = arith.constant 0 : index
    %swap3A_1049 = tpu.vector_load %arg13[%swap3A_1047, %swap3A_1048] {strides = array<i32>} : memref<40x16xf32, #tpu.memory_space<vmem>>, vector<1x16xf32>,
    %swap3A_1050 = vector.shape_cast %swap3A_1049 : vector<1x16xf32> to vector<16xf32>
    %swap3A_1051 = vector.shape_cast %broadcast_in_dim3A_0 : vector<16xf32> to vector<1x16xf32>
    tpu.vector_store %arg13[%swap3A_1047, %swap3A_1048], %swap3A_1051 {strides = array<i32>} : memref<40x16xf32, #tpu.memory_space<vmem>>, vector<1x16xf32>,
    %swap3A_1052 = arith.constant 35 : i32
    %swap3A_1053 = arith.index_cast %swap3A_1052 : i32 to index
    %swap3A_1054 = arith.constant 0 : index
    %swap3A_1055 = tpu.vector_load %arg12[%swap3A_1053, %swap3A_1054] {strides = array<i32>} : memref<40x64xf32, #tpu.memory_space<vmem>>, vector<1x16xf32>,
    %swap3A_1056 = vector.shape_cast %swap3A_1055 : vector<1x16xf32> to vector<16xf32>
    %swap3A_1057 = vector.shape_cast %broadcast_in_dim3A_0 : vector<16xf32> to vector<1x16xf32>
    tpu.vector_store %arg12[%swap3A_1053, %swap3A_1054], %swap3A_1057 {strides = array<i32>} : memref<40x64xf32, #tpu.memory_space<vmem>>, vector<1x16xf32>,
    %swap3A_1058 = arith.constant 35 : i32
    %swap3A_1059 = arith.index_cast %swap3A_1058 : i32 to index
    %swap3A_1060 = arith.constant 16 : index
    %swap3A_1061 = tpu.vector_load %arg12[%swap3A_1059, %swap3A_1060] {strides = array<i32>} : memref<40x64xf32, #tpu.memory_space<vmem>>, vector<1x16xf32>,
    %swap3A_1062 = vector.shape_cast %swap3A_1061 : vector<1x16xf32> to vector<16xf32>
    %swap3A_1063 = vector.shape_cast %broadcast_in_dim3A_0 : vector<16xf32> to vector<1x16xf32>
    tpu.vector_store %arg12[%swap3A_1059, %swap3A_1060], %swap3A_1063 {strides = array<i32>} : memref<40x64xf32, #tpu.memory_space<vmem>>, vector<1x16xf32>,
    %swap3A_1064 = arith.constant 35 : i32
    %swap3A_1065 = arith.index_cast %swap3A_1064 : i32 to index
    %swap3A_1066 = arith.constant 32 : index
    %swap3A_1067 = tpu.vector_load %arg12[%swap3A_1065, %swap3A_1066] {strides = array<i32>} : memref<40x64xf32, #tpu.memory_space<vmem>>, vector<1x16xf32>,
    %swap3A_1068 = vector.shape_cast %swap3A_1067 : vector<1x16xf32> to vector<16xf32>
    %swap3A_1069 = vector.shape_cast %broadcast_in_dim3A_0 : vector<16xf32> to vector<1x16xf32>
    tpu.vector_store %arg12[%swap3A_1065, %swap3A_1066], %swap3A_1069 {strides = array<i32>} : memref<40x64xf32, #tpu.memory_space<vmem>>, vector<1x16xf32>,
    %swap3A_1070 = arith.constant 35 : i32
    %swap3A_1071 = arith.index_cast %swap3A_1070 : i32 to index
    %swap3A_1072 = arith.constant 48 : index
    %swap3A_1073 = tpu.vector_load %arg12[%swap3A_1071, %swap3A_1072] {strides = array<i32>} : memref<40x64xf32, #tpu.memory_space<vmem>>, vector<1x16xf32>,
    %swap3A_1074 = vector.shape_cast %swap3A_1073 : vector<1x16xf32> to vector<16xf32>
    %swap3A_1075 = vector.shape_cast %broadcast_in_dim3A_0 : vector<16xf32> to vector<1x16xf32>
    tpu.vector_store %arg12[%swap3A_1071, %swap3A_1072], %swap3A_1075 {strides = array<i32>} : memref<40x64xf32, #tpu.memory_space<vmem>>, vector<1x16xf32>,
    %swap3A_1076 = arith.constant 35 : i32
    %swap3A_1077 = arith.index_cast %swap3A_1076 : i32 to index
    %swap3A_1078 = arith.constant 0 : index
    %swap3A_1079 = tpu.vector_load %arg13[%swap3A_1077, %swap3A_1078] {strides = array<i32>} : memref<40x16xf32, #tpu.memory_space<vmem>>, vector<1x16xf32>,
    %swap3A_1080 = vector.shape_cast %swap3A_1079 : vector<1x16xf32> to vector<16xf32>
    %swap3A_1081 = vector.shape_cast %broadcast_in_dim3A_0 : vector<16xf32> to vector<1x16xf32>
    tpu.vector_store %arg13[%swap3A_1077, %swap3A_1078], %swap3A_1081 {strides = array<i32>} : memref<40x16xf32, #tpu.memory_space<vmem>>, vector<1x16xf32>,
    %swap3A_1082 = arith.constant 36 : i32
    %swap3A_1083 = arith.index_cast %swap3A_1082 : i32 to index
    %swap3A_1084 = arith.constant 0 : index
    %swap3A_1085 = tpu.vector_load %arg12[%swap3A_1083, %swap3A_1084] {strides = array<i32>} : memref<40x64xf32, #tpu.memory_space<vmem>>, vector<1x16xf32>,
    %swap3A_1086 = vector.shape_cast %swap3A_1085 : vector<1x16xf32> to vector<16xf32>
    %swap3A_1087 = vector.shape_cast %broadcast_in_dim3A_0 : vector<16xf32> to vector<1x16xf32>
    tpu.vector_store %arg12[%swap3A_1083, %swap3A_1084], %swap3A_1087 {strides = array<i32>} : memref<40x64xf32, #tpu.memory_space<vmem>>, vector<1x16xf32>,
    %swap3A_1088 = arith.constant 36 : i32
    %swap3A_1089 = arith.index_cast %swap3A_1088 : i32 to index
    %swap3A_1090 = arith.constant 16 : index
    %swap3A_1091 = tpu.vector_load %arg12[%swap3A_1089, %swap3A_1090] {strides = array<i32>} : memref<40x64xf32, #tpu.memory_space<vmem>>, vector<1x16xf32>,
    %swap3A_1092 = vector.shape_cast %swap3A_1091 : vector<1x16xf32> to vector<16xf32>
    %swap3A_1093 = vector.shape_cast %broadcast_in_dim3A_0 : vector<16xf32> to vector<1x16xf32>
    tpu.vector_store %arg12[%swap3A_1089, %swap3A_1090], %swap3A_1093 {strides = array<i32>} : memref<40x64xf32, #tpu.memory_space<vmem>>, vector<1x16xf32>,
    %swap3A_1094 = arith.constant 36 : i32
    %swap3A_1095 = arith.index_cast %swap3A_1094 : i32 to index
    %swap3A_1096 = arith.constant 32 : index
    %swap3A_1097 = tpu.vector_load %arg12[%swap3A_1095, %swap3A_1096] {strides = array<i32>} : memref<40x64xf32, #tpu.memory_space<vmem>>, vector<1x16xf32>,
    %swap3A_1098 = vector.shape_cast %swap3A_1097 : vector<1x16xf32> to vector<16xf32>
    %swap3A_1099 = vector.shape_cast %broadcast_in_dim3A_0 : vector<16xf32> to vector<1x16xf32>
    tpu.vector_store %arg12[%swap3A_1095, %swap3A_1096], %swap3A_1099 {strides = array<i32>} : memref<40x64xf32, #tpu.memory_space<vmem>>, vector<1x16xf32>,
    %swap3A_1100 = arith.constant 36 : i32
    %swap3A_1101 = arith.index_cast %swap3A_1100 : i32 to index
    %swap3A_1102 = arith.constant 48 : index
    %swap3A_1103 = tpu.vector_load %arg12[%swap3A_1101, %swap3A_1102] {strides = array<i32>} : memref<40x64xf32, #tpu.memory_space<vmem>>, vector<1x16xf32>,
    %swap3A_1104 = vector.shape_cast %swap3A_1103 : vector<1x16xf32> to vector<16xf32>
    %swap3A_1105 = vector.shape_cast %broadcast_in_dim3A_0 : vector<16xf32> to vector<1x16xf32>
    tpu.vector_store %arg12[%swap3A_1101, %swap3A_1102], %swap3A_1105 {strides = array<i32>} : memref<40x64xf32, #tpu.memory_space<vmem>>, vector<1x16xf32>,
    %swap3A_1106 = arith.constant 36 : i32
    %swap3A_1107 = arith.index_cast %swap3A_1106 : i32 to index
    %swap3A_1108 = arith.constant 0 : index
    %swap3A_1109 = tpu.vector_load %arg13[%swap3A_1107, %swap3A_1108] {strides = array<i32>} : memref<40x16xf32, #tpu.memory_space<vmem>>, vector<1x16xf32>,
    %swap3A_1110 = vector.shape_cast %swap3A_1109 : vector<1x16xf32> to vector<16xf32>
    %swap3A_1111 = vector.shape_cast %broadcast_in_dim3A_0 : vector<16xf32> to vector<1x16xf32>
    tpu.vector_store %arg13[%swap3A_1107, %swap3A_1108], %swap3A_1111 {strides = array<i32>} : memref<40x16xf32, #tpu.memory_space<vmem>>, vector<1x16xf32>,
    %swap3A_1112 = arith.constant 37 : i32
    %swap3A_1113 = arith.index_cast %swap3A_1112 : i32 to index
    %swap3A_1114 = arith.constant 0 : index
    %swap3A_1115 = tpu.vector_load %arg12[%swap3A_1113, %swap3A_1114] {strides = array<i32>} : memref<40x64xf32, #tpu.memory_space<vmem>>, vector<1x16xf32>,
    %swap3A_1116 = vector.shape_cast %swap3A_1115 : vector<1x16xf32> to vector<16xf32>
    %swap3A_1117 = vector.shape_cast %broadcast_in_dim3A_0 : vector<16xf32> to vector<1x16xf32>
    tpu.vector_store %arg12[%swap3A_1113, %swap3A_1114], %swap3A_1117 {strides = array<i32>} : memref<40x64xf32, #tpu.memory_space<vmem>>, vector<1x16xf32>,
    %swap3A_1118 = arith.constant 37 : i32
    %swap3A_1119 = arith.index_cast %swap3A_1118 : i32 to index
    %swap3A_1120 = arith.constant 16 : index
    %swap3A_1121 = tpu.vector_load %arg12[%swap3A_1119, %swap3A_1120] {strides = array<i32>} : memref<40x64xf32, #tpu.memory_space<vmem>>, vector<1x16xf32>,
    %swap3A_1122 = vector.shape_cast %swap3A_1121 : vector<1x16xf32> to vector<16xf32>
    %swap3A_1123 = vector.shape_cast %broadcast_in_dim3A_0 : vector<16xf32> to vector<1x16xf32>
    tpu.vector_store %arg12[%swap3A_1119, %swap3A_1120], %swap3A_1123 {strides = array<i32>} : memref<40x64xf32, #tpu.memory_space<vmem>>, vector<1x16xf32>,
    %swap3A_1124 = arith.constant 37 : i32
    %swap3A_1125 = arith.index_cast %swap3A_1124 : i32 to index
    %swap3A_1126 = arith.constant 32 : index
    %swap3A_1127 = tpu.vector_load %arg12[%swap3A_1125, %swap3A_1126] {strides = array<i32>} : memref<40x64xf32, #tpu.memory_space<vmem>>, vector<1x16xf32>,
    %swap3A_1128 = vector.shape_cast %swap3A_1127 : vector<1x16xf32> to vector<16xf32>
    %swap3A_1129 = vector.shape_cast %broadcast_in_dim3A_0 : vector<16xf32> to vector<1x16xf32>
    tpu.vector_store %arg12[%swap3A_1125, %swap3A_1126], %swap3A_1129 {strides = array<i32>} : memref<40x64xf32, #tpu.memory_space<vmem>>, vector<1x16xf32>,
    %swap3A_1130 = arith.constant 37 : i32
    %swap3A_1131 = arith.index_cast %swap3A_1130 : i32 to index
    %swap3A_1132 = arith.constant 48 : index
    %swap3A_1133 = tpu.vector_load %arg12[%swap3A_1131, %swap3A_1132] {strides = array<i32>} : memref<40x64xf32, #tpu.memory_space<vmem>>, vector<1x16xf32>,
    %swap3A_1134 = vector.shape_cast %swap3A_1133 : vector<1x16xf32> to vector<16xf32>
    %swap3A_1135 = vector.shape_cast %broadcast_in_dim3A_0 : vector<16xf32> to vector<1x16xf32>
    tpu.vector_store %arg12[%swap3A_1131, %swap3A_1132], %swap3A_1135 {strides = array<i32>} : memref<40x64xf32, #tpu.memory_space<vmem>>, vector<1x16xf32>,
    %swap3A_1136 = arith.constant 37 : i32
    %swap3A_1137 = arith.index_cast %swap3A_1136 : i32 to index
    %swap3A_1138 = arith.constant 0 : index
    %swap3A_1139 = tpu.vector_load %arg13[%swap3A_1137, %swap3A_1138] {strides = array<i32>} : memref<40x16xf32, #tpu.memory_space<vmem>>, vector<1x16xf32>,
    %swap3A_1140 = vector.shape_cast %swap3A_1139 : vector<1x16xf32> to vector<16xf32>
    %swap3A_1141 = vector.shape_cast %broadcast_in_dim3A_0 : vector<16xf32> to vector<1x16xf32>
    tpu.vector_store %arg13[%swap3A_1137, %swap3A_1138], %swap3A_1141 {strides = array<i32>} : memref<40x16xf32, #tpu.memory_space<vmem>>, vector<1x16xf32>,
    %swap3A_1142 = arith.constant 38 : i32
    %swap3A_1143 = arith.index_cast %swap3A_1142 : i32 to index
    %swap3A_1144 = arith.constant 0 : index
    %swap3A_1145 = tpu.vector_load %arg12[%swap3A_1143, %swap3A_1144] {strides = array<i32>} : memref<40x64xf32, #tpu.memory_space<vmem>>, vector<1x16xf32>,
    %swap3A_1146 = vector.shape_cast %swap3A_1145 : vector<1x16xf32> to vector<16xf32>
    %swap3A_1147 = vector.shape_cast %broadcast_in_dim3A_0 : vector<16xf32> to vector<1x16xf32>
    tpu.vector_store %arg12[%swap3A_1143, %swap3A_1144], %swap3A_1147 {strides = array<i32>} : memref<40x64xf32, #tpu.memory_space<vmem>>, vector<1x16xf32>,
    %swap3A_1148 = arith.constant 38 : i32
    %swap3A_1149 = arith.index_cast %swap3A_1148 : i32 to index
    %swap3A_1150 = arith.constant 16 : index
    %swap3A_1151 = tpu.vector_load %arg12[%swap3A_1149, %swap3A_1150] {strides = array<i32>} : memref<40x64xf32, #tpu.memory_space<vmem>>, vector<1x16xf32>,
    %swap3A_1152 = vector.shape_cast %swap3A_1151 : vector<1x16xf32> to vector<16xf32>
    %swap3A_1153 = vector.shape_cast %broadcast_in_dim3A_0 : vector<16xf32> to vector<1x16xf32>
    tpu.vector_store %arg12[%swap3A_1149, %swap3A_1150], %swap3A_1153 {strides = array<i32>} : memref<40x64xf32, #tpu.memory_space<vmem>>, vector<1x16xf32>,
    %swap3A_1154 = arith.constant 38 : i32
    %swap3A_1155 = arith.index_cast %swap3A_1154 : i32 to index
    %swap3A_1156 = arith.constant 32 : index
    %swap3A_1157 = tpu.vector_load %arg12[%swap3A_1155, %swap3A_1156] {strides = array<i32>} : memref<40x64xf32, #tpu.memory_space<vmem>>, vector<1x16xf32>,
    %swap3A_1158 = vector.shape_cast %swap3A_1157 : vector<1x16xf32> to vector<16xf32>
    %swap3A_1159 = vector.shape_cast %broadcast_in_dim3A_0 : vector<16xf32> to vector<1x16xf32>
    tpu.vector_store %arg12[%swap3A_1155, %swap3A_1156], %swap3A_1159 {strides = array<i32>} : memref<40x64xf32, #tpu.memory_space<vmem>>, vector<1x16xf32>,
    %swap3A_1160 = arith.constant 38 : i32
    %swap3A_1161 = arith.index_cast %swap3A_1160 : i32 to index
    %swap3A_1162 = arith.constant 48 : index
    %swap3A_1163 = tpu.vector_load %arg12[%swap3A_1161, %swap3A_1162] {strides = array<i32>} : memref<40x64xf32, #tpu.memory_space<vmem>>, vector<1x16xf32>,
    %swap3A_1164 = vector.shape_cast %swap3A_1163 : vector<1x16xf32> to vector<16xf32>
    %swap3A_1165 = vector.shape_cast %broadcast_in_dim3A_0 : vector<16xf32> to vector<1x16xf32>
    tpu.vector_store %arg12[%swap3A_1161, %swap3A_1162], %swap3A_1165 {strides = array<i32>} : memref<40x64xf32, #tpu.memory_space<vmem>>, vector<1x16xf32>,
    %swap3A_1166 = arith.constant 38 : i32
    %swap3A_1167 = arith.index_cast %swap3A_1166 : i32 to index
    %swap3A_1168 = arith.constant 0 : index
    %swap3A_1169 = tpu.vector_load %arg13[%swap3A_1167, %swap3A_1168] {strides = array<i32>} : memref<40x16xf32, #tpu.memory_space<vmem>>, vector<1x16xf32>,
    %swap3A_1170 = vector.shape_cast %swap3A_1169 : vector<1x16xf32> to vector<16xf32>
    %swap3A_1171 = vector.shape_cast %broadcast_in_dim3A_0 : vector<16xf32> to vector<1x16xf32>
    tpu.vector_store %arg13[%swap3A_1167, %swap3A_1168], %swap3A_1171 {strides = array<i32>} : memref<40x16xf32, #tpu.memory_space<vmem>>, vector<1x16xf32>,
    %swap3A_1172 = arith.constant 39 : i32
    %swap3A_1173 = arith.index_cast %swap3A_1172 : i32 to index
    %swap3A_1174 = arith.constant 0 : index
    %swap3A_1175 = tpu.vector_load %arg12[%swap3A_1173, %swap3A_1174] {strides = array<i32>} : memref<40x64xf32, #tpu.memory_space<vmem>>, vector<1x16xf32>,
    %swap3A_1176 = vector.shape_cast %swap3A_1175 : vector<1x16xf32> to vector<16xf32>
    %swap3A_1177 = vector.shape_cast %broadcast_in_dim3A_0 : vector<16xf32> to vector<1x16xf32>
    tpu.vector_store %arg12[%swap3A_1173, %swap3A_1174], %swap3A_1177 {strides = array<i32>} : memref<40x64xf32, #tpu.memory_space<vmem>>, vector<1x16xf32>,
    %swap3A_1178 = arith.constant 39 : i32
    %swap3A_1179 = arith.index_cast %swap3A_1178 : i32 to index
    %swap3A_1180 = arith.constant 16 : index
    %swap3A_1181 = tpu.vector_load %arg12[%swap3A_1179, %swap3A_1180] {strides = array<i32>} : memref<40x64xf32, #tpu.memory_space<vmem>>, vector<1x16xf32>,
    %swap3A_1182 = vector.shape_cast %swap3A_1181 : vector<1x16xf32> to vector<16xf32>
    %swap3A_1183 = vector.shape_cast %broadcast_in_dim3A_0 : vector<16xf32> to vector<1x16xf32>
    tpu.vector_store %arg12[%swap3A_1179, %swap3A_1180], %swap3A_1183 {strides = array<i32>} : memref<40x64xf32, #tpu.memory_space<vmem>>, vector<1x16xf32>,
    %swap3A_1184 = arith.constant 39 : i32
    %swap3A_1185 = arith.index_cast %swap3A_1184 : i32 to index
    %swap3A_1186 = arith.constant 32 : index
    %swap3A_1187 = tpu.vector_load %arg12[%swap3A_1185, %swap3A_1186] {strides = array<i32>} : memref<40x64xf32, #tpu.memory_space<vmem>>, vector<1x16xf32>,
    %swap3A_1188 = vector.shape_cast %swap3A_1187 : vector<1x16xf32> to vector<16xf32>
    %swap3A_1189 = vector.shape_cast %broadcast_in_dim3A_0 : vector<16xf32> to vector<1x16xf32>
    tpu.vector_store %arg12[%swap3A_1185, %swap3A_1186], %swap3A_1189 {strides = array<i32>} : memref<40x64xf32, #tpu.memory_space<vmem>>, vector<1x16xf32>,
    %swap3A_1190 = arith.constant 39 : i32
    %swap3A_1191 = arith.index_cast %swap3A_1190 : i32 to index
    %swap3A_1192 = arith.constant 48 : index
    %swap3A_1193 = tpu.vector_load %arg12[%swap3A_1191, %swap3A_1192] {strides = array<i32>} : memref<40x64xf32, #tpu.memory_space<vmem>>, vector<1x16xf32>,
    %swap3A_1194 = vector.shape_cast %swap3A_1193 : vector<1x16xf32> to vector<16xf32>
    %swap3A_1195 = vector.shape_cast %broadcast_in_dim3A_0 : vector<16xf32> to vector<1x16xf32>
    tpu.vector_store %arg12[%swap3A_1191, %swap3A_1192], %swap3A_1195 {strides = array<i32>} : memref<40x64xf32, #tpu.memory_space<vmem>>, vector<1x16xf32>,
    %swap3A_1196 = arith.constant 39 : i32
    %swap3A_1197 = arith.index_cast %swap3A_1196 : i32 to index
    %swap3A_1198 = arith.constant 0 : index
    %swap3A_1199 = tpu.vector_load %arg13[%swap3A_1197, %swap3A_1198] {strides = array<i32>} : memref<40x16xf32, #tpu.memory_space<vmem>>, vector<1x16xf32>,
    %swap3A_1200 = vector.shape_cast %swap3A_1199 : vector<1x16xf32> to vector<16xf32>
    %swap3A_1201 = vector.shape_cast %broadcast_in_dim3A_0 : vector<16xf32> to vector<1x16xf32>
    tpu.vector_store %arg13[%swap3A_1197, %swap3A_1198], %swap3A_1201 {strides = array<i32>} : memref<40x16xf32, #tpu.memory_space<vmem>>, vector<1x16xf32>,
    %swap3A_1202 = arith.constant 0 : i32
    %swap3A_1203 = arith.index_cast %swap3A_1202 : i32 to index
    %swap3A_1204 = arith.constant 0 : index
    %swap3A_1205 = tpu.vector_load %arg11[%swap3A_1203, %swap3A_1204] {strides = array<i32>} : memref<80x16xf32, #tpu.memory_space<vmem>>, vector<1x16xf32>,
    %swap3A_1206 = vector.shape_cast %swap3A_1205 : vector<1x16xf32> to vector<16xf32>
    %swap3A_1207 = vector.shape_cast %broadcast_in_dim3A_2 : vector<16xf32> to vector<1x16xf32>
    tpu.vector_store %arg11[%swap3A_1203, %swap3A_1204], %swap3A_1207 {strides = array<i32>} : memref<80x16xf32, #tpu.memory_space<vmem>>, vector<1x16xf32>,
    %swap3A_1208 = arith.constant 1 : i32
    %swap3A_1209 = arith.index_cast %swap3A_1208 : i32 to index
    %swap3A_1210 = arith.constant 0 : index
    %swap3A_1211 = tpu.vector_load %arg11[%swap3A_1209, %swap3A_1210] {strides = array<i32>} : memref<80x16xf32, #tpu.memory_space<vmem>>, vector<1x16xf32>,
    %swap3A_1212 = vector.shape_cast %swap3A_1211 : vector<1x16xf32> to vector<16xf32>
    %swap3A_1213 = vector.shape_cast %broadcast_in_dim3A_2 : vector<16xf32> to vector<1x16xf32>
    tpu.vector_store %arg11[%swap3A_1209, %swap3A_1210], %swap3A_1213 {strides = array<i32>} : memref<80x16xf32, #tpu.memory_space<vmem>>, vector<1x16xf32>,
    %swap3A_1214 = arith.constant 2 : i32
    %swap3A_1215 = arith.index_cast %swap3A_1214 : i32 to index
    %swap3A_1216 = arith.constant 0 : index
    %swap3A_1217 = tpu.vector_load %arg11[%swap3A_1215, %swap3A_1216] {strides = array<i32>} : memref<80x16xf32, #tpu.memory_space<vmem>>, vector<1x16xf32>,
    %swap3A_1218 = vector.shape_cast %swap3A_1217 : vector<1x16xf32> to vector<16xf32>
    %swap3A_1219 = vector.shape_cast %broadcast_in_dim3A_2 : vector<16xf32> to vector<1x16xf32>
    tpu.vector_store %arg11[%swap3A_1215, %swap3A_1216], %swap3A_1219 {strides = array<i32>} : memref<80x16xf32, #tpu.memory_space<vmem>>, vector<1x16xf32>,
    %swap3A_1220 = arith.constant 3 : i32
    %swap3A_1221 = arith.index_cast %swap3A_1220 : i32 to index
    %swap3A_1222 = arith.constant 0 : index
    %swap3A_1223 = tpu.vector_load %arg11[%swap3A_1221, %swap3A_1222] {strides = array<i32>} : memref<80x16xf32, #tpu.memory_space<vmem>>, vector<1x16xf32>,
    %swap3A_1224 = vector.shape_cast %swap3A_1223 : vector<1x16xf32> to vector<16xf32>
    %swap3A_1225 = vector.shape_cast %broadcast_in_dim3A_2 : vector<16xf32> to vector<1x16xf32>
    tpu.vector_store %arg11[%swap3A_1221, %swap3A_1222], %swap3A_1225 {strides = array<i32>} : memref<80x16xf32, #tpu.memory_space<vmem>>, vector<1x16xf32>,
    %swap3A_1226 = arith.constant 4 : i32
    %swap3A_1227 = arith.index_cast %swap3A_1226 : i32 to index
    %swap3A_1228 = arith.constant 0 : index
    %swap3A_1229 = tpu.vector_load %arg11[%swap3A_1227, %swap3A_1228] {strides = array<i32>} : memref<80x16xf32, #tpu.memory_space<vmem>>, vector<1x16xf32>,
    %swap3A_1230 = vector.shape_cast %swap3A_1229 : vector<1x16xf32> to vector<16xf32>
    %swap3A_1231 = vector.shape_cast %broadcast_in_dim3A_2 : vector<16xf32> to vector<1x16xf32>
    tpu.vector_store %arg11[%swap3A_1227, %swap3A_1228], %swap3A_1231 {strides = array<i32>} : memref<80x16xf32, #tpu.memory_space<vmem>>, vector<1x16xf32>,
    %swap3A_1232 = arith.constant 5 : i32
    %swap3A_1233 = arith.index_cast %swap3A_1232 : i32 to index
    %swap3A_1234 = arith.constant 0 : index
    %swap3A_1235 = tpu.vector_load %arg11[%swap3A_1233, %swap3A_1234] {strides = array<i32>} : memref<80x16xf32, #tpu.memory_space<vmem>>, vector<1x16xf32>,
    %swap3A_1236 = vector.shape_cast %swap3A_1235 : vector<1x16xf32> to vector<16xf32>
    %swap3A_1237 = vector.shape_cast %broadcast_in_dim3A_2 : vector<16xf32> to vector<1x16xf32>
    tpu.vector_store %arg11[%swap3A_1233, %swap3A_1234], %swap3A_1237 {strides = array<i32>} : memref<80x16xf32, #tpu.memory_space<vmem>>, vector<1x16xf32>,
    %swap3A_1238 = arith.constant 6 : i32
    %swap3A_1239 = arith.index_cast %swap3A_1238 : i32 to index
    %swap3A_1240 = arith.constant 0 : index
    %swap3A_1241 = tpu.vector_load %arg11[%swap3A_1239, %swap3A_1240] {strides = array<i32>} : memref<80x16xf32, #tpu.memory_space<vmem>>, vector<1x16xf32>,
    %swap3A_1242 = vector.shape_cast %swap3A_1241 : vector<1x16xf32> to vector<16xf32>
    %swap3A_1243 = vector.shape_cast %broadcast_in_dim3A_2 : vector<16xf32> to vector<1x16xf32>
    tpu.vector_store %arg11[%swap3A_1239, %swap3A_1240], %swap3A_1243 {strides = array<i32>} : memref<80x16xf32, #tpu.memory_space<vmem>>, vector<1x16xf32>,
    %swap3A_1244 = arith.constant 7 : i32
    %swap3A_1245 = arith.index_cast %swap3A_1244 : i32 to index
    %swap3A_1246 = arith.constant 0 : index
    %swap3A_1247 = tpu.vector_load %arg11[%swap3A_1245, %swap3A_1246] {strides = array<i32>} : memref<80x16xf32, #tpu.memory_space<vmem>>, vector<1x16xf32>,
    %swap3A_1248 = vector.shape_cast %swap3A_1247 : vector<1x16xf32> to vector<16xf32>
    %swap3A_1249 = vector.shape_cast %broadcast_in_dim3A_2 : vector<16xf32> to vector<1x16xf32>
    tpu.vector_store %arg11[%swap3A_1245, %swap3A_1246], %swap3A_1249 {strides = array<i32>} : memref<80x16xf32, #tpu.memory_space<vmem>>, vector<1x16xf32>,
    %swap3A_1250 = arith.constant 8 : i32
    %swap3A_1251 = arith.index_cast %swap3A_1250 : i32 to index
    %swap3A_1252 = arith.constant 0 : index
    %swap3A_1253 = tpu.vector_load %arg11[%swap3A_1251, %swap3A_1252] {strides = array<i32>} : memref<80x16xf32, #tpu.memory_space<vmem>>, vector<1x16xf32>,
    %swap3A_1254 = vector.shape_cast %swap3A_1253 : vector<1x16xf32> to vector<16xf32>
    %swap3A_1255 = vector.shape_cast %broadcast_in_dim3A_2 : vector<16xf32> to vector<1x16xf32>
    tpu.vector_store %arg11[%swap3A_1251, %swap3A_1252], %swap3A_1255 {strides = array<i32>} : memref<80x16xf32, #tpu.memory_space<vmem>>, vector<1x16xf32>,
    %swap3A_1256 = arith.constant 9 : i32
    %swap3A_1257 = arith.index_cast %swap3A_1256 : i32 to index
    %swap3A_1258 = arith.constant 0 : index
    %swap3A_1259 = tpu.vector_load %arg11[%swap3A_1257, %swap3A_1258] {strides = array<i32>} : memref<80x16xf32, #tpu.memory_space<vmem>>, vector<1x16xf32>,
    %swap3A_1260 = vector.shape_cast %swap3A_1259 : vector<1x16xf32> to vector<16xf32>
    %swap3A_1261 = vector.shape_cast %broadcast_in_dim3A_2 : vector<16xf32> to vector<1x16xf32>
    tpu.vector_store %arg11[%swap3A_1257, %swap3A_1258], %swap3A_1261 {strides = array<i32>} : memref<80x16xf32, #tpu.memory_space<vmem>>, vector<1x16xf32>,
    %swap3A_1262 = arith.constant 10 : i32
    %swap3A_1263 = arith.index_cast %swap3A_1262 : i32 to index
    %swap3A_1264 = arith.constant 0 : index
    %swap3A_1265 = tpu.vector_load %arg11[%swap3A_1263, %swap3A_1264] {strides = array<i32>} : memref<80x16xf32, #tpu.memory_space<vmem>>, vector<1x16xf32>,
    %swap3A_1266 = vector.shape_cast %swap3A_1265 : vector<1x16xf32> to vector<16xf32>
    %swap3A_1267 = vector.shape_cast %broadcast_in_dim3A_2 : vector<16xf32> to vector<1x16xf32>
    tpu.vector_store %arg11[%swap3A_1263, %swap3A_1264], %swap3A_1267 {strides = array<i32>} : memref<80x16xf32, #tpu.memory_space<vmem>>, vector<1x16xf32>,
    %swap3A_1268 = arith.constant 11 : i32
    %swap3A_1269 = arith.index_cast %swap3A_1268 : i32 to index
    %swap3A_1270 = arith.constant 0 : index
    %swap3A_1271 = tpu.vector_load %arg11[%swap3A_1269, %swap3A_1270] {strides = array<i32>} : memref<80x16xf32, #tpu.memory_space<vmem>>, vector<1x16xf32>,
    %swap3A_1272 = vector.shape_cast %swap3A_1271 : vector<1x16xf32> to vector<16xf32>
    %swap3A_1273 = vector.shape_cast %broadcast_in_dim3A_2 : vector<16xf32> to vector<1x16xf32>
    tpu.vector_store %arg11[%swap3A_1269, %swap3A_1270], %swap3A_1273 {strides = array<i32>} : memref<80x16xf32, #tpu.memory_space<vmem>>, vector<1x16xf32>,
    %swap3A_1274 = arith.constant 12 : i32
    %swap3A_1275 = arith.index_cast %swap3A_1274 : i32 to index
    %swap3A_1276 = arith.constant 0 : index
    %swap3A_1277 = tpu.vector_load %arg11[%swap3A_1275, %swap3A_1276] {strides = array<i32>} : memref<80x16xf32, #tpu.memory_space<vmem>>, vector<1x16xf32>,
    %swap3A_1278 = vector.shape_cast %swap3A_1277 : vector<1x16xf32> to vector<16xf32>
    %swap3A_1279 = vector.shape_cast %broadcast_in_dim3A_2 : vector<16xf32> to vector<1x16xf32>
    tpu.vector_store %arg11[%swap3A_1275, %swap3A_1276], %swap3A_1279 {strides = array<i32>} : memref<80x16xf32, #tpu.memory_space<vmem>>, vector<1x16xf32>,
    %swap3A_1280 = arith.constant 13 : i32
    %swap3A_1281 = arith.index_cast %swap3A_1280 : i32 to index
    %swap3A_1282 = arith.constant 0 : index
    %swap3A_1283 = tpu.vector_load %arg11[%swap3A_1281, %swap3A_1282] {strides = array<i32>} : memref<80x16xf32, #tpu.memory_space<vmem>>, vector<1x16xf32>,
    %swap3A_1284 = vector.shape_cast %swap3A_1283 : vector<1x16xf32> to vector<16xf32>
    %swap3A_1285 = vector.shape_cast %broadcast_in_dim3A_2 : vector<16xf32> to vector<1x16xf32>
    tpu.vector_store %arg11[%swap3A_1281, %swap3A_1282], %swap3A_1285 {strides = array<i32>} : memref<80x16xf32, #tpu.memory_space<vmem>>, vector<1x16xf32>,
    %swap3A_1286 = arith.constant 14 : i32
    %swap3A_1287 = arith.index_cast %swap3A_1286 : i32 to index
    %swap3A_1288 = arith.constant 0 : index
    %swap3A_1289 = tpu.vector_load %arg11[%swap3A_1287, %swap3A_1288] {strides = array<i32>} : memref<80x16xf32, #tpu.memory_space<vmem>>, vector<1x16xf32>,
    %swap3A_1290 = vector.shape_cast %swap3A_1289 : vector<1x16xf32> to vector<16xf32>
    %swap3A_1291 = vector.shape_cast %broadcast_in_dim3A_2 : vector<16xf32> to vector<1x16xf32>
    tpu.vector_store %arg11[%swap3A_1287, %swap3A_1288], %swap3A_1291 {strides = array<i32>} : memref<80x16xf32, #tpu.memory_space<vmem>>, vector<1x16xf32>,
    %swap3A_1292 = arith.constant 15 : i32
    %swap3A_1293 = arith.index_cast %swap3A_1292 : i32 to index
    %swap3A_1294 = arith.constant 0 : index
    %swap3A_1295 = tpu.vector_load %arg11[%swap3A_1293, %swap3A_1294] {strides = array<i32>} : memref<80x16xf32, #tpu.memory_space<vmem>>, vector<1x16xf32>,
    %swap3A_1296 = vector.shape_cast %swap3A_1295 : vector<1x16xf32> to vector<16xf32>
    %swap3A_1297 = vector.shape_cast %broadcast_in_dim3A_2 : vector<16xf32> to vector<1x16xf32>
    tpu.vector_store %arg11[%swap3A_1293, %swap3A_1294], %swap3A_1297 {strides = array<i32>} : memref<80x16xf32, #tpu.memory_space<vmem>>, vector<1x16xf32>,
    %swap3A_1298 = arith.constant 16 : i32
    %swap3A_1299 = arith.index_cast %swap3A_1298 : i32 to index
    %swap3A_1300 = arith.constant 0 : index
    %swap3A_1301 = tpu.vector_load %arg11[%swap3A_1299, %swap3A_1300] {strides = array<i32>} : memref<80x16xf32, #tpu.memory_space<vmem>>, vector<1x16xf32>,
    %swap3A_1302 = vector.shape_cast %swap3A_1301 : vector<1x16xf32> to vector<16xf32>
    %swap3A_1303 = vector.shape_cast %broadcast_in_dim3A_2 : vector<16xf32> to vector<1x16xf32>
    tpu.vector_store %arg11[%swap3A_1299, %swap3A_1300], %swap3A_1303 {strides = array<i32>} : memref<80x16xf32, #tpu.memory_space<vmem>>, vector<1x16xf32>,
    %swap3A_1304 = arith.constant 17 : i32
    %swap3A_1305 = arith.index_cast %swap3A_1304 : i32 to index
    %swap3A_1306 = arith.constant 0 : index
    %swap3A_1307 = tpu.vector_load %arg11[%swap3A_1305, %swap3A_1306] {strides = array<i32>} : memref<80x16xf32, #tpu.memory_space<vmem>>, vector<1x16xf32>,
    %swap3A_1308 = vector.shape_cast %swap3A_1307 : vector<1x16xf32> to vector<16xf32>
    %swap3A_1309 = vector.shape_cast %broadcast_in_dim3A_2 : vector<16xf32> to vector<1x16xf32>
    tpu.vector_store %arg11[%swap3A_1305, %swap3A_1306], %swap3A_1309 {strides = array<i32>} : memref<80x16xf32, #tpu.memory_space<vmem>>, vector<1x16xf32>,
    %swap3A_1310 = arith.constant 18 : i32
    %swap3A_1311 = arith.index_cast %swap3A_1310 : i32 to index
    %swap3A_1312 = arith.constant 0 : index
    %swap3A_1313 = tpu.vector_load %arg11[%swap3A_1311, %swap3A_1312] {strides = array<i32>} : memref<80x16xf32, #tpu.memory_space<vmem>>, vector<1x16xf32>,
    %swap3A_1314 = vector.shape_cast %swap3A_1313 : vector<1x16xf32> to vector<16xf32>
    %swap3A_1315 = vector.shape_cast %broadcast_in_dim3A_2 : vector<16xf32> to vector<1x16xf32>
    tpu.vector_store %arg11[%swap3A_1311, %swap3A_1312], %swap3A_1315 {strides = array<i32>} : memref<80x16xf32, #tpu.memory_space<vmem>>, vector<1x16xf32>,
    %swap3A_1316 = arith.constant 19 : i32
    %swap3A_1317 = arith.index_cast %swap3A_1316 : i32 to index
    %swap3A_1318 = arith.constant 0 : index
    %swap3A_1319 = tpu.vector_load %arg11[%swap3A_1317, %swap3A_1318] {strides = array<i32>} : memref<80x16xf32, #tpu.memory_space<vmem>>, vector<1x16xf32>,
    %swap3A_1320 = vector.shape_cast %swap3A_1319 : vector<1x16xf32> to vector<16xf32>
    %swap3A_1321 = vector.shape_cast %broadcast_in_dim3A_2 : vector<16xf32> to vector<1x16xf32>
    tpu.vector_store %arg11[%swap3A_1317, %swap3A_1318], %swap3A_1321 {strides = array<i32>} : memref<80x16xf32, #tpu.memory_space<vmem>>, vector<1x16xf32>,
    %swap3A_1322 = arith.constant 20 : i32
    %swap3A_1323 = arith.index_cast %swap3A_1322 : i32 to index
    %swap3A_1324 = arith.constant 0 : index
    %swap3A_1325 = tpu.vector_load %arg11[%swap3A_1323, %swap3A_1324] {strides = array<i32>} : memref<80x16xf32, #tpu.memory_space<vmem>>, vector<1x16xf32>,
    %swap3A_1326 = vector.shape_cast %swap3A_1325 : vector<1x16xf32> to vector<16xf32>
    %swap3A_1327 = vector.shape_cast %broadcast_in_dim3A_2 : vector<16xf32> to vector<1x16xf32>
    tpu.vector_store %arg11[%swap3A_1323, %swap3A_1324], %swap3A_1327 {strides = array<i32>} : memref<80x16xf32, #tpu.memory_space<vmem>>, vector<1x16xf32>,
    %swap3A_1328 = arith.constant 21 : i32
    %swap3A_1329 = arith.index_cast %swap3A_1328 : i32 to index
    %swap3A_1330 = arith.constant 0 : index
    %swap3A_1331 = tpu.vector_load %arg11[%swap3A_1329, %swap3A_1330] {strides = array<i32>} : memref<80x16xf32, #tpu.memory_space<vmem>>, vector<1x16xf32>,
    %swap3A_1332 = vector.shape_cast %swap3A_1331 : vector<1x16xf32> to vector<16xf32>
    %swap3A_1333 = vector.shape_cast %broadcast_in_dim3A_2 : vector<16xf32> to vector<1x16xf32>
    tpu.vector_store %arg11[%swap3A_1329, %swap3A_1330], %swap3A_1333 {strides = array<i32>} : memref<80x16xf32, #tpu.memory_space<vmem>>, vector<1x16xf32>,
    %swap3A_1334 = arith.constant 22 : i32
    %swap3A_1335 = arith.index_cast %swap3A_1334 : i32 to index
    %swap3A_1336 = arith.constant 0 : index
    %swap3A_1337 = tpu.vector_load %arg11[%swap3A_1335, %swap3A_1336] {strides = array<i32>} : memref<80x16xf32, #tpu.memory_space<vmem>>, vector<1x16xf32>,
    %swap3A_1338 = vector.shape_cast %swap3A_1337 : vector<1x16xf32> to vector<16xf32>
    %swap3A_1339 = vector.shape_cast %broadcast_in_dim3A_2 : vector<16xf32> to vector<1x16xf32>
    tpu.vector_store %arg11[%swap3A_1335, %swap3A_1336], %swap3A_1339 {strides = array<i32>} : memref<80x16xf32, #tpu.memory_space<vmem>>, vector<1x16xf32>,
    %swap3A_1340 = arith.constant 23 : i32
    %swap3A_1341 = arith.index_cast %swap3A_1340 : i32 to index
    %swap3A_1342 = arith.constant 0 : index
    %swap3A_1343 = tpu.vector_load %arg11[%swap3A_1341, %swap3A_1342] {strides = array<i32>} : memref<80x16xf32, #tpu.memory_space<vmem>>, vector<1x16xf32>,
    %swap3A_1344 = vector.shape_cast %swap3A_1343 : vector<1x16xf32> to vector<16xf32>
    %swap3A_1345 = vector.shape_cast %broadcast_in_dim3A_2 : vector<16xf32> to vector<1x16xf32>
    tpu.vector_store %arg11[%swap3A_1341, %swap3A_1342], %swap3A_1345 {strides = array<i32>} : memref<80x16xf32, #tpu.memory_space<vmem>>, vector<1x16xf32>,
    %swap3A_1346 = arith.constant 24 : i32
    %swap3A_1347 = arith.index_cast %swap3A_1346 : i32 to index
    %swap3A_1348 = arith.constant 0 : index
    %swap3A_1349 = tpu.vector_load %arg11[%swap3A_1347, %swap3A_1348] {strides = array<i32>} : memref<80x16xf32, #tpu.memory_space<vmem>>, vector<1x16xf32>,
    %swap3A_1350 = vector.shape_cast %swap3A_1349 : vector<1x16xf32> to vector<16xf32>
    %swap3A_1351 = vector.shape_cast %broadcast_in_dim3A_2 : vector<16xf32> to vector<1x16xf32>
    tpu.vector_store %arg11[%swap3A_1347, %swap3A_1348], %swap3A_1351 {strides = array<i32>} : memref<80x16xf32, #tpu.memory_space<vmem>>, vector<1x16xf32>,
    %swap3A_1352 = arith.constant 25 : i32
    %swap3A_1353 = arith.index_cast %swap3A_1352 : i32 to index
    %swap3A_1354 = arith.constant 0 : index
    %swap3A_1355 = tpu.vector_load %arg11[%swap3A_1353, %swap3A_1354] {strides = array<i32>} : memref<80x16xf32, #tpu.memory_space<vmem>>, vector<1x16xf32>,
    %swap3A_1356 = vector.shape_cast %swap3A_1355 : vector<1x16xf32> to vector<16xf32>
    %swap3A_1357 = vector.shape_cast %broadcast_in_dim3A_2 : vector<16xf32> to vector<1x16xf32>
    tpu.vector_store %arg11[%swap3A_1353, %swap3A_1354], %swap3A_1357 {strides = array<i32>} : memref<80x16xf32, #tpu.memory_space<vmem>>, vector<1x16xf32>,
    %swap3A_1358 = arith.constant 26 : i32
    %swap3A_1359 = arith.index_cast %swap3A_1358 : i32 to index
    %swap3A_1360 = arith.constant 0 : index
    %swap3A_1361 = tpu.vector_load %arg11[%swap3A_1359, %swap3A_1360] {strides = array<i32>} : memref<80x16xf32, #tpu.memory_space<vmem>>, vector<1x16xf32>,
    %swap3A_1362 = vector.shape_cast %swap3A_1361 : vector<1x16xf32> to vector<16xf32>
    %swap3A_1363 = vector.shape_cast %broadcast_in_dim3A_2 : vector<16xf32> to vector<1x16xf32>
    tpu.vector_store %arg11[%swap3A_1359, %swap3A_1360], %swap3A_1363 {strides = array<i32>} : memref<80x16xf32, #tpu.memory_space<vmem>>, vector<1x16xf32>,
    %swap3A_1364 = arith.constant 27 : i32
    %swap3A_1365 = arith.index_cast %swap3A_1364 : i32 to index
    %swap3A_1366 = arith.constant 0 : index
    %swap3A_1367 = tpu.vector_load %arg11[%swap3A_1365, %swap3A_1366] {strides = array<i32>} : memref<80x16xf32, #tpu.memory_space<vmem>>, vector<1x16xf32>,
    %swap3A_1368 = vector.shape_cast %swap3A_1367 : vector<1x16xf32> to vector<16xf32>
    %swap3A_1369 = vector.shape_cast %broadcast_in_dim3A_2 : vector<16xf32> to vector<1x16xf32>
    tpu.vector_store %arg11[%swap3A_1365, %swap3A_1366], %swap3A_1369 {strides = array<i32>} : memref<80x16xf32, #tpu.memory_space<vmem>>, vector<1x16xf32>,
    %swap3A_1370 = arith.constant 28 : i32
    %swap3A_1371 = arith.index_cast %swap3A_1370 : i32 to index
    %swap3A_1372 = arith.constant 0 : index
    %swap3A_1373 = tpu.vector_load %arg11[%swap3A_1371, %swap3A_1372] {strides = array<i32>} : memref<80x16xf32, #tpu.memory_space<vmem>>, vector<1x16xf32>,
    %swap3A_1374 = vector.shape_cast %swap3A_1373 : vector<1x16xf32> to vector<16xf32>
    %swap3A_1375 = vector.shape_cast %broadcast_in_dim3A_2 : vector<16xf32> to vector<1x16xf32>
    tpu.vector_store %arg11[%swap3A_1371, %swap3A_1372], %swap3A_1375 {strides = array<i32>} : memref<80x16xf32, #tpu.memory_space<vmem>>, vector<1x16xf32>,
    %swap3A_1376 = arith.constant 29 : i32
    %swap3A_1377 = arith.index_cast %swap3A_1376 : i32 to index
    %swap3A_1378 = arith.constant 0 : index
    %swap3A_1379 = tpu.vector_load %arg11[%swap3A_1377, %swap3A_1378] {strides = array<i32>} : memref<80x16xf32, #tpu.memory_space<vmem>>, vector<1x16xf32>,
    %swap3A_1380 = vector.shape_cast %swap3A_1379 : vector<1x16xf32> to vector<16xf32>
    %swap3A_1381 = vector.shape_cast %broadcast_in_dim3A_2 : vector<16xf32> to vector<1x16xf32>
    tpu.vector_store %arg11[%swap3A_1377, %swap3A_1378], %swap3A_1381 {strides = array<i32>} : memref<80x16xf32, #tpu.memory_space<vmem>>, vector<1x16xf32>,
    %swap3A_1382 = arith.constant 30 : i32
    %swap3A_1383 = arith.index_cast %swap3A_1382 : i32 to index
    %swap3A_1384 = arith.constant 0 : index
    %swap3A_1385 = tpu.vector_load %arg11[%swap3A_1383, %swap3A_1384] {strides = array<i32>} : memref<80x16xf32, #tpu.memory_space<vmem>>, vector<1x16xf32>,
    %swap3A_1386 = vector.shape_cast %swap3A_1385 : vector<1x16xf32> to vector<16xf32>
    %swap3A_1387 = vector.shape_cast %broadcast_in_dim3A_2 : vector<16xf32> to vector<1x16xf32>
    tpu.vector_store %arg11[%swap3A_1383, %swap3A_1384], %swap3A_1387 {strides = array<i32>} : memref<80x16xf32, #tpu.memory_space<vmem>>, vector<1x16xf32>,
    %swap3A_1388 = arith.constant 31 : i32
    %swap3A_1389 = arith.index_cast %swap3A_1388 : i32 to index
    %swap3A_1390 = arith.constant 0 : index
    %swap3A_1391 = tpu.vector_load %arg11[%swap3A_1389, %swap3A_1390] {strides = array<i32>} : memref<80x16xf32, #tpu.memory_space<vmem>>, vector<1x16xf32>,
    %swap3A_1392 = vector.shape_cast %swap3A_1391 : vector<1x16xf32> to vector<16xf32>
    %swap3A_1393 = vector.shape_cast %broadcast_in_dim3A_2 : vector<16xf32> to vector<1x16xf32>
    tpu.vector_store %arg11[%swap3A_1389, %swap3A_1390], %swap3A_1393 {strides = array<i32>} : memref<80x16xf32, #tpu.memory_space<vmem>>, vector<1x16xf32>,
    %swap3A_1394 = arith.constant 32 : i32
    %swap3A_1395 = arith.index_cast %swap3A_1394 : i32 to index
    %swap3A_1396 = arith.constant 0 : index
    %swap3A_1397 = tpu.vector_load %arg11[%swap3A_1395, %swap3A_1396] {strides = array<i32>} : memref<80x16xf32, #tpu.memory_space<vmem>>, vector<1x16xf32>,
    %swap3A_1398 = vector.shape_cast %swap3A_1397 : vector<1x16xf32> to vector<16xf32>
    %swap3A_1399 = vector.shape_cast %broadcast_in_dim3A_2 : vector<16xf32> to vector<1x16xf32>
    tpu.vector_store %arg11[%swap3A_1395, %swap3A_1396], %swap3A_1399 {strides = array<i32>} : memref<80x16xf32, #tpu.memory_space<vmem>>, vector<1x16xf32>,
    %swap3A_1400 = arith.constant 33 : i32
    %swap3A_1401 = arith.index_cast %swap3A_1400 : i32 to index
    %swap3A_1402 = arith.constant 0 : index
    %swap3A_1403 = tpu.vector_load %arg11[%swap3A_1401, %swap3A_1402] {strides = array<i32>} : memref<80x16xf32, #tpu.memory_space<vmem>>, vector<1x16xf32>,
    %swap3A_1404 = vector.shape_cast %swap3A_1403 : vector<1x16xf32> to vector<16xf32>
    %swap3A_1405 = vector.shape_cast %broadcast_in_dim3A_2 : vector<16xf32> to vector<1x16xf32>
    tpu.vector_store %arg11[%swap3A_1401, %swap3A_1402], %swap3A_1405 {strides = array<i32>} : memref<80x16xf32, #tpu.memory_space<vmem>>, vector<1x16xf32>,
    %swap3A_1406 = arith.constant 34 : i32
    %swap3A_1407 = arith.index_cast %swap3A_1406 : i32 to index
    %swap3A_1408 = arith.constant 0 : index
    %swap3A_1409 = tpu.vector_load %arg11[%swap3A_1407, %swap3A_1408] {strides = array<i32>} : memref<80x16xf32, #tpu.memory_space<vmem>>, vector<1x16xf32>,
    %swap3A_1410 = vector.shape_cast %swap3A_1409 : vector<1x16xf32> to vector<16xf32>
    %swap3A_1411 = vector.shape_cast %broadcast_in_dim3A_2 : vector<16xf32> to vector<1x16xf32>
    tpu.vector_store %arg11[%swap3A_1407, %swap3A_1408], %swap3A_1411 {strides = array<i32>} : memref<80x16xf32, #tpu.memory_space<vmem>>, vector<1x16xf32>,
    %swap3A_1412 = arith.constant 35 : i32
    %swap3A_1413 = arith.index_cast %swap3A_1412 : i32 to index
    %swap3A_1414 = arith.constant 0 : index
    %swap3A_1415 = tpu.vector_load %arg11[%swap3A_1413, %swap3A_1414] {strides = array<i32>} : memref<80x16xf32, #tpu.memory_space<vmem>>, vector<1x16xf32>,
    %swap3A_1416 = vector.shape_cast %swap3A_1415 : vector<1x16xf32> to vector<16xf32>
    %swap3A_1417 = vector.shape_cast %broadcast_in_dim3A_2 : vector<16xf32> to vector<1x16xf32>
    tpu.vector_store %arg11[%swap3A_1413, %swap3A_1414], %swap3A_1417 {strides = array<i32>} : memref<80x16xf32, #tpu.memory_space<vmem>>, vector<1x16xf32>,
    %swap3A_1418 = arith.constant 36 : i32
    %swap3A_1419 = arith.index_cast %swap3A_1418 : i32 to index
    %swap3A_1420 = arith.constant 0 : index
    %swap3A_1421 = tpu.vector_load %arg11[%swap3A_1419, %swap3A_1420] {strides = array<i32>} : memref<80x16xf32, #tpu.memory_space<vmem>>, vector<1x16xf32>,
    %swap3A_1422 = vector.shape_cast %swap3A_1421 : vector<1x16xf32> to vector<16xf32>
    %swap3A_1423 = vector.shape_cast %broadcast_in_dim3A_2 : vector<16xf32> to vector<1x16xf32>
    tpu.vector_store %arg11[%swap3A_1419, %swap3A_1420], %swap3A_1423 {strides = array<i32>} : memref<80x16xf32, #tpu.memory_space<vmem>>, vector<1x16xf32>,
    %swap3A_1424 = arith.constant 37 : i32
    %swap3A_1425 = arith.index_cast %swap3A_1424 : i32 to index
    %swap3A_1426 = arith.constant 0 : index
    %swap3A_1427 = tpu.vector_load %arg11[%swap3A_1425, %swap3A_1426] {strides = array<i32>} : memref<80x16xf32, #tpu.memory_space<vmem>>, vector<1x16xf32>,
    %swap3A_1428 = vector.shape_cast %swap3A_1427 : vector<1x16xf32> to vector<16xf32>
    %swap3A_1429 = vector.shape_cast %broadcast_in_dim3A_2 : vector<16xf32> to vector<1x16xf32>
    tpu.vector_store %arg11[%swap3A_1425, %swap3A_1426], %swap3A_1429 {strides = array<i32>} : memref<80x16xf32, #tpu.memory_space<vmem>>, vector<1x16xf32>,
    %swap3A_1430 = arith.constant 38 : i32
    %swap3A_1431 = arith.index_cast %swap3A_1430 : i32 to index
    %swap3A_1432 = arith.constant 0 : index
    %swap3A_1433 = tpu.vector_load %arg11[%swap3A_1431, %swap3A_1432] {strides = array<i32>} : memref<80x16xf32, #tpu.memory_space<vmem>>, vector<1x16xf32>,
    %swap3A_1434 = vector.shape_cast %swap3A_1433 : vector<1x16xf32> to vector<16xf32>
    %swap3A_1435 = vector.shape_cast %broadcast_in_dim3A_2 : vector<16xf32> to vector<1x16xf32>
    tpu.vector_store %arg11[%swap3A_1431, %swap3A_1432], %swap3A_1435 {strides = array<i32>} : memref<80x16xf32, #tpu.memory_space<vmem>>, vector<1x16xf32>,
    %swap3A_1436 = arith.constant 39 : i32
    %swap3A_1437 = arith.index_cast %swap3A_1436 : i32 to index
    %swap3A_1438 = arith.constant 0 : index
    %swap3A_1439 = tpu.vector_load %arg11[%swap3A_1437, %swap3A_1438] {strides = array<i32>} : memref<80x16xf32, #tpu.memory_space<vmem>>, vector<1x16xf32>,
    %swap3A_1440 = vector.shape_cast %swap3A_1439 : vector<1x16xf32> to vector<16xf32>
    %swap3A_1441 = vector.shape_cast %broadcast_in_dim3A_2 : vector<16xf32> to vector<1x16xf32>
    tpu.vector_store %arg11[%swap3A_1437, %swap3A_1438], %swap3A_1441 {strides = array<i32>} : memref<80x16xf32, #tpu.memory_space<vmem>>, vector<1x16xf32>,
    %swap3A_1442 = arith.constant 40 : i32
    %swap3A_1443 = arith.index_cast %swap3A_1442 : i32 to index
    %swap3A_1444 = arith.constant 0 : index
    %swap3A_1445 = tpu.vector_load %arg11[%swap3A_1443, %swap3A_1444] {strides = array<i32>} : memref<80x16xf32, #tpu.memory_space<vmem>>, vector<1x16xf32>,
    %swap3A_1446 = vector.shape_cast %swap3A_1445 : vector<1x16xf32> to vector<16xf32>
    %swap3A_1447 = vector.shape_cast %broadcast_in_dim3A_2 : vector<16xf32> to vector<1x16xf32>
    tpu.vector_store %arg11[%swap3A_1443, %swap3A_1444], %swap3A_1447 {strides = array<i32>} : memref<80x16xf32, #tpu.memory_space<vmem>>, vector<1x16xf32>,
    %swap3A_1448 = arith.constant 41 : i32
    %swap3A_1449 = arith.index_cast %swap3A_1448 : i32 to index
    %swap3A_1450 = arith.constant 0 : index
    %swap3A_1451 = tpu.vector_load %arg11[%swap3A_1449, %swap3A_1450] {strides = array<i32>} : memref<80x16xf32, #tpu.memory_space<vmem>>, vector<1x16xf32>,
    %swap3A_1452 = vector.shape_cast %swap3A_1451 : vector<1x16xf32> to vector<16xf32>
    %swap3A_1453 = vector.shape_cast %broadcast_in_dim3A_2 : vector<16xf32> to vector<1x16xf32>
    tpu.vector_store %arg11[%swap3A_1449, %swap3A_1450], %swap3A_1453 {strides = array<i32>} : memref<80x16xf32, #tpu.memory_space<vmem>>, vector<1x16xf32>,
    %swap3A_1454 = arith.constant 42 : i32
    %swap3A_1455 = arith.index_cast %swap3A_1454 : i32 to index
    %swap3A_1456 = arith.constant 0 : index
    %swap3A_1457 = tpu.vector_load %arg11[%swap3A_1455, %swap3A_1456] {strides = array<i32>} : memref<80x16xf32, #tpu.memory_space<vmem>>, vector<1x16xf32>,
    %swap3A_1458 = vector.shape_cast %swap3A_1457 : vector<1x16xf32> to vector<16xf32>
    %swap3A_1459 = vector.shape_cast %broadcast_in_dim3A_2 : vector<16xf32> to vector<1x16xf32>
    tpu.vector_store %arg11[%swap3A_1455, %swap3A_1456], %swap3A_1459 {strides = array<i32>} : memref<80x16xf32, #tpu.memory_space<vmem>>, vector<1x16xf32>,
    %swap3A_1460 = arith.constant 43 : i32
    %swap3A_1461 = arith.index_cast %swap3A_1460 : i32 to index
    %swap3A_1462 = arith.constant 0 : index
    %swap3A_1463 = tpu.vector_load %arg11[%swap3A_1461, %swap3A_1462] {strides = array<i32>} : memref<80x16xf32, #tpu.memory_space<vmem>>, vector<1x16xf32>,
    %swap3A_1464 = vector.shape_cast %swap3A_1463 : vector<1x16xf32> to vector<16xf32>
    %swap3A_1465 = vector.shape_cast %broadcast_in_dim3A_2 : vector<16xf32> to vector<1x16xf32>
    tpu.vector_store %arg11[%swap3A_1461, %swap3A_1462], %swap3A_1465 {strides = array<i32>} : memref<80x16xf32, #tpu.memory_space<vmem>>, vector<1x16xf32>,
    %swap3A_1466 = arith.constant 44 : i32
    %swap3A_1467 = arith.index_cast %swap3A_1466 : i32 to index
    %swap3A_1468 = arith.constant 0 : index
    %swap3A_1469 = tpu.vector_load %arg11[%swap3A_1467, %swap3A_1468] {strides = array<i32>} : memref<80x16xf32, #tpu.memory_space<vmem>>, vector<1x16xf32>,
    %swap3A_1470 = vector.shape_cast %swap3A_1469 : vector<1x16xf32> to vector<16xf32>
    %swap3A_1471 = vector.shape_cast %broadcast_in_dim3A_2 : vector<16xf32> to vector<1x16xf32>
    tpu.vector_store %arg11[%swap3A_1467, %swap3A_1468], %swap3A_1471 {strides = array<i32>} : memref<80x16xf32, #tpu.memory_space<vmem>>, vector<1x16xf32>,
    %swap3A_1472 = arith.constant 45 : i32
    %swap3A_1473 = arith.index_cast %swap3A_1472 : i32 to index
    %swap3A_1474 = arith.constant 0 : index
    %swap3A_1475 = tpu.vector_load %arg11[%swap3A_1473, %swap3A_1474] {strides = array<i32>} : memref<80x16xf32, #tpu.memory_space<vmem>>, vector<1x16xf32>,
    %swap3A_1476 = vector.shape_cast %swap3A_1475 : vector<1x16xf32> to vector<16xf32>
    %swap3A_1477 = vector.shape_cast %broadcast_in_dim3A_2 : vector<16xf32> to vector<1x16xf32>
    tpu.vector_store %arg11[%swap3A_1473, %swap3A_1474], %swap3A_1477 {strides = array<i32>} : memref<80x16xf32, #tpu.memory_space<vmem>>, vector<1x16xf32>,
    %swap3A_1478 = arith.constant 46 : i32
    %swap3A_1479 = arith.index_cast %swap3A_1478 : i32 to index
    %swap3A_1480 = arith.constant 0 : index
    %swap3A_1481 = tpu.vector_load %arg11[%swap3A_1479, %swap3A_1480] {strides = array<i32>} : memref<80x16xf32, #tpu.memory_space<vmem>>, vector<1x16xf32>,
    %swap3A_1482 = vector.shape_cast %swap3A_1481 : vector<1x16xf32> to vector<16xf32>
    %swap3A_1483 = vector.shape_cast %broadcast_in_dim3A_2 : vector<16xf32> to vector<1x16xf32>
    tpu.vector_store %arg11[%swap3A_1479, %swap3A_1480], %swap3A_1483 {strides = array<i32>} : memref<80x16xf32, #tpu.memory_space<vmem>>, vector<1x16xf32>,
    %swap3A_1484 = arith.constant 47 : i32
    %swap3A_1485 = arith.index_cast %swap3A_1484 : i32 to index
    %swap3A_1486 = arith.constant 0 : index
    %swap3A_1487 = tpu.vector_load %arg11[%swap3A_1485, %swap3A_1486] {strides = array<i32>} : memref<80x16xf32, #tpu.memory_space<vmem>>, vector<1x16xf32>,
    %swap3A_1488 = vector.shape_cast %swap3A_1487 : vector<1x16xf32> to vector<16xf32>
    %swap3A_1489 = vector.shape_cast %broadcast_in_dim3A_2 : vector<16xf32> to vector<1x16xf32>
    tpu.vector_store %arg11[%swap3A_1485, %swap3A_1486], %swap3A_1489 {strides = array<i32>} : memref<80x16xf32, #tpu.memory_space<vmem>>, vector<1x16xf32>,
    %swap3A_1490 = arith.constant 48 : i32
    %swap3A_1491 = arith.index_cast %swap3A_1490 : i32 to index
    %swap3A_1492 = arith.constant 0 : index
    %swap3A_1493 = tpu.vector_load %arg11[%swap3A_1491, %swap3A_1492] {strides = array<i32>} : memref<80x16xf32, #tpu.memory_space<vmem>>, vector<1x16xf32>,
    %swap3A_1494 = vector.shape_cast %swap3A_1493 : vector<1x16xf32> to vector<16xf32>
    %swap3A_1495 = vector.shape_cast %broadcast_in_dim3A_2 : vector<16xf32> to vector<1x16xf32>
    tpu.vector_store %arg11[%swap3A_1491, %swap3A_1492], %swap3A_1495 {strides = array<i32>} : memref<80x16xf32, #tpu.memory_space<vmem>>, vector<1x16xf32>,
    %swap3A_1496 = arith.constant 49 : i32
    %swap3A_1497 = arith.index_cast %swap3A_1496 : i32 to index
    %swap3A_1498 = arith.constant 0 : index
    %swap3A_1499 = tpu.vector_load %arg11[%swap3A_1497, %swap3A_1498] {strides = array<i32>} : memref<80x16xf32, #tpu.memory_space<vmem>>, vector<1x16xf32>,
    %swap3A_1500 = vector.shape_cast %swap3A_1499 : vector<1x16xf32> to vector<16xf32>
    %swap3A_1501 = vector.shape_cast %broadcast_in_dim3A_2 : vector<16xf32> to vector<1x16xf32>
    tpu.vector_store %arg11[%swap3A_1497, %swap3A_1498], %swap3A_1501 {strides = array<i32>} : memref<80x16xf32, #tpu.memory_space<vmem>>, vector<1x16xf32>,
    %swap3A_1502 = arith.constant 50 : i32
    %swap3A_1503 = arith.index_cast %swap3A_1502 : i32 to index
    %swap3A_1504 = arith.constant 0 : index
    %swap3A_1505 = tpu.vector_load %arg11[%swap3A_1503, %swap3A_1504] {strides = array<i32>} : memref<80x16xf32, #tpu.memory_space<vmem>>, vector<1x16xf32>,
    %swap3A_1506 = vector.shape_cast %swap3A_1505 : vector<1x16xf32> to vector<16xf32>
    %swap3A_1507 = vector.shape_cast %broadcast_in_dim3A_2 : vector<16xf32> to vector<1x16xf32>
    tpu.vector_store %arg11[%swap3A_1503, %swap3A_1504], %swap3A_1507 {strides = array<i32>} : memref<80x16xf32, #tpu.memory_space<vmem>>, vector<1x16xf32>,
    %swap3A_1508 = arith.constant 51 : i32
    %swap3A_1509 = arith.index_cast %swap3A_1508 : i32 to index
    %swap3A_1510 = arith.constant 0 : index
    %swap3A_1511 = tpu.vector_load %arg11[%swap3A_1509, %swap3A_1510] {strides = array<i32>} : memref<80x16xf32, #tpu.memory_space<vmem>>, vector<1x16xf32>,
    %swap3A_1512 = vector.shape_cast %swap3A_1511 : vector<1x16xf32> to vector<16xf32>
    %swap3A_1513 = vector.shape_cast %broadcast_in_dim3A_2 : vector<16xf32> to vector<1x16xf32>
    tpu.vector_store %arg11[%swap3A_1509, %swap3A_1510], %swap3A_1513 {strides = array<i32>} : memref<80x16xf32, #tpu.memory_space<vmem>>, vector<1x16xf32>,
    %swap3A_1514 = arith.constant 52 : i32
    %swap3A_1515 = arith.index_cast %swap3A_1514 : i32 to index
    %swap3A_1516 = arith.constant 0 : index
    %swap3A_1517 = tpu.vector_load %arg11[%swap3A_1515, %swap3A_1516] {strides = array<i32>} : memref<80x16xf32, #tpu.memory_space<vmem>>, vector<1x16xf32>,
    %swap3A_1518 = vector.shape_cast %swap3A_1517 : vector<1x16xf32> to vector<16xf32>
    %swap3A_1519 = vector.shape_cast %broadcast_in_dim3A_2 : vector<16xf32> to vector<1x16xf32>
    tpu.vector_store %arg11[%swap3A_1515, %swap3A_1516], %swap3A_1519 {strides = array<i32>} : memref<80x16xf32, #tpu.memory_space<vmem>>, vector<1x16xf32>,
    %swap3A_1520 = arith.constant 53 : i32
    %swap3A_1521 = arith.index_cast %swap3A_1520 : i32 to index
    %swap3A_1522 = arith.constant 0 : index
    %swap3A_1523 = tpu.vector_load %arg11[%swap3A_1521, %swap3A_1522] {strides = array<i32>} : memref<80x16xf32, #tpu.memory_space<vmem>>, vector<1x16xf32>,
    %swap3A_1524 = vector.shape_cast %swap3A_1523 : vector<1x16xf32> to vector<16xf32>
    %swap3A_1525 = vector.shape_cast %broadcast_in_dim3A_2 : vector<16xf32> to vector<1x16xf32>
    tpu.vector_store %arg11[%swap3A_1521, %swap3A_1522], %swap3A_1525 {strides = array<i32>} : memref<80x16xf32, #tpu.memory_space<vmem>>, vector<1x16xf32>,
    %swap3A_1526 = arith.constant 54 : i32
    %swap3A_1527 = arith.index_cast %swap3A_1526 : i32 to index
    %swap3A_1528 = arith.constant 0 : index
    %swap3A_1529 = tpu.vector_load %arg11[%swap3A_1527, %swap3A_1528] {strides = array<i32>} : memref<80x16xf32, #tpu.memory_space<vmem>>, vector<1x16xf32>,
    %swap3A_1530 = vector.shape_cast %swap3A_1529 : vector<1x16xf32> to vector<16xf32>
    %swap3A_1531 = vector.shape_cast %broadcast_in_dim3A_2 : vector<16xf32> to vector<1x16xf32>
    tpu.vector_store %arg11[%swap3A_1527, %swap3A_1528], %swap3A_1531 {strides = array<i32>} : memref<80x16xf32, #tpu.memory_space<vmem>>, vector<1x16xf32>,
    %swap3A_1532 = arith.constant 55 : i32
    %swap3A_1533 = arith.index_cast %swap3A_1532 : i32 to index
    %swap3A_1534 = arith.constant 0 : index
    %swap3A_1535 = tpu.vector_load %arg11[%swap3A_1533, %swap3A_1534] {strides = array<i32>} : memref<80x16xf32, #tpu.memory_space<vmem>>, vector<1x16xf32>,
    %swap3A_1536 = vector.shape_cast %swap3A_1535 : vector<1x16xf32> to vector<16xf32>
    %swap3A_1537 = vector.shape_cast %broadcast_in_dim3A_2 : vector<16xf32> to vector<1x16xf32>
    tpu.vector_store %arg11[%swap3A_1533, %swap3A_1534], %swap3A_1537 {strides = array<i32>} : memref<80x16xf32, #tpu.memory_space<vmem>>, vector<1x16xf32>,
    %swap3A_1538 = arith.constant 56 : i32
    %swap3A_1539 = arith.index_cast %swap3A_1538 : i32 to index
    %swap3A_1540 = arith.constant 0 : index
    %swap3A_1541 = tpu.vector_load %arg11[%swap3A_1539, %swap3A_1540] {strides = array<i32>} : memref<80x16xf32, #tpu.memory_space<vmem>>, vector<1x16xf32>,
    %swap3A_1542 = vector.shape_cast %swap3A_1541 : vector<1x16xf32> to vector<16xf32>
    %swap3A_1543 = vector.shape_cast %broadcast_in_dim3A_2 : vector<16xf32> to vector<1x16xf32>
    tpu.vector_store %arg11[%swap3A_1539, %swap3A_1540], %swap3A_1543 {strides = array<i32>} : memref<80x16xf32, #tpu.memory_space<vmem>>, vector<1x16xf32>,
    %swap3A_1544 = arith.constant 57 : i32
    %swap3A_1545 = arith.index_cast %swap3A_1544 : i32 to index
    %swap3A_1546 = arith.constant 0 : index
    %swap3A_1547 = tpu.vector_load %arg11[%swap3A_1545, %swap3A_1546] {strides = array<i32>} : memref<80x16xf32, #tpu.memory_space<vmem>>, vector<1x16xf32>,
    %swap3A_1548 = vector.shape_cast %swap3A_1547 : vector<1x16xf32> to vector<16xf32>
    %swap3A_1549 = vector.shape_cast %broadcast_in_dim3A_2 : vector<16xf32> to vector<1x16xf32>
    tpu.vector_store %arg11[%swap3A_1545, %swap3A_1546], %swap3A_1549 {strides = array<i32>} : memref<80x16xf32, #tpu.memory_space<vmem>>, vector<1x16xf32>,
    %swap3A_1550 = arith.constant 58 : i32
    %swap3A_1551 = arith.index_cast %swap3A_1550 : i32 to index
    %swap3A_1552 = arith.constant 0 : index
    %swap3A_1553 = tpu.vector_load %arg11[%swap3A_1551, %swap3A_1552] {strides = array<i32>} : memref<80x16xf32, #tpu.memory_space<vmem>>, vector<1x16xf32>,
    %swap3A_1554 = vector.shape_cast %swap3A_1553 : vector<1x16xf32> to vector<16xf32>
    %swap3A_1555 = vector.shape_cast %broadcast_in_dim3A_2 : vector<16xf32> to vector<1x16xf32>
    tpu.vector_store %arg11[%swap3A_1551, %swap3A_1552], %swap3A_1555 {strides = array<i32>} : memref<80x16xf32, #tpu.memory_space<vmem>>, vector<1x16xf32>,
    %swap3A_1556 = arith.constant 59 : i32
    %swap3A_1557 = arith.index_cast %swap3A_1556 : i32 to index
    %swap3A_1558 = arith.constant 0 : index
    %swap3A_1559 = tpu.vector_load %arg11[%swap3A_1557, %swap3A_1558] {strides = array<i32>} : memref<80x16xf32, #tpu.memory_space<vmem>>, vector<1x16xf32>,
    %swap3A_1560 = vector.shape_cast %swap3A_1559 : vector<1x16xf32> to vector<16xf32>
    %swap3A_1561 = vector.shape_cast %broadcast_in_dim3A_2 : vector<16xf32> to vector<1x16xf32>
    tpu.vector_store %arg11[%swap3A_1557, %swap3A_1558], %swap3A_1561 {strides = array<i32>} : memref<80x16xf32, #tpu.memory_space<vmem>>, vector<1x16xf32>,
    %swap3A_1562 = arith.constant 60 : i32
    %swap3A_1563 = arith.index_cast %swap3A_1562 : i32 to index
    %swap3A_1564 = arith.constant 0 : index
    %swap3A_1565 = tpu.vector_load %arg11[%swap3A_1563, %swap3A_1564] {strides = array<i32>} : memref<80x16xf32, #tpu.memory_space<vmem>>, vector<1x16xf32>,
    %swap3A_1566 = vector.shape_cast %swap3A_1565 : vector<1x16xf32> to vector<16xf32>
    %swap3A_1567 = vector.shape_cast %broadcast_in_dim3A_2 : vector<16xf32> to vector<1x16xf32>
    tpu.vector_store %arg11[%swap3A_1563, %swap3A_1564], %swap3A_1567 {strides = array<i32>} : memref<80x16xf32, #tpu.memory_space<vmem>>, vector<1x16xf32>,
    %swap3A_1568 = arith.constant 61 : i32
    %swap3A_1569 = arith.index_cast %swap3A_1568 : i32 to index
    %swap3A_1570 = arith.constant 0 : index
    %swap3A_1571 = tpu.vector_load %arg11[%swap3A_1569, %swap3A_1570] {strides = array<i32>} : memref<80x16xf32, #tpu.memory_space<vmem>>, vector<1x16xf32>,
    %swap3A_1572 = vector.shape_cast %swap3A_1571 : vector<1x16xf32> to vector<16xf32>
    %swap3A_1573 = vector.shape_cast %broadcast_in_dim3A_2 : vector<16xf32> to vector<1x16xf32>
    tpu.vector_store %arg11[%swap3A_1569, %swap3A_1570], %swap3A_1573 {strides = array<i32>} : memref<80x16xf32, #tpu.memory_space<vmem>>, vector<1x16xf32>,
    %swap3A_1574 = arith.constant 62 : i32
    %swap3A_1575 = arith.index_cast %swap3A_1574 : i32 to index
    %swap3A_1576 = arith.constant 0 : index
    %swap3A_1577 = tpu.vector_load %arg11[%swap3A_1575, %swap3A_1576] {strides = array<i32>} : memref<80x16xf32, #tpu.memory_space<vmem>>, vector<1x16xf32>,
    %swap3A_1578 = vector.shape_cast %swap3A_1577 : vector<1x16xf32> to vector<16xf32>
    %swap3A_1579 = vector.shape_cast %broadcast_in_dim3A_2 : vector<16xf32> to vector<1x16xf32>
    tpu.vector_store %arg11[%swap3A_1575, %swap3A_1576], %swap3A_1579 {strides = array<i32>} : memref<80x16xf32, #tpu.memory_space<vmem>>, vector<1x16xf32>,
    %swap3A_1580 = arith.constant 63 : i32
    %swap3A_1581 = arith.index_cast %swap3A_1580 : i32 to index
    %swap3A_1582 = arith.constant 0 : index
    %swap3A_1583 = tpu.vector_load %arg11[%swap3A_1581, %swap3A_1582] {strides = array<i32>} : memref<80x16xf32, #tpu.memory_space<vmem>>, vector<1x16xf32>,
    %swap3A_1584 = vector.shape_cast %swap3A_1583 : vector<1x16xf32> to vector<16xf32>
    %swap3A_1585 = vector.shape_cast %broadcast_in_dim3A_2 : vector<16xf32> to vector<1x16xf32>
    tpu.vector_store %arg11[%swap3A_1581, %swap3A_1582], %swap3A_1585 {strides = array<i32>} : memref<80x16xf32, #tpu.memory_space<vmem>>, vector<1x16xf32>,
    %swap3A_1586 = arith.constant 64 : i32
    %swap3A_1587 = arith.index_cast %swap3A_1586 : i32 to index
    %swap3A_1588 = arith.constant 0 : index
    %swap3A_1589 = tpu.vector_load %arg11[%swap3A_1587, %swap3A_1588] {strides = array<i32>} : memref<80x16xf32, #tpu.memory_space<vmem>>, vector<1x16xf32>,
    %swap3A_1590 = vector.shape_cast %swap3A_1589 : vector<1x16xf32> to vector<16xf32>
    %swap3A_1591 = vector.shape_cast %broadcast_in_dim3A_2 : vector<16xf32> to vector<1x16xf32>
    tpu.vector_store %arg11[%swap3A_1587, %swap3A_1588], %swap3A_1591 {strides = array<i32>} : memref<80x16xf32, #tpu.memory_space<vmem>>, vector<1x16xf32>,
    %swap3A_1592 = arith.constant 65 : i32
    %swap3A_1593 = arith.index_cast %swap3A_1592 : i32 to index
    %swap3A_1594 = arith.constant 0 : index
    %swap3A_1595 = tpu.vector_load %arg11[%swap3A_1593, %swap3A_1594] {strides = array<i32>} : memref<80x16xf32, #tpu.memory_space<vmem>>, vector<1x16xf32>,
    %swap3A_1596 = vector.shape_cast %swap3A_1595 : vector<1x16xf32> to vector<16xf32>
    %swap3A_1597 = vector.shape_cast %broadcast_in_dim3A_2 : vector<16xf32> to vector<1x16xf32>
    tpu.vector_store %arg11[%swap3A_1593, %swap3A_1594], %swap3A_1597 {strides = array<i32>} : memref<80x16xf32, #tpu.memory_space<vmem>>, vector<1x16xf32>,
    %swap3A_1598 = arith.constant 66 : i32
    %swap3A_1599 = arith.index_cast %swap3A_1598 : i32 to index
    %swap3A_1600 = arith.constant 0 : index
    %swap3A_1601 = tpu.vector_load %arg11[%swap3A_1599, %swap3A_1600] {strides = array<i32>} : memref<80x16xf32, #tpu.memory_space<vmem>>, vector<1x16xf32>,
    %swap3A_1602 = vector.shape_cast %swap3A_1601 : vector<1x16xf32> to vector<16xf32>
    %swap3A_1603 = vector.shape_cast %broadcast_in_dim3A_2 : vector<16xf32> to vector<1x16xf32>
    tpu.vector_store %arg11[%swap3A_1599, %swap3A_1600], %swap3A_1603 {strides = array<i32>} : memref<80x16xf32, #tpu.memory_space<vmem>>, vector<1x16xf32>,
    %swap3A_1604 = arith.constant 67 : i32
    %swap3A_1605 = arith.index_cast %swap3A_1604 : i32 to index
    %swap3A_1606 = arith.constant 0 : index
    %swap3A_1607 = tpu.vector_load %arg11[%swap3A_1605, %swap3A_1606] {strides = array<i32>} : memref<80x16xf32, #tpu.memory_space<vmem>>, vector<1x16xf32>,
    %swap3A_1608 = vector.shape_cast %swap3A_1607 : vector<1x16xf32> to vector<16xf32>
    %swap3A_1609 = vector.shape_cast %broadcast_in_dim3A_2 : vector<16xf32> to vector<1x16xf32>
    tpu.vector_store %arg11[%swap3A_1605, %swap3A_1606], %swap3A_1609 {strides = array<i32>} : memref<80x16xf32, #tpu.memory_space<vmem>>, vector<1x16xf32>,
    %swap3A_1610 = arith.constant 68 : i32
    %swap3A_1611 = arith.index_cast %swap3A_1610 : i32 to index
    %swap3A_1612 = arith.constant 0 : index
    %swap3A_1613 = tpu.vector_load %arg11[%swap3A_1611, %swap3A_1612] {strides = array<i32>} : memref<80x16xf32, #tpu.memory_space<vmem>>, vector<1x16xf32>,
    %swap3A_1614 = vector.shape_cast %swap3A_1613 : vector<1x16xf32> to vector<16xf32>
    %swap3A_1615 = vector.shape_cast %broadcast_in_dim3A_2 : vector<16xf32> to vector<1x16xf32>
    tpu.vector_store %arg11[%swap3A_1611, %swap3A_1612], %swap3A_1615 {strides = array<i32>} : memref<80x16xf32, #tpu.memory_space<vmem>>, vector<1x16xf32>,
    %swap3A_1616 = arith.constant 69 : i32
    %swap3A_1617 = arith.index_cast %swap3A_1616 : i32 to index
    %swap3A_1618 = arith.constant 0 : index
    %swap3A_1619 = tpu.vector_load %arg11[%swap3A_1617, %swap3A_1618] {strides = array<i32>} : memref<80x16xf32, #tpu.memory_space<vmem>>, vector<1x16xf32>,
    %swap3A_1620 = vector.shape_cast %swap3A_1619 : vector<1x16xf32> to vector<16xf32>
    %swap3A_1621 = vector.shape_cast %broadcast_in_dim3A_2 : vector<16xf32> to vector<1x16xf32>
    tpu.vector_store %arg11[%swap3A_1617, %swap3A_1618], %swap3A_1621 {strides = array<i32>} : memref<80x16xf32, #tpu.memory_space<vmem>>, vector<1x16xf32>,
    %swap3A_1622 = arith.constant 70 : i32
    %swap3A_1623 = arith.index_cast %swap3A_1622 : i32 to index
    %swap3A_1624 = arith.constant 0 : index
    %swap3A_1625 = tpu.vector_load %arg11[%swap3A_1623, %swap3A_1624] {strides = array<i32>} : memref<80x16xf32, #tpu.memory_space<vmem>>, vector<1x16xf32>,
    %swap3A_1626 = vector.shape_cast %swap3A_1625 : vector<1x16xf32> to vector<16xf32>
    %swap3A_1627 = vector.shape_cast %broadcast_in_dim3A_2 : vector<16xf32> to vector<1x16xf32>
    tpu.vector_store %arg11[%swap3A_1623, %swap3A_1624], %swap3A_1627 {strides = array<i32>} : memref<80x16xf32, #tpu.memory_space<vmem>>, vector<1x16xf32>,
    %swap3A_1628 = arith.constant 71 : i32
    %swap3A_1629 = arith.index_cast %swap3A_1628 : i32 to index
    %swap3A_1630 = arith.constant 0 : index
    %swap3A_1631 = tpu.vector_load %arg11[%swap3A_1629, %swap3A_1630] {strides = array<i32>} : memref<80x16xf32, #tpu.memory_space<vmem>>, vector<1x16xf32>,
    %swap3A_1632 = vector.shape_cast %swap3A_1631 : vector<1x16xf32> to vector<16xf32>
    %swap3A_1633 = vector.shape_cast %broadcast_in_dim3A_2 : vector<16xf32> to vector<1x16xf32>
    tpu.vector_store %arg11[%swap3A_1629, %swap3A_1630], %swap3A_1633 {strides = array<i32>} : memref<80x16xf32, #tpu.memory_space<vmem>>, vector<1x16xf32>,
    %swap3A_1634 = arith.constant 72 : i32
    %swap3A_1635 = arith.index_cast %swap3A_1634 : i32 to index
    %swap3A_1636 = arith.constant 0 : index
    %swap3A_1637 = tpu.vector_load %arg11[%swap3A_1635, %swap3A_1636] {strides = array<i32>} : memref<80x16xf32, #tpu.memory_space<vmem>>, vector<1x16xf32>,
    %swap3A_1638 = vector.shape_cast %swap3A_1637 : vector<1x16xf32> to vector<16xf32>
    %swap3A_1639 = vector.shape_cast %broadcast_in_dim3A_2 : vector<16xf32> to vector<1x16xf32>
    tpu.vector_store %arg11[%swap3A_1635, %swap3A_1636], %swap3A_1639 {strides = array<i32>} : memref<80x16xf32, #tpu.memory_space<vmem>>, vector<1x16xf32>,
    %swap3A_1640 = arith.constant 73 : i32
    %swap3A_1641 = arith.index_cast %swap3A_1640 : i32 to index
    %swap3A_1642 = arith.constant 0 : index
    %swap3A_1643 = tpu.vector_load %arg11[%swap3A_1641, %swap3A_1642] {strides = array<i32>} : memref<80x16xf32, #tpu.memory_space<vmem>>, vector<1x16xf32>,
    %swap3A_1644 = vector.shape_cast %swap3A_1643 : vector<1x16xf32> to vector<16xf32>
    %swap3A_1645 = vector.shape_cast %broadcast_in_dim3A_2 : vector<16xf32> to vector<1x16xf32>
    tpu.vector_store %arg11[%swap3A_1641, %swap3A_1642], %swap3A_1645 {strides = array<i32>} : memref<80x16xf32, #tpu.memory_space<vmem>>, vector<1x16xf32>,
    %swap3A_1646 = arith.constant 74 : i32
    %swap3A_1647 = arith.index_cast %swap3A_1646 : i32 to index
    %swap3A_1648 = arith.constant 0 : index
    %swap3A_1649 = tpu.vector_load %arg11[%swap3A_1647, %swap3A_1648] {strides = array<i32>} : memref<80x16xf32, #tpu.memory_space<vmem>>, vector<1x16xf32>,
    %swap3A_1650 = vector.shape_cast %swap3A_1649 : vector<1x16xf32> to vector<16xf32>
    %swap3A_1651 = vector.shape_cast %broadcast_in_dim3A_2 : vector<16xf32> to vector<1x16xf32>
    tpu.vector_store %arg11[%swap3A_1647, %swap3A_1648], %swap3A_1651 {strides = array<i32>} : memref<80x16xf32, #tpu.memory_space<vmem>>, vector<1x16xf32>,
    %swap3A_1652 = arith.constant 75 : i32
    %swap3A_1653 = arith.index_cast %swap3A_1652 : i32 to index
    %swap3A_1654 = arith.constant 0 : index
    %swap3A_1655 = tpu.vector_load %arg11[%swap3A_1653, %swap3A_1654] {strides = array<i32>} : memref<80x16xf32, #tpu.memory_space<vmem>>, vector<1x16xf32>,
    %swap3A_1656 = vector.shape_cast %swap3A_1655 : vector<1x16xf32> to vector<16xf32>
    %swap3A_1657 = vector.shape_cast %broadcast_in_dim3A_2 : vector<16xf32> to vector<1x16xf32>
    tpu.vector_store %arg11[%swap3A_1653, %swap3A_1654], %swap3A_1657 {strides = array<i32>} : memref<80x16xf32, #tpu.memory_space<vmem>>, vector<1x16xf32>,
    %swap3A_1658 = arith.constant 76 : i32
    %swap3A_1659 = arith.index_cast %swap3A_1658 : i32 to index
    %swap3A_1660 = arith.constant 0 : index
    %swap3A_1661 = tpu.vector_load %arg11[%swap3A_1659, %swap3A_1660] {strides = array<i32>} : memref<80x16xf32, #tpu.memory_space<vmem>>, vector<1x16xf32>,
    %swap3A_1662 = vector.shape_cast %swap3A_1661 : vector<1x16xf32> to vector<16xf32>
    %swap3A_1663 = vector.shape_cast %broadcast_in_dim3A_2 : vector<16xf32> to vector<1x16xf32>
    tpu.vector_store %arg11[%swap3A_1659, %swap3A_1660], %swap3A_1663 {strides = array<i32>} : memref<80x16xf32, #tpu.memory_space<vmem>>, vector<1x16xf32>,
    %swap3A_1664 = arith.constant 77 : i32
    %swap3A_1665 = arith.index_cast %swap3A_1664 : i32 to index
    %swap3A_1666 = arith.constant 0 : index
    %swap3A_1667 = tpu.vector_load %arg11[%swap3A_1665, %swap3A_1666] {strides = array<i32>} : memref<80x16xf32, #tpu.memory_space<vmem>>, vector<1x16xf32>,
    %swap3A_1668 = vector.shape_cast %swap3A_1667 : vector<1x16xf32> to vector<16xf32>
    %swap3A_1669 = vector.shape_cast %broadcast_in_dim3A_2 : vector<16xf32> to vector<1x16xf32>
    tpu.vector_store %arg11[%swap3A_1665, %swap3A_1666], %swap3A_1669 {strides = array<i32>} : memref<80x16xf32, #tpu.memory_space<vmem>>, vector<1x16xf32>,
    %swap3A_1670 = arith.constant 78 : i32
    %swap3A_1671 = arith.index_cast %swap3A_1670 : i32 to index
    %swap3A_1672 = arith.constant 0 : index
    %swap3A_1673 = tpu.vector_load %arg11[%swap3A_1671, %swap3A_1672] {strides = array<i32>} : memref<80x16xf32, #tpu.memory_space<vmem>>, vector<1x16xf32>,
    %swap3A_1674 = vector.shape_cast %swap3A_1673 : vector<1x16xf32> to vector<16xf32>
    %swap3A_1675 = vector.shape_cast %broadcast_in_dim3A_2 : vector<16xf32> to vector<1x16xf32>
    tpu.vector_store %arg11[%swap3A_1671, %swap3A_1672], %swap3A_1675 {strides = array<i32>} : memref<80x16xf32, #tpu.memory_space<vmem>>, vector<1x16xf32>,
    %swap3A_1676 = arith.constant 79 : i32
    %swap3A_1677 = arith.index_cast %swap3A_1676 : i32 to index
    %swap3A_1678 = arith.constant 0 : index
    %swap3A_1679 = tpu.vector_load %arg11[%swap3A_1677, %swap3A_1678] {strides = array<i32>} : memref<80x16xf32, #tpu.memory_space<vmem>>, vector<1x16xf32>,
    %swap3A_1680 = vector.shape_cast %swap3A_1679 : vector<1x16xf32> to vector<16xf32>
    %swap3A_1681 = vector.shape_cast %broadcast_in_dim3A_2 : vector<16xf32> to vector<1x16xf32>
    tpu.vector_store %arg11[%swap3A_1677, %swap3A_1678], %swap3A_1681 {strides = array<i32>} : memref<80x16xf32, #tpu.memory_space<vmem>>, vector<1x16xf32>,
    %scan3A = arith.constant 0 : i32
    %scan3A_1682 = arith.constant 0 : i32
    %scan3A_1683 = arith.constant 16 : i32
    %scan3A_1684 = arith.addi %scan3A_1682, %scan3A_1683 : i32
    %scan3A_1685 = arith.constant 1 : i32
    %scan3A_1686 = scf.for %scan3A_1777 = %scan3A_1682 to %scan3A_1684 step %scan3A_1685 iter_args(%scan3A_1778 = %scan3A) -> (i32)  : i32 {
      %mul3A_1779 = arith.constant 640 : i32
      %mul3A_1780 = arith.muli %arg1, %mul3A_1779 : i32
      %mul3A_1781 = arith.constant 40 : i32
      %mul3A_1782 = arith.muli %scan3A_1777, %mul3A_1781 : i32
      %add3A = arith.addi %mul3A_1780, %mul3A_1782 : i32
      "tpu.region"() ({
        %run_scoped3A = tpu.sem_alloc : memref<!tpu.dma_semaphore, #tpu.memory_space<semaphore_mem>>
        %dma_start3A_1784 = arith.constant 0 : i32
        %dma_start3A_1785 = tpu.memref_slice %arg16[%add3A, %dma_start3A_1784] : memref<10240x64xf32, #tpu.memory_space<vmem_shared>> -> memref<40x64xf32, #tpu.memory_space<vmem_shared>>
        %dma_start3A_1786 = arith.constant 0 : i32
        %dma_start3A_1787 = tpu.memref_slice %arg16[%add3A, %dma_start3A_1786] : memref<10240x64xf32, #tpu.memory_space<vmem_shared>> -> memref<40x64xf32, #tpu.memory_space<vmem_shared>>
        tpu.enqueue_dma source(%arg12 : memref<40x64xf32, #tpu.memory_space<vmem>>) target(%dma_start3A_1787 : memref<40x64xf32, #tpu.memory_space<vmem_shared>>) target_semaphore(%run_scoped3A : memref<!tpu.dma_semaphore, #tpu.memory_space<semaphore_mem>>)
        %dma_wait3A = arith.constant 0 : i32
        %dma_wait3A_1788 = tpu.memref_slice %arg16[%add3A, %dma_wait3A] : memref<10240x64xf32, #tpu.memory_space<vmem_shared>> -> memref<40x64xf32, #tpu.memory_space<vmem_shared>>
        %dma_wait3A_1789 = arith.constant 0 : i32
        %dma_wait3A_1790 = tpu.memref_slice %arg16[%add3A, %dma_wait3A_1789] : memref<10240x64xf32, #tpu.memory_space<vmem_shared>> -> memref<40x64xf32, #tpu.memory_space<vmem_shared>>
        tpu.wait_dma2 semaphore(%run_scoped3A : memref<!tpu.dma_semaphore, #tpu.memory_space<semaphore_mem>>) src(%arg12 : memref<40x64xf32, #tpu.memory_space<vmem>>) dst(%dma_wait3A_1790 : memref<40x64xf32, #tpu.memory_space<vmem_shared>>)
        tpu.yield
      }) : () -> ()
      "tpu.region"() ({
        %run_scoped3A = tpu.sem_alloc : memref<!tpu.dma_semaphore, #tpu.memory_space<semaphore_mem>>
        %dma_start3A_1784 = arith.constant 0 : i32
        %dma_start3A_1785 = tpu.memref_slice %arg17[%add3A, %dma_start3A_1784] : memref<10240x16xf32, #tpu.memory_space<vmem_shared>> -> memref<40x16xf32, #tpu.memory_space<vmem_shared>>
        %dma_start3A_1786 = arith.constant 0 : i32
        %dma_start3A_1787 = tpu.memref_slice %arg17[%add3A, %dma_start3A_1786] : memref<10240x16xf32, #tpu.memory_space<vmem_shared>> -> memref<40x16xf32, #tpu.memory_space<vmem_shared>>
        tpu.enqueue_dma source(%arg13 : memref<40x16xf32, #tpu.memory_space<vmem>>) target(%dma_start3A_1787 : memref<40x16xf32, #tpu.memory_space<vmem_shared>>) target_semaphore(%run_scoped3A : memref<!tpu.dma_semaphore, #tpu.memory_space<semaphore_mem>>)
        %dma_wait3A = arith.constant 0 : i32
        %dma_wait3A_1788 = tpu.memref_slice %arg17[%add3A, %dma_wait3A] : memref<10240x16xf32, #tpu.memory_space<vmem_shared>> -> memref<40x16xf32, #tpu.memory_space<vmem_shared>>
        %dma_wait3A_1789 = arith.constant 0 : i32
        %dma_wait3A_1790 = tpu.memref_slice %arg17[%add3A, %dma_wait3A_1789] : memref<10240x16xf32, #tpu.memory_space<vmem_shared>> -> memref<40x16xf32, #tpu.memory_space<vmem_shared>>
        tpu.wait_dma2 semaphore(%run_scoped3A : memref<!tpu.dma_semaphore, #tpu.memory_space<semaphore_mem>>) src(%arg13 : memref<40x16xf32, #tpu.memory_space<vmem>>) dst(%dma_wait3A_1790 : memref<40x16xf32, #tpu.memory_space<vmem_shared>>)
        tpu.yield
      }) : () -> ()
      %scan3A_1783 = arith.constant 0 : i32
      scf.yield %scan3A_1783 : i32
    }
    %scan3A_1687 = arith.constant 16 : i32
    %barrier3A = arith.constant 0 : index
    tpu.barrier barrier_id(%barrier3A)
    %mul3A = arith.constant 250 : i32
    %mul3A_1688 = arith.muli %arg1, %mul3A : i32
    %eq3A = arith.constant 0 : i32
    %eq3A_1689 = arith.cmpi eq, %arg0, %eq3A : i32
    %convert_element_type3A = arith.extui %eq3A_1689 : i1 to i32
    %cond3A = arith.constant 0 : i32
    %cond3A_1690 = arith.cmpi ne, %convert_element_type3A, %cond3A : i32
    scf.if %cond3A_1690 {
      "tpu.region"() ({
        %run_scoped3A = tpu.sem_alloc : memref<!tpu.dma_semaphore, #tpu.memory_space<semaphore_mem>>
        %dma_start3A_1777 = arith.constant 0 : i32
        %dma_start3A_1778 = tpu.memref_slice %arg3[%mul3A_1688, %dma_start3A_1777] : memref<4000x80xi32, #tpu.memory_space<hbm>> -> memref<250x80xi32, #tpu.memory_space<hbm>>
        %dma_start3A_1779 = arith.constant 0 : i32
        %dma_start3A_1780 = tpu.memref_slice %arg3[%mul3A_1688, %dma_start3A_1779] : memref<4000x80xi32, #tpu.memory_space<hbm>> -> memref<250x80xi32, #tpu.memory_space<hbm>>
        tpu.enqueue_dma source(%dma_start3A_1780 : memref<250x80xi32, #tpu.memory_space<hbm>>) target(%arg8 : memref<250x80xi32, #tpu.memory_space<vmem>>) target_semaphore(%run_scoped3A : memref<!tpu.dma_semaphore, #tpu.memory_space<semaphore_mem>>)
        %dma_wait3A = arith.constant 0 : i32
        %dma_wait3A_1781 = tpu.memref_slice %arg3[%mul3A_1688, %dma_wait3A] : memref<4000x80xi32, #tpu.memory_space<hbm>> -> memref<250x80xi32, #tpu.memory_space<hbm>>
        %dma_wait3A_1782 = arith.constant 0 : i32
        %dma_wait3A_1783 = tpu.memref_slice %arg3[%mul3A_1688, %dma_wait3A_1782] : memref<4000x80xi32, #tpu.memory_space<hbm>> -> memref<250x80xi32, #tpu.memory_space<hbm>>
        tpu.wait_dma2 semaphore(%run_scoped3A : memref<!tpu.dma_semaphore, #tpu.memory_space<semaphore_mem>>) src(%dma_wait3A_1783 : memref<250x80xi32, #tpu.memory_space<hbm>>) dst(%arg8 : memref<250x80xi32, #tpu.memory_space<vmem>>)
        tpu.yield
      }) : () -> ()
      "tpu.region"() ({
        %run_scoped3A = tpu.sem_alloc : memref<!tpu.dma_semaphore, #tpu.memory_space<semaphore_mem>>
        %dma_start3A_1777 = arith.constant 0 : i32
        %dma_start3A_1778 = tpu.memref_slice %arg5[%mul3A_1688, %dma_start3A_1777] : memref<4000x80xi32, #tpu.memory_space<hbm>> -> memref<250x80xi32, #tpu.memory_space<hbm>>
        %dma_start3A_1779 = arith.constant 0 : i32
        %dma_start3A_1780 = tpu.memref_slice %arg5[%mul3A_1688, %dma_start3A_1779] : memref<4000x80xi32, #tpu.memory_space<hbm>> -> memref<250x80xi32, #tpu.memory_space<hbm>>
        tpu.enqueue_dma source(%dma_start3A_1780 : memref<250x80xi32, #tpu.memory_space<hbm>>) target(%arg9 : memref<250x80xi32, #tpu.memory_space<vmem>>) target_semaphore(%run_scoped3A : memref<!tpu.dma_semaphore, #tpu.memory_space<semaphore_mem>>)
        %dma_wait3A = arith.constant 0 : i32
        %dma_wait3A_1781 = tpu.memref_slice %arg5[%mul3A_1688, %dma_wait3A] : memref<4000x80xi32, #tpu.memory_space<hbm>> -> memref<250x80xi32, #tpu.memory_space<hbm>>
        %dma_wait3A_1782 = arith.constant 0 : i32
        %dma_wait3A_1783 = tpu.memref_slice %arg5[%mul3A_1688, %dma_wait3A_1782] : memref<4000x80xi32, #tpu.memory_space<hbm>> -> memref<250x80xi32, #tpu.memory_space<hbm>>
        tpu.wait_dma2 semaphore(%run_scoped3A : memref<!tpu.dma_semaphore, #tpu.memory_space<semaphore_mem>>) src(%dma_wait3A_1783 : memref<250x80xi32, #tpu.memory_space<hbm>>) dst(%arg9 : memref<250x80xi32, #tpu.memory_space<vmem>>)
        tpu.yield
      }) : () -> ()
    } else {
    }
    %eq3A_1691 = arith.constant 1 : i32
    %eq3A_1692 = arith.cmpi eq, %arg0, %eq3A_1691 : i32
    %convert_element_type3A_1693 = arith.extui %eq3A_1692 : i1 to i32
    %cond3A_1694 = arith.constant 0 : i32
    %cond3A_1695 = arith.cmpi ne, %convert_element_type3A_1693, %cond3A_1694 : i32
    scf.if %cond3A_1695 {
      "tpu.region"() ({
        %run_scoped3A = tpu.sem_alloc : memref<!tpu.dma_semaphore, #tpu.memory_space<semaphore_mem>>
        %dma_start3A_1777 = arith.constant 0 : i32
        %dma_start3A_1778 = tpu.memref_slice %arg4[%mul3A_1688, %dma_start3A_1777] : memref<4000x80xi32, #tpu.memory_space<hbm>> -> memref<250x80xi32, #tpu.memory_space<hbm>>
        %dma_start3A_1779 = arith.constant 0 : i32
        %dma_start3A_1780 = tpu.memref_slice %arg4[%mul3A_1688, %dma_start3A_1779] : memref<4000x80xi32, #tpu.memory_space<hbm>> -> memref<250x80xi32, #tpu.memory_space<hbm>>
        tpu.enqueue_dma source(%dma_start3A_1780 : memref<250x80xi32, #tpu.memory_space<hbm>>) target(%arg8 : memref<250x80xi32, #tpu.memory_space<vmem>>) target_semaphore(%run_scoped3A : memref<!tpu.dma_semaphore, #tpu.memory_space<semaphore_mem>>)
        %dma_wait3A = arith.constant 0 : i32
        %dma_wait3A_1781 = tpu.memref_slice %arg4[%mul3A_1688, %dma_wait3A] : memref<4000x80xi32, #tpu.memory_space<hbm>> -> memref<250x80xi32, #tpu.memory_space<hbm>>
        %dma_wait3A_1782 = arith.constant 0 : i32
        %dma_wait3A_1783 = tpu.memref_slice %arg4[%mul3A_1688, %dma_wait3A_1782] : memref<4000x80xi32, #tpu.memory_space<hbm>> -> memref<250x80xi32, #tpu.memory_space<hbm>>
        tpu.wait_dma2 semaphore(%run_scoped3A : memref<!tpu.dma_semaphore, #tpu.memory_space<semaphore_mem>>) src(%dma_wait3A_1783 : memref<250x80xi32, #tpu.memory_space<hbm>>) dst(%arg8 : memref<250x80xi32, #tpu.memory_space<vmem>>)
        tpu.yield
      }) : () -> ()
      "tpu.region"() ({
        %run_scoped3A = tpu.sem_alloc : memref<!tpu.dma_semaphore, #tpu.memory_space<semaphore_mem>>
        %dma_start3A_1777 = arith.constant 0 : i32
        %dma_start3A_1778 = tpu.memref_slice %arg6[%mul3A_1688, %dma_start3A_1777] : memref<4000x80xi32, #tpu.memory_space<hbm>> -> memref<250x80xi32, #tpu.memory_space<hbm>>
        %dma_start3A_1779 = arith.constant 0 : i32
        %dma_start3A_1780 = tpu.memref_slice %arg6[%mul3A_1688, %dma_start3A_1779] : memref<4000x80xi32, #tpu.memory_space<hbm>> -> memref<250x80xi32, #tpu.memory_space<hbm>>
        tpu.enqueue_dma source(%dma_start3A_1780 : memref<250x80xi32, #tpu.memory_space<hbm>>) target(%arg9 : memref<250x80xi32, #tpu.memory_space<vmem>>) target_semaphore(%run_scoped3A : memref<!tpu.dma_semaphore, #tpu.memory_space<semaphore_mem>>)
        %dma_wait3A = arith.constant 0 : i32
        %dma_wait3A_1781 = tpu.memref_slice %arg6[%mul3A_1688, %dma_wait3A] : memref<4000x80xi32, #tpu.memory_space<hbm>> -> memref<250x80xi32, #tpu.memory_space<hbm>>
        %dma_wait3A_1782 = arith.constant 0 : i32
        %dma_wait3A_1783 = tpu.memref_slice %arg6[%mul3A_1688, %dma_wait3A_1782] : memref<4000x80xi32, #tpu.memory_space<hbm>> -> memref<250x80xi32, #tpu.memory_space<hbm>>
        tpu.wait_dma2 semaphore(%run_scoped3A : memref<!tpu.dma_semaphore, #tpu.memory_space<semaphore_mem>>) src(%dma_wait3A_1783 : memref<250x80xi32, #tpu.memory_space<hbm>>) dst(%arg9 : memref<250x80xi32, #tpu.memory_space<vmem>>)
        tpu.yield
      }) : () -> ()
    } else {
    }
    %dma_start3A = arith.constant 0 : i32
    %dma_start3A_1696 = arith.constant 0 : i32
    %dma_start3A_1697 = arith.constant 0 : i32
    %dma_start3A_1698 = arith.constant 0 : i32
    %dma_start3A_1699 = tpu.memref_slice %arg10[%dma_start3A_1696, %dma_start3A_1697, %dma_start3A_1698] : memref<5x80x64xf32, #tpu.memory_space<vmem>> -> memref<1x80x64xf32, #tpu.memory_space<vmem>>
    %dma_start3A_1700 = tpu.memref_squeeze %dma_start3A_1699 : memref<1x80x64xf32, #tpu.memory_space<vmem>> -> memref<80x64xf32, #tpu.memory_space<vmem>>
    %dma_start3A_1701 = arith.constant 0 : i32
    %dma_start3A_1702 = tpu.memref_slice %arg8[%dma_start3A, %dma_start3A_1701] : memref<250x80xi32, #tpu.memory_space<vmem>> -> memref<1x80xi32, #tpu.memory_space<vmem>>
    %dma_start3A_1703 = tpu.memref_squeeze %dma_start3A_1702 : memref<1x80xi32, #tpu.memory_space<vmem>> -> memref<80xi32, #tpu.memory_space<vmem>>
    %dma_start3A_1704 = arith.constant 0 : i32
    %dma_start3A_1705 = arith.constant 0 : i32
    %dma_start3A_1706 = tpu.memref_slice %arg2[%dma_start3A_1704, %dma_start3A_1705] : memref<20000x64xf32, #tpu.memory_space<hbm>> -> memref<20000x64xf32, #tpu.memory_space<hbm>>
    tpu.enqueue_indirect_dma source(%dma_start3A_1706 : memref<20000x64xf32, #tpu.memory_space<hbm>>) target(%dma_start3A_1700 : memref<80x64xf32, #tpu.memory_space<vmem>>) offsets(%dma_start3A_1703 : memref<80xi32, #tpu.memory_space<vmem>>) semaphore(%arg18 : memref<!tpu.dma_semaphore, #tpu.memory_space<semaphore_mem>>)
    %dma_start3A_1707 = arith.constant 1 : i32
    %dma_start3A_1708 = arith.constant 1 : i32
    %dma_start3A_1709 = arith.constant 0 : i32
    %dma_start3A_1710 = arith.constant 0 : i32
    %dma_start3A_1711 = tpu.memref_slice %arg10[%dma_start3A_1708, %dma_start3A_1709, %dma_start3A_1710] : memref<5x80x64xf32, #tpu.memory_space<vmem>> -> memref<1x80x64xf32, #tpu.memory_space<vmem>>
    %dma_start3A_1712 = tpu.memref_squeeze %dma_start3A_1711 : memref<1x80x64xf32, #tpu.memory_space<vmem>> -> memref<80x64xf32, #tpu.memory_space<vmem>>
    %dma_start3A_1713 = arith.constant 0 : i32
    %dma_start3A_1714 = tpu.memref_slice %arg8[%dma_start3A_1707, %dma_start3A_1713] : memref<250x80xi32, #tpu.memory_space<vmem>> -> memref<1x80xi32, #tpu.memory_space<vmem>>
    %dma_start3A_1715 = tpu.memref_squeeze %dma_start3A_1714 : memref<1x80xi32, #tpu.memory_space<vmem>> -> memref<80xi32, #tpu.memory_space<vmem>>
    %dma_start3A_1716 = arith.constant 0 : i32
    %dma_start3A_1717 = arith.constant 0 : i32
    %dma_start3A_1718 = tpu.memref_slice %arg2[%dma_start3A_1716, %dma_start3A_1717] : memref<20000x64xf32, #tpu.memory_space<hbm>> -> memref<20000x64xf32, #tpu.memory_space<hbm>>
    tpu.enqueue_indirect_dma source(%dma_start3A_1718 : memref<20000x64xf32, #tpu.memory_space<hbm>>) target(%dma_start3A_1712 : memref<80x64xf32, #tpu.memory_space<vmem>>) offsets(%dma_start3A_1715 : memref<80xi32, #tpu.memory_space<vmem>>) semaphore(%arg19 : memref<!tpu.dma_semaphore, #tpu.memory_space<semaphore_mem>>)
    %dma_start3A_1719 = arith.constant 2 : i32
    %dma_start3A_1720 = arith.constant 2 : i32
    %dma_start3A_1721 = arith.constant 0 : i32
    %dma_start3A_1722 = arith.constant 0 : i32
    %dma_start3A_1723 = tpu.memref_slice %arg10[%dma_start3A_1720, %dma_start3A_1721, %dma_start3A_1722] : memref<5x80x64xf32, #tpu.memory_space<vmem>> -> memref<1x80x64xf32, #tpu.memory_space<vmem>>
    %dma_start3A_1724 = tpu.memref_squeeze %dma_start3A_1723 : memref<1x80x64xf32, #tpu.memory_space<vmem>> -> memref<80x64xf32, #tpu.memory_space<vmem>>
    %dma_start3A_1725 = arith.constant 0 : i32
    %dma_start3A_1726 = tpu.memref_slice %arg8[%dma_start3A_1719, %dma_start3A_1725] : memref<250x80xi32, #tpu.memory_space<vmem>> -> memref<1x80xi32, #tpu.memory_space<vmem>>
    %dma_start3A_1727 = tpu.memref_squeeze %dma_start3A_1726 : memref<1x80xi32, #tpu.memory_space<vmem>> -> memref<80xi32, #tpu.memory_space<vmem>>
    %dma_start3A_1728 = arith.constant 0 : i32
    %dma_start3A_1729 = arith.constant 0 : i32
    %dma_start3A_1730 = tpu.memref_slice %arg2[%dma_start3A_1728, %dma_start3A_1729] : memref<20000x64xf32, #tpu.memory_space<hbm>> -> memref<20000x64xf32, #tpu.memory_space<hbm>>
    tpu.enqueue_indirect_dma source(%dma_start3A_1730 : memref<20000x64xf32, #tpu.memory_space<hbm>>) target(%dma_start3A_1724 : memref<80x64xf32, #tpu.memory_space<vmem>>) offsets(%dma_start3A_1727 : memref<80xi32, #tpu.memory_space<vmem>>) semaphore(%arg20 : memref<!tpu.dma_semaphore, #tpu.memory_space<semaphore_mem>>)
    %dma_start3A_1731 = arith.constant 3 : i32
    %dma_start3A_1732 = arith.constant 3 : i32
    %dma_start3A_1733 = arith.constant 0 : i32
    %dma_start3A_1734 = arith.constant 0 : i32
    %dma_start3A_1735 = tpu.memref_slice %arg10[%dma_start3A_1732, %dma_start3A_1733, %dma_start3A_1734] : memref<5x80x64xf32, #tpu.memory_space<vmem>> -> memref<1x80x64xf32, #tpu.memory_space<vmem>>
    %dma_start3A_1736 = tpu.memref_squeeze %dma_start3A_1735 : memref<1x80x64xf32, #tpu.memory_space<vmem>> -> memref<80x64xf32, #tpu.memory_space<vmem>>
    %dma_start3A_1737 = arith.constant 0 : i32
    %dma_start3A_1738 = tpu.memref_slice %arg8[%dma_start3A_1731, %dma_start3A_1737] : memref<250x80xi32, #tpu.memory_space<vmem>> -> memref<1x80xi32, #tpu.memory_space<vmem>>
    %dma_start3A_1739 = tpu.memref_squeeze %dma_start3A_1738 : memref<1x80xi32, #tpu.memory_space<vmem>> -> memref<80xi32, #tpu.memory_space<vmem>>
    %dma_start3A_1740 = arith.constant 0 : i32
    %dma_start3A_1741 = arith.constant 0 : i32
    %dma_start3A_1742 = tpu.memref_slice %arg2[%dma_start3A_1740, %dma_start3A_1741] : memref<20000x64xf32, #tpu.memory_space<hbm>> -> memref<20000x64xf32, #tpu.memory_space<hbm>>
    tpu.enqueue_indirect_dma source(%dma_start3A_1742 : memref<20000x64xf32, #tpu.memory_space<hbm>>) target(%dma_start3A_1736 : memref<80x64xf32, #tpu.memory_space<vmem>>) offsets(%dma_start3A_1739 : memref<80xi32, #tpu.memory_space<vmem>>) semaphore(%arg21 : memref<!tpu.dma_semaphore, #tpu.memory_space<semaphore_mem>>)
    %dma_start3A_1743 = arith.constant 4 : i32
    %dma_start3A_1744 = arith.constant 4 : i32
    %dma_start3A_1745 = arith.constant 0 : i32
    %dma_start3A_1746 = arith.constant 0 : i32
    %dma_start3A_1747 = tpu.memref_slice %arg10[%dma_start3A_1744, %dma_start3A_1745, %dma_start3A_1746] : memref<5x80x64xf32, #tpu.memory_space<vmem>> -> memref<1x80x64xf32, #tpu.memory_space<vmem>>
    %dma_start3A_1748 = tpu.memref_squeeze %dma_start3A_1747 : memref<1x80x64xf32, #tpu.memory_space<vmem>> -> memref<80x64xf32, #tpu.memory_space<vmem>>
    %dma_start3A_1749 = arith.constant 0 : i32
    %dma_start3A_1750 = tpu.memref_slice %arg8[%dma_start3A_1743, %dma_start3A_1749] : memref<250x80xi32, #tpu.memory_space<vmem>> -> memref<1x80xi32, #tpu.memory_space<vmem>>
    %dma_start3A_1751 = tpu.memref_squeeze %dma_start3A_1750 : memref<1x80xi32, #tpu.memory_space<vmem>> -> memref<80xi32, #tpu.memory_space<vmem>>
    %dma_start3A_1752 = arith.constant 0 : i32
    %dma_start3A_1753 = arith.constant 0 : i32
    %dma_start3A_1754 = tpu.memref_slice %arg2[%dma_start3A_1752, %dma_start3A_1753] : memref<20000x64xf32, #tpu.memory_space<hbm>> -> memref<20000x64xf32, #tpu.memory_space<hbm>>
    tpu.enqueue_indirect_dma source(%dma_start3A_1754 : memref<20000x64xf32, #tpu.memory_space<hbm>>) target(%dma_start3A_1748 : memref<80x64xf32, #tpu.memory_space<vmem>>) offsets(%dma_start3A_1751 : memref<80xi32, #tpu.memory_space<vmem>>) semaphore(%arg22 : memref<!tpu.dma_semaphore, #tpu.memory_space<semaphore_mem>>)
    %scan3A_1755 = arith.constant 0 : i32
    %scan3A_1756 = arith.constant 0 : i32
    %scan3A_1757 = arith.constant 50 : i32
    %scan3A_1758 = arith.addi %scan3A_1756, %scan3A_1757 : i32
    %scan3A_1759 = arith.constant 1 : i32
    %scan3A_1760 = scf.for %scan3A_1777 = %scan3A_1756 to %scan3A_1758 step %scan3A_1759 iter_args(%scan3A_1778 = %scan3A_1755) -> (i32)  : i32 {
      %mul3A_1779 = arith.constant 5 : i32
      %mul3A_1780 = arith.muli %scan3A_1777, %mul3A_1779 : i32
      %add3A = arith.constant 0 : i32
      %add3A_1781 = arith.addi %mul3A_1780, %add3A : i32
      %dma_wait3A = arith.constant 0 : i32
      %dma_wait3A_1782 = arith.constant 0 : i32
      %dma_wait3A_1783 = arith.constant 0 : i32
      %dma_wait3A_1784 = arith.constant 0 : i32
      %dma_wait3A_1785 = tpu.memref_slice %arg10[%dma_wait3A_1782, %dma_wait3A_1783, %dma_wait3A_1784] : memref<5x80x64xf32, #tpu.memory_space<vmem>> -> memref<1x80x64xf32, #tpu.memory_space<vmem>>
      %dma_wait3A_1786 = tpu.memref_squeeze %dma_wait3A_1785 : memref<1x80x64xf32, #tpu.memory_space<vmem>> -> memref<80x64xf32, #tpu.memory_space<vmem>>
      %dma_wait3A_1787 = arith.constant 0 : i32
      %dma_wait3A_1788 = tpu.memref_slice %arg8[%dma_wait3A, %dma_wait3A_1787] : memref<250x80xi32, #tpu.memory_space<vmem>> -> memref<1x80xi32, #tpu.memory_space<vmem>>
      %dma_wait3A_1789 = tpu.memref_squeeze %dma_wait3A_1788 : memref<1x80xi32, #tpu.memory_space<vmem>> -> memref<80xi32, #tpu.memory_space<vmem>>
      %dma_wait3A_1790 = arith.constant 0 : i32
      %dma_wait3A_1791 = arith.constant 0 : i32
      %dma_wait3A_1792 = tpu.memref_slice %arg2[%dma_wait3A_1790, %dma_wait3A_1791] : memref<20000x64xf32, #tpu.memory_space<hbm>> -> memref<20000x64xf32, #tpu.memory_space<hbm>>
      tpu.wait_indirect_dma semaphore(%arg18 : memref<!tpu.dma_semaphore, #tpu.memory_space<semaphore_mem>>) src(%dma_wait3A_1792 : memref<20000x64xf32, #tpu.memory_space<hbm>>) dst(%dma_wait3A_1786 : memref<80x64xf32, #tpu.memory_space<vmem>>)
      %dma_start3A_1793 = arith.constant 0 : i32
      %dma_start3A_1794 = arith.constant 0 : i32
      %dma_start3A_1795 = arith.constant 0 : i32
      %dma_start3A_1796 = tpu.memref_slice %arg10[%dma_start3A_1793, %dma_start3A_1794, %dma_start3A_1795] : memref<5x80x64xf32, #tpu.memory_space<vmem>> -> memref<1x80x64xf32, #tpu.memory_space<vmem>>
      %dma_start3A_1797 = tpu.memref_squeeze %dma_start3A_1796 : memref<1x80x64xf32, #tpu.memory_space<vmem>> -> memref<80x64xf32, #tpu.memory_space<vmem>>
      %dma_start3A_1798 = arith.constant 0 : i32
      %dma_start3A_1799 = tpu.memref_slice %arg9[%add3A_1781, %dma_start3A_1798] : memref<250x80xi32, #tpu.memory_space<vmem>> -> memref<1x80xi32, #tpu.memory_space<vmem>>
      %dma_start3A_1800 = tpu.memref_squeeze %dma_start3A_1799 : memref<1x80xi32, #tpu.memory_space<vmem>> -> memref<80xi32, #tpu.memory_space<vmem>>
      %dma_start3A_1801 = arith.constant 0 : i32
      %dma_start3A_1802 = arith.constant 0 : i32
      %dma_start3A_1803 = tpu.memref_slice %arg16[%dma_start3A_1801, %dma_start3A_1802] : memref<10240x64xf32, #tpu.memory_space<vmem_shared>> -> memref<10240x64xf32, #tpu.memory_space<vmem_shared>>
      tpu.enqueue_indirect_dma source(%dma_start3A_1797 : memref<80x64xf32, #tpu.memory_space<vmem>>) target(%dma_start3A_1803 : memref<10240x64xf32, #tpu.memory_space<vmem_shared>>) offsets(%dma_start3A_1800 : memref<80xi32, #tpu.memory_space<vmem>>) semaphore(%arg23 : memref<!tpu.dma_semaphore, #tpu.memory_space<semaphore_mem>>) {add = true}
      %dma_start3A_1804 = arith.constant 0 : i32
      %dma_start3A_1805 = tpu.memref_slice %arg9[%add3A_1781, %dma_start3A_1804] : memref<250x80xi32, #tpu.memory_space<vmem>> -> memref<1x80xi32, #tpu.memory_space<vmem>>
      %dma_start3A_1806 = tpu.memref_squeeze %dma_start3A_1805 : memref<1x80xi32, #tpu.memory_space<vmem>> -> memref<80xi32, #tpu.memory_space<vmem>>
      %dma_start3A_1807 = arith.constant 0 : i32
      %dma_start3A_1808 = arith.constant 0 : i32
      %dma_start3A_1809 = tpu.memref_slice %arg17[%dma_start3A_1807, %dma_start3A_1808] : memref<10240x16xf32, #tpu.memory_space<vmem_shared>> -> memref<10240x16xf32, #tpu.memory_space<vmem_shared>>
      tpu.enqueue_indirect_dma source(%arg11 : memref<80x16xf32, #tpu.memory_space<vmem>>) target(%dma_start3A_1809 : memref<10240x16xf32, #tpu.memory_space<vmem_shared>>) offsets(%dma_start3A_1806 : memref<80xi32, #tpu.memory_space<vmem>>) semaphore(%arg28 : memref<!tpu.dma_semaphore, #tpu.memory_space<semaphore_mem>>) {add = true}
      %dma_wait3A_1810 = arith.constant 0 : i32
      %dma_wait3A_1811 = arith.constant 0 : i32
      %dma_wait3A_1812 = arith.constant 0 : i32
      %dma_wait3A_1813 = tpu.memref_slice %arg10[%dma_wait3A_1810, %dma_wait3A_1811, %dma_wait3A_1812] : memref<5x80x64xf32, #tpu.memory_space<vmem>> -> memref<1x80x64xf32, #tpu.memory_space<vmem>>
      %dma_wait3A_1814 = tpu.memref_squeeze %dma_wait3A_1813 : memref<1x80x64xf32, #tpu.memory_space<vmem>> -> memref<80x64xf32, #tpu.memory_space<vmem>>
      %dma_wait3A_1815 = arith.constant 0 : i32
      %dma_wait3A_1816 = tpu.memref_slice %arg9[%add3A_1781, %dma_wait3A_1815] : memref<250x80xi32, #tpu.memory_space<vmem>> -> memref<1x80xi32, #tpu.memory_space<vmem>>
      %dma_wait3A_1817 = tpu.memref_squeeze %dma_wait3A_1816 : memref<1x80xi32, #tpu.memory_space<vmem>> -> memref<80xi32, #tpu.memory_space<vmem>>
      %dma_wait3A_1818 = arith.constant 0 : i32
      %dma_wait3A_1819 = arith.constant 0 : i32
      %dma_wait3A_1820 = tpu.memref_slice %arg16[%dma_wait3A_1818, %dma_wait3A_1819] : memref<10240x64xf32, #tpu.memory_space<vmem_shared>> -> memref<10240x64xf32, #tpu.memory_space<vmem_shared>>
      tpu.wait_indirect_dma semaphore(%arg23 : memref<!tpu.dma_semaphore, #tpu.memory_space<semaphore_mem>>) src(%dma_wait3A_1814 : memref<80x64xf32, #tpu.memory_space<vmem>>) dst(%dma_wait3A_1820 : memref<10240x64xf32, #tpu.memory_space<vmem_shared>>)
      %add3A_1821 = arith.constant 5 : i32
      %add3A_1822 = arith.addi %add3A_1781, %add3A_1821 : i32
      %lt3A = arith.constant 250 : i32
      %lt3A_1823 = arith.cmpi slt, %add3A_1822, %lt3A : i32
      %convert_element_type3A_1824 = arith.extui %lt3A_1823 : i1 to i32
      %cond3A_1825 = arith.constant 0 : i32
      %cond3A_1826 = arith.cmpi ne, %convert_element_type3A_1824, %cond3A_1825 : i32
      scf.if %cond3A_1826 {
        %dma_start3A_2032 = arith.constant 0 : i32
        %dma_start3A_2033 = arith.constant 0 : i32
        %dma_start3A_2034 = arith.constant 0 : i32
        %dma_start3A_2035 = tpu.memref_slice %arg10[%dma_start3A_2032, %dma_start3A_2033, %dma_start3A_2034] : memref<5x80x64xf32, #tpu.memory_space<vmem>> -> memref<1x80x64xf32, #tpu.memory_space<vmem>>
        %dma_start3A_2036 = tpu.memref_squeeze %dma_start3A_2035 : memref<1x80x64xf32, #tpu.memory_space<vmem>> -> memref<80x64xf32, #tpu.memory_space<vmem>>
        %dma_start3A_2037 = arith.constant 0 : i32
        %dma_start3A_2038 = tpu.memref_slice %arg8[%add3A_1822, %dma_start3A_2037] : memref<250x80xi32, #tpu.memory_space<vmem>> -> memref<1x80xi32, #tpu.memory_space<vmem>>
        %dma_start3A_2039 = tpu.memref_squeeze %dma_start3A_2038 : memref<1x80xi32, #tpu.memory_space<vmem>> -> memref<80xi32, #tpu.memory_space<vmem>>
        %dma_start3A_2040 = arith.constant 0 : i32
        %dma_start3A_2041 = arith.constant 0 : i32
        %dma_start3A_2042 = tpu.memref_slice %arg2[%dma_start3A_2040, %dma_start3A_2041] : memref<20000x64xf32, #tpu.memory_space<hbm>> -> memref<20000x64xf32, #tpu.memory_space<hbm>>
        tpu.enqueue_indirect_dma source(%dma_start3A_2042 : memref<20000x64xf32, #tpu.memory_space<hbm>>) target(%dma_start3A_2036 : memref<80x64xf32, #tpu.memory_space<vmem>>) offsets(%dma_start3A_2039 : memref<80xi32, #tpu.memory_space<vmem>>) semaphore(%arg18 : memref<!tpu.dma_semaphore, #tpu.memory_space<semaphore_mem>>)
      } else {
      }
      %mul3A_1827 = arith.constant 5 : i32
      %mul3A_1828 = arith.muli %scan3A_1777, %mul3A_1827 : i32
      %add3A_1829 = arith.constant 1 : i32
      %add3A_1830 = arith.addi %mul3A_1828, %add3A_1829 : i32
      %dma_wait3A_1831 = arith.constant 1 : i32
      %dma_wait3A_1832 = arith.constant 1 : i32
      %dma_wait3A_1833 = arith.constant 0 : i32
      %dma_wait3A_1834 = arith.constant 0 : i32
      %dma_wait3A_1835 = tpu.memref_slice %arg10[%dma_wait3A_1832, %dma_wait3A_1833, %dma_wait3A_1834] : memref<5x80x64xf32, #tpu.memory_space<vmem>> -> memref<1x80x64xf32, #tpu.memory_space<vmem>>
      %dma_wait3A_1836 = tpu.memref_squeeze %dma_wait3A_1835 : memref<1x80x64xf32, #tpu.memory_space<vmem>> -> memref<80x64xf32, #tpu.memory_space<vmem>>
      %dma_wait3A_1837 = arith.constant 0 : i32
      %dma_wait3A_1838 = tpu.memref_slice %arg8[%dma_wait3A_1831, %dma_wait3A_1837] : memref<250x80xi32, #tpu.memory_space<vmem>> -> memref<1x80xi32, #tpu.memory_space<vmem>>
      %dma_wait3A_1839 = tpu.memref_squeeze %dma_wait3A_1838 : memref<1x80xi32, #tpu.memory_space<vmem>> -> memref<80xi32, #tpu.memory_space<vmem>>
      %dma_wait3A_1840 = arith.constant 0 : i32
      %dma_wait3A_1841 = arith.constant 0 : i32
      %dma_wait3A_1842 = tpu.memref_slice %arg2[%dma_wait3A_1840, %dma_wait3A_1841] : memref<20000x64xf32, #tpu.memory_space<hbm>> -> memref<20000x64xf32, #tpu.memory_space<hbm>>
      tpu.wait_indirect_dma semaphore(%arg19 : memref<!tpu.dma_semaphore, #tpu.memory_space<semaphore_mem>>) src(%dma_wait3A_1842 : memref<20000x64xf32, #tpu.memory_space<hbm>>) dst(%dma_wait3A_1836 : memref<80x64xf32, #tpu.memory_space<vmem>>)
      %dma_start3A_1843 = arith.constant 1 : i32
      %dma_start3A_1844 = arith.constant 0 : i32
      %dma_start3A_1845 = arith.constant 0 : i32
      %dma_start3A_1846 = tpu.memref_slice %arg10[%dma_start3A_1843, %dma_start3A_1844, %dma_start3A_1845] : memref<5x80x64xf32, #tpu.memory_space<vmem>> -> memref<1x80x64xf32, #tpu.memory_space<vmem>>
      %dma_start3A_1847 = tpu.memref_squeeze %dma_start3A_1846 : memref<1x80x64xf32, #tpu.memory_space<vmem>> -> memref<80x64xf32, #tpu.memory_space<vmem>>
      %dma_start3A_1848 = arith.constant 0 : i32
      %dma_start3A_1849 = tpu.memref_slice %arg9[%add3A_1830, %dma_start3A_1848] : memref<250x80xi32, #tpu.memory_space<vmem>> -> memref<1x80xi32, #tpu.memory_space<vmem>>
      %dma_start3A_1850 = tpu.memref_squeeze %dma_start3A_1849 : memref<1x80xi32, #tpu.memory_space<vmem>> -> memref<80xi32, #tpu.memory_space<vmem>>
      %dma_start3A_1851 = arith.constant 0 : i32
      %dma_start3A_1852 = arith.constant 0 : i32
      %dma_start3A_1853 = tpu.memref_slice %arg16[%dma_start3A_1851, %dma_start3A_1852] : memref<10240x64xf32, #tpu.memory_space<vmem_shared>> -> memref<10240x64xf32, #tpu.memory_space<vmem_shared>>
      tpu.enqueue_indirect_dma source(%dma_start3A_1847 : memref<80x64xf32, #tpu.memory_space<vmem>>) target(%dma_start3A_1853 : memref<10240x64xf32, #tpu.memory_space<vmem_shared>>) offsets(%dma_start3A_1850 : memref<80xi32, #tpu.memory_space<vmem>>) semaphore(%arg24 : memref<!tpu.dma_semaphore, #tpu.memory_space<semaphore_mem>>) {add = true}
      %dma_start3A_1854 = arith.constant 0 : i32
      %dma_start3A_1855 = tpu.memref_slice %arg9[%add3A_1830, %dma_start3A_1854] : memref<250x80xi32, #tpu.memory_space<vmem>> -> memref<1x80xi32, #tpu.memory_space<vmem>>
      %dma_start3A_1856 = tpu.memref_squeeze %dma_start3A_1855 : memref<1x80xi32, #tpu.memory_space<vmem>> -> memref<80xi32, #tpu.memory_space<vmem>>
      %dma_start3A_1857 = arith.constant 0 : i32
      %dma_start3A_1858 = arith.constant 0 : i32
      %dma_start3A_1859 = tpu.memref_slice %arg17[%dma_start3A_1857, %dma_start3A_1858] : memref<10240x16xf32, #tpu.memory_space<vmem_shared>> -> memref<10240x16xf32, #tpu.memory_space<vmem_shared>>
      tpu.enqueue_indirect_dma source(%arg11 : memref<80x16xf32, #tpu.memory_space<vmem>>) target(%dma_start3A_1859 : memref<10240x16xf32, #tpu.memory_space<vmem_shared>>) offsets(%dma_start3A_1856 : memref<80xi32, #tpu.memory_space<vmem>>) semaphore(%arg28 : memref<!tpu.dma_semaphore, #tpu.memory_space<semaphore_mem>>) {add = true}
      %dma_wait3A_1860 = arith.constant 1 : i32
      %dma_wait3A_1861 = arith.constant 0 : i32
      %dma_wait3A_1862 = arith.constant 0 : i32
      %dma_wait3A_1863 = tpu.memref_slice %arg10[%dma_wait3A_1860, %dma_wait3A_1861, %dma_wait3A_1862] : memref<5x80x64xf32, #tpu.memory_space<vmem>> -> memref<1x80x64xf32, #tpu.memory_space<vmem>>
      %dma_wait3A_1864 = tpu.memref_squeeze %dma_wait3A_1863 : memref<1x80x64xf32, #tpu.memory_space<vmem>> -> memref<80x64xf32, #tpu.memory_space<vmem>>
      %dma_wait3A_1865 = arith.constant 0 : i32
      %dma_wait3A_1866 = tpu.memref_slice %arg9[%add3A_1830, %dma_wait3A_1865] : memref<250x80xi32, #tpu.memory_space<vmem>> -> memref<1x80xi32, #tpu.memory_space<vmem>>
      %dma_wait3A_1867 = tpu.memref_squeeze %dma_wait3A_1866 : memref<1x80xi32, #tpu.memory_space<vmem>> -> memref<80xi32, #tpu.memory_space<vmem>>
      %dma_wait3A_1868 = arith.constant 0 : i32
      %dma_wait3A_1869 = arith.constant 0 : i32
      %dma_wait3A_1870 = tpu.memref_slice %arg16[%dma_wait3A_1868, %dma_wait3A_1869] : memref<10240x64xf32, #tpu.memory_space<vmem_shared>> -> memref<10240x64xf32, #tpu.memory_space<vmem_shared>>
      tpu.wait_indirect_dma semaphore(%arg24 : memref<!tpu.dma_semaphore, #tpu.memory_space<semaphore_mem>>) src(%dma_wait3A_1864 : memref<80x64xf32, #tpu.memory_space<vmem>>) dst(%dma_wait3A_1870 : memref<10240x64xf32, #tpu.memory_space<vmem_shared>>)
      %add3A_1871 = arith.constant 5 : i32
      %add3A_1872 = arith.addi %add3A_1830, %add3A_1871 : i32
      %lt3A_1873 = arith.constant 250 : i32
      %lt3A_1874 = arith.cmpi slt, %add3A_1872, %lt3A_1873 : i32
      %convert_element_type3A_1875 = arith.extui %lt3A_1874 : i1 to i32
      %cond3A_1876 = arith.constant 0 : i32
      %cond3A_1877 = arith.cmpi ne, %convert_element_type3A_1875, %cond3A_1876 : i32
      scf.if %cond3A_1877 {
        %dma_start3A_2032 = arith.constant 1 : i32
        %dma_start3A_2033 = arith.constant 0 : i32
        %dma_start3A_2034 = arith.constant 0 : i32
        %dma_start3A_2035 = tpu.memref_slice %arg10[%dma_start3A_2032, %dma_start3A_2033, %dma_start3A_2034] : memref<5x80x64xf32, #tpu.memory_space<vmem>> -> memref<1x80x64xf32, #tpu.memory_space<vmem>>
        %dma_start3A_2036 = tpu.memref_squeeze %dma_start3A_2035 : memref<1x80x64xf32, #tpu.memory_space<vmem>> -> memref<80x64xf32, #tpu.memory_space<vmem>>
        %dma_start3A_2037 = arith.constant 0 : i32
        %dma_start3A_2038 = tpu.memref_slice %arg8[%add3A_1872, %dma_start3A_2037] : memref<250x80xi32, #tpu.memory_space<vmem>> -> memref<1x80xi32, #tpu.memory_space<vmem>>
        %dma_start3A_2039 = tpu.memref_squeeze %dma_start3A_2038 : memref<1x80xi32, #tpu.memory_space<vmem>> -> memref<80xi32, #tpu.memory_space<vmem>>
        %dma_start3A_2040 = arith.constant 0 : i32
        %dma_start3A_2041 = arith.constant 0 : i32
        %dma_start3A_2042 = tpu.memref_slice %arg2[%dma_start3A_2040, %dma_start3A_2041] : memref<20000x64xf32, #tpu.memory_space<hbm>> -> memref<20000x64xf32, #tpu.memory_space<hbm>>
        tpu.enqueue_indirect_dma source(%dma_start3A_2042 : memref<20000x64xf32, #tpu.memory_space<hbm>>) target(%dma_start3A_2036 : memref<80x64xf32, #tpu.memory_space<vmem>>) offsets(%dma_start3A_2039 : memref<80xi32, #tpu.memory_space<vmem>>) semaphore(%arg19 : memref<!tpu.dma_semaphore, #tpu.memory_space<semaphore_mem>>)
      } else {
      }
      %mul3A_1878 = arith.constant 5 : i32
      %mul3A_1879 = arith.muli %scan3A_1777, %mul3A_1878 : i32
      %add3A_1880 = arith.constant 2 : i32
      %add3A_1881 = arith.addi %mul3A_1879, %add3A_1880 : i32
      %dma_wait3A_1882 = arith.constant 2 : i32
      %dma_wait3A_1883 = arith.constant 2 : i32
      %dma_wait3A_1884 = arith.constant 0 : i32
      %dma_wait3A_1885 = arith.constant 0 : i32
      %dma_wait3A_1886 = tpu.memref_slice %arg10[%dma_wait3A_1883, %dma_wait3A_1884, %dma_wait3A_1885] : memref<5x80x64xf32, #tpu.memory_space<vmem>> -> memref<1x80x64xf32, #tpu.memory_space<vmem>>
      %dma_wait3A_1887 = tpu.memref_squeeze %dma_wait3A_1886 : memref<1x80x64xf32, #tpu.memory_space<vmem>> -> memref<80x64xf32, #tpu.memory_space<vmem>>
      %dma_wait3A_1888 = arith.constant 0 : i32
      %dma_wait3A_1889 = tpu.memref_slice %arg8[%dma_wait3A_1882, %dma_wait3A_1888] : memref<250x80xi32, #tpu.memory_space<vmem>> -> memref<1x80xi32, #tpu.memory_space<vmem>>
      %dma_wait3A_1890 = tpu.memref_squeeze %dma_wait3A_1889 : memref<1x80xi32, #tpu.memory_space<vmem>> -> memref<80xi32, #tpu.memory_space<vmem>>
      %dma_wait3A_1891 = arith.constant 0 : i32
      %dma_wait3A_1892 = arith.constant 0 : i32
      %dma_wait3A_1893 = tpu.memref_slice %arg2[%dma_wait3A_1891, %dma_wait3A_1892] : memref<20000x64xf32, #tpu.memory_space<hbm>> -> memref<20000x64xf32, #tpu.memory_space<hbm>>
      tpu.wait_indirect_dma semaphore(%arg20 : memref<!tpu.dma_semaphore, #tpu.memory_space<semaphore_mem>>) src(%dma_wait3A_1893 : memref<20000x64xf32, #tpu.memory_space<hbm>>) dst(%dma_wait3A_1887 : memref<80x64xf32, #tpu.memory_space<vmem>>)
      %dma_start3A_1894 = arith.constant 2 : i32
      %dma_start3A_1895 = arith.constant 0 : i32
      %dma_start3A_1896 = arith.constant 0 : i32
      %dma_start3A_1897 = tpu.memref_slice %arg10[%dma_start3A_1894, %dma_start3A_1895, %dma_start3A_1896] : memref<5x80x64xf32, #tpu.memory_space<vmem>> -> memref<1x80x64xf32, #tpu.memory_space<vmem>>
      %dma_start3A_1898 = tpu.memref_squeeze %dma_start3A_1897 : memref<1x80x64xf32, #tpu.memory_space<vmem>> -> memref<80x64xf32, #tpu.memory_space<vmem>>
      %dma_start3A_1899 = arith.constant 0 : i32
      %dma_start3A_1900 = tpu.memref_slice %arg9[%add3A_1881, %dma_start3A_1899] : memref<250x80xi32, #tpu.memory_space<vmem>> -> memref<1x80xi32, #tpu.memory_space<vmem>>
      %dma_start3A_1901 = tpu.memref_squeeze %dma_start3A_1900 : memref<1x80xi32, #tpu.memory_space<vmem>> -> memref<80xi32, #tpu.memory_space<vmem>>
      %dma_start3A_1902 = arith.constant 0 : i32
      %dma_start3A_1903 = arith.constant 0 : i32
      %dma_start3A_1904 = tpu.memref_slice %arg16[%dma_start3A_1902, %dma_start3A_1903] : memref<10240x64xf32, #tpu.memory_space<vmem_shared>> -> memref<10240x64xf32, #tpu.memory_space<vmem_shared>>
      tpu.enqueue_indirect_dma source(%dma_start3A_1898 : memref<80x64xf32, #tpu.memory_space<vmem>>) target(%dma_start3A_1904 : memref<10240x64xf32, #tpu.memory_space<vmem_shared>>) offsets(%dma_start3A_1901 : memref<80xi32, #tpu.memory_space<vmem>>) semaphore(%arg25 : memref<!tpu.dma_semaphore, #tpu.memory_space<semaphore_mem>>) {add = true}
      %dma_start3A_1905 = arith.constant 0 : i32
      %dma_start3A_1906 = tpu.memref_slice %arg9[%add3A_1881, %dma_start3A_1905] : memref<250x80xi32, #tpu.memory_space<vmem>> -> memref<1x80xi32, #tpu.memory_space<vmem>>
      %dma_start3A_1907 = tpu.memref_squeeze %dma_start3A_1906 : memref<1x80xi32, #tpu.memory_space<vmem>> -> memref<80xi32, #tpu.memory_space<vmem>>
      %dma_start3A_1908 = arith.constant 0 : i32
      %dma_start3A_1909 = arith.constant 0 : i32
      %dma_start3A_1910 = tpu.memref_slice %arg17[%dma_start3A_1908, %dma_start3A_1909] : memref<10240x16xf32, #tpu.memory_space<vmem_shared>> -> memref<10240x16xf32, #tpu.memory_space<vmem_shared>>
      tpu.enqueue_indirect_dma source(%arg11 : memref<80x16xf32, #tpu.memory_space<vmem>>) target(%dma_start3A_1910 : memref<10240x16xf32, #tpu.memory_space<vmem_shared>>) offsets(%dma_start3A_1907 : memref<80xi32, #tpu.memory_space<vmem>>) semaphore(%arg28 : memref<!tpu.dma_semaphore, #tpu.memory_space<semaphore_mem>>) {add = true}
      %dma_wait3A_1911 = arith.constant 2 : i32
      %dma_wait3A_1912 = arith.constant 0 : i32
      %dma_wait3A_1913 = arith.constant 0 : i32
      %dma_wait3A_1914 = tpu.memref_slice %arg10[%dma_wait3A_1911, %dma_wait3A_1912, %dma_wait3A_1913] : memref<5x80x64xf32, #tpu.memory_space<vmem>> -> memref<1x80x64xf32, #tpu.memory_space<vmem>>
      %dma_wait3A_1915 = tpu.memref_squeeze %dma_wait3A_1914 : memref<1x80x64xf32, #tpu.memory_space<vmem>> -> memref<80x64xf32, #tpu.memory_space<vmem>>
      %dma_wait3A_1916 = arith.constant 0 : i32
      %dma_wait3A_1917 = tpu.memref_slice %arg9[%add3A_1881, %dma_wait3A_1916] : memref<250x80xi32, #tpu.memory_space<vmem>> -> memref<1x80xi32, #tpu.memory_space<vmem>>
      %dma_wait3A_1918 = tpu.memref_squeeze %dma_wait3A_1917 : memref<1x80xi32, #tpu.memory_space<vmem>> -> memref<80xi32, #tpu.memory_space<vmem>>
      %dma_wait3A_1919 = arith.constant 0 : i32
      %dma_wait3A_1920 = arith.constant 0 : i32
      %dma_wait3A_1921 = tpu.memref_slice %arg16[%dma_wait3A_1919, %dma_wait3A_1920] : memref<10240x64xf32, #tpu.memory_space<vmem_shared>> -> memref<10240x64xf32, #tpu.memory_space<vmem_shared>>
      tpu.wait_indirect_dma semaphore(%arg25 : memref<!tpu.dma_semaphore, #tpu.memory_space<semaphore_mem>>) src(%dma_wait3A_1915 : memref<80x64xf32, #tpu.memory_space<vmem>>) dst(%dma_wait3A_1921 : memref<10240x64xf32, #tpu.memory_space<vmem_shared>>)
      %add3A_1922 = arith.constant 5 : i32
      %add3A_1923 = arith.addi %add3A_1881, %add3A_1922 : i32
      %lt3A_1924 = arith.constant 250 : i32
      %lt3A_1925 = arith.cmpi slt, %add3A_1923, %lt3A_1924 : i32
      %convert_element_type3A_1926 = arith.extui %lt3A_1925 : i1 to i32
      %cond3A_1927 = arith.constant 0 : i32
      %cond3A_1928 = arith.cmpi ne, %convert_element_type3A_1926, %cond3A_1927 : i32
      scf.if %cond3A_1928 {
        %dma_start3A_2032 = arith.constant 2 : i32
        %dma_start3A_2033 = arith.constant 0 : i32
        %dma_start3A_2034 = arith.constant 0 : i32
        %dma_start3A_2035 = tpu.memref_slice %arg10[%dma_start3A_2032, %dma_start3A_2033, %dma_start3A_2034] : memref<5x80x64xf32, #tpu.memory_space<vmem>> -> memref<1x80x64xf32, #tpu.memory_space<vmem>>
        %dma_start3A_2036 = tpu.memref_squeeze %dma_start3A_2035 : memref<1x80x64xf32, #tpu.memory_space<vmem>> -> memref<80x64xf32, #tpu.memory_space<vmem>>
        %dma_start3A_2037 = arith.constant 0 : i32
        %dma_start3A_2038 = tpu.memref_slice %arg8[%add3A_1923, %dma_start3A_2037] : memref<250x80xi32, #tpu.memory_space<vmem>> -> memref<1x80xi32, #tpu.memory_space<vmem>>
        %dma_start3A_2039 = tpu.memref_squeeze %dma_start3A_2038 : memref<1x80xi32, #tpu.memory_space<vmem>> -> memref<80xi32, #tpu.memory_space<vmem>>
        %dma_start3A_2040 = arith.constant 0 : i32
        %dma_start3A_2041 = arith.constant 0 : i32
        %dma_start3A_2042 = tpu.memref_slice %arg2[%dma_start3A_2040, %dma_start3A_2041] : memref<20000x64xf32, #tpu.memory_space<hbm>> -> memref<20000x64xf32, #tpu.memory_space<hbm>>
        tpu.enqueue_indirect_dma source(%dma_start3A_2042 : memref<20000x64xf32, #tpu.memory_space<hbm>>) target(%dma_start3A_2036 : memref<80x64xf32, #tpu.memory_space<vmem>>) offsets(%dma_start3A_2039 : memref<80xi32, #tpu.memory_space<vmem>>) semaphore(%arg20 : memref<!tpu.dma_semaphore, #tpu.memory_space<semaphore_mem>>)
      } else {
      }
      %mul3A_1929 = arith.constant 5 : i32
      %mul3A_1930 = arith.muli %scan3A_1777, %mul3A_1929 : i32
      %add3A_1931 = arith.constant 3 : i32
      %add3A_1932 = arith.addi %mul3A_1930, %add3A_1931 : i32
      %dma_wait3A_1933 = arith.constant 3 : i32
      %dma_wait3A_1934 = arith.constant 3 : i32
      %dma_wait3A_1935 = arith.constant 0 : i32
      %dma_wait3A_1936 = arith.constant 0 : i32
      %dma_wait3A_1937 = tpu.memref_slice %arg10[%dma_wait3A_1934, %dma_wait3A_1935, %dma_wait3A_1936] : memref<5x80x64xf32, #tpu.memory_space<vmem>> -> memref<1x80x64xf32, #tpu.memory_space<vmem>>
      %dma_wait3A_1938 = tpu.memref_squeeze %dma_wait3A_1937 : memref<1x80x64xf32, #tpu.memory_space<vmem>> -> memref<80x64xf32, #tpu.memory_space<vmem>>
      %dma_wait3A_1939 = arith.constant 0 : i32
      %dma_wait3A_1940 = tpu.memref_slice %arg8[%dma_wait3A_1933, %dma_wait3A_1939] : memref<250x80xi32, #tpu.memory_space<vmem>> -> memref<1x80xi32, #tpu.memory_space<vmem>>
      %dma_wait3A_1941 = tpu.memref_squeeze %dma_wait3A_1940 : memref<1x80xi32, #tpu.memory_space<vmem>> -> memref<80xi32, #tpu.memory_space<vmem>>
      %dma_wait3A_1942 = arith.constant 0 : i32
      %dma_wait3A_1943 = arith.constant 0 : i32
      %dma_wait3A_1944 = tpu.memref_slice %arg2[%dma_wait3A_1942, %dma_wait3A_1943] : memref<20000x64xf32, #tpu.memory_space<hbm>> -> memref<20000x64xf32, #tpu.memory_space<hbm>>
      tpu.wait_indirect_dma semaphore(%arg21 : memref<!tpu.dma_semaphore, #tpu.memory_space<semaphore_mem>>) src(%dma_wait3A_1944 : memref<20000x64xf32, #tpu.memory_space<hbm>>) dst(%dma_wait3A_1938 : memref<80x64xf32, #tpu.memory_space<vmem>>)
      %dma_start3A_1945 = arith.constant 3 : i32
      %dma_start3A_1946 = arith.constant 0 : i32
      %dma_start3A_1947 = arith.constant 0 : i32
      %dma_start3A_1948 = tpu.memref_slice %arg10[%dma_start3A_1945, %dma_start3A_1946, %dma_start3A_1947] : memref<5x80x64xf32, #tpu.memory_space<vmem>> -> memref<1x80x64xf32, #tpu.memory_space<vmem>>
      %dma_start3A_1949 = tpu.memref_squeeze %dma_start3A_1948 : memref<1x80x64xf32, #tpu.memory_space<vmem>> -> memref<80x64xf32, #tpu.memory_space<vmem>>
      %dma_start3A_1950 = arith.constant 0 : i32
      %dma_start3A_1951 = tpu.memref_slice %arg9[%add3A_1932, %dma_start3A_1950] : memref<250x80xi32, #tpu.memory_space<vmem>> -> memref<1x80xi32, #tpu.memory_space<vmem>>
      %dma_start3A_1952 = tpu.memref_squeeze %dma_start3A_1951 : memref<1x80xi32, #tpu.memory_space<vmem>> -> memref<80xi32, #tpu.memory_space<vmem>>
      %dma_start3A_1953 = arith.constant 0 : i32
      %dma_start3A_1954 = arith.constant 0 : i32
      %dma_start3A_1955 = tpu.memref_slice %arg16[%dma_start3A_1953, %dma_start3A_1954] : memref<10240x64xf32, #tpu.memory_space<vmem_shared>> -> memref<10240x64xf32, #tpu.memory_space<vmem_shared>>
      tpu.enqueue_indirect_dma source(%dma_start3A_1949 : memref<80x64xf32, #tpu.memory_space<vmem>>) target(%dma_start3A_1955 : memref<10240x64xf32, #tpu.memory_space<vmem_shared>>) offsets(%dma_start3A_1952 : memref<80xi32, #tpu.memory_space<vmem>>) semaphore(%arg26 : memref<!tpu.dma_semaphore, #tpu.memory_space<semaphore_mem>>) {add = true}
      %dma_start3A_1956 = arith.constant 0 : i32
      %dma_start3A_1957 = tpu.memref_slice %arg9[%add3A_1932, %dma_start3A_1956] : memref<250x80xi32, #tpu.memory_space<vmem>> -> memref<1x80xi32, #tpu.memory_space<vmem>>
      %dma_start3A_1958 = tpu.memref_squeeze %dma_start3A_1957 : memref<1x80xi32, #tpu.memory_space<vmem>> -> memref<80xi32, #tpu.memory_space<vmem>>
      %dma_start3A_1959 = arith.constant 0 : i32
      %dma_start3A_1960 = arith.constant 0 : i32
      %dma_start3A_1961 = tpu.memref_slice %arg17[%dma_start3A_1959, %dma_start3A_1960] : memref<10240x16xf32, #tpu.memory_space<vmem_shared>> -> memref<10240x16xf32, #tpu.memory_space<vmem_shared>>
      tpu.enqueue_indirect_dma source(%arg11 : memref<80x16xf32, #tpu.memory_space<vmem>>) target(%dma_start3A_1961 : memref<10240x16xf32, #tpu.memory_space<vmem_shared>>) offsets(%dma_start3A_1958 : memref<80xi32, #tpu.memory_space<vmem>>) semaphore(%arg28 : memref<!tpu.dma_semaphore, #tpu.memory_space<semaphore_mem>>) {add = true}
      %dma_wait3A_1962 = arith.constant 3 : i32
      %dma_wait3A_1963 = arith.constant 0 : i32
      %dma_wait3A_1964 = arith.constant 0 : i32
      %dma_wait3A_1965 = tpu.memref_slice %arg10[%dma_wait3A_1962, %dma_wait3A_1963, %dma_wait3A_1964] : memref<5x80x64xf32, #tpu.memory_space<vmem>> -> memref<1x80x64xf32, #tpu.memory_space<vmem>>
      %dma_wait3A_1966 = tpu.memref_squeeze %dma_wait3A_1965 : memref<1x80x64xf32, #tpu.memory_space<vmem>> -> memref<80x64xf32, #tpu.memory_space<vmem>>
      %dma_wait3A_1967 = arith.constant 0 : i32
      %dma_wait3A_1968 = tpu.memref_slice %arg9[%add3A_1932, %dma_wait3A_1967] : memref<250x80xi32, #tpu.memory_space<vmem>> -> memref<1x80xi32, #tpu.memory_space<vmem>>
      %dma_wait3A_1969 = tpu.memref_squeeze %dma_wait3A_1968 : memref<1x80xi32, #tpu.memory_space<vmem>> -> memref<80xi32, #tpu.memory_space<vmem>>
      %dma_wait3A_1970 = arith.constant 0 : i32
      %dma_wait3A_1971 = arith.constant 0 : i32
      %dma_wait3A_1972 = tpu.memref_slice %arg16[%dma_wait3A_1970, %dma_wait3A_1971] : memref<10240x64xf32, #tpu.memory_space<vmem_shared>> -> memref<10240x64xf32, #tpu.memory_space<vmem_shared>>
      tpu.wait_indirect_dma semaphore(%arg26 : memref<!tpu.dma_semaphore, #tpu.memory_space<semaphore_mem>>) src(%dma_wait3A_1966 : memref<80x64xf32, #tpu.memory_space<vmem>>) dst(%dma_wait3A_1972 : memref<10240x64xf32, #tpu.memory_space<vmem_shared>>)
      %add3A_1973 = arith.constant 5 : i32
      %add3A_1974 = arith.addi %add3A_1932, %add3A_1973 : i32
      %lt3A_1975 = arith.constant 250 : i32
      %lt3A_1976 = arith.cmpi slt, %add3A_1974, %lt3A_1975 : i32
      %convert_element_type3A_1977 = arith.extui %lt3A_1976 : i1 to i32
      %cond3A_1978 = arith.constant 0 : i32
      %cond3A_1979 = arith.cmpi ne, %convert_element_type3A_1977, %cond3A_1978 : i32
      scf.if %cond3A_1979 {
        %dma_start3A_2032 = arith.constant 3 : i32
        %dma_start3A_2033 = arith.constant 0 : i32
        %dma_start3A_2034 = arith.constant 0 : i32
        %dma_start3A_2035 = tpu.memref_slice %arg10[%dma_start3A_2032, %dma_start3A_2033, %dma_start3A_2034] : memref<5x80x64xf32, #tpu.memory_space<vmem>> -> memref<1x80x64xf32, #tpu.memory_space<vmem>>
        %dma_start3A_2036 = tpu.memref_squeeze %dma_start3A_2035 : memref<1x80x64xf32, #tpu.memory_space<vmem>> -> memref<80x64xf32, #tpu.memory_space<vmem>>
        %dma_start3A_2037 = arith.constant 0 : i32
        %dma_start3A_2038 = tpu.memref_slice %arg8[%add3A_1974, %dma_start3A_2037] : memref<250x80xi32, #tpu.memory_space<vmem>> -> memref<1x80xi32, #tpu.memory_space<vmem>>
        %dma_start3A_2039 = tpu.memref_squeeze %dma_start3A_2038 : memref<1x80xi32, #tpu.memory_space<vmem>> -> memref<80xi32, #tpu.memory_space<vmem>>
        %dma_start3A_2040 = arith.constant 0 : i32
        %dma_start3A_2041 = arith.constant 0 : i32
        %dma_start3A_2042 = tpu.memref_slice %arg2[%dma_start3A_2040, %dma_start3A_2041] : memref<20000x64xf32, #tpu.memory_space<hbm>> -> memref<20000x64xf32, #tpu.memory_space<hbm>>
        tpu.enqueue_indirect_dma source(%dma_start3A_2042 : memref<20000x64xf32, #tpu.memory_space<hbm>>) target(%dma_start3A_2036 : memref<80x64xf32, #tpu.memory_space<vmem>>) offsets(%dma_start3A_2039 : memref<80xi32, #tpu.memory_space<vmem>>) semaphore(%arg21 : memref<!tpu.dma_semaphore, #tpu.memory_space<semaphore_mem>>)
      } else {
      }
      %mul3A_1980 = arith.constant 5 : i32
      %mul3A_1981 = arith.muli %scan3A_1777, %mul3A_1980 : i32
      %add3A_1982 = arith.constant 4 : i32
      %add3A_1983 = arith.addi %mul3A_1981, %add3A_1982 : i32
      %dma_wait3A_1984 = arith.constant 4 : i32
      %dma_wait3A_1985 = arith.constant 4 : i32
      %dma_wait3A_1986 = arith.constant 0 : i32
      %dma_wait3A_1987 = arith.constant 0 : i32
      %dma_wait3A_1988 = tpu.memref_slice %arg10[%dma_wait3A_1985, %dma_wait3A_1986, %dma_wait3A_1987] : memref<5x80x64xf32, #tpu.memory_space<vmem>> -> memref<1x80x64xf32, #tpu.memory_space<vmem>>
      %dma_wait3A_1989 = tpu.memref_squeeze %dma_wait3A_1988 : memref<1x80x64xf32, #tpu.memory_space<vmem>> -> memref<80x64xf32, #tpu.memory_space<vmem>>
      %dma_wait3A_1990 = arith.constant 0 : i32
      %dma_wait3A_1991 = tpu.memref_slice %arg8[%dma_wait3A_1984, %dma_wait3A_1990] : memref<250x80xi32, #tpu.memory_space<vmem>> -> memref<1x80xi32, #tpu.memory_space<vmem>>
      %dma_wait3A_1992 = tpu.memref_squeeze %dma_wait3A_1991 : memref<1x80xi32, #tpu.memory_space<vmem>> -> memref<80xi32, #tpu.memory_space<vmem>>
      %dma_wait3A_1993 = arith.constant 0 : i32
      %dma_wait3A_1994 = arith.constant 0 : i32
      %dma_wait3A_1995 = tpu.memref_slice %arg2[%dma_wait3A_1993, %dma_wait3A_1994] : memref<20000x64xf32, #tpu.memory_space<hbm>> -> memref<20000x64xf32, #tpu.memory_space<hbm>>
      tpu.wait_indirect_dma semaphore(%arg22 : memref<!tpu.dma_semaphore, #tpu.memory_space<semaphore_mem>>) src(%dma_wait3A_1995 : memref<20000x64xf32, #tpu.memory_space<hbm>>) dst(%dma_wait3A_1989 : memref<80x64xf32, #tpu.memory_space<vmem>>)
      %dma_start3A_1996 = arith.constant 4 : i32
      %dma_start3A_1997 = arith.constant 0 : i32
      %dma_start3A_1998 = arith.constant 0 : i32
      %dma_start3A_1999 = tpu.memref_slice %arg10[%dma_start3A_1996, %dma_start3A_1997, %dma_start3A_1998] : memref<5x80x64xf32, #tpu.memory_space<vmem>> -> memref<1x80x64xf32, #tpu.memory_space<vmem>>
      %dma_start3A_2000 = tpu.memref_squeeze %dma_start3A_1999 : memref<1x80x64xf32, #tpu.memory_space<vmem>> -> memref<80x64xf32, #tpu.memory_space<vmem>>
      %dma_start3A_2001 = arith.constant 0 : i32
      %dma_start3A_2002 = tpu.memref_slice %arg9[%add3A_1983, %dma_start3A_2001] : memref<250x80xi32, #tpu.memory_space<vmem>> -> memref<1x80xi32, #tpu.memory_space<vmem>>
      %dma_start3A_2003 = tpu.memref_squeeze %dma_start3A_2002 : memref<1x80xi32, #tpu.memory_space<vmem>> -> memref<80xi32, #tpu.memory_space<vmem>>
      %dma_start3A_2004 = arith.constant 0 : i32
      %dma_start3A_2005 = arith.constant 0 : i32
      %dma_start3A_2006 = tpu.memref_slice %arg16[%dma_start3A_2004, %dma_start3A_2005] : memref<10240x64xf32, #tpu.memory_space<vmem_shared>> -> memref<10240x64xf32, #tpu.memory_space<vmem_shared>>
      tpu.enqueue_indirect_dma source(%dma_start3A_2000 : memref<80x64xf32, #tpu.memory_space<vmem>>) target(%dma_start3A_2006 : memref<10240x64xf32, #tpu.memory_space<vmem_shared>>) offsets(%dma_start3A_2003 : memref<80xi32, #tpu.memory_space<vmem>>) semaphore(%arg27 : memref<!tpu.dma_semaphore, #tpu.memory_space<semaphore_mem>>) {add = true}
      %dma_start3A_2007 = arith.constant 0 : i32
      %dma_start3A_2008 = tpu.memref_slice %arg9[%add3A_1983, %dma_start3A_2007] : memref<250x80xi32, #tpu.memory_space<vmem>> -> memref<1x80xi32, #tpu.memory_space<vmem>>
      %dma_start3A_2009 = tpu.memref_squeeze %dma_start3A_2008 : memref<1x80xi32, #tpu.memory_space<vmem>> -> memref<80xi32, #tpu.memory_space<vmem>>
      %dma_start3A_2010 = arith.constant 0 : i32
      %dma_start3A_2011 = arith.constant 0 : i32
      %dma_start3A_2012 = tpu.memref_slice %arg17[%dma_start3A_2010, %dma_start3A_2011] : memref<10240x16xf32, #tpu.memory_space<vmem_shared>> -> memref<10240x16xf32, #tpu.memory_space<vmem_shared>>
      tpu.enqueue_indirect_dma source(%arg11 : memref<80x16xf32, #tpu.memory_space<vmem>>) target(%dma_start3A_2012 : memref<10240x16xf32, #tpu.memory_space<vmem_shared>>) offsets(%dma_start3A_2009 : memref<80xi32, #tpu.memory_space<vmem>>) semaphore(%arg28 : memref<!tpu.dma_semaphore, #tpu.memory_space<semaphore_mem>>) {add = true}
      %dma_wait3A_2013 = arith.constant 4 : i32
      %dma_wait3A_2014 = arith.constant 0 : i32
      %dma_wait3A_2015 = arith.constant 0 : i32
      %dma_wait3A_2016 = tpu.memref_slice %arg10[%dma_wait3A_2013, %dma_wait3A_2014, %dma_wait3A_2015] : memref<5x80x64xf32, #tpu.memory_space<vmem>> -> memref<1x80x64xf32, #tpu.memory_space<vmem>>
      %dma_wait3A_2017 = tpu.memref_squeeze %dma_wait3A_2016 : memref<1x80x64xf32, #tpu.memory_space<vmem>> -> memref<80x64xf32, #tpu.memory_space<vmem>>
      %dma_wait3A_2018 = arith.constant 0 : i32
      %dma_wait3A_2019 = tpu.memref_slice %arg9[%add3A_1983, %dma_wait3A_2018] : memref<250x80xi32, #tpu.memory_space<vmem>> -> memref<1x80xi32, #tpu.memory_space<vmem>>
      %dma_wait3A_2020 = tpu.memref_squeeze %dma_wait3A_2019 : memref<1x80xi32, #tpu.memory_space<vmem>> -> memref<80xi32, #tpu.memory_space<vmem>>
      %dma_wait3A_2021 = arith.constant 0 : i32
      %dma_wait3A_2022 = arith.constant 0 : i32
      %dma_wait3A_2023 = tpu.memref_slice %arg16[%dma_wait3A_2021, %dma_wait3A_2022] : memref<10240x64xf32, #tpu.memory_space<vmem_shared>> -> memref<10240x64xf32, #tpu.memory_space<vmem_shared>>
      tpu.wait_indirect_dma semaphore(%arg27 : memref<!tpu.dma_semaphore, #tpu.memory_space<semaphore_mem>>) src(%dma_wait3A_2017 : memref<80x64xf32, #tpu.memory_space<vmem>>) dst(%dma_wait3A_2023 : memref<10240x64xf32, #tpu.memory_space<vmem_shared>>)
      %add3A_2024 = arith.constant 5 : i32
      %add3A_2025 = arith.addi %add3A_1983, %add3A_2024 : i32
      %lt3A_2026 = arith.constant 250 : i32
      %lt3A_2027 = arith.cmpi slt, %add3A_2025, %lt3A_2026 : i32
      %convert_element_type3A_2028 = arith.extui %lt3A_2027 : i1 to i32
      %cond3A_2029 = arith.constant 0 : i32
      %cond3A_2030 = arith.cmpi ne, %convert_element_type3A_2028, %cond3A_2029 : i32
      scf.if %cond3A_2030 {
        %dma_start3A_2032 = arith.constant 4 : i32
        %dma_start3A_2033 = arith.constant 0 : i32
        %dma_start3A_2034 = arith.constant 0 : i32
        %dma_start3A_2035 = tpu.memref_slice %arg10[%dma_start3A_2032, %dma_start3A_2033, %dma_start3A_2034] : memref<5x80x64xf32, #tpu.memory_space<vmem>> -> memref<1x80x64xf32, #tpu.memory_space<vmem>>
        %dma_start3A_2036 = tpu.memref_squeeze %dma_start3A_2035 : memref<1x80x64xf32, #tpu.memory_space<vmem>> -> memref<80x64xf32, #tpu.memory_space<vmem>>
        %dma_start3A_2037 = arith.constant 0 : i32
        %dma_start3A_2038 = tpu.memref_slice %arg8[%add3A_2025, %dma_start3A_2037] : memref<250x80xi32, #tpu.memory_space<vmem>> -> memref<1x80xi32, #tpu.memory_space<vmem>>
        %dma_start3A_2039 = tpu.memref_squeeze %dma_start3A_2038 : memref<1x80xi32, #tpu.memory_space<vmem>> -> memref<80xi32, #tpu.memory_space<vmem>>
        %dma_start3A_2040 = arith.constant 0 : i32
        %dma_start3A_2041 = arith.constant 0 : i32
        %dma_start3A_2042 = tpu.memref_slice %arg2[%dma_start3A_2040, %dma_start3A_2041] : memref<20000x64xf32, #tpu.memory_space<hbm>> -> memref<20000x64xf32, #tpu.memory_space<hbm>>
        tpu.enqueue_indirect_dma source(%dma_start3A_2042 : memref<20000x64xf32, #tpu.memory_space<hbm>>) target(%dma_start3A_2036 : memref<80x64xf32, #tpu.memory_space<vmem>>) offsets(%dma_start3A_2039 : memref<80xi32, #tpu.memory_space<vmem>>) semaphore(%arg22 : memref<!tpu.dma_semaphore, #tpu.memory_space<semaphore_mem>>)
      } else {
      }
      %scan3A_2031 = arith.constant 0 : i32
      scf.yield %scan3A_2031 : i32
    }
    %scan3A_1761 = arith.constant 50 : i32
    %scan3A_1762 = arith.constant 0 : i32
    %scan3A_1763 = arith.constant 0 : i32
    %scan3A_1764 = arith.constant 250 : i32
    %scan3A_1765 = arith.addi %scan3A_1763, %scan3A_1764 : i32
    %scan3A_1766 = arith.constant 1 : i32
    %scan3A_1767 = scf.for %scan3A_1777 = %scan3A_1763 to %scan3A_1765 step %scan3A_1766 iter_args(%scan3A_1778 = %scan3A_1762) -> (i32)  : i32 {
      %dma_wait3A = arith.constant 0 : i32
      %dma_wait3A_1779 = arith.constant 0 : i32
      %dma_wait3A_1780 = tpu.memref_slice %arg9[%dma_wait3A, %dma_wait3A_1779] : memref<250x80xi32, #tpu.memory_space<vmem>> -> memref<1x80xi32, #tpu.memory_space<vmem>>
      %dma_wait3A_1781 = tpu.memref_squeeze %dma_wait3A_1780 : memref<1x80xi32, #tpu.memory_space<vmem>> -> memref<80xi32, #tpu.memory_space<vmem>>
      %dma_wait3A_1782 = arith.constant 0 : i32
      %dma_wait3A_1783 = arith.constant 0 : i32
      %dma_wait3A_1784 = tpu.memref_slice %arg17[%dma_wait3A_1782, %dma_wait3A_1783] : memref<10240x16xf32, #tpu.memory_space<vmem_shared>> -> memref<10240x16xf32, #tpu.memory_space<vmem_shared>>
      tpu.wait_indirect_dma semaphore(%arg28 : memref<!tpu.dma_semaphore, #tpu.memory_space<semaphore_mem>>) src(%arg11 : memref<80x16xf32, #tpu.memory_space<vmem>>) dst(%dma_wait3A_1784 : memref<10240x16xf32, #tpu.memory_space<vmem_shared>>)
      %scan3A_1785 = arith.constant 0 : i32
      scf.yield %scan3A_1785 : i32
    }
    %scan3A_1768 = arith.constant 250 : i32
    %barrier3A_1769 = arith.constant 0 : index
    tpu.barrier barrier_id(%barrier3A_1769)
    %scan3A_1770 = arith.constant 0 : i32
    %scan3A_1771 = arith.constant 0 : i32
    %scan3A_1772 = arith.constant 16 : i32
    %scan3A_1773 = arith.addi %scan3A_1771, %scan3A_1772 : i32
    %scan3A_1774 = arith.constant 1 : i32
    %scan3A_1775 = scf.for %scan3A_1777 = %scan3A_1771 to %scan3A_1773 step %scan3A_1774 iter_args(%scan3A_1778 = %scan3A_1770) -> (i32)  : i32 {
      %mul3A_1779 = arith.constant 640 : i32
      %mul3A_1780 = arith.muli %arg1, %mul3A_1779 : i32
      %mul3A_1781 = arith.constant 40 : i32
      %mul3A_1782 = arith.muli %scan3A_1777, %mul3A_1781 : i32
      %add3A = arith.addi %mul3A_1780, %mul3A_1782 : i32
      "tpu.region"() ({
        %run_scoped3A = tpu.sem_alloc : memref<!tpu.dma_semaphore, #tpu.memory_space<semaphore_mem>>
        %dma_start3A_4144 = arith.constant 0 : i32
        %dma_start3A_4145 = tpu.memref_slice %arg16[%add3A, %dma_start3A_4144] : memref<10240x64xf32, #tpu.memory_space<vmem_shared>> -> memref<40x64xf32, #tpu.memory_space<vmem_shared>>
        %dma_start3A_4146 = arith.constant 0 : i32
        %dma_start3A_4147 = tpu.memref_slice %arg16[%add3A, %dma_start3A_4146] : memref<10240x64xf32, #tpu.memory_space<vmem_shared>> -> memref<40x64xf32, #tpu.memory_space<vmem_shared>>
        tpu.enqueue_dma source(%dma_start3A_4147 : memref<40x64xf32, #tpu.memory_space<vmem_shared>>) target(%arg14 : memref<40x64xf32, #tpu.memory_space<vmem>>) target_semaphore(%run_scoped3A : memref<!tpu.dma_semaphore, #tpu.memory_space<semaphore_mem>>)
        %dma_wait3A = arith.constant 0 : i32
        %dma_wait3A_4148 = tpu.memref_slice %arg16[%add3A, %dma_wait3A] : memref<10240x64xf32, #tpu.memory_space<vmem_shared>> -> memref<40x64xf32, #tpu.memory_space<vmem_shared>>
        %dma_wait3A_4149 = arith.constant 0 : i32
        %dma_wait3A_4150 = tpu.memref_slice %arg16[%add3A, %dma_wait3A_4149] : memref<10240x64xf32, #tpu.memory_space<vmem_shared>> -> memref<40x64xf32, #tpu.memory_space<vmem_shared>>
        tpu.wait_dma2 semaphore(%run_scoped3A : memref<!tpu.dma_semaphore, #tpu.memory_space<semaphore_mem>>) src(%dma_wait3A_4150 : memref<40x64xf32, #tpu.memory_space<vmem_shared>>) dst(%arg14 : memref<40x64xf32, #tpu.memory_space<vmem>>)
        tpu.yield
      }) : () -> ()
      "tpu.region"() ({
        %run_scoped3A = tpu.sem_alloc : memref<!tpu.dma_semaphore, #tpu.memory_space<semaphore_mem>>
        %dma_start3A_4144 = arith.constant 0 : i32
        %dma_start3A_4145 = tpu.memref_slice %arg17[%add3A, %dma_start3A_4144] : memref<10240x16xf32, #tpu.memory_space<vmem_shared>> -> memref<40x16xf32, #tpu.memory_space<vmem_shared>>
        %dma_start3A_4146 = arith.constant 0 : i32
        %dma_start3A_4147 = tpu.memref_slice %arg17[%add3A, %dma_start3A_4146] : memref<10240x16xf32, #tpu.memory_space<vmem_shared>> -> memref<40x16xf32, #tpu.memory_space<vmem_shared>>
        tpu.enqueue_dma source(%dma_start3A_4147 : memref<40x16xf32, #tpu.memory_space<vmem_shared>>) target(%arg15 : memref<40x16xf32, #tpu.memory_space<vmem>>) target_semaphore(%run_scoped3A : memref<!tpu.dma_semaphore, #tpu.memory_space<semaphore_mem>>)
        %dma_wait3A = arith.constant 0 : i32
        %dma_wait3A_4148 = tpu.memref_slice %arg17[%add3A, %dma_wait3A] : memref<10240x16xf32, #tpu.memory_space<vmem_shared>> -> memref<40x16xf32, #tpu.memory_space<vmem_shared>>
        %dma_wait3A_4149 = arith.constant 0 : i32
        %dma_wait3A_4150 = tpu.memref_slice %arg17[%add3A, %dma_wait3A_4149] : memref<10240x16xf32, #tpu.memory_space<vmem_shared>> -> memref<40x16xf32, #tpu.memory_space<vmem_shared>>
        tpu.wait_dma2 semaphore(%run_scoped3A : memref<!tpu.dma_semaphore, #tpu.memory_space<semaphore_mem>>) src(%dma_wait3A_4150 : memref<40x16xf32, #tpu.memory_space<vmem_shared>>) dst(%arg15 : memref<40x16xf32, #tpu.memory_space<vmem>>)
        tpu.yield
      }) : () -> ()
      %get3A = arith.constant 0 : i32
      %get3A_1783 = arith.index_cast %get3A : i32 to index
      %get3A_1784 = arith.constant 0 : index
      %get3A_1785 = tpu.vector_load %arg15[%get3A_1783, %get3A_1784] {strides = array<i32>} : memref<40x16xf32, #tpu.memory_space<vmem>>, vector<1x16xf32>,
      %get3A_1786 = vector.shape_cast %get3A_1785 : vector<1x16xf32> to vector<16xf32>
      %max3A = arith.constant 1.000000e+00 : f32
      %max3A_1787 = vector.broadcast %max3A : f32 to vector<16xf32>
      %max3A_1788 = arith.maximumf %get3A_1786, %max3A_1787 : vector<16xf32>
      %div3A = arith.constant 1.000000e+00 : f32
      %div3A_1789 = vector.broadcast %div3A : f32 to vector<16xf32>
      %div3A_1790 = arith.divf %div3A_1789, %max3A_1788 : vector<16xf32>
      %get3A_1791 = arith.constant 0 : i32
      %get3A_1792 = arith.index_cast %get3A_1791 : i32 to index
      %get3A_1793 = arith.constant 0 : index
      %get3A_1794 = tpu.vector_load %arg14[%get3A_1792, %get3A_1793] {strides = array<i32>} : memref<40x64xf32, #tpu.memory_space<vmem>>, vector<1x16xf32>,
      %get3A_1795 = vector.shape_cast %get3A_1794 : vector<1x16xf32> to vector<16xf32>
      %mul3A_1796 = arith.mulf %get3A_1795, %div3A_1790 : vector<16xf32>
      %swap3A_1797 = arith.constant 0 : i32
      %swap3A_1798 = arith.index_cast %swap3A_1797 : i32 to index
      %swap3A_1799 = arith.constant 0 : index
      %swap3A_1800 = tpu.vector_load %arg14[%swap3A_1798, %swap3A_1799] {strides = array<i32>} : memref<40x64xf32, #tpu.memory_space<vmem>>, vector<1x16xf32>,
      %swap3A_1801 = vector.shape_cast %swap3A_1800 : vector<1x16xf32> to vector<16xf32>
      %swap3A_1802 = vector.shape_cast %mul3A_1796 : vector<16xf32> to vector<1x16xf32>
      tpu.vector_store %arg14[%swap3A_1798, %swap3A_1799], %swap3A_1802 {strides = array<i32>} : memref<40x64xf32, #tpu.memory_space<vmem>>, vector<1x16xf32>,
      %get3A_1803 = arith.constant 0 : i32
      %get3A_1804 = arith.index_cast %get3A_1803 : i32 to index
      %get3A_1805 = arith.constant 16 : index
      %get3A_1806 = tpu.vector_load %arg14[%get3A_1804, %get3A_1805] {strides = array<i32>} : memref<40x64xf32, #tpu.memory_space<vmem>>, vector<1x16xf32>,
      %get3A_1807 = vector.shape_cast %get3A_1806 : vector<1x16xf32> to vector<16xf32>
      %mul3A_1808 = arith.mulf %get3A_1807, %div3A_1790 : vector<16xf32>
      %swap3A_1809 = arith.constant 0 : i32
      %swap3A_1810 = arith.index_cast %swap3A_1809 : i32 to index
      %swap3A_1811 = arith.constant 16 : index
      %swap3A_1812 = tpu.vector_load %arg14[%swap3A_1810, %swap3A_1811] {strides = array<i32>} : memref<40x64xf32, #tpu.memory_space<vmem>>, vector<1x16xf32>,
      %swap3A_1813 = vector.shape_cast %swap3A_1812 : vector<1x16xf32> to vector<16xf32>
      %swap3A_1814 = vector.shape_cast %mul3A_1808 : vector<16xf32> to vector<1x16xf32>
      tpu.vector_store %arg14[%swap3A_1810, %swap3A_1811], %swap3A_1814 {strides = array<i32>} : memref<40x64xf32, #tpu.memory_space<vmem>>, vector<1x16xf32>,
      %get3A_1815 = arith.constant 0 : i32
      %get3A_1816 = arith.index_cast %get3A_1815 : i32 to index
      %get3A_1817 = arith.constant 32 : index
      %get3A_1818 = tpu.vector_load %arg14[%get3A_1816, %get3A_1817] {strides = array<i32>} : memref<40x64xf32, #tpu.memory_space<vmem>>, vector<1x16xf32>,
      %get3A_1819 = vector.shape_cast %get3A_1818 : vector<1x16xf32> to vector<16xf32>
      %mul3A_1820 = arith.mulf %get3A_1819, %div3A_1790 : vector<16xf32>
      %swap3A_1821 = arith.constant 0 : i32
      %swap3A_1822 = arith.index_cast %swap3A_1821 : i32 to index
      %swap3A_1823 = arith.constant 32 : index
      %swap3A_1824 = tpu.vector_load %arg14[%swap3A_1822, %swap3A_1823] {strides = array<i32>} : memref<40x64xf32, #tpu.memory_space<vmem>>, vector<1x16xf32>,
      %swap3A_1825 = vector.shape_cast %swap3A_1824 : vector<1x16xf32> to vector<16xf32>
      %swap3A_1826 = vector.shape_cast %mul3A_1820 : vector<16xf32> to vector<1x16xf32>
      tpu.vector_store %arg14[%swap3A_1822, %swap3A_1823], %swap3A_1826 {strides = array<i32>} : memref<40x64xf32, #tpu.memory_space<vmem>>, vector<1x16xf32>,
      %get3A_1827 = arith.constant 0 : i32
      %get3A_1828 = arith.index_cast %get3A_1827 : i32 to index
      %get3A_1829 = arith.constant 48 : index
      %get3A_1830 = tpu.vector_load %arg14[%get3A_1828, %get3A_1829] {strides = array<i32>} : memref<40x64xf32, #tpu.memory_space<vmem>>, vector<1x16xf32>,
      %get3A_1831 = vector.shape_cast %get3A_1830 : vector<1x16xf32> to vector<16xf32>
      %mul3A_1832 = arith.mulf %get3A_1831, %div3A_1790 : vector<16xf32>
      %swap3A_1833 = arith.constant 0 : i32
      %swap3A_1834 = arith.index_cast %swap3A_1833 : i32 to index
      %swap3A_1835 = arith.constant 48 : index
      %swap3A_1836 = tpu.vector_load %arg14[%swap3A_1834, %swap3A_1835] {strides = array<i32>} : memref<40x64xf32, #tpu.memory_space<vmem>>, vector<1x16xf32>,
      %swap3A_1837 = vector.shape_cast %swap3A_1836 : vector<1x16xf32> to vector<16xf32>
      %swap3A_1838 = vector.shape_cast %mul3A_1832 : vector<16xf32> to vector<1x16xf32>
      tpu.vector_store %arg14[%swap3A_1834, %swap3A_1835], %swap3A_1838 {strides = array<i32>} : memref<40x64xf32, #tpu.memory_space<vmem>>, vector<1x16xf32>,
      %get3A_1839 = arith.constant 1 : i32
      %get3A_1840 = arith.index_cast %get3A_1839 : i32 to index
      %get3A_1841 = arith.constant 0 : index
      %get3A_1842 = tpu.vector_load %arg15[%get3A_1840, %get3A_1841] {strides = array<i32>} : memref<40x16xf32, #tpu.memory_space<vmem>>, vector<1x16xf32>,
      %get3A_1843 = vector.shape_cast %get3A_1842 : vector<1x16xf32> to vector<16xf32>
      %max3A_1844 = arith.constant 1.000000e+00 : f32
      %max3A_1845 = vector.broadcast %max3A_1844 : f32 to vector<16xf32>
      %max3A_1846 = arith.maximumf %get3A_1843, %max3A_1845 : vector<16xf32>
      %div3A_1847 = arith.constant 1.000000e+00 : f32
      %div3A_1848 = vector.broadcast %div3A_1847 : f32 to vector<16xf32>
      %div3A_1849 = arith.divf %div3A_1848, %max3A_1846 : vector<16xf32>
      %get3A_1850 = arith.constant 1 : i32
      %get3A_1851 = arith.index_cast %get3A_1850 : i32 to index
      %get3A_1852 = arith.constant 0 : index
      %get3A_1853 = tpu.vector_load %arg14[%get3A_1851, %get3A_1852] {strides = array<i32>} : memref<40x64xf32, #tpu.memory_space<vmem>>, vector<1x16xf32>,
      %get3A_1854 = vector.shape_cast %get3A_1853 : vector<1x16xf32> to vector<16xf32>
      %mul3A_1855 = arith.mulf %get3A_1854, %div3A_1849 : vector<16xf32>
      %swap3A_1856 = arith.constant 1 : i32
      %swap3A_1857 = arith.index_cast %swap3A_1856 : i32 to index
      %swap3A_1858 = arith.constant 0 : index
      %swap3A_1859 = tpu.vector_load %arg14[%swap3A_1857, %swap3A_1858] {strides = array<i32>} : memref<40x64xf32, #tpu.memory_space<vmem>>, vector<1x16xf32>,
      %swap3A_1860 = vector.shape_cast %swap3A_1859 : vector<1x16xf32> to vector<16xf32>
      %swap3A_1861 = vector.shape_cast %mul3A_1855 : vector<16xf32> to vector<1x16xf32>
      tpu.vector_store %arg14[%swap3A_1857, %swap3A_1858], %swap3A_1861 {strides = array<i32>} : memref<40x64xf32, #tpu.memory_space<vmem>>, vector<1x16xf32>,
      %get3A_1862 = arith.constant 1 : i32
      %get3A_1863 = arith.index_cast %get3A_1862 : i32 to index
      %get3A_1864 = arith.constant 16 : index
      %get3A_1865 = tpu.vector_load %arg14[%get3A_1863, %get3A_1864] {strides = array<i32>} : memref<40x64xf32, #tpu.memory_space<vmem>>, vector<1x16xf32>,
      %get3A_1866 = vector.shape_cast %get3A_1865 : vector<1x16xf32> to vector<16xf32>
      %mul3A_1867 = arith.mulf %get3A_1866, %div3A_1849 : vector<16xf32>
      %swap3A_1868 = arith.constant 1 : i32
      %swap3A_1869 = arith.index_cast %swap3A_1868 : i32 to index
      %swap3A_1870 = arith.constant 16 : index
      %swap3A_1871 = tpu.vector_load %arg14[%swap3A_1869, %swap3A_1870] {strides = array<i32>} : memref<40x64xf32, #tpu.memory_space<vmem>>, vector<1x16xf32>,
      %swap3A_1872 = vector.shape_cast %swap3A_1871 : vector<1x16xf32> to vector<16xf32>
      %swap3A_1873 = vector.shape_cast %mul3A_1867 : vector<16xf32> to vector<1x16xf32>
      tpu.vector_store %arg14[%swap3A_1869, %swap3A_1870], %swap3A_1873 {strides = array<i32>} : memref<40x64xf32, #tpu.memory_space<vmem>>, vector<1x16xf32>,
      %get3A_1874 = arith.constant 1 : i32
      %get3A_1875 = arith.index_cast %get3A_1874 : i32 to index
      %get3A_1876 = arith.constant 32 : index
      %get3A_1877 = tpu.vector_load %arg14[%get3A_1875, %get3A_1876] {strides = array<i32>} : memref<40x64xf32, #tpu.memory_space<vmem>>, vector<1x16xf32>,
      %get3A_1878 = vector.shape_cast %get3A_1877 : vector<1x16xf32> to vector<16xf32>
      %mul3A_1879 = arith.mulf %get3A_1878, %div3A_1849 : vector<16xf32>
      %swap3A_1880 = arith.constant 1 : i32
      %swap3A_1881 = arith.index_cast %swap3A_1880 : i32 to index
      %swap3A_1882 = arith.constant 32 : index
      %swap3A_1883 = tpu.vector_load %arg14[%swap3A_1881, %swap3A_1882] {strides = array<i32>} : memref<40x64xf32, #tpu.memory_space<vmem>>, vector<1x16xf32>,
      %swap3A_1884 = vector.shape_cast %swap3A_1883 : vector<1x16xf32> to vector<16xf32>
      %swap3A_1885 = vector.shape_cast %mul3A_1879 : vector<16xf32> to vector<1x16xf32>
      tpu.vector_store %arg14[%swap3A_1881, %swap3A_1882], %swap3A_1885 {strides = array<i32>} : memref<40x64xf32, #tpu.memory_space<vmem>>, vector<1x16xf32>,
      %get3A_1886 = arith.constant 1 : i32
      %get3A_1887 = arith.index_cast %get3A_1886 : i32 to index
      %get3A_1888 = arith.constant 48 : index
      %get3A_1889 = tpu.vector_load %arg14[%get3A_1887, %get3A_1888] {strides = array<i32>} : memref<40x64xf32, #tpu.memory_space<vmem>>, vector<1x16xf32>,
      %get3A_1890 = vector.shape_cast %get3A_1889 : vector<1x16xf32> to vector<16xf32>
      %mul3A_1891 = arith.mulf %get3A_1890, %div3A_1849 : vector<16xf32>
      %swap3A_1892 = arith.constant 1 : i32
      %swap3A_1893 = arith.index_cast %swap3A_1892 : i32 to index
      %swap3A_1894 = arith.constant 48 : index
      %swap3A_1895 = tpu.vector_load %arg14[%swap3A_1893, %swap3A_1894] {strides = array<i32>} : memref<40x64xf32, #tpu.memory_space<vmem>>, vector<1x16xf32>,
      %swap3A_1896 = vector.shape_cast %swap3A_1895 : vector<1x16xf32> to vector<16xf32>
      %swap3A_1897 = vector.shape_cast %mul3A_1891 : vector<16xf32> to vector<1x16xf32>
      tpu.vector_store %arg14[%swap3A_1893, %swap3A_1894], %swap3A_1897 {strides = array<i32>} : memref<40x64xf32, #tpu.memory_space<vmem>>, vector<1x16xf32>,
      %get3A_1898 = arith.constant 2 : i32
      %get3A_1899 = arith.index_cast %get3A_1898 : i32 to index
      %get3A_1900 = arith.constant 0 : index
      %get3A_1901 = tpu.vector_load %arg15[%get3A_1899, %get3A_1900] {strides = array<i32>} : memref<40x16xf32, #tpu.memory_space<vmem>>, vector<1x16xf32>,
      %get3A_1902 = vector.shape_cast %get3A_1901 : vector<1x16xf32> to vector<16xf32>
      %max3A_1903 = arith.constant 1.000000e+00 : f32
      %max3A_1904 = vector.broadcast %max3A_1903 : f32 to vector<16xf32>
      %max3A_1905 = arith.maximumf %get3A_1902, %max3A_1904 : vector<16xf32>
      %div3A_1906 = arith.constant 1.000000e+00 : f32
      %div3A_1907 = vector.broadcast %div3A_1906 : f32 to vector<16xf32>
      %div3A_1908 = arith.divf %div3A_1907, %max3A_1905 : vector<16xf32>
      %get3A_1909 = arith.constant 2 : i32
      %get3A_1910 = arith.index_cast %get3A_1909 : i32 to index
      %get3A_1911 = arith.constant 0 : index
      %get3A_1912 = tpu.vector_load %arg14[%get3A_1910, %get3A_1911] {strides = array<i32>} : memref<40x64xf32, #tpu.memory_space<vmem>>, vector<1x16xf32>,
      %get3A_1913 = vector.shape_cast %get3A_1912 : vector<1x16xf32> to vector<16xf32>
      %mul3A_1914 = arith.mulf %get3A_1913, %div3A_1908 : vector<16xf32>
      %swap3A_1915 = arith.constant 2 : i32
      %swap3A_1916 = arith.index_cast %swap3A_1915 : i32 to index
      %swap3A_1917 = arith.constant 0 : index
      %swap3A_1918 = tpu.vector_load %arg14[%swap3A_1916, %swap3A_1917] {strides = array<i32>} : memref<40x64xf32, #tpu.memory_space<vmem>>, vector<1x16xf32>,
      %swap3A_1919 = vector.shape_cast %swap3A_1918 : vector<1x16xf32> to vector<16xf32>
      %swap3A_1920 = vector.shape_cast %mul3A_1914 : vector<16xf32> to vector<1x16xf32>
      tpu.vector_store %arg14[%swap3A_1916, %swap3A_1917], %swap3A_1920 {strides = array<i32>} : memref<40x64xf32, #tpu.memory_space<vmem>>, vector<1x16xf32>,
      %get3A_1921 = arith.constant 2 : i32
      %get3A_1922 = arith.index_cast %get3A_1921 : i32 to index
      %get3A_1923 = arith.constant 16 : index
      %get3A_1924 = tpu.vector_load %arg14[%get3A_1922, %get3A_1923] {strides = array<i32>} : memref<40x64xf32, #tpu.memory_space<vmem>>, vector<1x16xf32>,
      %get3A_1925 = vector.shape_cast %get3A_1924 : vector<1x16xf32> to vector<16xf32>
      %mul3A_1926 = arith.mulf %get3A_1925, %div3A_1908 : vector<16xf32>
      %swap3A_1927 = arith.constant 2 : i32
      %swap3A_1928 = arith.index_cast %swap3A_1927 : i32 to index
      %swap3A_1929 = arith.constant 16 : index
      %swap3A_1930 = tpu.vector_load %arg14[%swap3A_1928, %swap3A_1929] {strides = array<i32>} : memref<40x64xf32, #tpu.memory_space<vmem>>, vector<1x16xf32>,
      %swap3A_1931 = vector.shape_cast %swap3A_1930 : vector<1x16xf32> to vector<16xf32>
      %swap3A_1932 = vector.shape_cast %mul3A_1926 : vector<16xf32> to vector<1x16xf32>
      tpu.vector_store %arg14[%swap3A_1928, %swap3A_1929], %swap3A_1932 {strides = array<i32>} : memref<40x64xf32, #tpu.memory_space<vmem>>, vector<1x16xf32>,
      %get3A_1933 = arith.constant 2 : i32
      %get3A_1934 = arith.index_cast %get3A_1933 : i32 to index
      %get3A_1935 = arith.constant 32 : index
      %get3A_1936 = tpu.vector_load %arg14[%get3A_1934, %get3A_1935] {strides = array<i32>} : memref<40x64xf32, #tpu.memory_space<vmem>>, vector<1x16xf32>,
      %get3A_1937 = vector.shape_cast %get3A_1936 : vector<1x16xf32> to vector<16xf32>
      %mul3A_1938 = arith.mulf %get3A_1937, %div3A_1908 : vector<16xf32>
      %swap3A_1939 = arith.constant 2 : i32
      %swap3A_1940 = arith.index_cast %swap3A_1939 : i32 to index
      %swap3A_1941 = arith.constant 32 : index
      %swap3A_1942 = tpu.vector_load %arg14[%swap3A_1940, %swap3A_1941] {strides = array<i32>} : memref<40x64xf32, #tpu.memory_space<vmem>>, vector<1x16xf32>,
      %swap3A_1943 = vector.shape_cast %swap3A_1942 : vector<1x16xf32> to vector<16xf32>
      %swap3A_1944 = vector.shape_cast %mul3A_1938 : vector<16xf32> to vector<1x16xf32>
      tpu.vector_store %arg14[%swap3A_1940, %swap3A_1941], %swap3A_1944 {strides = array<i32>} : memref<40x64xf32, #tpu.memory_space<vmem>>, vector<1x16xf32>,
      %get3A_1945 = arith.constant 2 : i32
      %get3A_1946 = arith.index_cast %get3A_1945 : i32 to index
      %get3A_1947 = arith.constant 48 : index
      %get3A_1948 = tpu.vector_load %arg14[%get3A_1946, %get3A_1947] {strides = array<i32>} : memref<40x64xf32, #tpu.memory_space<vmem>>, vector<1x16xf32>,
      %get3A_1949 = vector.shape_cast %get3A_1948 : vector<1x16xf32> to vector<16xf32>
      %mul3A_1950 = arith.mulf %get3A_1949, %div3A_1908 : vector<16xf32>
      %swap3A_1951 = arith.constant 2 : i32
      %swap3A_1952 = arith.index_cast %swap3A_1951 : i32 to index
      %swap3A_1953 = arith.constant 48 : index
      %swap3A_1954 = tpu.vector_load %arg14[%swap3A_1952, %swap3A_1953] {strides = array<i32>} : memref<40x64xf32, #tpu.memory_space<vmem>>, vector<1x16xf32>,
      %swap3A_1955 = vector.shape_cast %swap3A_1954 : vector<1x16xf32> to vector<16xf32>
      %swap3A_1956 = vector.shape_cast %mul3A_1950 : vector<16xf32> to vector<1x16xf32>
      tpu.vector_store %arg14[%swap3A_1952, %swap3A_1953], %swap3A_1956 {strides = array<i32>} : memref<40x64xf32, #tpu.memory_space<vmem>>, vector<1x16xf32>,
      %get3A_1957 = arith.constant 3 : i32
      %get3A_1958 = arith.index_cast %get3A_1957 : i32 to index
      %get3A_1959 = arith.constant 0 : index
      %get3A_1960 = tpu.vector_load %arg15[%get3A_1958, %get3A_1959] {strides = array<i32>} : memref<40x16xf32, #tpu.memory_space<vmem>>, vector<1x16xf32>,
      %get3A_1961 = vector.shape_cast %get3A_1960 : vector<1x16xf32> to vector<16xf32>
      %max3A_1962 = arith.constant 1.000000e+00 : f32
      %max3A_1963 = vector.broadcast %max3A_1962 : f32 to vector<16xf32>
      %max3A_1964 = arith.maximumf %get3A_1961, %max3A_1963 : vector<16xf32>
      %div3A_1965 = arith.constant 1.000000e+00 : f32
      %div3A_1966 = vector.broadcast %div3A_1965 : f32 to vector<16xf32>
      %div3A_1967 = arith.divf %div3A_1966, %max3A_1964 : vector<16xf32>
      %get3A_1968 = arith.constant 3 : i32
      %get3A_1969 = arith.index_cast %get3A_1968 : i32 to index
      %get3A_1970 = arith.constant 0 : index
      %get3A_1971 = tpu.vector_load %arg14[%get3A_1969, %get3A_1970] {strides = array<i32>} : memref<40x64xf32, #tpu.memory_space<vmem>>, vector<1x16xf32>,
      %get3A_1972 = vector.shape_cast %get3A_1971 : vector<1x16xf32> to vector<16xf32>
      %mul3A_1973 = arith.mulf %get3A_1972, %div3A_1967 : vector<16xf32>
      %swap3A_1974 = arith.constant 3 : i32
      %swap3A_1975 = arith.index_cast %swap3A_1974 : i32 to index
      %swap3A_1976 = arith.constant 0 : index
      %swap3A_1977 = tpu.vector_load %arg14[%swap3A_1975, %swap3A_1976] {strides = array<i32>} : memref<40x64xf32, #tpu.memory_space<vmem>>, vector<1x16xf32>,
      %swap3A_1978 = vector.shape_cast %swap3A_1977 : vector<1x16xf32> to vector<16xf32>
      %swap3A_1979 = vector.shape_cast %mul3A_1973 : vector<16xf32> to vector<1x16xf32>
      tpu.vector_store %arg14[%swap3A_1975, %swap3A_1976], %swap3A_1979 {strides = array<i32>} : memref<40x64xf32, #tpu.memory_space<vmem>>, vector<1x16xf32>,
      %get3A_1980 = arith.constant 3 : i32
      %get3A_1981 = arith.index_cast %get3A_1980 : i32 to index
      %get3A_1982 = arith.constant 16 : index
      %get3A_1983 = tpu.vector_load %arg14[%get3A_1981, %get3A_1982] {strides = array<i32>} : memref<40x64xf32, #tpu.memory_space<vmem>>, vector<1x16xf32>,
      %get3A_1984 = vector.shape_cast %get3A_1983 : vector<1x16xf32> to vector<16xf32>
      %mul3A_1985 = arith.mulf %get3A_1984, %div3A_1967 : vector<16xf32>
      %swap3A_1986 = arith.constant 3 : i32
      %swap3A_1987 = arith.index_cast %swap3A_1986 : i32 to index
      %swap3A_1988 = arith.constant 16 : index
      %swap3A_1989 = tpu.vector_load %arg14[%swap3A_1987, %swap3A_1988] {strides = array<i32>} : memref<40x64xf32, #tpu.memory_space<vmem>>, vector<1x16xf32>,
      %swap3A_1990 = vector.shape_cast %swap3A_1989 : vector<1x16xf32> to vector<16xf32>
      %swap3A_1991 = vector.shape_cast %mul3A_1985 : vector<16xf32> to vector<1x16xf32>
      tpu.vector_store %arg14[%swap3A_1987, %swap3A_1988], %swap3A_1991 {strides = array<i32>} : memref<40x64xf32, #tpu.memory_space<vmem>>, vector<1x16xf32>,
      %get3A_1992 = arith.constant 3 : i32
      %get3A_1993 = arith.index_cast %get3A_1992 : i32 to index
      %get3A_1994 = arith.constant 32 : index
      %get3A_1995 = tpu.vector_load %arg14[%get3A_1993, %get3A_1994] {strides = array<i32>} : memref<40x64xf32, #tpu.memory_space<vmem>>, vector<1x16xf32>,
      %get3A_1996 = vector.shape_cast %get3A_1995 : vector<1x16xf32> to vector<16xf32>
      %mul3A_1997 = arith.mulf %get3A_1996, %div3A_1967 : vector<16xf32>
      %swap3A_1998 = arith.constant 3 : i32
      %swap3A_1999 = arith.index_cast %swap3A_1998 : i32 to index
      %swap3A_2000 = arith.constant 32 : index
      %swap3A_2001 = tpu.vector_load %arg14[%swap3A_1999, %swap3A_2000] {strides = array<i32>} : memref<40x64xf32, #tpu.memory_space<vmem>>, vector<1x16xf32>,
      %swap3A_2002 = vector.shape_cast %swap3A_2001 : vector<1x16xf32> to vector<16xf32>
      %swap3A_2003 = vector.shape_cast %mul3A_1997 : vector<16xf32> to vector<1x16xf32>
      tpu.vector_store %arg14[%swap3A_1999, %swap3A_2000], %swap3A_2003 {strides = array<i32>} : memref<40x64xf32, #tpu.memory_space<vmem>>, vector<1x16xf32>,
      %get3A_2004 = arith.constant 3 : i32
      %get3A_2005 = arith.index_cast %get3A_2004 : i32 to index
      %get3A_2006 = arith.constant 48 : index
      %get3A_2007 = tpu.vector_load %arg14[%get3A_2005, %get3A_2006] {strides = array<i32>} : memref<40x64xf32, #tpu.memory_space<vmem>>, vector<1x16xf32>,
      %get3A_2008 = vector.shape_cast %get3A_2007 : vector<1x16xf32> to vector<16xf32>
      %mul3A_2009 = arith.mulf %get3A_2008, %div3A_1967 : vector<16xf32>
      %swap3A_2010 = arith.constant 3 : i32
      %swap3A_2011 = arith.index_cast %swap3A_2010 : i32 to index
      %swap3A_2012 = arith.constant 48 : index
      %swap3A_2013 = tpu.vector_load %arg14[%swap3A_2011, %swap3A_2012] {strides = array<i32>} : memref<40x64xf32, #tpu.memory_space<vmem>>, vector<1x16xf32>,
      %swap3A_2014 = vector.shape_cast %swap3A_2013 : vector<1x16xf32> to vector<16xf32>
      %swap3A_2015 = vector.shape_cast %mul3A_2009 : vector<16xf32> to vector<1x16xf32>
      tpu.vector_store %arg14[%swap3A_2011, %swap3A_2012], %swap3A_2015 {strides = array<i32>} : memref<40x64xf32, #tpu.memory_space<vmem>>, vector<1x16xf32>,
      %get3A_2016 = arith.constant 4 : i32
      %get3A_2017 = arith.index_cast %get3A_2016 : i32 to index
      %get3A_2018 = arith.constant 0 : index
      %get3A_2019 = tpu.vector_load %arg15[%get3A_2017, %get3A_2018] {strides = array<i32>} : memref<40x16xf32, #tpu.memory_space<vmem>>, vector<1x16xf32>,
      %get3A_2020 = vector.shape_cast %get3A_2019 : vector<1x16xf32> to vector<16xf32>
      %max3A_2021 = arith.constant 1.000000e+00 : f32
      %max3A_2022 = vector.broadcast %max3A_2021 : f32 to vector<16xf32>
      %max3A_2023 = arith.maximumf %get3A_2020, %max3A_2022 : vector<16xf32>
      %div3A_2024 = arith.constant 1.000000e+00 : f32
      %div3A_2025 = vector.broadcast %div3A_2024 : f32 to vector<16xf32>
      %div3A_2026 = arith.divf %div3A_2025, %max3A_2023 : vector<16xf32>
      %get3A_2027 = arith.constant 4 : i32
      %get3A_2028 = arith.index_cast %get3A_2027 : i32 to index
      %get3A_2029 = arith.constant 0 : index
      %get3A_2030 = tpu.vector_load %arg14[%get3A_2028, %get3A_2029] {strides = array<i32>} : memref<40x64xf32, #tpu.memory_space<vmem>>, vector<1x16xf32>,
      %get3A_2031 = vector.shape_cast %get3A_2030 : vector<1x16xf32> to vector<16xf32>
      %mul3A_2032 = arith.mulf %get3A_2031, %div3A_2026 : vector<16xf32>
      %swap3A_2033 = arith.constant 4 : i32
      %swap3A_2034 = arith.index_cast %swap3A_2033 : i32 to index
      %swap3A_2035 = arith.constant 0 : index
      %swap3A_2036 = tpu.vector_load %arg14[%swap3A_2034, %swap3A_2035] {strides = array<i32>} : memref<40x64xf32, #tpu.memory_space<vmem>>, vector<1x16xf32>,
      %swap3A_2037 = vector.shape_cast %swap3A_2036 : vector<1x16xf32> to vector<16xf32>
      %swap3A_2038 = vector.shape_cast %mul3A_2032 : vector<16xf32> to vector<1x16xf32>
      tpu.vector_store %arg14[%swap3A_2034, %swap3A_2035], %swap3A_2038 {strides = array<i32>} : memref<40x64xf32, #tpu.memory_space<vmem>>, vector<1x16xf32>,
      %get3A_2039 = arith.constant 4 : i32
      %get3A_2040 = arith.index_cast %get3A_2039 : i32 to index
      %get3A_2041 = arith.constant 16 : index
      %get3A_2042 = tpu.vector_load %arg14[%get3A_2040, %get3A_2041] {strides = array<i32>} : memref<40x64xf32, #tpu.memory_space<vmem>>, vector<1x16xf32>,
      %get3A_2043 = vector.shape_cast %get3A_2042 : vector<1x16xf32> to vector<16xf32>
      %mul3A_2044 = arith.mulf %get3A_2043, %div3A_2026 : vector<16xf32>
      %swap3A_2045 = arith.constant 4 : i32
      %swap3A_2046 = arith.index_cast %swap3A_2045 : i32 to index
      %swap3A_2047 = arith.constant 16 : index
      %swap3A_2048 = tpu.vector_load %arg14[%swap3A_2046, %swap3A_2047] {strides = array<i32>} : memref<40x64xf32, #tpu.memory_space<vmem>>, vector<1x16xf32>,
      %swap3A_2049 = vector.shape_cast %swap3A_2048 : vector<1x16xf32> to vector<16xf32>
      %swap3A_2050 = vector.shape_cast %mul3A_2044 : vector<16xf32> to vector<1x16xf32>
      tpu.vector_store %arg14[%swap3A_2046, %swap3A_2047], %swap3A_2050 {strides = array<i32>} : memref<40x64xf32, #tpu.memory_space<vmem>>, vector<1x16xf32>,
      %get3A_2051 = arith.constant 4 : i32
      %get3A_2052 = arith.index_cast %get3A_2051 : i32 to index
      %get3A_2053 = arith.constant 32 : index
      %get3A_2054 = tpu.vector_load %arg14[%get3A_2052, %get3A_2053] {strides = array<i32>} : memref<40x64xf32, #tpu.memory_space<vmem>>, vector<1x16xf32>,
      %get3A_2055 = vector.shape_cast %get3A_2054 : vector<1x16xf32> to vector<16xf32>
      %mul3A_2056 = arith.mulf %get3A_2055, %div3A_2026 : vector<16xf32>
      %swap3A_2057 = arith.constant 4 : i32
      %swap3A_2058 = arith.index_cast %swap3A_2057 : i32 to index
      %swap3A_2059 = arith.constant 32 : index
      %swap3A_2060 = tpu.vector_load %arg14[%swap3A_2058, %swap3A_2059] {strides = array<i32>} : memref<40x64xf32, #tpu.memory_space<vmem>>, vector<1x16xf32>,
      %swap3A_2061 = vector.shape_cast %swap3A_2060 : vector<1x16xf32> to vector<16xf32>
      %swap3A_2062 = vector.shape_cast %mul3A_2056 : vector<16xf32> to vector<1x16xf32>
      tpu.vector_store %arg14[%swap3A_2058, %swap3A_2059], %swap3A_2062 {strides = array<i32>} : memref<40x64xf32, #tpu.memory_space<vmem>>, vector<1x16xf32>,
      %get3A_2063 = arith.constant 4 : i32
      %get3A_2064 = arith.index_cast %get3A_2063 : i32 to index
      %get3A_2065 = arith.constant 48 : index
      %get3A_2066 = tpu.vector_load %arg14[%get3A_2064, %get3A_2065] {strides = array<i32>} : memref<40x64xf32, #tpu.memory_space<vmem>>, vector<1x16xf32>,
      %get3A_2067 = vector.shape_cast %get3A_2066 : vector<1x16xf32> to vector<16xf32>
      %mul3A_2068 = arith.mulf %get3A_2067, %div3A_2026 : vector<16xf32>
      %swap3A_2069 = arith.constant 4 : i32
      %swap3A_2070 = arith.index_cast %swap3A_2069 : i32 to index
      %swap3A_2071 = arith.constant 48 : index
      %swap3A_2072 = tpu.vector_load %arg14[%swap3A_2070, %swap3A_2071] {strides = array<i32>} : memref<40x64xf32, #tpu.memory_space<vmem>>, vector<1x16xf32>,
      %swap3A_2073 = vector.shape_cast %swap3A_2072 : vector<1x16xf32> to vector<16xf32>
      %swap3A_2074 = vector.shape_cast %mul3A_2068 : vector<16xf32> to vector<1x16xf32>
      tpu.vector_store %arg14[%swap3A_2070, %swap3A_2071], %swap3A_2074 {strides = array<i32>} : memref<40x64xf32, #tpu.memory_space<vmem>>, vector<1x16xf32>,
      %get3A_2075 = arith.constant 5 : i32
      %get3A_2076 = arith.index_cast %get3A_2075 : i32 to index
      %get3A_2077 = arith.constant 0 : index
      %get3A_2078 = tpu.vector_load %arg15[%get3A_2076, %get3A_2077] {strides = array<i32>} : memref<40x16xf32, #tpu.memory_space<vmem>>, vector<1x16xf32>,
      %get3A_2079 = vector.shape_cast %get3A_2078 : vector<1x16xf32> to vector<16xf32>
      %max3A_2080 = arith.constant 1.000000e+00 : f32
      %max3A_2081 = vector.broadcast %max3A_2080 : f32 to vector<16xf32>
      %max3A_2082 = arith.maximumf %get3A_2079, %max3A_2081 : vector<16xf32>
      %div3A_2083 = arith.constant 1.000000e+00 : f32
      %div3A_2084 = vector.broadcast %div3A_2083 : f32 to vector<16xf32>
      %div3A_2085 = arith.divf %div3A_2084, %max3A_2082 : vector<16xf32>
      %get3A_2086 = arith.constant 5 : i32
      %get3A_2087 = arith.index_cast %get3A_2086 : i32 to index
      %get3A_2088 = arith.constant 0 : index
      %get3A_2089 = tpu.vector_load %arg14[%get3A_2087, %get3A_2088] {strides = array<i32>} : memref<40x64xf32, #tpu.memory_space<vmem>>, vector<1x16xf32>,
      %get3A_2090 = vector.shape_cast %get3A_2089 : vector<1x16xf32> to vector<16xf32>
      %mul3A_2091 = arith.mulf %get3A_2090, %div3A_2085 : vector<16xf32>
      %swap3A_2092 = arith.constant 5 : i32
      %swap3A_2093 = arith.index_cast %swap3A_2092 : i32 to index
      %swap3A_2094 = arith.constant 0 : index
      %swap3A_2095 = tpu.vector_load %arg14[%swap3A_2093, %swap3A_2094] {strides = array<i32>} : memref<40x64xf32, #tpu.memory_space<vmem>>, vector<1x16xf32>,
      %swap3A_2096 = vector.shape_cast %swap3A_2095 : vector<1x16xf32> to vector<16xf32>
      %swap3A_2097 = vector.shape_cast %mul3A_2091 : vector<16xf32> to vector<1x16xf32>
      tpu.vector_store %arg14[%swap3A_2093, %swap3A_2094], %swap3A_2097 {strides = array<i32>} : memref<40x64xf32, #tpu.memory_space<vmem>>, vector<1x16xf32>,
      %get3A_2098 = arith.constant 5 : i32
      %get3A_2099 = arith.index_cast %get3A_2098 : i32 to index
      %get3A_2100 = arith.constant 16 : index
      %get3A_2101 = tpu.vector_load %arg14[%get3A_2099, %get3A_2100] {strides = array<i32>} : memref<40x64xf32, #tpu.memory_space<vmem>>, vector<1x16xf32>,
      %get3A_2102 = vector.shape_cast %get3A_2101 : vector<1x16xf32> to vector<16xf32>
      %mul3A_2103 = arith.mulf %get3A_2102, %div3A_2085 : vector<16xf32>
      %swap3A_2104 = arith.constant 5 : i32
      %swap3A_2105 = arith.index_cast %swap3A_2104 : i32 to index
      %swap3A_2106 = arith.constant 16 : index
      %swap3A_2107 = tpu.vector_load %arg14[%swap3A_2105, %swap3A_2106] {strides = array<i32>} : memref<40x64xf32, #tpu.memory_space<vmem>>, vector<1x16xf32>,
      %swap3A_2108 = vector.shape_cast %swap3A_2107 : vector<1x16xf32> to vector<16xf32>
      %swap3A_2109 = vector.shape_cast %mul3A_2103 : vector<16xf32> to vector<1x16xf32>
      tpu.vector_store %arg14[%swap3A_2105, %swap3A_2106], %swap3A_2109 {strides = array<i32>} : memref<40x64xf32, #tpu.memory_space<vmem>>, vector<1x16xf32>,
      %get3A_2110 = arith.constant 5 : i32
      %get3A_2111 = arith.index_cast %get3A_2110 : i32 to index
      %get3A_2112 = arith.constant 32 : index
      %get3A_2113 = tpu.vector_load %arg14[%get3A_2111, %get3A_2112] {strides = array<i32>} : memref<40x64xf32, #tpu.memory_space<vmem>>, vector<1x16xf32>,
      %get3A_2114 = vector.shape_cast %get3A_2113 : vector<1x16xf32> to vector<16xf32>
      %mul3A_2115 = arith.mulf %get3A_2114, %div3A_2085 : vector<16xf32>
      %swap3A_2116 = arith.constant 5 : i32
      %swap3A_2117 = arith.index_cast %swap3A_2116 : i32 to index
      %swap3A_2118 = arith.constant 32 : index
      %swap3A_2119 = tpu.vector_load %arg14[%swap3A_2117, %swap3A_2118] {strides = array<i32>} : memref<40x64xf32, #tpu.memory_space<vmem>>, vector<1x16xf32>,
      %swap3A_2120 = vector.shape_cast %swap3A_2119 : vector<1x16xf32> to vector<16xf32>
      %swap3A_2121 = vector.shape_cast %mul3A_2115 : vector<16xf32> to vector<1x16xf32>
      tpu.vector_store %arg14[%swap3A_2117, %swap3A_2118], %swap3A_2121 {strides = array<i32>} : memref<40x64xf32, #tpu.memory_space<vmem>>, vector<1x16xf32>,
      %get3A_2122 = arith.constant 5 : i32
      %get3A_2123 = arith.index_cast %get3A_2122 : i32 to index
      %get3A_2124 = arith.constant 48 : index
      %get3A_2125 = tpu.vector_load %arg14[%get3A_2123, %get3A_2124] {strides = array<i32>} : memref<40x64xf32, #tpu.memory_space<vmem>>, vector<1x16xf32>,
      %get3A_2126 = vector.shape_cast %get3A_2125 : vector<1x16xf32> to vector<16xf32>
      %mul3A_2127 = arith.mulf %get3A_2126, %div3A_2085 : vector<16xf32>
      %swap3A_2128 = arith.constant 5 : i32
      %swap3A_2129 = arith.index_cast %swap3A_2128 : i32 to index
      %swap3A_2130 = arith.constant 48 : index
      %swap3A_2131 = tpu.vector_load %arg14[%swap3A_2129, %swap3A_2130] {strides = array<i32>} : memref<40x64xf32, #tpu.memory_space<vmem>>, vector<1x16xf32>,
      %swap3A_2132 = vector.shape_cast %swap3A_2131 : vector<1x16xf32> to vector<16xf32>
      %swap3A_2133 = vector.shape_cast %mul3A_2127 : vector<16xf32> to vector<1x16xf32>
      tpu.vector_store %arg14[%swap3A_2129, %swap3A_2130], %swap3A_2133 {strides = array<i32>} : memref<40x64xf32, #tpu.memory_space<vmem>>, vector<1x16xf32>,
      %get3A_2134 = arith.constant 6 : i32
      %get3A_2135 = arith.index_cast %get3A_2134 : i32 to index
      %get3A_2136 = arith.constant 0 : index
      %get3A_2137 = tpu.vector_load %arg15[%get3A_2135, %get3A_2136] {strides = array<i32>} : memref<40x16xf32, #tpu.memory_space<vmem>>, vector<1x16xf32>,
      %get3A_2138 = vector.shape_cast %get3A_2137 : vector<1x16xf32> to vector<16xf32>
      %max3A_2139 = arith.constant 1.000000e+00 : f32
      %max3A_2140 = vector.broadcast %max3A_2139 : f32 to vector<16xf32>
      %max3A_2141 = arith.maximumf %get3A_2138, %max3A_2140 : vector<16xf32>
      %div3A_2142 = arith.constant 1.000000e+00 : f32
      %div3A_2143 = vector.broadcast %div3A_2142 : f32 to vector<16xf32>
      %div3A_2144 = arith.divf %div3A_2143, %max3A_2141 : vector<16xf32>
      %get3A_2145 = arith.constant 6 : i32
      %get3A_2146 = arith.index_cast %get3A_2145 : i32 to index
      %get3A_2147 = arith.constant 0 : index
      %get3A_2148 = tpu.vector_load %arg14[%get3A_2146, %get3A_2147] {strides = array<i32>} : memref<40x64xf32, #tpu.memory_space<vmem>>, vector<1x16xf32>,
      %get3A_2149 = vector.shape_cast %get3A_2148 : vector<1x16xf32> to vector<16xf32>
      %mul3A_2150 = arith.mulf %get3A_2149, %div3A_2144 : vector<16xf32>
      %swap3A_2151 = arith.constant 6 : i32
      %swap3A_2152 = arith.index_cast %swap3A_2151 : i32 to index
      %swap3A_2153 = arith.constant 0 : index
      %swap3A_2154 = tpu.vector_load %arg14[%swap3A_2152, %swap3A_2153] {strides = array<i32>} : memref<40x64xf32, #tpu.memory_space<vmem>>, vector<1x16xf32>,
      %swap3A_2155 = vector.shape_cast %swap3A_2154 : vector<1x16xf32> to vector<16xf32>
      %swap3A_2156 = vector.shape_cast %mul3A_2150 : vector<16xf32> to vector<1x16xf32>
      tpu.vector_store %arg14[%swap3A_2152, %swap3A_2153], %swap3A_2156 {strides = array<i32>} : memref<40x64xf32, #tpu.memory_space<vmem>>, vector<1x16xf32>,
      %get3A_2157 = arith.constant 6 : i32
      %get3A_2158 = arith.index_cast %get3A_2157 : i32 to index
      %get3A_2159 = arith.constant 16 : index
      %get3A_2160 = tpu.vector_load %arg14[%get3A_2158, %get3A_2159] {strides = array<i32>} : memref<40x64xf32, #tpu.memory_space<vmem>>, vector<1x16xf32>,
      %get3A_2161 = vector.shape_cast %get3A_2160 : vector<1x16xf32> to vector<16xf32>
      %mul3A_2162 = arith.mulf %get3A_2161, %div3A_2144 : vector<16xf32>
      %swap3A_2163 = arith.constant 6 : i32
      %swap3A_2164 = arith.index_cast %swap3A_2163 : i32 to index
      %swap3A_2165 = arith.constant 16 : index
      %swap3A_2166 = tpu.vector_load %arg14[%swap3A_2164, %swap3A_2165] {strides = array<i32>} : memref<40x64xf32, #tpu.memory_space<vmem>>, vector<1x16xf32>,
      %swap3A_2167 = vector.shape_cast %swap3A_2166 : vector<1x16xf32> to vector<16xf32>
      %swap3A_2168 = vector.shape_cast %mul3A_2162 : vector<16xf32> to vector<1x16xf32>
      tpu.vector_store %arg14[%swap3A_2164, %swap3A_2165], %swap3A_2168 {strides = array<i32>} : memref<40x64xf32, #tpu.memory_space<vmem>>, vector<1x16xf32>,
      %get3A_2169 = arith.constant 6 : i32
      %get3A_2170 = arith.index_cast %get3A_2169 : i32 to index
      %get3A_2171 = arith.constant 32 : index
      %get3A_2172 = tpu.vector_load %arg14[%get3A_2170, %get3A_2171] {strides = array<i32>} : memref<40x64xf32, #tpu.memory_space<vmem>>, vector<1x16xf32>,
      %get3A_2173 = vector.shape_cast %get3A_2172 : vector<1x16xf32> to vector<16xf32>
      %mul3A_2174 = arith.mulf %get3A_2173, %div3A_2144 : vector<16xf32>
      %swap3A_2175 = arith.constant 6 : i32
      %swap3A_2176 = arith.index_cast %swap3A_2175 : i32 to index
      %swap3A_2177 = arith.constant 32 : index
      %swap3A_2178 = tpu.vector_load %arg14[%swap3A_2176, %swap3A_2177] {strides = array<i32>} : memref<40x64xf32, #tpu.memory_space<vmem>>, vector<1x16xf32>,
      %swap3A_2179 = vector.shape_cast %swap3A_2178 : vector<1x16xf32> to vector<16xf32>
      %swap3A_2180 = vector.shape_cast %mul3A_2174 : vector<16xf32> to vector<1x16xf32>
      tpu.vector_store %arg14[%swap3A_2176, %swap3A_2177], %swap3A_2180 {strides = array<i32>} : memref<40x64xf32, #tpu.memory_space<vmem>>, vector<1x16xf32>,
      %get3A_2181 = arith.constant 6 : i32
      %get3A_2182 = arith.index_cast %get3A_2181 : i32 to index
      %get3A_2183 = arith.constant 48 : index
      %get3A_2184 = tpu.vector_load %arg14[%get3A_2182, %get3A_2183] {strides = array<i32>} : memref<40x64xf32, #tpu.memory_space<vmem>>, vector<1x16xf32>,
      %get3A_2185 = vector.shape_cast %get3A_2184 : vector<1x16xf32> to vector<16xf32>
      %mul3A_2186 = arith.mulf %get3A_2185, %div3A_2144 : vector<16xf32>
      %swap3A_2187 = arith.constant 6 : i32
      %swap3A_2188 = arith.index_cast %swap3A_2187 : i32 to index
      %swap3A_2189 = arith.constant 48 : index
      %swap3A_2190 = tpu.vector_load %arg14[%swap3A_2188, %swap3A_2189] {strides = array<i32>} : memref<40x64xf32, #tpu.memory_space<vmem>>, vector<1x16xf32>,
      %swap3A_2191 = vector.shape_cast %swap3A_2190 : vector<1x16xf32> to vector<16xf32>
      %swap3A_2192 = vector.shape_cast %mul3A_2186 : vector<16xf32> to vector<1x16xf32>
      tpu.vector_store %arg14[%swap3A_2188, %swap3A_2189], %swap3A_2192 {strides = array<i32>} : memref<40x64xf32, #tpu.memory_space<vmem>>, vector<1x16xf32>,
      %get3A_2193 = arith.constant 7 : i32
      %get3A_2194 = arith.index_cast %get3A_2193 : i32 to index
      %get3A_2195 = arith.constant 0 : index
      %get3A_2196 = tpu.vector_load %arg15[%get3A_2194, %get3A_2195] {strides = array<i32>} : memref<40x16xf32, #tpu.memory_space<vmem>>, vector<1x16xf32>,
      %get3A_2197 = vector.shape_cast %get3A_2196 : vector<1x16xf32> to vector<16xf32>
      %max3A_2198 = arith.constant 1.000000e+00 : f32
      %max3A_2199 = vector.broadcast %max3A_2198 : f32 to vector<16xf32>
      %max3A_2200 = arith.maximumf %get3A_2197, %max3A_2199 : vector<16xf32>
      %div3A_2201 = arith.constant 1.000000e+00 : f32
      %div3A_2202 = vector.broadcast %div3A_2201 : f32 to vector<16xf32>
      %div3A_2203 = arith.divf %div3A_2202, %max3A_2200 : vector<16xf32>
      %get3A_2204 = arith.constant 7 : i32
      %get3A_2205 = arith.index_cast %get3A_2204 : i32 to index
      %get3A_2206 = arith.constant 0 : index
      %get3A_2207 = tpu.vector_load %arg14[%get3A_2205, %get3A_2206] {strides = array<i32>} : memref<40x64xf32, #tpu.memory_space<vmem>>, vector<1x16xf32>,
      %get3A_2208 = vector.shape_cast %get3A_2207 : vector<1x16xf32> to vector<16xf32>
      %mul3A_2209 = arith.mulf %get3A_2208, %div3A_2203 : vector<16xf32>
      %swap3A_2210 = arith.constant 7 : i32
      %swap3A_2211 = arith.index_cast %swap3A_2210 : i32 to index
      %swap3A_2212 = arith.constant 0 : index
      %swap3A_2213 = tpu.vector_load %arg14[%swap3A_2211, %swap3A_2212] {strides = array<i32>} : memref<40x64xf32, #tpu.memory_space<vmem>>, vector<1x16xf32>,
      %swap3A_2214 = vector.shape_cast %swap3A_2213 : vector<1x16xf32> to vector<16xf32>
      %swap3A_2215 = vector.shape_cast %mul3A_2209 : vector<16xf32> to vector<1x16xf32>
      tpu.vector_store %arg14[%swap3A_2211, %swap3A_2212], %swap3A_2215 {strides = array<i32>} : memref<40x64xf32, #tpu.memory_space<vmem>>, vector<1x16xf32>,
      %get3A_2216 = arith.constant 7 : i32
      %get3A_2217 = arith.index_cast %get3A_2216 : i32 to index
      %get3A_2218 = arith.constant 16 : index
      %get3A_2219 = tpu.vector_load %arg14[%get3A_2217, %get3A_2218] {strides = array<i32>} : memref<40x64xf32, #tpu.memory_space<vmem>>, vector<1x16xf32>,
      %get3A_2220 = vector.shape_cast %get3A_2219 : vector<1x16xf32> to vector<16xf32>
      %mul3A_2221 = arith.mulf %get3A_2220, %div3A_2203 : vector<16xf32>
      %swap3A_2222 = arith.constant 7 : i32
      %swap3A_2223 = arith.index_cast %swap3A_2222 : i32 to index
      %swap3A_2224 = arith.constant 16 : index
      %swap3A_2225 = tpu.vector_load %arg14[%swap3A_2223, %swap3A_2224] {strides = array<i32>} : memref<40x64xf32, #tpu.memory_space<vmem>>, vector<1x16xf32>,
      %swap3A_2226 = vector.shape_cast %swap3A_2225 : vector<1x16xf32> to vector<16xf32>
      %swap3A_2227 = vector.shape_cast %mul3A_2221 : vector<16xf32> to vector<1x16xf32>
      tpu.vector_store %arg14[%swap3A_2223, %swap3A_2224], %swap3A_2227 {strides = array<i32>} : memref<40x64xf32, #tpu.memory_space<vmem>>, vector<1x16xf32>,
      %get3A_2228 = arith.constant 7 : i32
      %get3A_2229 = arith.index_cast %get3A_2228 : i32 to index
      %get3A_2230 = arith.constant 32 : index
      %get3A_2231 = tpu.vector_load %arg14[%get3A_2229, %get3A_2230] {strides = array<i32>} : memref<40x64xf32, #tpu.memory_space<vmem>>, vector<1x16xf32>,
      %get3A_2232 = vector.shape_cast %get3A_2231 : vector<1x16xf32> to vector<16xf32>
      %mul3A_2233 = arith.mulf %get3A_2232, %div3A_2203 : vector<16xf32>
      %swap3A_2234 = arith.constant 7 : i32
      %swap3A_2235 = arith.index_cast %swap3A_2234 : i32 to index
      %swap3A_2236 = arith.constant 32 : index
      %swap3A_2237 = tpu.vector_load %arg14[%swap3A_2235, %swap3A_2236] {strides = array<i32>} : memref<40x64xf32, #tpu.memory_space<vmem>>, vector<1x16xf32>,
      %swap3A_2238 = vector.shape_cast %swap3A_2237 : vector<1x16xf32> to vector<16xf32>
      %swap3A_2239 = vector.shape_cast %mul3A_2233 : vector<16xf32> to vector<1x16xf32>
      tpu.vector_store %arg14[%swap3A_2235, %swap3A_2236], %swap3A_2239 {strides = array<i32>} : memref<40x64xf32, #tpu.memory_space<vmem>>, vector<1x16xf32>,
      %get3A_2240 = arith.constant 7 : i32
      %get3A_2241 = arith.index_cast %get3A_2240 : i32 to index
      %get3A_2242 = arith.constant 48 : index
      %get3A_2243 = tpu.vector_load %arg14[%get3A_2241, %get3A_2242] {strides = array<i32>} : memref<40x64xf32, #tpu.memory_space<vmem>>, vector<1x16xf32>,
      %get3A_2244 = vector.shape_cast %get3A_2243 : vector<1x16xf32> to vector<16xf32>
      %mul3A_2245 = arith.mulf %get3A_2244, %div3A_2203 : vector<16xf32>
      %swap3A_2246 = arith.constant 7 : i32
      %swap3A_2247 = arith.index_cast %swap3A_2246 : i32 to index
      %swap3A_2248 = arith.constant 48 : index
      %swap3A_2249 = tpu.vector_load %arg14[%swap3A_2247, %swap3A_2248] {strides = array<i32>} : memref<40x64xf32, #tpu.memory_space<vmem>>, vector<1x16xf32>,
      %swap3A_2250 = vector.shape_cast %swap3A_2249 : vector<1x16xf32> to vector<16xf32>
      %swap3A_2251 = vector.shape_cast %mul3A_2245 : vector<16xf32> to vector<1x16xf32>
      tpu.vector_store %arg14[%swap3A_2247, %swap3A_2248], %swap3A_2251 {strides = array<i32>} : memref<40x64xf32, #tpu.memory_space<vmem>>, vector<1x16xf32>,
      %get3A_2252 = arith.constant 8 : i32
      %get3A_2253 = arith.index_cast %get3A_2252 : i32 to index
      %get3A_2254 = arith.constant 0 : index
      %get3A_2255 = tpu.vector_load %arg15[%get3A_2253, %get3A_2254] {strides = array<i32>} : memref<40x16xf32, #tpu.memory_space<vmem>>, vector<1x16xf32>,
      %get3A_2256 = vector.shape_cast %get3A_2255 : vector<1x16xf32> to vector<16xf32>
      %max3A_2257 = arith.constant 1.000000e+00 : f32
      %max3A_2258 = vector.broadcast %max3A_2257 : f32 to vector<16xf32>
      %max3A_2259 = arith.maximumf %get3A_2256, %max3A_2258 : vector<16xf32>
      %div3A_2260 = arith.constant 1.000000e+00 : f32
      %div3A_2261 = vector.broadcast %div3A_2260 : f32 to vector<16xf32>
      %div3A_2262 = arith.divf %div3A_2261, %max3A_2259 : vector<16xf32>
      %get3A_2263 = arith.constant 8 : i32
      %get3A_2264 = arith.index_cast %get3A_2263 : i32 to index
      %get3A_2265 = arith.constant 0 : index
      %get3A_2266 = tpu.vector_load %arg14[%get3A_2264, %get3A_2265] {strides = array<i32>} : memref<40x64xf32, #tpu.memory_space<vmem>>, vector<1x16xf32>,
      %get3A_2267 = vector.shape_cast %get3A_2266 : vector<1x16xf32> to vector<16xf32>
      %mul3A_2268 = arith.mulf %get3A_2267, %div3A_2262 : vector<16xf32>
      %swap3A_2269 = arith.constant 8 : i32
      %swap3A_2270 = arith.index_cast %swap3A_2269 : i32 to index
      %swap3A_2271 = arith.constant 0 : index
      %swap3A_2272 = tpu.vector_load %arg14[%swap3A_2270, %swap3A_2271] {strides = array<i32>} : memref<40x64xf32, #tpu.memory_space<vmem>>, vector<1x16xf32>,
      %swap3A_2273 = vector.shape_cast %swap3A_2272 : vector<1x16xf32> to vector<16xf32>
      %swap3A_2274 = vector.shape_cast %mul3A_2268 : vector<16xf32> to vector<1x16xf32>
      tpu.vector_store %arg14[%swap3A_2270, %swap3A_2271], %swap3A_2274 {strides = array<i32>} : memref<40x64xf32, #tpu.memory_space<vmem>>, vector<1x16xf32>,
      %get3A_2275 = arith.constant 8 : i32
      %get3A_2276 = arith.index_cast %get3A_2275 : i32 to index
      %get3A_2277 = arith.constant 16 : index
      %get3A_2278 = tpu.vector_load %arg14[%get3A_2276, %get3A_2277] {strides = array<i32>} : memref<40x64xf32, #tpu.memory_space<vmem>>, vector<1x16xf32>,
      %get3A_2279 = vector.shape_cast %get3A_2278 : vector<1x16xf32> to vector<16xf32>
      %mul3A_2280 = arith.mulf %get3A_2279, %div3A_2262 : vector<16xf32>
      %swap3A_2281 = arith.constant 8 : i32
      %swap3A_2282 = arith.index_cast %swap3A_2281 : i32 to index
      %swap3A_2283 = arith.constant 16 : index
      %swap3A_2284 = tpu.vector_load %arg14[%swap3A_2282, %swap3A_2283] {strides = array<i32>} : memref<40x64xf32, #tpu.memory_space<vmem>>, vector<1x16xf32>,
      %swap3A_2285 = vector.shape_cast %swap3A_2284 : vector<1x16xf32> to vector<16xf32>
      %swap3A_2286 = vector.shape_cast %mul3A_2280 : vector<16xf32> to vector<1x16xf32>
      tpu.vector_store %arg14[%swap3A_2282, %swap3A_2283], %swap3A_2286 {strides = array<i32>} : memref<40x64xf32, #tpu.memory_space<vmem>>, vector<1x16xf32>,
      %get3A_2287 = arith.constant 8 : i32
      %get3A_2288 = arith.index_cast %get3A_2287 : i32 to index
      %get3A_2289 = arith.constant 32 : index
      %get3A_2290 = tpu.vector_load %arg14[%get3A_2288, %get3A_2289] {strides = array<i32>} : memref<40x64xf32, #tpu.memory_space<vmem>>, vector<1x16xf32>,
      %get3A_2291 = vector.shape_cast %get3A_2290 : vector<1x16xf32> to vector<16xf32>
      %mul3A_2292 = arith.mulf %get3A_2291, %div3A_2262 : vector<16xf32>
      %swap3A_2293 = arith.constant 8 : i32
      %swap3A_2294 = arith.index_cast %swap3A_2293 : i32 to index
      %swap3A_2295 = arith.constant 32 : index
      %swap3A_2296 = tpu.vector_load %arg14[%swap3A_2294, %swap3A_2295] {strides = array<i32>} : memref<40x64xf32, #tpu.memory_space<vmem>>, vector<1x16xf32>,
      %swap3A_2297 = vector.shape_cast %swap3A_2296 : vector<1x16xf32> to vector<16xf32>
      %swap3A_2298 = vector.shape_cast %mul3A_2292 : vector<16xf32> to vector<1x16xf32>
      tpu.vector_store %arg14[%swap3A_2294, %swap3A_2295], %swap3A_2298 {strides = array<i32>} : memref<40x64xf32, #tpu.memory_space<vmem>>, vector<1x16xf32>,
      %get3A_2299 = arith.constant 8 : i32
      %get3A_2300 = arith.index_cast %get3A_2299 : i32 to index
      %get3A_2301 = arith.constant 48 : index
      %get3A_2302 = tpu.vector_load %arg14[%get3A_2300, %get3A_2301] {strides = array<i32>} : memref<40x64xf32, #tpu.memory_space<vmem>>, vector<1x16xf32>,
      %get3A_2303 = vector.shape_cast %get3A_2302 : vector<1x16xf32> to vector<16xf32>
      %mul3A_2304 = arith.mulf %get3A_2303, %div3A_2262 : vector<16xf32>
      %swap3A_2305 = arith.constant 8 : i32
      %swap3A_2306 = arith.index_cast %swap3A_2305 : i32 to index
      %swap3A_2307 = arith.constant 48 : index
      %swap3A_2308 = tpu.vector_load %arg14[%swap3A_2306, %swap3A_2307] {strides = array<i32>} : memref<40x64xf32, #tpu.memory_space<vmem>>, vector<1x16xf32>,
      %swap3A_2309 = vector.shape_cast %swap3A_2308 : vector<1x16xf32> to vector<16xf32>
      %swap3A_2310 = vector.shape_cast %mul3A_2304 : vector<16xf32> to vector<1x16xf32>
      tpu.vector_store %arg14[%swap3A_2306, %swap3A_2307], %swap3A_2310 {strides = array<i32>} : memref<40x64xf32, #tpu.memory_space<vmem>>, vector<1x16xf32>,
      %get3A_2311 = arith.constant 9 : i32
      %get3A_2312 = arith.index_cast %get3A_2311 : i32 to index
      %get3A_2313 = arith.constant 0 : index
      %get3A_2314 = tpu.vector_load %arg15[%get3A_2312, %get3A_2313] {strides = array<i32>} : memref<40x16xf32, #tpu.memory_space<vmem>>, vector<1x16xf32>,
      %get3A_2315 = vector.shape_cast %get3A_2314 : vector<1x16xf32> to vector<16xf32>
      %max3A_2316 = arith.constant 1.000000e+00 : f32
      %max3A_2317 = vector.broadcast %max3A_2316 : f32 to vector<16xf32>
      %max3A_2318 = arith.maximumf %get3A_2315, %max3A_2317 : vector<16xf32>
      %div3A_2319 = arith.constant 1.000000e+00 : f32
      %div3A_2320 = vector.broadcast %div3A_2319 : f32 to vector<16xf32>
      %div3A_2321 = arith.divf %div3A_2320, %max3A_2318 : vector<16xf32>
      %get3A_2322 = arith.constant 9 : i32
      %get3A_2323 = arith.index_cast %get3A_2322 : i32 to index
      %get3A_2324 = arith.constant 0 : index
      %get3A_2325 = tpu.vector_load %arg14[%get3A_2323, %get3A_2324] {strides = array<i32>} : memref<40x64xf32, #tpu.memory_space<vmem>>, vector<1x16xf32>,
      %get3A_2326 = vector.shape_cast %get3A_2325 : vector<1x16xf32> to vector<16xf32>
      %mul3A_2327 = arith.mulf %get3A_2326, %div3A_2321 : vector<16xf32>
      %swap3A_2328 = arith.constant 9 : i32
      %swap3A_2329 = arith.index_cast %swap3A_2328 : i32 to index
      %swap3A_2330 = arith.constant 0 : index
      %swap3A_2331 = tpu.vector_load %arg14[%swap3A_2329, %swap3A_2330] {strides = array<i32>} : memref<40x64xf32, #tpu.memory_space<vmem>>, vector<1x16xf32>,
      %swap3A_2332 = vector.shape_cast %swap3A_2331 : vector<1x16xf32> to vector<16xf32>
      %swap3A_2333 = vector.shape_cast %mul3A_2327 : vector<16xf32> to vector<1x16xf32>
      tpu.vector_store %arg14[%swap3A_2329, %swap3A_2330], %swap3A_2333 {strides = array<i32>} : memref<40x64xf32, #tpu.memory_space<vmem>>, vector<1x16xf32>,
      %get3A_2334 = arith.constant 9 : i32
      %get3A_2335 = arith.index_cast %get3A_2334 : i32 to index
      %get3A_2336 = arith.constant 16 : index
      %get3A_2337 = tpu.vector_load %arg14[%get3A_2335, %get3A_2336] {strides = array<i32>} : memref<40x64xf32, #tpu.memory_space<vmem>>, vector<1x16xf32>,
      %get3A_2338 = vector.shape_cast %get3A_2337 : vector<1x16xf32> to vector<16xf32>
      %mul3A_2339 = arith.mulf %get3A_2338, %div3A_2321 : vector<16xf32>
      %swap3A_2340 = arith.constant 9 : i32
      %swap3A_2341 = arith.index_cast %swap3A_2340 : i32 to index
      %swap3A_2342 = arith.constant 16 : index
      %swap3A_2343 = tpu.vector_load %arg14[%swap3A_2341, %swap3A_2342] {strides = array<i32>} : memref<40x64xf32, #tpu.memory_space<vmem>>, vector<1x16xf32>,
      %swap3A_2344 = vector.shape_cast %swap3A_2343 : vector<1x16xf32> to vector<16xf32>
      %swap3A_2345 = vector.shape_cast %mul3A_2339 : vector<16xf32> to vector<1x16xf32>
      tpu.vector_store %arg14[%swap3A_2341, %swap3A_2342], %swap3A_2345 {strides = array<i32>} : memref<40x64xf32, #tpu.memory_space<vmem>>, vector<1x16xf32>,
      %get3A_2346 = arith.constant 9 : i32
      %get3A_2347 = arith.index_cast %get3A_2346 : i32 to index
      %get3A_2348 = arith.constant 32 : index
      %get3A_2349 = tpu.vector_load %arg14[%get3A_2347, %get3A_2348] {strides = array<i32>} : memref<40x64xf32, #tpu.memory_space<vmem>>, vector<1x16xf32>,
      %get3A_2350 = vector.shape_cast %get3A_2349 : vector<1x16xf32> to vector<16xf32>
      %mul3A_2351 = arith.mulf %get3A_2350, %div3A_2321 : vector<16xf32>
      %swap3A_2352 = arith.constant 9 : i32
      %swap3A_2353 = arith.index_cast %swap3A_2352 : i32 to index
      %swap3A_2354 = arith.constant 32 : index
      %swap3A_2355 = tpu.vector_load %arg14[%swap3A_2353, %swap3A_2354] {strides = array<i32>} : memref<40x64xf32, #tpu.memory_space<vmem>>, vector<1x16xf32>,
      %swap3A_2356 = vector.shape_cast %swap3A_2355 : vector<1x16xf32> to vector<16xf32>
      %swap3A_2357 = vector.shape_cast %mul3A_2351 : vector<16xf32> to vector<1x16xf32>
      tpu.vector_store %arg14[%swap3A_2353, %swap3A_2354], %swap3A_2357 {strides = array<i32>} : memref<40x64xf32, #tpu.memory_space<vmem>>, vector<1x16xf32>,
      %get3A_2358 = arith.constant 9 : i32
      %get3A_2359 = arith.index_cast %get3A_2358 : i32 to index
      %get3A_2360 = arith.constant 48 : index
      %get3A_2361 = tpu.vector_load %arg14[%get3A_2359, %get3A_2360] {strides = array<i32>} : memref<40x64xf32, #tpu.memory_space<vmem>>, vector<1x16xf32>,
      %get3A_2362 = vector.shape_cast %get3A_2361 : vector<1x16xf32> to vector<16xf32>
      %mul3A_2363 = arith.mulf %get3A_2362, %div3A_2321 : vector<16xf32>
      %swap3A_2364 = arith.constant 9 : i32
      %swap3A_2365 = arith.index_cast %swap3A_2364 : i32 to index
      %swap3A_2366 = arith.constant 48 : index
      %swap3A_2367 = tpu.vector_load %arg14[%swap3A_2365, %swap3A_2366] {strides = array<i32>} : memref<40x64xf32, #tpu.memory_space<vmem>>, vector<1x16xf32>,
      %swap3A_2368 = vector.shape_cast %swap3A_2367 : vector<1x16xf32> to vector<16xf32>
      %swap3A_2369 = vector.shape_cast %mul3A_2363 : vector<16xf32> to vector<1x16xf32>
      tpu.vector_store %arg14[%swap3A_2365, %swap3A_2366], %swap3A_2369 {strides = array<i32>} : memref<40x64xf32, #tpu.memory_space<vmem>>, vector<1x16xf32>,
      %get3A_2370 = arith.constant 10 : i32
      %get3A_2371 = arith.index_cast %get3A_2370 : i32 to index
      %get3A_2372 = arith.constant 0 : index
      %get3A_2373 = tpu.vector_load %arg15[%get3A_2371, %get3A_2372] {strides = array<i32>} : memref<40x16xf32, #tpu.memory_space<vmem>>, vector<1x16xf32>,
      %get3A_2374 = vector.shape_cast %get3A_2373 : vector<1x16xf32> to vector<16xf32>
      %max3A_2375 = arith.constant 1.000000e+00 : f32
      %max3A_2376 = vector.broadcast %max3A_2375 : f32 to vector<16xf32>
      %max3A_2377 = arith.maximumf %get3A_2374, %max3A_2376 : vector<16xf32>
      %div3A_2378 = arith.constant 1.000000e+00 : f32
      %div3A_2379 = vector.broadcast %div3A_2378 : f32 to vector<16xf32>
      %div3A_2380 = arith.divf %div3A_2379, %max3A_2377 : vector<16xf32>
      %get3A_2381 = arith.constant 10 : i32
      %get3A_2382 = arith.index_cast %get3A_2381 : i32 to index
      %get3A_2383 = arith.constant 0 : index
      %get3A_2384 = tpu.vector_load %arg14[%get3A_2382, %get3A_2383] {strides = array<i32>} : memref<40x64xf32, #tpu.memory_space<vmem>>, vector<1x16xf32>,
      %get3A_2385 = vector.shape_cast %get3A_2384 : vector<1x16xf32> to vector<16xf32>
      %mul3A_2386 = arith.mulf %get3A_2385, %div3A_2380 : vector<16xf32>
      %swap3A_2387 = arith.constant 10 : i32
      %swap3A_2388 = arith.index_cast %swap3A_2387 : i32 to index
      %swap3A_2389 = arith.constant 0 : index
      %swap3A_2390 = tpu.vector_load %arg14[%swap3A_2388, %swap3A_2389] {strides = array<i32>} : memref<40x64xf32, #tpu.memory_space<vmem>>, vector<1x16xf32>,
      %swap3A_2391 = vector.shape_cast %swap3A_2390 : vector<1x16xf32> to vector<16xf32>
      %swap3A_2392 = vector.shape_cast %mul3A_2386 : vector<16xf32> to vector<1x16xf32>
      tpu.vector_store %arg14[%swap3A_2388, %swap3A_2389], %swap3A_2392 {strides = array<i32>} : memref<40x64xf32, #tpu.memory_space<vmem>>, vector<1x16xf32>,
      %get3A_2393 = arith.constant 10 : i32
      %get3A_2394 = arith.index_cast %get3A_2393 : i32 to index
      %get3A_2395 = arith.constant 16 : index
      %get3A_2396 = tpu.vector_load %arg14[%get3A_2394, %get3A_2395] {strides = array<i32>} : memref<40x64xf32, #tpu.memory_space<vmem>>, vector<1x16xf32>,
      %get3A_2397 = vector.shape_cast %get3A_2396 : vector<1x16xf32> to vector<16xf32>
      %mul3A_2398 = arith.mulf %get3A_2397, %div3A_2380 : vector<16xf32>
      %swap3A_2399 = arith.constant 10 : i32
      %swap3A_2400 = arith.index_cast %swap3A_2399 : i32 to index
      %swap3A_2401 = arith.constant 16 : index
      %swap3A_2402 = tpu.vector_load %arg14[%swap3A_2400, %swap3A_2401] {strides = array<i32>} : memref<40x64xf32, #tpu.memory_space<vmem>>, vector<1x16xf32>,
      %swap3A_2403 = vector.shape_cast %swap3A_2402 : vector<1x16xf32> to vector<16xf32>
      %swap3A_2404 = vector.shape_cast %mul3A_2398 : vector<16xf32> to vector<1x16xf32>
      tpu.vector_store %arg14[%swap3A_2400, %swap3A_2401], %swap3A_2404 {strides = array<i32>} : memref<40x64xf32, #tpu.memory_space<vmem>>, vector<1x16xf32>,
      %get3A_2405 = arith.constant 10 : i32
      %get3A_2406 = arith.index_cast %get3A_2405 : i32 to index
      %get3A_2407 = arith.constant 32 : index
      %get3A_2408 = tpu.vector_load %arg14[%get3A_2406, %get3A_2407] {strides = array<i32>} : memref<40x64xf32, #tpu.memory_space<vmem>>, vector<1x16xf32>,
      %get3A_2409 = vector.shape_cast %get3A_2408 : vector<1x16xf32> to vector<16xf32>
      %mul3A_2410 = arith.mulf %get3A_2409, %div3A_2380 : vector<16xf32>
      %swap3A_2411 = arith.constant 10 : i32
      %swap3A_2412 = arith.index_cast %swap3A_2411 : i32 to index
      %swap3A_2413 = arith.constant 32 : index
      %swap3A_2414 = tpu.vector_load %arg14[%swap3A_2412, %swap3A_2413] {strides = array<i32>} : memref<40x64xf32, #tpu.memory_space<vmem>>, vector<1x16xf32>,
      %swap3A_2415 = vector.shape_cast %swap3A_2414 : vector<1x16xf32> to vector<16xf32>
      %swap3A_2416 = vector.shape_cast %mul3A_2410 : vector<16xf32> to vector<1x16xf32>
      tpu.vector_store %arg14[%swap3A_2412, %swap3A_2413], %swap3A_2416 {strides = array<i32>} : memref<40x64xf32, #tpu.memory_space<vmem>>, vector<1x16xf32>,
      %get3A_2417 = arith.constant 10 : i32
      %get3A_2418 = arith.index_cast %get3A_2417 : i32 to index
      %get3A_2419 = arith.constant 48 : index
      %get3A_2420 = tpu.vector_load %arg14[%get3A_2418, %get3A_2419] {strides = array<i32>} : memref<40x64xf32, #tpu.memory_space<vmem>>, vector<1x16xf32>,
      %get3A_2421 = vector.shape_cast %get3A_2420 : vector<1x16xf32> to vector<16xf32>
      %mul3A_2422 = arith.mulf %get3A_2421, %div3A_2380 : vector<16xf32>
      %swap3A_2423 = arith.constant 10 : i32
      %swap3A_2424 = arith.index_cast %swap3A_2423 : i32 to index
      %swap3A_2425 = arith.constant 48 : index
      %swap3A_2426 = tpu.vector_load %arg14[%swap3A_2424, %swap3A_2425] {strides = array<i32>} : memref<40x64xf32, #tpu.memory_space<vmem>>, vector<1x16xf32>,
      %swap3A_2427 = vector.shape_cast %swap3A_2426 : vector<1x16xf32> to vector<16xf32>
      %swap3A_2428 = vector.shape_cast %mul3A_2422 : vector<16xf32> to vector<1x16xf32>
      tpu.vector_store %arg14[%swap3A_2424, %swap3A_2425], %swap3A_2428 {strides = array<i32>} : memref<40x64xf32, #tpu.memory_space<vmem>>, vector<1x16xf32>,
      %get3A_2429 = arith.constant 11 : i32
      %get3A_2430 = arith.index_cast %get3A_2429 : i32 to index
      %get3A_2431 = arith.constant 0 : index
      %get3A_2432 = tpu.vector_load %arg15[%get3A_2430, %get3A_2431] {strides = array<i32>} : memref<40x16xf32, #tpu.memory_space<vmem>>, vector<1x16xf32>,
      %get3A_2433 = vector.shape_cast %get3A_2432 : vector<1x16xf32> to vector<16xf32>
      %max3A_2434 = arith.constant 1.000000e+00 : f32
      %max3A_2435 = vector.broadcast %max3A_2434 : f32 to vector<16xf32>
      %max3A_2436 = arith.maximumf %get3A_2433, %max3A_2435 : vector<16xf32>
      %div3A_2437 = arith.constant 1.000000e+00 : f32
      %div3A_2438 = vector.broadcast %div3A_2437 : f32 to vector<16xf32>
      %div3A_2439 = arith.divf %div3A_2438, %max3A_2436 : vector<16xf32>
      %get3A_2440 = arith.constant 11 : i32
      %get3A_2441 = arith.index_cast %get3A_2440 : i32 to index
      %get3A_2442 = arith.constant 0 : index
      %get3A_2443 = tpu.vector_load %arg14[%get3A_2441, %get3A_2442] {strides = array<i32>} : memref<40x64xf32, #tpu.memory_space<vmem>>, vector<1x16xf32>,
      %get3A_2444 = vector.shape_cast %get3A_2443 : vector<1x16xf32> to vector<16xf32>
      %mul3A_2445 = arith.mulf %get3A_2444, %div3A_2439 : vector<16xf32>
      %swap3A_2446 = arith.constant 11 : i32
      %swap3A_2447 = arith.index_cast %swap3A_2446 : i32 to index
      %swap3A_2448 = arith.constant 0 : index
      %swap3A_2449 = tpu.vector_load %arg14[%swap3A_2447, %swap3A_2448] {strides = array<i32>} : memref<40x64xf32, #tpu.memory_space<vmem>>, vector<1x16xf32>,
      %swap3A_2450 = vector.shape_cast %swap3A_2449 : vector<1x16xf32> to vector<16xf32>
      %swap3A_2451 = vector.shape_cast %mul3A_2445 : vector<16xf32> to vector<1x16xf32>
      tpu.vector_store %arg14[%swap3A_2447, %swap3A_2448], %swap3A_2451 {strides = array<i32>} : memref<40x64xf32, #tpu.memory_space<vmem>>, vector<1x16xf32>,
      %get3A_2452 = arith.constant 11 : i32
      %get3A_2453 = arith.index_cast %get3A_2452 : i32 to index
      %get3A_2454 = arith.constant 16 : index
      %get3A_2455 = tpu.vector_load %arg14[%get3A_2453, %get3A_2454] {strides = array<i32>} : memref<40x64xf32, #tpu.memory_space<vmem>>, vector<1x16xf32>,
      %get3A_2456 = vector.shape_cast %get3A_2455 : vector<1x16xf32> to vector<16xf32>
      %mul3A_2457 = arith.mulf %get3A_2456, %div3A_2439 : vector<16xf32>
      %swap3A_2458 = arith.constant 11 : i32
      %swap3A_2459 = arith.index_cast %swap3A_2458 : i32 to index
      %swap3A_2460 = arith.constant 16 : index
      %swap3A_2461 = tpu.vector_load %arg14[%swap3A_2459, %swap3A_2460] {strides = array<i32>} : memref<40x64xf32, #tpu.memory_space<vmem>>, vector<1x16xf32>,
      %swap3A_2462 = vector.shape_cast %swap3A_2461 : vector<1x16xf32> to vector<16xf32>
      %swap3A_2463 = vector.shape_cast %mul3A_2457 : vector<16xf32> to vector<1x16xf32>
      tpu.vector_store %arg14[%swap3A_2459, %swap3A_2460], %swap3A_2463 {strides = array<i32>} : memref<40x64xf32, #tpu.memory_space<vmem>>, vector<1x16xf32>,
      %get3A_2464 = arith.constant 11 : i32
      %get3A_2465 = arith.index_cast %get3A_2464 : i32 to index
      %get3A_2466 = arith.constant 32 : index
      %get3A_2467 = tpu.vector_load %arg14[%get3A_2465, %get3A_2466] {strides = array<i32>} : memref<40x64xf32, #tpu.memory_space<vmem>>, vector<1x16xf32>,
      %get3A_2468 = vector.shape_cast %get3A_2467 : vector<1x16xf32> to vector<16xf32>
      %mul3A_2469 = arith.mulf %get3A_2468, %div3A_2439 : vector<16xf32>
      %swap3A_2470 = arith.constant 11 : i32
      %swap3A_2471 = arith.index_cast %swap3A_2470 : i32 to index
      %swap3A_2472 = arith.constant 32 : index
      %swap3A_2473 = tpu.vector_load %arg14[%swap3A_2471, %swap3A_2472] {strides = array<i32>} : memref<40x64xf32, #tpu.memory_space<vmem>>, vector<1x16xf32>,
      %swap3A_2474 = vector.shape_cast %swap3A_2473 : vector<1x16xf32> to vector<16xf32>
      %swap3A_2475 = vector.shape_cast %mul3A_2469 : vector<16xf32> to vector<1x16xf32>
      tpu.vector_store %arg14[%swap3A_2471, %swap3A_2472], %swap3A_2475 {strides = array<i32>} : memref<40x64xf32, #tpu.memory_space<vmem>>, vector<1x16xf32>,
      %get3A_2476 = arith.constant 11 : i32
      %get3A_2477 = arith.index_cast %get3A_2476 : i32 to index
      %get3A_2478 = arith.constant 48 : index
      %get3A_2479 = tpu.vector_load %arg14[%get3A_2477, %get3A_2478] {strides = array<i32>} : memref<40x64xf32, #tpu.memory_space<vmem>>, vector<1x16xf32>,
      %get3A_2480 = vector.shape_cast %get3A_2479 : vector<1x16xf32> to vector<16xf32>
      %mul3A_2481 = arith.mulf %get3A_2480, %div3A_2439 : vector<16xf32>
      %swap3A_2482 = arith.constant 11 : i32
      %swap3A_2483 = arith.index_cast %swap3A_2482 : i32 to index
      %swap3A_2484 = arith.constant 48 : index
      %swap3A_2485 = tpu.vector_load %arg14[%swap3A_2483, %swap3A_2484] {strides = array<i32>} : memref<40x64xf32, #tpu.memory_space<vmem>>, vector<1x16xf32>,
      %swap3A_2486 = vector.shape_cast %swap3A_2485 : vector<1x16xf32> to vector<16xf32>
      %swap3A_2487 = vector.shape_cast %mul3A_2481 : vector<16xf32> to vector<1x16xf32>
      tpu.vector_store %arg14[%swap3A_2483, %swap3A_2484], %swap3A_2487 {strides = array<i32>} : memref<40x64xf32, #tpu.memory_space<vmem>>, vector<1x16xf32>,
      %get3A_2488 = arith.constant 12 : i32
      %get3A_2489 = arith.index_cast %get3A_2488 : i32 to index
      %get3A_2490 = arith.constant 0 : index
      %get3A_2491 = tpu.vector_load %arg15[%get3A_2489, %get3A_2490] {strides = array<i32>} : memref<40x16xf32, #tpu.memory_space<vmem>>, vector<1x16xf32>,
      %get3A_2492 = vector.shape_cast %get3A_2491 : vector<1x16xf32> to vector<16xf32>
      %max3A_2493 = arith.constant 1.000000e+00 : f32
      %max3A_2494 = vector.broadcast %max3A_2493 : f32 to vector<16xf32>
      %max3A_2495 = arith.maximumf %get3A_2492, %max3A_2494 : vector<16xf32>
      %div3A_2496 = arith.constant 1.000000e+00 : f32
      %div3A_2497 = vector.broadcast %div3A_2496 : f32 to vector<16xf32>
      %div3A_2498 = arith.divf %div3A_2497, %max3A_2495 : vector<16xf32>
      %get3A_2499 = arith.constant 12 : i32
      %get3A_2500 = arith.index_cast %get3A_2499 : i32 to index
      %get3A_2501 = arith.constant 0 : index
      %get3A_2502 = tpu.vector_load %arg14[%get3A_2500, %get3A_2501] {strides = array<i32>} : memref<40x64xf32, #tpu.memory_space<vmem>>, vector<1x16xf32>,
      %get3A_2503 = vector.shape_cast %get3A_2502 : vector<1x16xf32> to vector<16xf32>
      %mul3A_2504 = arith.mulf %get3A_2503, %div3A_2498 : vector<16xf32>
      %swap3A_2505 = arith.constant 12 : i32
      %swap3A_2506 = arith.index_cast %swap3A_2505 : i32 to index
      %swap3A_2507 = arith.constant 0 : index
      %swap3A_2508 = tpu.vector_load %arg14[%swap3A_2506, %swap3A_2507] {strides = array<i32>} : memref<40x64xf32, #tpu.memory_space<vmem>>, vector<1x16xf32>,
      %swap3A_2509 = vector.shape_cast %swap3A_2508 : vector<1x16xf32> to vector<16xf32>
      %swap3A_2510 = vector.shape_cast %mul3A_2504 : vector<16xf32> to vector<1x16xf32>
      tpu.vector_store %arg14[%swap3A_2506, %swap3A_2507], %swap3A_2510 {strides = array<i32>} : memref<40x64xf32, #tpu.memory_space<vmem>>, vector<1x16xf32>,
      %get3A_2511 = arith.constant 12 : i32
      %get3A_2512 = arith.index_cast %get3A_2511 : i32 to index
      %get3A_2513 = arith.constant 16 : index
      %get3A_2514 = tpu.vector_load %arg14[%get3A_2512, %get3A_2513] {strides = array<i32>} : memref<40x64xf32, #tpu.memory_space<vmem>>, vector<1x16xf32>,
      %get3A_2515 = vector.shape_cast %get3A_2514 : vector<1x16xf32> to vector<16xf32>
      %mul3A_2516 = arith.mulf %get3A_2515, %div3A_2498 : vector<16xf32>
      %swap3A_2517 = arith.constant 12 : i32
      %swap3A_2518 = arith.index_cast %swap3A_2517 : i32 to index
      %swap3A_2519 = arith.constant 16 : index
      %swap3A_2520 = tpu.vector_load %arg14[%swap3A_2518, %swap3A_2519] {strides = array<i32>} : memref<40x64xf32, #tpu.memory_space<vmem>>, vector<1x16xf32>,
      %swap3A_2521 = vector.shape_cast %swap3A_2520 : vector<1x16xf32> to vector<16xf32>
      %swap3A_2522 = vector.shape_cast %mul3A_2516 : vector<16xf32> to vector<1x16xf32>
      tpu.vector_store %arg14[%swap3A_2518, %swap3A_2519], %swap3A_2522 {strides = array<i32>} : memref<40x64xf32, #tpu.memory_space<vmem>>, vector<1x16xf32>,
      %get3A_2523 = arith.constant 12 : i32
      %get3A_2524 = arith.index_cast %get3A_2523 : i32 to index
      %get3A_2525 = arith.constant 32 : index
      %get3A_2526 = tpu.vector_load %arg14[%get3A_2524, %get3A_2525] {strides = array<i32>} : memref<40x64xf32, #tpu.memory_space<vmem>>, vector<1x16xf32>,
      %get3A_2527 = vector.shape_cast %get3A_2526 : vector<1x16xf32> to vector<16xf32>
      %mul3A_2528 = arith.mulf %get3A_2527, %div3A_2498 : vector<16xf32>
      %swap3A_2529 = arith.constant 12 : i32
      %swap3A_2530 = arith.index_cast %swap3A_2529 : i32 to index
      %swap3A_2531 = arith.constant 32 : index
      %swap3A_2532 = tpu.vector_load %arg14[%swap3A_2530, %swap3A_2531] {strides = array<i32>} : memref<40x64xf32, #tpu.memory_space<vmem>>, vector<1x16xf32>,
      %swap3A_2533 = vector.shape_cast %swap3A_2532 : vector<1x16xf32> to vector<16xf32>
      %swap3A_2534 = vector.shape_cast %mul3A_2528 : vector<16xf32> to vector<1x16xf32>
      tpu.vector_store %arg14[%swap3A_2530, %swap3A_2531], %swap3A_2534 {strides = array<i32>} : memref<40x64xf32, #tpu.memory_space<vmem>>, vector<1x16xf32>,
      %get3A_2535 = arith.constant 12 : i32
      %get3A_2536 = arith.index_cast %get3A_2535 : i32 to index
      %get3A_2537 = arith.constant 48 : index
      %get3A_2538 = tpu.vector_load %arg14[%get3A_2536, %get3A_2537] {strides = array<i32>} : memref<40x64xf32, #tpu.memory_space<vmem>>, vector<1x16xf32>,
      %get3A_2539 = vector.shape_cast %get3A_2538 : vector<1x16xf32> to vector<16xf32>
      %mul3A_2540 = arith.mulf %get3A_2539, %div3A_2498 : vector<16xf32>
      %swap3A_2541 = arith.constant 12 : i32
      %swap3A_2542 = arith.index_cast %swap3A_2541 : i32 to index
      %swap3A_2543 = arith.constant 48 : index
      %swap3A_2544 = tpu.vector_load %arg14[%swap3A_2542, %swap3A_2543] {strides = array<i32>} : memref<40x64xf32, #tpu.memory_space<vmem>>, vector<1x16xf32>,
      %swap3A_2545 = vector.shape_cast %swap3A_2544 : vector<1x16xf32> to vector<16xf32>
      %swap3A_2546 = vector.shape_cast %mul3A_2540 : vector<16xf32> to vector<1x16xf32>
      tpu.vector_store %arg14[%swap3A_2542, %swap3A_2543], %swap3A_2546 {strides = array<i32>} : memref<40x64xf32, #tpu.memory_space<vmem>>, vector<1x16xf32>,
      %get3A_2547 = arith.constant 13 : i32
      %get3A_2548 = arith.index_cast %get3A_2547 : i32 to index
      %get3A_2549 = arith.constant 0 : index
      %get3A_2550 = tpu.vector_load %arg15[%get3A_2548, %get3A_2549] {strides = array<i32>} : memref<40x16xf32, #tpu.memory_space<vmem>>, vector<1x16xf32>,
      %get3A_2551 = vector.shape_cast %get3A_2550 : vector<1x16xf32> to vector<16xf32>
      %max3A_2552 = arith.constant 1.000000e+00 : f32
      %max3A_2553 = vector.broadcast %max3A_2552 : f32 to vector<16xf32>
      %max3A_2554 = arith.maximumf %get3A_2551, %max3A_2553 : vector<16xf32>
      %div3A_2555 = arith.constant 1.000000e+00 : f32
      %div3A_2556 = vector.broadcast %div3A_2555 : f32 to vector<16xf32>
      %div3A_2557 = arith.divf %div3A_2556, %max3A_2554 : vector<16xf32>
      %get3A_2558 = arith.constant 13 : i32
      %get3A_2559 = arith.index_cast %get3A_2558 : i32 to index
      %get3A_2560 = arith.constant 0 : index
      %get3A_2561 = tpu.vector_load %arg14[%get3A_2559, %get3A_2560] {strides = array<i32>} : memref<40x64xf32, #tpu.memory_space<vmem>>, vector<1x16xf32>,
      %get3A_2562 = vector.shape_cast %get3A_2561 : vector<1x16xf32> to vector<16xf32>
      %mul3A_2563 = arith.mulf %get3A_2562, %div3A_2557 : vector<16xf32>
      %swap3A_2564 = arith.constant 13 : i32
      %swap3A_2565 = arith.index_cast %swap3A_2564 : i32 to index
      %swap3A_2566 = arith.constant 0 : index
      %swap3A_2567 = tpu.vector_load %arg14[%swap3A_2565, %swap3A_2566] {strides = array<i32>} : memref<40x64xf32, #tpu.memory_space<vmem>>, vector<1x16xf32>,
      %swap3A_2568 = vector.shape_cast %swap3A_2567 : vector<1x16xf32> to vector<16xf32>
      %swap3A_2569 = vector.shape_cast %mul3A_2563 : vector<16xf32> to vector<1x16xf32>
      tpu.vector_store %arg14[%swap3A_2565, %swap3A_2566], %swap3A_2569 {strides = array<i32>} : memref<40x64xf32, #tpu.memory_space<vmem>>, vector<1x16xf32>,
      %get3A_2570 = arith.constant 13 : i32
      %get3A_2571 = arith.index_cast %get3A_2570 : i32 to index
      %get3A_2572 = arith.constant 16 : index
      %get3A_2573 = tpu.vector_load %arg14[%get3A_2571, %get3A_2572] {strides = array<i32>} : memref<40x64xf32, #tpu.memory_space<vmem>>, vector<1x16xf32>,
      %get3A_2574 = vector.shape_cast %get3A_2573 : vector<1x16xf32> to vector<16xf32>
      %mul3A_2575 = arith.mulf %get3A_2574, %div3A_2557 : vector<16xf32>
      %swap3A_2576 = arith.constant 13 : i32
      %swap3A_2577 = arith.index_cast %swap3A_2576 : i32 to index
      %swap3A_2578 = arith.constant 16 : index
      %swap3A_2579 = tpu.vector_load %arg14[%swap3A_2577, %swap3A_2578] {strides = array<i32>} : memref<40x64xf32, #tpu.memory_space<vmem>>, vector<1x16xf32>,
      %swap3A_2580 = vector.shape_cast %swap3A_2579 : vector<1x16xf32> to vector<16xf32>
      %swap3A_2581 = vector.shape_cast %mul3A_2575 : vector<16xf32> to vector<1x16xf32>
      tpu.vector_store %arg14[%swap3A_2577, %swap3A_2578], %swap3A_2581 {strides = array<i32>} : memref<40x64xf32, #tpu.memory_space<vmem>>, vector<1x16xf32>,
      %get3A_2582 = arith.constant 13 : i32
      %get3A_2583 = arith.index_cast %get3A_2582 : i32 to index
      %get3A_2584 = arith.constant 32 : index
      %get3A_2585 = tpu.vector_load %arg14[%get3A_2583, %get3A_2584] {strides = array<i32>} : memref<40x64xf32, #tpu.memory_space<vmem>>, vector<1x16xf32>,
      %get3A_2586 = vector.shape_cast %get3A_2585 : vector<1x16xf32> to vector<16xf32>
      %mul3A_2587 = arith.mulf %get3A_2586, %div3A_2557 : vector<16xf32>
      %swap3A_2588 = arith.constant 13 : i32
      %swap3A_2589 = arith.index_cast %swap3A_2588 : i32 to index
      %swap3A_2590 = arith.constant 32 : index
      %swap3A_2591 = tpu.vector_load %arg14[%swap3A_2589, %swap3A_2590] {strides = array<i32>} : memref<40x64xf32, #tpu.memory_space<vmem>>, vector<1x16xf32>,
      %swap3A_2592 = vector.shape_cast %swap3A_2591 : vector<1x16xf32> to vector<16xf32>
      %swap3A_2593 = vector.shape_cast %mul3A_2587 : vector<16xf32> to vector<1x16xf32>
      tpu.vector_store %arg14[%swap3A_2589, %swap3A_2590], %swap3A_2593 {strides = array<i32>} : memref<40x64xf32, #tpu.memory_space<vmem>>, vector<1x16xf32>,
      %get3A_2594 = arith.constant 13 : i32
      %get3A_2595 = arith.index_cast %get3A_2594 : i32 to index
      %get3A_2596 = arith.constant 48 : index
      %get3A_2597 = tpu.vector_load %arg14[%get3A_2595, %get3A_2596] {strides = array<i32>} : memref<40x64xf32, #tpu.memory_space<vmem>>, vector<1x16xf32>,
      %get3A_2598 = vector.shape_cast %get3A_2597 : vector<1x16xf32> to vector<16xf32>
      %mul3A_2599 = arith.mulf %get3A_2598, %div3A_2557 : vector<16xf32>
      %swap3A_2600 = arith.constant 13 : i32
      %swap3A_2601 = arith.index_cast %swap3A_2600 : i32 to index
      %swap3A_2602 = arith.constant 48 : index
      %swap3A_2603 = tpu.vector_load %arg14[%swap3A_2601, %swap3A_2602] {strides = array<i32>} : memref<40x64xf32, #tpu.memory_space<vmem>>, vector<1x16xf32>,
      %swap3A_2604 = vector.shape_cast %swap3A_2603 : vector<1x16xf32> to vector<16xf32>
      %swap3A_2605 = vector.shape_cast %mul3A_2599 : vector<16xf32> to vector<1x16xf32>
      tpu.vector_store %arg14[%swap3A_2601, %swap3A_2602], %swap3A_2605 {strides = array<i32>} : memref<40x64xf32, #tpu.memory_space<vmem>>, vector<1x16xf32>,
      %get3A_2606 = arith.constant 14 : i32
      %get3A_2607 = arith.index_cast %get3A_2606 : i32 to index
      %get3A_2608 = arith.constant 0 : index
      %get3A_2609 = tpu.vector_load %arg15[%get3A_2607, %get3A_2608] {strides = array<i32>} : memref<40x16xf32, #tpu.memory_space<vmem>>, vector<1x16xf32>,
      %get3A_2610 = vector.shape_cast %get3A_2609 : vector<1x16xf32> to vector<16xf32>
      %max3A_2611 = arith.constant 1.000000e+00 : f32
      %max3A_2612 = vector.broadcast %max3A_2611 : f32 to vector<16xf32>
      %max3A_2613 = arith.maximumf %get3A_2610, %max3A_2612 : vector<16xf32>
      %div3A_2614 = arith.constant 1.000000e+00 : f32
      %div3A_2615 = vector.broadcast %div3A_2614 : f32 to vector<16xf32>
      %div3A_2616 = arith.divf %div3A_2615, %max3A_2613 : vector<16xf32>
      %get3A_2617 = arith.constant 14 : i32
      %get3A_2618 = arith.index_cast %get3A_2617 : i32 to index
      %get3A_2619 = arith.constant 0 : index
      %get3A_2620 = tpu.vector_load %arg14[%get3A_2618, %get3A_2619] {strides = array<i32>} : memref<40x64xf32, #tpu.memory_space<vmem>>, vector<1x16xf32>,
      %get3A_2621 = vector.shape_cast %get3A_2620 : vector<1x16xf32> to vector<16xf32>
      %mul3A_2622 = arith.mulf %get3A_2621, %div3A_2616 : vector<16xf32>
      %swap3A_2623 = arith.constant 14 : i32
      %swap3A_2624 = arith.index_cast %swap3A_2623 : i32 to index
      %swap3A_2625 = arith.constant 0 : index
      %swap3A_2626 = tpu.vector_load %arg14[%swap3A_2624, %swap3A_2625] {strides = array<i32>} : memref<40x64xf32, #tpu.memory_space<vmem>>, vector<1x16xf32>,
      %swap3A_2627 = vector.shape_cast %swap3A_2626 : vector<1x16xf32> to vector<16xf32>
      %swap3A_2628 = vector.shape_cast %mul3A_2622 : vector<16xf32> to vector<1x16xf32>
      tpu.vector_store %arg14[%swap3A_2624, %swap3A_2625], %swap3A_2628 {strides = array<i32>} : memref<40x64xf32, #tpu.memory_space<vmem>>, vector<1x16xf32>,
      %get3A_2629 = arith.constant 14 : i32
      %get3A_2630 = arith.index_cast %get3A_2629 : i32 to index
      %get3A_2631 = arith.constant 16 : index
      %get3A_2632 = tpu.vector_load %arg14[%get3A_2630, %get3A_2631] {strides = array<i32>} : memref<40x64xf32, #tpu.memory_space<vmem>>, vector<1x16xf32>,
      %get3A_2633 = vector.shape_cast %get3A_2632 : vector<1x16xf32> to vector<16xf32>
      %mul3A_2634 = arith.mulf %get3A_2633, %div3A_2616 : vector<16xf32>
      %swap3A_2635 = arith.constant 14 : i32
      %swap3A_2636 = arith.index_cast %swap3A_2635 : i32 to index
      %swap3A_2637 = arith.constant 16 : index
      %swap3A_2638 = tpu.vector_load %arg14[%swap3A_2636, %swap3A_2637] {strides = array<i32>} : memref<40x64xf32, #tpu.memory_space<vmem>>, vector<1x16xf32>,
      %swap3A_2639 = vector.shape_cast %swap3A_2638 : vector<1x16xf32> to vector<16xf32>
      %swap3A_2640 = vector.shape_cast %mul3A_2634 : vector<16xf32> to vector<1x16xf32>
      tpu.vector_store %arg14[%swap3A_2636, %swap3A_2637], %swap3A_2640 {strides = array<i32>} : memref<40x64xf32, #tpu.memory_space<vmem>>, vector<1x16xf32>,
      %get3A_2641 = arith.constant 14 : i32
      %get3A_2642 = arith.index_cast %get3A_2641 : i32 to index
      %get3A_2643 = arith.constant 32 : index
      %get3A_2644 = tpu.vector_load %arg14[%get3A_2642, %get3A_2643] {strides = array<i32>} : memref<40x64xf32, #tpu.memory_space<vmem>>, vector<1x16xf32>,
      %get3A_2645 = vector.shape_cast %get3A_2644 : vector<1x16xf32> to vector<16xf32>
      %mul3A_2646 = arith.mulf %get3A_2645, %div3A_2616 : vector<16xf32>
      %swap3A_2647 = arith.constant 14 : i32
      %swap3A_2648 = arith.index_cast %swap3A_2647 : i32 to index
      %swap3A_2649 = arith.constant 32 : index
      %swap3A_2650 = tpu.vector_load %arg14[%swap3A_2648, %swap3A_2649] {strides = array<i32>} : memref<40x64xf32, #tpu.memory_space<vmem>>, vector<1x16xf32>,
      %swap3A_2651 = vector.shape_cast %swap3A_2650 : vector<1x16xf32> to vector<16xf32>
      %swap3A_2652 = vector.shape_cast %mul3A_2646 : vector<16xf32> to vector<1x16xf32>
      tpu.vector_store %arg14[%swap3A_2648, %swap3A_2649], %swap3A_2652 {strides = array<i32>} : memref<40x64xf32, #tpu.memory_space<vmem>>, vector<1x16xf32>,
      %get3A_2653 = arith.constant 14 : i32
      %get3A_2654 = arith.index_cast %get3A_2653 : i32 to index
      %get3A_2655 = arith.constant 48 : index
      %get3A_2656 = tpu.vector_load %arg14[%get3A_2654, %get3A_2655] {strides = array<i32>} : memref<40x64xf32, #tpu.memory_space<vmem>>, vector<1x16xf32>,
      %get3A_2657 = vector.shape_cast %get3A_2656 : vector<1x16xf32> to vector<16xf32>
      %mul3A_2658 = arith.mulf %get3A_2657, %div3A_2616 : vector<16xf32>
      %swap3A_2659 = arith.constant 14 : i32
      %swap3A_2660 = arith.index_cast %swap3A_2659 : i32 to index
      %swap3A_2661 = arith.constant 48 : index
      %swap3A_2662 = tpu.vector_load %arg14[%swap3A_2660, %swap3A_2661] {strides = array<i32>} : memref<40x64xf32, #tpu.memory_space<vmem>>, vector<1x16xf32>,
      %swap3A_2663 = vector.shape_cast %swap3A_2662 : vector<1x16xf32> to vector<16xf32>
      %swap3A_2664 = vector.shape_cast %mul3A_2658 : vector<16xf32> to vector<1x16xf32>
      tpu.vector_store %arg14[%swap3A_2660, %swap3A_2661], %swap3A_2664 {strides = array<i32>} : memref<40x64xf32, #tpu.memory_space<vmem>>, vector<1x16xf32>,
      %get3A_2665 = arith.constant 15 : i32
      %get3A_2666 = arith.index_cast %get3A_2665 : i32 to index
      %get3A_2667 = arith.constant 0 : index
      %get3A_2668 = tpu.vector_load %arg15[%get3A_2666, %get3A_2667] {strides = array<i32>} : memref<40x16xf32, #tpu.memory_space<vmem>>, vector<1x16xf32>,
      %get3A_2669 = vector.shape_cast %get3A_2668 : vector<1x16xf32> to vector<16xf32>
      %max3A_2670 = arith.constant 1.000000e+00 : f32
      %max3A_2671 = vector.broadcast %max3A_2670 : f32 to vector<16xf32>
      %max3A_2672 = arith.maximumf %get3A_2669, %max3A_2671 : vector<16xf32>
      %div3A_2673 = arith.constant 1.000000e+00 : f32
      %div3A_2674 = vector.broadcast %div3A_2673 : f32 to vector<16xf32>
      %div3A_2675 = arith.divf %div3A_2674, %max3A_2672 : vector<16xf32>
      %get3A_2676 = arith.constant 15 : i32
      %get3A_2677 = arith.index_cast %get3A_2676 : i32 to index
      %get3A_2678 = arith.constant 0 : index
      %get3A_2679 = tpu.vector_load %arg14[%get3A_2677, %get3A_2678] {strides = array<i32>} : memref<40x64xf32, #tpu.memory_space<vmem>>, vector<1x16xf32>,
      %get3A_2680 = vector.shape_cast %get3A_2679 : vector<1x16xf32> to vector<16xf32>
      %mul3A_2681 = arith.mulf %get3A_2680, %div3A_2675 : vector<16xf32>
      %swap3A_2682 = arith.constant 15 : i32
      %swap3A_2683 = arith.index_cast %swap3A_2682 : i32 to index
      %swap3A_2684 = arith.constant 0 : index
      %swap3A_2685 = tpu.vector_load %arg14[%swap3A_2683, %swap3A_2684] {strides = array<i32>} : memref<40x64xf32, #tpu.memory_space<vmem>>, vector<1x16xf32>,
      %swap3A_2686 = vector.shape_cast %swap3A_2685 : vector<1x16xf32> to vector<16xf32>
      %swap3A_2687 = vector.shape_cast %mul3A_2681 : vector<16xf32> to vector<1x16xf32>
      tpu.vector_store %arg14[%swap3A_2683, %swap3A_2684], %swap3A_2687 {strides = array<i32>} : memref<40x64xf32, #tpu.memory_space<vmem>>, vector<1x16xf32>,
      %get3A_2688 = arith.constant 15 : i32
      %get3A_2689 = arith.index_cast %get3A_2688 : i32 to index
      %get3A_2690 = arith.constant 16 : index
      %get3A_2691 = tpu.vector_load %arg14[%get3A_2689, %get3A_2690] {strides = array<i32>} : memref<40x64xf32, #tpu.memory_space<vmem>>, vector<1x16xf32>,
      %get3A_2692 = vector.shape_cast %get3A_2691 : vector<1x16xf32> to vector<16xf32>
      %mul3A_2693 = arith.mulf %get3A_2692, %div3A_2675 : vector<16xf32>
      %swap3A_2694 = arith.constant 15 : i32
      %swap3A_2695 = arith.index_cast %swap3A_2694 : i32 to index
      %swap3A_2696 = arith.constant 16 : index
      %swap3A_2697 = tpu.vector_load %arg14[%swap3A_2695, %swap3A_2696] {strides = array<i32>} : memref<40x64xf32, #tpu.memory_space<vmem>>, vector<1x16xf32>,
      %swap3A_2698 = vector.shape_cast %swap3A_2697 : vector<1x16xf32> to vector<16xf32>
      %swap3A_2699 = vector.shape_cast %mul3A_2693 : vector<16xf32> to vector<1x16xf32>
      tpu.vector_store %arg14[%swap3A_2695, %swap3A_2696], %swap3A_2699 {strides = array<i32>} : memref<40x64xf32, #tpu.memory_space<vmem>>, vector<1x16xf32>,
      %get3A_2700 = arith.constant 15 : i32
      %get3A_2701 = arith.index_cast %get3A_2700 : i32 to index
      %get3A_2702 = arith.constant 32 : index
      %get3A_2703 = tpu.vector_load %arg14[%get3A_2701, %get3A_2702] {strides = array<i32>} : memref<40x64xf32, #tpu.memory_space<vmem>>, vector<1x16xf32>,
      %get3A_2704 = vector.shape_cast %get3A_2703 : vector<1x16xf32> to vector<16xf32>
      %mul3A_2705 = arith.mulf %get3A_2704, %div3A_2675 : vector<16xf32>
      %swap3A_2706 = arith.constant 15 : i32
      %swap3A_2707 = arith.index_cast %swap3A_2706 : i32 to index
      %swap3A_2708 = arith.constant 32 : index
      %swap3A_2709 = tpu.vector_load %arg14[%swap3A_2707, %swap3A_2708] {strides = array<i32>} : memref<40x64xf32, #tpu.memory_space<vmem>>, vector<1x16xf32>,
      %swap3A_2710 = vector.shape_cast %swap3A_2709 : vector<1x16xf32> to vector<16xf32>
      %swap3A_2711 = vector.shape_cast %mul3A_2705 : vector<16xf32> to vector<1x16xf32>
      tpu.vector_store %arg14[%swap3A_2707, %swap3A_2708], %swap3A_2711 {strides = array<i32>} : memref<40x64xf32, #tpu.memory_space<vmem>>, vector<1x16xf32>,
      %get3A_2712 = arith.constant 15 : i32
      %get3A_2713 = arith.index_cast %get3A_2712 : i32 to index
      %get3A_2714 = arith.constant 48 : index
      %get3A_2715 = tpu.vector_load %arg14[%get3A_2713, %get3A_2714] {strides = array<i32>} : memref<40x64xf32, #tpu.memory_space<vmem>>, vector<1x16xf32>,
      %get3A_2716 = vector.shape_cast %get3A_2715 : vector<1x16xf32> to vector<16xf32>
      %mul3A_2717 = arith.mulf %get3A_2716, %div3A_2675 : vector<16xf32>
      %swap3A_2718 = arith.constant 15 : i32
      %swap3A_2719 = arith.index_cast %swap3A_2718 : i32 to index
      %swap3A_2720 = arith.constant 48 : index
      %swap3A_2721 = tpu.vector_load %arg14[%swap3A_2719, %swap3A_2720] {strides = array<i32>} : memref<40x64xf32, #tpu.memory_space<vmem>>, vector<1x16xf32>,
      %swap3A_2722 = vector.shape_cast %swap3A_2721 : vector<1x16xf32> to vector<16xf32>
      %swap3A_2723 = vector.shape_cast %mul3A_2717 : vector<16xf32> to vector<1x16xf32>
      tpu.vector_store %arg14[%swap3A_2719, %swap3A_2720], %swap3A_2723 {strides = array<i32>} : memref<40x64xf32, #tpu.memory_space<vmem>>, vector<1x16xf32>,
      %get3A_2724 = arith.constant 16 : i32
      %get3A_2725 = arith.index_cast %get3A_2724 : i32 to index
      %get3A_2726 = arith.constant 0 : index
      %get3A_2727 = tpu.vector_load %arg15[%get3A_2725, %get3A_2726] {strides = array<i32>} : memref<40x16xf32, #tpu.memory_space<vmem>>, vector<1x16xf32>,
      %get3A_2728 = vector.shape_cast %get3A_2727 : vector<1x16xf32> to vector<16xf32>
      %max3A_2729 = arith.constant 1.000000e+00 : f32
      %max3A_2730 = vector.broadcast %max3A_2729 : f32 to vector<16xf32>
      %max3A_2731 = arith.maximumf %get3A_2728, %max3A_2730 : vector<16xf32>
      %div3A_2732 = arith.constant 1.000000e+00 : f32
      %div3A_2733 = vector.broadcast %div3A_2732 : f32 to vector<16xf32>
      %div3A_2734 = arith.divf %div3A_2733, %max3A_2731 : vector<16xf32>
      %get3A_2735 = arith.constant 16 : i32
      %get3A_2736 = arith.index_cast %get3A_2735 : i32 to index
      %get3A_2737 = arith.constant 0 : index
      %get3A_2738 = tpu.vector_load %arg14[%get3A_2736, %get3A_2737] {strides = array<i32>} : memref<40x64xf32, #tpu.memory_space<vmem>>, vector<1x16xf32>,
      %get3A_2739 = vector.shape_cast %get3A_2738 : vector<1x16xf32> to vector<16xf32>
      %mul3A_2740 = arith.mulf %get3A_2739, %div3A_2734 : vector<16xf32>
      %swap3A_2741 = arith.constant 16 : i32
      %swap3A_2742 = arith.index_cast %swap3A_2741 : i32 to index
      %swap3A_2743 = arith.constant 0 : index
      %swap3A_2744 = tpu.vector_load %arg14[%swap3A_2742, %swap3A_2743] {strides = array<i32>} : memref<40x64xf32, #tpu.memory_space<vmem>>, vector<1x16xf32>,
      %swap3A_2745 = vector.shape_cast %swap3A_2744 : vector<1x16xf32> to vector<16xf32>
      %swap3A_2746 = vector.shape_cast %mul3A_2740 : vector<16xf32> to vector<1x16xf32>
      tpu.vector_store %arg14[%swap3A_2742, %swap3A_2743], %swap3A_2746 {strides = array<i32>} : memref<40x64xf32, #tpu.memory_space<vmem>>, vector<1x16xf32>,
      %get3A_2747 = arith.constant 16 : i32
      %get3A_2748 = arith.index_cast %get3A_2747 : i32 to index
      %get3A_2749 = arith.constant 16 : index
      %get3A_2750 = tpu.vector_load %arg14[%get3A_2748, %get3A_2749] {strides = array<i32>} : memref<40x64xf32, #tpu.memory_space<vmem>>, vector<1x16xf32>,
      %get3A_2751 = vector.shape_cast %get3A_2750 : vector<1x16xf32> to vector<16xf32>
      %mul3A_2752 = arith.mulf %get3A_2751, %div3A_2734 : vector<16xf32>
      %swap3A_2753 = arith.constant 16 : i32
      %swap3A_2754 = arith.index_cast %swap3A_2753 : i32 to index
      %swap3A_2755 = arith.constant 16 : index
      %swap3A_2756 = tpu.vector_load %arg14[%swap3A_2754, %swap3A_2755] {strides = array<i32>} : memref<40x64xf32, #tpu.memory_space<vmem>>, vector<1x16xf32>,
      %swap3A_2757 = vector.shape_cast %swap3A_2756 : vector<1x16xf32> to vector<16xf32>
      %swap3A_2758 = vector.shape_cast %mul3A_2752 : vector<16xf32> to vector<1x16xf32>
      tpu.vector_store %arg14[%swap3A_2754, %swap3A_2755], %swap3A_2758 {strides = array<i32>} : memref<40x64xf32, #tpu.memory_space<vmem>>, vector<1x16xf32>,
      %get3A_2759 = arith.constant 16 : i32
      %get3A_2760 = arith.index_cast %get3A_2759 : i32 to index
      %get3A_2761 = arith.constant 32 : index
      %get3A_2762 = tpu.vector_load %arg14[%get3A_2760, %get3A_2761] {strides = array<i32>} : memref<40x64xf32, #tpu.memory_space<vmem>>, vector<1x16xf32>,
      %get3A_2763 = vector.shape_cast %get3A_2762 : vector<1x16xf32> to vector<16xf32>
      %mul3A_2764 = arith.mulf %get3A_2763, %div3A_2734 : vector<16xf32>
      %swap3A_2765 = arith.constant 16 : i32
      %swap3A_2766 = arith.index_cast %swap3A_2765 : i32 to index
      %swap3A_2767 = arith.constant 32 : index
      %swap3A_2768 = tpu.vector_load %arg14[%swap3A_2766, %swap3A_2767] {strides = array<i32>} : memref<40x64xf32, #tpu.memory_space<vmem>>, vector<1x16xf32>,
      %swap3A_2769 = vector.shape_cast %swap3A_2768 : vector<1x16xf32> to vector<16xf32>
      %swap3A_2770 = vector.shape_cast %mul3A_2764 : vector<16xf32> to vector<1x16xf32>
      tpu.vector_store %arg14[%swap3A_2766, %swap3A_2767], %swap3A_2770 {strides = array<i32>} : memref<40x64xf32, #tpu.memory_space<vmem>>, vector<1x16xf32>,
      %get3A_2771 = arith.constant 16 : i32
      %get3A_2772 = arith.index_cast %get3A_2771 : i32 to index
      %get3A_2773 = arith.constant 48 : index
      %get3A_2774 = tpu.vector_load %arg14[%get3A_2772, %get3A_2773] {strides = array<i32>} : memref<40x64xf32, #tpu.memory_space<vmem>>, vector<1x16xf32>,
      %get3A_2775 = vector.shape_cast %get3A_2774 : vector<1x16xf32> to vector<16xf32>
      %mul3A_2776 = arith.mulf %get3A_2775, %div3A_2734 : vector<16xf32>
      %swap3A_2777 = arith.constant 16 : i32
      %swap3A_2778 = arith.index_cast %swap3A_2777 : i32 to index
      %swap3A_2779 = arith.constant 48 : index
      %swap3A_2780 = tpu.vector_load %arg14[%swap3A_2778, %swap3A_2779] {strides = array<i32>} : memref<40x64xf32, #tpu.memory_space<vmem>>, vector<1x16xf32>,
      %swap3A_2781 = vector.shape_cast %swap3A_2780 : vector<1x16xf32> to vector<16xf32>
      %swap3A_2782 = vector.shape_cast %mul3A_2776 : vector<16xf32> to vector<1x16xf32>
      tpu.vector_store %arg14[%swap3A_2778, %swap3A_2779], %swap3A_2782 {strides = array<i32>} : memref<40x64xf32, #tpu.memory_space<vmem>>, vector<1x16xf32>,
      %get3A_2783 = arith.constant 17 : i32
      %get3A_2784 = arith.index_cast %get3A_2783 : i32 to index
      %get3A_2785 = arith.constant 0 : index
      %get3A_2786 = tpu.vector_load %arg15[%get3A_2784, %get3A_2785] {strides = array<i32>} : memref<40x16xf32, #tpu.memory_space<vmem>>, vector<1x16xf32>,
      %get3A_2787 = vector.shape_cast %get3A_2786 : vector<1x16xf32> to vector<16xf32>
      %max3A_2788 = arith.constant 1.000000e+00 : f32
      %max3A_2789 = vector.broadcast %max3A_2788 : f32 to vector<16xf32>
      %max3A_2790 = arith.maximumf %get3A_2787, %max3A_2789 : vector<16xf32>
      %div3A_2791 = arith.constant 1.000000e+00 : f32
      %div3A_2792 = vector.broadcast %div3A_2791 : f32 to vector<16xf32>
      %div3A_2793 = arith.divf %div3A_2792, %max3A_2790 : vector<16xf32>
      %get3A_2794 = arith.constant 17 : i32
      %get3A_2795 = arith.index_cast %get3A_2794 : i32 to index
      %get3A_2796 = arith.constant 0 : index
      %get3A_2797 = tpu.vector_load %arg14[%get3A_2795, %get3A_2796] {strides = array<i32>} : memref<40x64xf32, #tpu.memory_space<vmem>>, vector<1x16xf32>,
      %get3A_2798 = vector.shape_cast %get3A_2797 : vector<1x16xf32> to vector<16xf32>
      %mul3A_2799 = arith.mulf %get3A_2798, %div3A_2793 : vector<16xf32>
      %swap3A_2800 = arith.constant 17 : i32
      %swap3A_2801 = arith.index_cast %swap3A_2800 : i32 to index
      %swap3A_2802 = arith.constant 0 : index
      %swap3A_2803 = tpu.vector_load %arg14[%swap3A_2801, %swap3A_2802] {strides = array<i32>} : memref<40x64xf32, #tpu.memory_space<vmem>>, vector<1x16xf32>,
      %swap3A_2804 = vector.shape_cast %swap3A_2803 : vector<1x16xf32> to vector<16xf32>
      %swap3A_2805 = vector.shape_cast %mul3A_2799 : vector<16xf32> to vector<1x16xf32>
      tpu.vector_store %arg14[%swap3A_2801, %swap3A_2802], %swap3A_2805 {strides = array<i32>} : memref<40x64xf32, #tpu.memory_space<vmem>>, vector<1x16xf32>,
      %get3A_2806 = arith.constant 17 : i32
      %get3A_2807 = arith.index_cast %get3A_2806 : i32 to index
      %get3A_2808 = arith.constant 16 : index
      %get3A_2809 = tpu.vector_load %arg14[%get3A_2807, %get3A_2808] {strides = array<i32>} : memref<40x64xf32, #tpu.memory_space<vmem>>, vector<1x16xf32>,
      %get3A_2810 = vector.shape_cast %get3A_2809 : vector<1x16xf32> to vector<16xf32>
      %mul3A_2811 = arith.mulf %get3A_2810, %div3A_2793 : vector<16xf32>
      %swap3A_2812 = arith.constant 17 : i32
      %swap3A_2813 = arith.index_cast %swap3A_2812 : i32 to index
      %swap3A_2814 = arith.constant 16 : index
      %swap3A_2815 = tpu.vector_load %arg14[%swap3A_2813, %swap3A_2814] {strides = array<i32>} : memref<40x64xf32, #tpu.memory_space<vmem>>, vector<1x16xf32>,
      %swap3A_2816 = vector.shape_cast %swap3A_2815 : vector<1x16xf32> to vector<16xf32>
      %swap3A_2817 = vector.shape_cast %mul3A_2811 : vector<16xf32> to vector<1x16xf32>
      tpu.vector_store %arg14[%swap3A_2813, %swap3A_2814], %swap3A_2817 {strides = array<i32>} : memref<40x64xf32, #tpu.memory_space<vmem>>, vector<1x16xf32>,
      %get3A_2818 = arith.constant 17 : i32
      %get3A_2819 = arith.index_cast %get3A_2818 : i32 to index
      %get3A_2820 = arith.constant 32 : index
      %get3A_2821 = tpu.vector_load %arg14[%get3A_2819, %get3A_2820] {strides = array<i32>} : memref<40x64xf32, #tpu.memory_space<vmem>>, vector<1x16xf32>,
      %get3A_2822 = vector.shape_cast %get3A_2821 : vector<1x16xf32> to vector<16xf32>
      %mul3A_2823 = arith.mulf %get3A_2822, %div3A_2793 : vector<16xf32>
      %swap3A_2824 = arith.constant 17 : i32
      %swap3A_2825 = arith.index_cast %swap3A_2824 : i32 to index
      %swap3A_2826 = arith.constant 32 : index
      %swap3A_2827 = tpu.vector_load %arg14[%swap3A_2825, %swap3A_2826] {strides = array<i32>} : memref<40x64xf32, #tpu.memory_space<vmem>>, vector<1x16xf32>,
      %swap3A_2828 = vector.shape_cast %swap3A_2827 : vector<1x16xf32> to vector<16xf32>
      %swap3A_2829 = vector.shape_cast %mul3A_2823 : vector<16xf32> to vector<1x16xf32>
      tpu.vector_store %arg14[%swap3A_2825, %swap3A_2826], %swap3A_2829 {strides = array<i32>} : memref<40x64xf32, #tpu.memory_space<vmem>>, vector<1x16xf32>,
      %get3A_2830 = arith.constant 17 : i32
      %get3A_2831 = arith.index_cast %get3A_2830 : i32 to index
      %get3A_2832 = arith.constant 48 : index
      %get3A_2833 = tpu.vector_load %arg14[%get3A_2831, %get3A_2832] {strides = array<i32>} : memref<40x64xf32, #tpu.memory_space<vmem>>, vector<1x16xf32>,
      %get3A_2834 = vector.shape_cast %get3A_2833 : vector<1x16xf32> to vector<16xf32>
      %mul3A_2835 = arith.mulf %get3A_2834, %div3A_2793 : vector<16xf32>
      %swap3A_2836 = arith.constant 17 : i32
      %swap3A_2837 = arith.index_cast %swap3A_2836 : i32 to index
      %swap3A_2838 = arith.constant 48 : index
      %swap3A_2839 = tpu.vector_load %arg14[%swap3A_2837, %swap3A_2838] {strides = array<i32>} : memref<40x64xf32, #tpu.memory_space<vmem>>, vector<1x16xf32>,
      %swap3A_2840 = vector.shape_cast %swap3A_2839 : vector<1x16xf32> to vector<16xf32>
      %swap3A_2841 = vector.shape_cast %mul3A_2835 : vector<16xf32> to vector<1x16xf32>
      tpu.vector_store %arg14[%swap3A_2837, %swap3A_2838], %swap3A_2841 {strides = array<i32>} : memref<40x64xf32, #tpu.memory_space<vmem>>, vector<1x16xf32>,
      %get3A_2842 = arith.constant 18 : i32
      %get3A_2843 = arith.index_cast %get3A_2842 : i32 to index
      %get3A_2844 = arith.constant 0 : index
      %get3A_2845 = tpu.vector_load %arg15[%get3A_2843, %get3A_2844] {strides = array<i32>} : memref<40x16xf32, #tpu.memory_space<vmem>>, vector<1x16xf32>,
      %get3A_2846 = vector.shape_cast %get3A_2845 : vector<1x16xf32> to vector<16xf32>
      %max3A_2847 = arith.constant 1.000000e+00 : f32
      %max3A_2848 = vector.broadcast %max3A_2847 : f32 to vector<16xf32>
      %max3A_2849 = arith.maximumf %get3A_2846, %max3A_2848 : vector<16xf32>
      %div3A_2850 = arith.constant 1.000000e+00 : f32
      %div3A_2851 = vector.broadcast %div3A_2850 : f32 to vector<16xf32>
      %div3A_2852 = arith.divf %div3A_2851, %max3A_2849 : vector<16xf32>
      %get3A_2853 = arith.constant 18 : i32
      %get3A_2854 = arith.index_cast %get3A_2853 : i32 to index
      %get3A_2855 = arith.constant 0 : index
      %get3A_2856 = tpu.vector_load %arg14[%get3A_2854, %get3A_2855] {strides = array<i32>} : memref<40x64xf32, #tpu.memory_space<vmem>>, vector<1x16xf32>,
      %get3A_2857 = vector.shape_cast %get3A_2856 : vector<1x16xf32> to vector<16xf32>
      %mul3A_2858 = arith.mulf %get3A_2857, %div3A_2852 : vector<16xf32>
      %swap3A_2859 = arith.constant 18 : i32
      %swap3A_2860 = arith.index_cast %swap3A_2859 : i32 to index
      %swap3A_2861 = arith.constant 0 : index
      %swap3A_2862 = tpu.vector_load %arg14[%swap3A_2860, %swap3A_2861] {strides = array<i32>} : memref<40x64xf32, #tpu.memory_space<vmem>>, vector<1x16xf32>,
      %swap3A_2863 = vector.shape_cast %swap3A_2862 : vector<1x16xf32> to vector<16xf32>
      %swap3A_2864 = vector.shape_cast %mul3A_2858 : vector<16xf32> to vector<1x16xf32>
      tpu.vector_store %arg14[%swap3A_2860, %swap3A_2861], %swap3A_2864 {strides = array<i32>} : memref<40x64xf32, #tpu.memory_space<vmem>>, vector<1x16xf32>,
      %get3A_2865 = arith.constant 18 : i32
      %get3A_2866 = arith.index_cast %get3A_2865 : i32 to index
      %get3A_2867 = arith.constant 16 : index
      %get3A_2868 = tpu.vector_load %arg14[%get3A_2866, %get3A_2867] {strides = array<i32>} : memref<40x64xf32, #tpu.memory_space<vmem>>, vector<1x16xf32>,
      %get3A_2869 = vector.shape_cast %get3A_2868 : vector<1x16xf32> to vector<16xf32>
      %mul3A_2870 = arith.mulf %get3A_2869, %div3A_2852 : vector<16xf32>
      %swap3A_2871 = arith.constant 18 : i32
      %swap3A_2872 = arith.index_cast %swap3A_2871 : i32 to index
      %swap3A_2873 = arith.constant 16 : index
      %swap3A_2874 = tpu.vector_load %arg14[%swap3A_2872, %swap3A_2873] {strides = array<i32>} : memref<40x64xf32, #tpu.memory_space<vmem>>, vector<1x16xf32>,
      %swap3A_2875 = vector.shape_cast %swap3A_2874 : vector<1x16xf32> to vector<16xf32>
      %swap3A_2876 = vector.shape_cast %mul3A_2870 : vector<16xf32> to vector<1x16xf32>
      tpu.vector_store %arg14[%swap3A_2872, %swap3A_2873], %swap3A_2876 {strides = array<i32>} : memref<40x64xf32, #tpu.memory_space<vmem>>, vector<1x16xf32>,
      %get3A_2877 = arith.constant 18 : i32
      %get3A_2878 = arith.index_cast %get3A_2877 : i32 to index
      %get3A_2879 = arith.constant 32 : index
      %get3A_2880 = tpu.vector_load %arg14[%get3A_2878, %get3A_2879] {strides = array<i32>} : memref<40x64xf32, #tpu.memory_space<vmem>>, vector<1x16xf32>,
      %get3A_2881 = vector.shape_cast %get3A_2880 : vector<1x16xf32> to vector<16xf32>
      %mul3A_2882 = arith.mulf %get3A_2881, %div3A_2852 : vector<16xf32>
      %swap3A_2883 = arith.constant 18 : i32
      %swap3A_2884 = arith.index_cast %swap3A_2883 : i32 to index
      %swap3A_2885 = arith.constant 32 : index
      %swap3A_2886 = tpu.vector_load %arg14[%swap3A_2884, %swap3A_2885] {strides = array<i32>} : memref<40x64xf32, #tpu.memory_space<vmem>>, vector<1x16xf32>,
      %swap3A_2887 = vector.shape_cast %swap3A_2886 : vector<1x16xf32> to vector<16xf32>
      %swap3A_2888 = vector.shape_cast %mul3A_2882 : vector<16xf32> to vector<1x16xf32>
      tpu.vector_store %arg14[%swap3A_2884, %swap3A_2885], %swap3A_2888 {strides = array<i32>} : memref<40x64xf32, #tpu.memory_space<vmem>>, vector<1x16xf32>,
      %get3A_2889 = arith.constant 18 : i32
      %get3A_2890 = arith.index_cast %get3A_2889 : i32 to index
      %get3A_2891 = arith.constant 48 : index
      %get3A_2892 = tpu.vector_load %arg14[%get3A_2890, %get3A_2891] {strides = array<i32>} : memref<40x64xf32, #tpu.memory_space<vmem>>, vector<1x16xf32>,
      %get3A_2893 = vector.shape_cast %get3A_2892 : vector<1x16xf32> to vector<16xf32>
      %mul3A_2894 = arith.mulf %get3A_2893, %div3A_2852 : vector<16xf32>
      %swap3A_2895 = arith.constant 18 : i32
      %swap3A_2896 = arith.index_cast %swap3A_2895 : i32 to index
      %swap3A_2897 = arith.constant 48 : index
      %swap3A_2898 = tpu.vector_load %arg14[%swap3A_2896, %swap3A_2897] {strides = array<i32>} : memref<40x64xf32, #tpu.memory_space<vmem>>, vector<1x16xf32>,
      %swap3A_2899 = vector.shape_cast %swap3A_2898 : vector<1x16xf32> to vector<16xf32>
      %swap3A_2900 = vector.shape_cast %mul3A_2894 : vector<16xf32> to vector<1x16xf32>
      tpu.vector_store %arg14[%swap3A_2896, %swap3A_2897], %swap3A_2900 {strides = array<i32>} : memref<40x64xf32, #tpu.memory_space<vmem>>, vector<1x16xf32>,
      %get3A_2901 = arith.constant 19 : i32
      %get3A_2902 = arith.index_cast %get3A_2901 : i32 to index
      %get3A_2903 = arith.constant 0 : index
      %get3A_2904 = tpu.vector_load %arg15[%get3A_2902, %get3A_2903] {strides = array<i32>} : memref<40x16xf32, #tpu.memory_space<vmem>>, vector<1x16xf32>,
      %get3A_2905 = vector.shape_cast %get3A_2904 : vector<1x16xf32> to vector<16xf32>
      %max3A_2906 = arith.constant 1.000000e+00 : f32
      %max3A_2907 = vector.broadcast %max3A_2906 : f32 to vector<16xf32>
      %max3A_2908 = arith.maximumf %get3A_2905, %max3A_2907 : vector<16xf32>
      %div3A_2909 = arith.constant 1.000000e+00 : f32
      %div3A_2910 = vector.broadcast %div3A_2909 : f32 to vector<16xf32>
      %div3A_2911 = arith.divf %div3A_2910, %max3A_2908 : vector<16xf32>
      %get3A_2912 = arith.constant 19 : i32
      %get3A_2913 = arith.index_cast %get3A_2912 : i32 to index
      %get3A_2914 = arith.constant 0 : index
      %get3A_2915 = tpu.vector_load %arg14[%get3A_2913, %get3A_2914] {strides = array<i32>} : memref<40x64xf32, #tpu.memory_space<vmem>>, vector<1x16xf32>,
      %get3A_2916 = vector.shape_cast %get3A_2915 : vector<1x16xf32> to vector<16xf32>
      %mul3A_2917 = arith.mulf %get3A_2916, %div3A_2911 : vector<16xf32>
      %swap3A_2918 = arith.constant 19 : i32
      %swap3A_2919 = arith.index_cast %swap3A_2918 : i32 to index
      %swap3A_2920 = arith.constant 0 : index
      %swap3A_2921 = tpu.vector_load %arg14[%swap3A_2919, %swap3A_2920] {strides = array<i32>} : memref<40x64xf32, #tpu.memory_space<vmem>>, vector<1x16xf32>,
      %swap3A_2922 = vector.shape_cast %swap3A_2921 : vector<1x16xf32> to vector<16xf32>
      %swap3A_2923 = vector.shape_cast %mul3A_2917 : vector<16xf32> to vector<1x16xf32>
      tpu.vector_store %arg14[%swap3A_2919, %swap3A_2920], %swap3A_2923 {strides = array<i32>} : memref<40x64xf32, #tpu.memory_space<vmem>>, vector<1x16xf32>,
      %get3A_2924 = arith.constant 19 : i32
      %get3A_2925 = arith.index_cast %get3A_2924 : i32 to index
      %get3A_2926 = arith.constant 16 : index
      %get3A_2927 = tpu.vector_load %arg14[%get3A_2925, %get3A_2926] {strides = array<i32>} : memref<40x64xf32, #tpu.memory_space<vmem>>, vector<1x16xf32>,
      %get3A_2928 = vector.shape_cast %get3A_2927 : vector<1x16xf32> to vector<16xf32>
      %mul3A_2929 = arith.mulf %get3A_2928, %div3A_2911 : vector<16xf32>
      %swap3A_2930 = arith.constant 19 : i32
      %swap3A_2931 = arith.index_cast %swap3A_2930 : i32 to index
      %swap3A_2932 = arith.constant 16 : index
      %swap3A_2933 = tpu.vector_load %arg14[%swap3A_2931, %swap3A_2932] {strides = array<i32>} : memref<40x64xf32, #tpu.memory_space<vmem>>, vector<1x16xf32>,
      %swap3A_2934 = vector.shape_cast %swap3A_2933 : vector<1x16xf32> to vector<16xf32>
      %swap3A_2935 = vector.shape_cast %mul3A_2929 : vector<16xf32> to vector<1x16xf32>
      tpu.vector_store %arg14[%swap3A_2931, %swap3A_2932], %swap3A_2935 {strides = array<i32>} : memref<40x64xf32, #tpu.memory_space<vmem>>, vector<1x16xf32>,
      %get3A_2936 = arith.constant 19 : i32
      %get3A_2937 = arith.index_cast %get3A_2936 : i32 to index
      %get3A_2938 = arith.constant 32 : index
      %get3A_2939 = tpu.vector_load %arg14[%get3A_2937, %get3A_2938] {strides = array<i32>} : memref<40x64xf32, #tpu.memory_space<vmem>>, vector<1x16xf32>,
      %get3A_2940 = vector.shape_cast %get3A_2939 : vector<1x16xf32> to vector<16xf32>
      %mul3A_2941 = arith.mulf %get3A_2940, %div3A_2911 : vector<16xf32>
      %swap3A_2942 = arith.constant 19 : i32
      %swap3A_2943 = arith.index_cast %swap3A_2942 : i32 to index
      %swap3A_2944 = arith.constant 32 : index
      %swap3A_2945 = tpu.vector_load %arg14[%swap3A_2943, %swap3A_2944] {strides = array<i32>} : memref<40x64xf32, #tpu.memory_space<vmem>>, vector<1x16xf32>,
      %swap3A_2946 = vector.shape_cast %swap3A_2945 : vector<1x16xf32> to vector<16xf32>
      %swap3A_2947 = vector.shape_cast %mul3A_2941 : vector<16xf32> to vector<1x16xf32>
      tpu.vector_store %arg14[%swap3A_2943, %swap3A_2944], %swap3A_2947 {strides = array<i32>} : memref<40x64xf32, #tpu.memory_space<vmem>>, vector<1x16xf32>,
      %get3A_2948 = arith.constant 19 : i32
      %get3A_2949 = arith.index_cast %get3A_2948 : i32 to index
      %get3A_2950 = arith.constant 48 : index
      %get3A_2951 = tpu.vector_load %arg14[%get3A_2949, %get3A_2950] {strides = array<i32>} : memref<40x64xf32, #tpu.memory_space<vmem>>, vector<1x16xf32>,
      %get3A_2952 = vector.shape_cast %get3A_2951 : vector<1x16xf32> to vector<16xf32>
      %mul3A_2953 = arith.mulf %get3A_2952, %div3A_2911 : vector<16xf32>
      %swap3A_2954 = arith.constant 19 : i32
      %swap3A_2955 = arith.index_cast %swap3A_2954 : i32 to index
      %swap3A_2956 = arith.constant 48 : index
      %swap3A_2957 = tpu.vector_load %arg14[%swap3A_2955, %swap3A_2956] {strides = array<i32>} : memref<40x64xf32, #tpu.memory_space<vmem>>, vector<1x16xf32>,
      %swap3A_2958 = vector.shape_cast %swap3A_2957 : vector<1x16xf32> to vector<16xf32>
      %swap3A_2959 = vector.shape_cast %mul3A_2953 : vector<16xf32> to vector<1x16xf32>
      tpu.vector_store %arg14[%swap3A_2955, %swap3A_2956], %swap3A_2959 {strides = array<i32>} : memref<40x64xf32, #tpu.memory_space<vmem>>, vector<1x16xf32>,
      %get3A_2960 = arith.constant 20 : i32
      %get3A_2961 = arith.index_cast %get3A_2960 : i32 to index
      %get3A_2962 = arith.constant 0 : index
      %get3A_2963 = tpu.vector_load %arg15[%get3A_2961, %get3A_2962] {strides = array<i32>} : memref<40x16xf32, #tpu.memory_space<vmem>>, vector<1x16xf32>,
      %get3A_2964 = vector.shape_cast %get3A_2963 : vector<1x16xf32> to vector<16xf32>
      %max3A_2965 = arith.constant 1.000000e+00 : f32
      %max3A_2966 = vector.broadcast %max3A_2965 : f32 to vector<16xf32>
      %max3A_2967 = arith.maximumf %get3A_2964, %max3A_2966 : vector<16xf32>
      %div3A_2968 = arith.constant 1.000000e+00 : f32
      %div3A_2969 = vector.broadcast %div3A_2968 : f32 to vector<16xf32>
      %div3A_2970 = arith.divf %div3A_2969, %max3A_2967 : vector<16xf32>
      %get3A_2971 = arith.constant 20 : i32
      %get3A_2972 = arith.index_cast %get3A_2971 : i32 to index
      %get3A_2973 = arith.constant 0 : index
      %get3A_2974 = tpu.vector_load %arg14[%get3A_2972, %get3A_2973] {strides = array<i32>} : memref<40x64xf32, #tpu.memory_space<vmem>>, vector<1x16xf32>,
      %get3A_2975 = vector.shape_cast %get3A_2974 : vector<1x16xf32> to vector<16xf32>
      %mul3A_2976 = arith.mulf %get3A_2975, %div3A_2970 : vector<16xf32>
      %swap3A_2977 = arith.constant 20 : i32
      %swap3A_2978 = arith.index_cast %swap3A_2977 : i32 to index
      %swap3A_2979 = arith.constant 0 : index
      %swap3A_2980 = tpu.vector_load %arg14[%swap3A_2978, %swap3A_2979] {strides = array<i32>} : memref<40x64xf32, #tpu.memory_space<vmem>>, vector<1x16xf32>,
      %swap3A_2981 = vector.shape_cast %swap3A_2980 : vector<1x16xf32> to vector<16xf32>
      %swap3A_2982 = vector.shape_cast %mul3A_2976 : vector<16xf32> to vector<1x16xf32>
      tpu.vector_store %arg14[%swap3A_2978, %swap3A_2979], %swap3A_2982 {strides = array<i32>} : memref<40x64xf32, #tpu.memory_space<vmem>>, vector<1x16xf32>,
      %get3A_2983 = arith.constant 20 : i32
      %get3A_2984 = arith.index_cast %get3A_2983 : i32 to index
      %get3A_2985 = arith.constant 16 : index
      %get3A_2986 = tpu.vector_load %arg14[%get3A_2984, %get3A_2985] {strides = array<i32>} : memref<40x64xf32, #tpu.memory_space<vmem>>, vector<1x16xf32>,
      %get3A_2987 = vector.shape_cast %get3A_2986 : vector<1x16xf32> to vector<16xf32>
      %mul3A_2988 = arith.mulf %get3A_2987, %div3A_2970 : vector<16xf32>
      %swap3A_2989 = arith.constant 20 : i32
      %swap3A_2990 = arith.index_cast %swap3A_2989 : i32 to index
      %swap3A_2991 = arith.constant 16 : index
      %swap3A_2992 = tpu.vector_load %arg14[%swap3A_2990, %swap3A_2991] {strides = array<i32>} : memref<40x64xf32, #tpu.memory_space<vmem>>, vector<1x16xf32>,
      %swap3A_2993 = vector.shape_cast %swap3A_2992 : vector<1x16xf32> to vector<16xf32>
      %swap3A_2994 = vector.shape_cast %mul3A_2988 : vector<16xf32> to vector<1x16xf32>
      tpu.vector_store %arg14[%swap3A_2990, %swap3A_2991], %swap3A_2994 {strides = array<i32>} : memref<40x64xf32, #tpu.memory_space<vmem>>, vector<1x16xf32>,
      %get3A_2995 = arith.constant 20 : i32
      %get3A_2996 = arith.index_cast %get3A_2995 : i32 to index
      %get3A_2997 = arith.constant 32 : index
      %get3A_2998 = tpu.vector_load %arg14[%get3A_2996, %get3A_2997] {strides = array<i32>} : memref<40x64xf32, #tpu.memory_space<vmem>>, vector<1x16xf32>,
      %get3A_2999 = vector.shape_cast %get3A_2998 : vector<1x16xf32> to vector<16xf32>
      %mul3A_3000 = arith.mulf %get3A_2999, %div3A_2970 : vector<16xf32>
      %swap3A_3001 = arith.constant 20 : i32
      %swap3A_3002 = arith.index_cast %swap3A_3001 : i32 to index
      %swap3A_3003 = arith.constant 32 : index
      %swap3A_3004 = tpu.vector_load %arg14[%swap3A_3002, %swap3A_3003] {strides = array<i32>} : memref<40x64xf32, #tpu.memory_space<vmem>>, vector<1x16xf32>,
      %swap3A_3005 = vector.shape_cast %swap3A_3004 : vector<1x16xf32> to vector<16xf32>
      %swap3A_3006 = vector.shape_cast %mul3A_3000 : vector<16xf32> to vector<1x16xf32>
      tpu.vector_store %arg14[%swap3A_3002, %swap3A_3003], %swap3A_3006 {strides = array<i32>} : memref<40x64xf32, #tpu.memory_space<vmem>>, vector<1x16xf32>,
      %get3A_3007 = arith.constant 20 : i32
      %get3A_3008 = arith.index_cast %get3A_3007 : i32 to index
      %get3A_3009 = arith.constant 48 : index
      %get3A_3010 = tpu.vector_load %arg14[%get3A_3008, %get3A_3009] {strides = array<i32>} : memref<40x64xf32, #tpu.memory_space<vmem>>, vector<1x16xf32>,
      %get3A_3011 = vector.shape_cast %get3A_3010 : vector<1x16xf32> to vector<16xf32>
      %mul3A_3012 = arith.mulf %get3A_3011, %div3A_2970 : vector<16xf32>
      %swap3A_3013 = arith.constant 20 : i32
      %swap3A_3014 = arith.index_cast %swap3A_3013 : i32 to index
      %swap3A_3015 = arith.constant 48 : index
      %swap3A_3016 = tpu.vector_load %arg14[%swap3A_3014, %swap3A_3015] {strides = array<i32>} : memref<40x64xf32, #tpu.memory_space<vmem>>, vector<1x16xf32>,
      %swap3A_3017 = vector.shape_cast %swap3A_3016 : vector<1x16xf32> to vector<16xf32>
      %swap3A_3018 = vector.shape_cast %mul3A_3012 : vector<16xf32> to vector<1x16xf32>
      tpu.vector_store %arg14[%swap3A_3014, %swap3A_3015], %swap3A_3018 {strides = array<i32>} : memref<40x64xf32, #tpu.memory_space<vmem>>, vector<1x16xf32>,
      %get3A_3019 = arith.constant 21 : i32
      %get3A_3020 = arith.index_cast %get3A_3019 : i32 to index
      %get3A_3021 = arith.constant 0 : index
      %get3A_3022 = tpu.vector_load %arg15[%get3A_3020, %get3A_3021] {strides = array<i32>} : memref<40x16xf32, #tpu.memory_space<vmem>>, vector<1x16xf32>,
      %get3A_3023 = vector.shape_cast %get3A_3022 : vector<1x16xf32> to vector<16xf32>
      %max3A_3024 = arith.constant 1.000000e+00 : f32
      %max3A_3025 = vector.broadcast %max3A_3024 : f32 to vector<16xf32>
      %max3A_3026 = arith.maximumf %get3A_3023, %max3A_3025 : vector<16xf32>
      %div3A_3027 = arith.constant 1.000000e+00 : f32
      %div3A_3028 = vector.broadcast %div3A_3027 : f32 to vector<16xf32>
      %div3A_3029 = arith.divf %div3A_3028, %max3A_3026 : vector<16xf32>
      %get3A_3030 = arith.constant 21 : i32
      %get3A_3031 = arith.index_cast %get3A_3030 : i32 to index
      %get3A_3032 = arith.constant 0 : index
      %get3A_3033 = tpu.vector_load %arg14[%get3A_3031, %get3A_3032] {strides = array<i32>} : memref<40x64xf32, #tpu.memory_space<vmem>>, vector<1x16xf32>,
      %get3A_3034 = vector.shape_cast %get3A_3033 : vector<1x16xf32> to vector<16xf32>
      %mul3A_3035 = arith.mulf %get3A_3034, %div3A_3029 : vector<16xf32>
      %swap3A_3036 = arith.constant 21 : i32
      %swap3A_3037 = arith.index_cast %swap3A_3036 : i32 to index
      %swap3A_3038 = arith.constant 0 : index
      %swap3A_3039 = tpu.vector_load %arg14[%swap3A_3037, %swap3A_3038] {strides = array<i32>} : memref<40x64xf32, #tpu.memory_space<vmem>>, vector<1x16xf32>,
      %swap3A_3040 = vector.shape_cast %swap3A_3039 : vector<1x16xf32> to vector<16xf32>
      %swap3A_3041 = vector.shape_cast %mul3A_3035 : vector<16xf32> to vector<1x16xf32>
      tpu.vector_store %arg14[%swap3A_3037, %swap3A_3038], %swap3A_3041 {strides = array<i32>} : memref<40x64xf32, #tpu.memory_space<vmem>>, vector<1x16xf32>,
      %get3A_3042 = arith.constant 21 : i32
      %get3A_3043 = arith.index_cast %get3A_3042 : i32 to index
      %get3A_3044 = arith.constant 16 : index
      %get3A_3045 = tpu.vector_load %arg14[%get3A_3043, %get3A_3044] {strides = array<i32>} : memref<40x64xf32, #tpu.memory_space<vmem>>, vector<1x16xf32>,
      %get3A_3046 = vector.shape_cast %get3A_3045 : vector<1x16xf32> to vector<16xf32>
      %mul3A_3047 = arith.mulf %get3A_3046, %div3A_3029 : vector<16xf32>
      %swap3A_3048 = arith.constant 21 : i32
      %swap3A_3049 = arith.index_cast %swap3A_3048 : i32 to index
      %swap3A_3050 = arith.constant 16 : index
      %swap3A_3051 = tpu.vector_load %arg14[%swap3A_3049, %swap3A_3050] {strides = array<i32>} : memref<40x64xf32, #tpu.memory_space<vmem>>, vector<1x16xf32>,
      %swap3A_3052 = vector.shape_cast %swap3A_3051 : vector<1x16xf32> to vector<16xf32>
      %swap3A_3053 = vector.shape_cast %mul3A_3047 : vector<16xf32> to vector<1x16xf32>
      tpu.vector_store %arg14[%swap3A_3049, %swap3A_3050], %swap3A_3053 {strides = array<i32>} : memref<40x64xf32, #tpu.memory_space<vmem>>, vector<1x16xf32>,
      %get3A_3054 = arith.constant 21 : i32
      %get3A_3055 = arith.index_cast %get3A_3054 : i32 to index
      %get3A_3056 = arith.constant 32 : index
      %get3A_3057 = tpu.vector_load %arg14[%get3A_3055, %get3A_3056] {strides = array<i32>} : memref<40x64xf32, #tpu.memory_space<vmem>>, vector<1x16xf32>,
      %get3A_3058 = vector.shape_cast %get3A_3057 : vector<1x16xf32> to vector<16xf32>
      %mul3A_3059 = arith.mulf %get3A_3058, %div3A_3029 : vector<16xf32>
      %swap3A_3060 = arith.constant 21 : i32
      %swap3A_3061 = arith.index_cast %swap3A_3060 : i32 to index
      %swap3A_3062 = arith.constant 32 : index
      %swap3A_3063 = tpu.vector_load %arg14[%swap3A_3061, %swap3A_3062] {strides = array<i32>} : memref<40x64xf32, #tpu.memory_space<vmem>>, vector<1x16xf32>,
      %swap3A_3064 = vector.shape_cast %swap3A_3063 : vector<1x16xf32> to vector<16xf32>
      %swap3A_3065 = vector.shape_cast %mul3A_3059 : vector<16xf32> to vector<1x16xf32>
      tpu.vector_store %arg14[%swap3A_3061, %swap3A_3062], %swap3A_3065 {strides = array<i32>} : memref<40x64xf32, #tpu.memory_space<vmem>>, vector<1x16xf32>,
      %get3A_3066 = arith.constant 21 : i32
      %get3A_3067 = arith.index_cast %get3A_3066 : i32 to index
      %get3A_3068 = arith.constant 48 : index
      %get3A_3069 = tpu.vector_load %arg14[%get3A_3067, %get3A_3068] {strides = array<i32>} : memref<40x64xf32, #tpu.memory_space<vmem>>, vector<1x16xf32>,
      %get3A_3070 = vector.shape_cast %get3A_3069 : vector<1x16xf32> to vector<16xf32>
      %mul3A_3071 = arith.mulf %get3A_3070, %div3A_3029 : vector<16xf32>
      %swap3A_3072 = arith.constant 21 : i32
      %swap3A_3073 = arith.index_cast %swap3A_3072 : i32 to index
      %swap3A_3074 = arith.constant 48 : index
      %swap3A_3075 = tpu.vector_load %arg14[%swap3A_3073, %swap3A_3074] {strides = array<i32>} : memref<40x64xf32, #tpu.memory_space<vmem>>, vector<1x16xf32>,
      %swap3A_3076 = vector.shape_cast %swap3A_3075 : vector<1x16xf32> to vector<16xf32>
      %swap3A_3077 = vector.shape_cast %mul3A_3071 : vector<16xf32> to vector<1x16xf32>
      tpu.vector_store %arg14[%swap3A_3073, %swap3A_3074], %swap3A_3077 {strides = array<i32>} : memref<40x64xf32, #tpu.memory_space<vmem>>, vector<1x16xf32>,
      %get3A_3078 = arith.constant 22 : i32
      %get3A_3079 = arith.index_cast %get3A_3078 : i32 to index
      %get3A_3080 = arith.constant 0 : index
      %get3A_3081 = tpu.vector_load %arg15[%get3A_3079, %get3A_3080] {strides = array<i32>} : memref<40x16xf32, #tpu.memory_space<vmem>>, vector<1x16xf32>,
      %get3A_3082 = vector.shape_cast %get3A_3081 : vector<1x16xf32> to vector<16xf32>
      %max3A_3083 = arith.constant 1.000000e+00 : f32
      %max3A_3084 = vector.broadcast %max3A_3083 : f32 to vector<16xf32>
      %max3A_3085 = arith.maximumf %get3A_3082, %max3A_3084 : vector<16xf32>
      %div3A_3086 = arith.constant 1.000000e+00 : f32
      %div3A_3087 = vector.broadcast %div3A_3086 : f32 to vector<16xf32>
      %div3A_3088 = arith.divf %div3A_3087, %max3A_3085 : vector<16xf32>
      %get3A_3089 = arith.constant 22 : i32
      %get3A_3090 = arith.index_cast %get3A_3089 : i32 to index
      %get3A_3091 = arith.constant 0 : index
      %get3A_3092 = tpu.vector_load %arg14[%get3A_3090, %get3A_3091] {strides = array<i32>} : memref<40x64xf32, #tpu.memory_space<vmem>>, vector<1x16xf32>,
      %get3A_3093 = vector.shape_cast %get3A_3092 : vector<1x16xf32> to vector<16xf32>
      %mul3A_3094 = arith.mulf %get3A_3093, %div3A_3088 : vector<16xf32>
      %swap3A_3095 = arith.constant 22 : i32
      %swap3A_3096 = arith.index_cast %swap3A_3095 : i32 to index
      %swap3A_3097 = arith.constant 0 : index
      %swap3A_3098 = tpu.vector_load %arg14[%swap3A_3096, %swap3A_3097] {strides = array<i32>} : memref<40x64xf32, #tpu.memory_space<vmem>>, vector<1x16xf32>,
      %swap3A_3099 = vector.shape_cast %swap3A_3098 : vector<1x16xf32> to vector<16xf32>
      %swap3A_3100 = vector.shape_cast %mul3A_3094 : vector<16xf32> to vector<1x16xf32>
      tpu.vector_store %arg14[%swap3A_3096, %swap3A_3097], %swap3A_3100 {strides = array<i32>} : memref<40x64xf32, #tpu.memory_space<vmem>>, vector<1x16xf32>,
      %get3A_3101 = arith.constant 22 : i32
      %get3A_3102 = arith.index_cast %get3A_3101 : i32 to index
      %get3A_3103 = arith.constant 16 : index
      %get3A_3104 = tpu.vector_load %arg14[%get3A_3102, %get3A_3103] {strides = array<i32>} : memref<40x64xf32, #tpu.memory_space<vmem>>, vector<1x16xf32>,
      %get3A_3105 = vector.shape_cast %get3A_3104 : vector<1x16xf32> to vector<16xf32>
      %mul3A_3106 = arith.mulf %get3A_3105, %div3A_3088 : vector<16xf32>
      %swap3A_3107 = arith.constant 22 : i32
      %swap3A_3108 = arith.index_cast %swap3A_3107 : i32 to index
      %swap3A_3109 = arith.constant 16 : index
      %swap3A_3110 = tpu.vector_load %arg14[%swap3A_3108, %swap3A_3109] {strides = array<i32>} : memref<40x64xf32, #tpu.memory_space<vmem>>, vector<1x16xf32>,
      %swap3A_3111 = vector.shape_cast %swap3A_3110 : vector<1x16xf32> to vector<16xf32>
      %swap3A_3112 = vector.shape_cast %mul3A_3106 : vector<16xf32> to vector<1x16xf32>
      tpu.vector_store %arg14[%swap3A_3108, %swap3A_3109], %swap3A_3112 {strides = array<i32>} : memref<40x64xf32, #tpu.memory_space<vmem>>, vector<1x16xf32>,
      %get3A_3113 = arith.constant 22 : i32
      %get3A_3114 = arith.index_cast %get3A_3113 : i32 to index
      %get3A_3115 = arith.constant 32 : index
      %get3A_3116 = tpu.vector_load %arg14[%get3A_3114, %get3A_3115] {strides = array<i32>} : memref<40x64xf32, #tpu.memory_space<vmem>>, vector<1x16xf32>,
      %get3A_3117 = vector.shape_cast %get3A_3116 : vector<1x16xf32> to vector<16xf32>
      %mul3A_3118 = arith.mulf %get3A_3117, %div3A_3088 : vector<16xf32>
      %swap3A_3119 = arith.constant 22 : i32
      %swap3A_3120 = arith.index_cast %swap3A_3119 : i32 to index
      %swap3A_3121 = arith.constant 32 : index
      %swap3A_3122 = tpu.vector_load %arg14[%swap3A_3120, %swap3A_3121] {strides = array<i32>} : memref<40x64xf32, #tpu.memory_space<vmem>>, vector<1x16xf32>,
      %swap3A_3123 = vector.shape_cast %swap3A_3122 : vector<1x16xf32> to vector<16xf32>
      %swap3A_3124 = vector.shape_cast %mul3A_3118 : vector<16xf32> to vector<1x16xf32>
      tpu.vector_store %arg14[%swap3A_3120, %swap3A_3121], %swap3A_3124 {strides = array<i32>} : memref<40x64xf32, #tpu.memory_space<vmem>>, vector<1x16xf32>,
      %get3A_3125 = arith.constant 22 : i32
      %get3A_3126 = arith.index_cast %get3A_3125 : i32 to index
      %get3A_3127 = arith.constant 48 : index
      %get3A_3128 = tpu.vector_load %arg14[%get3A_3126, %get3A_3127] {strides = array<i32>} : memref<40x64xf32, #tpu.memory_space<vmem>>, vector<1x16xf32>,
      %get3A_3129 = vector.shape_cast %get3A_3128 : vector<1x16xf32> to vector<16xf32>
      %mul3A_3130 = arith.mulf %get3A_3129, %div3A_3088 : vector<16xf32>
      %swap3A_3131 = arith.constant 22 : i32
      %swap3A_3132 = arith.index_cast %swap3A_3131 : i32 to index
      %swap3A_3133 = arith.constant 48 : index
      %swap3A_3134 = tpu.vector_load %arg14[%swap3A_3132, %swap3A_3133] {strides = array<i32>} : memref<40x64xf32, #tpu.memory_space<vmem>>, vector<1x16xf32>,
      %swap3A_3135 = vector.shape_cast %swap3A_3134 : vector<1x16xf32> to vector<16xf32>
      %swap3A_3136 = vector.shape_cast %mul3A_3130 : vector<16xf32> to vector<1x16xf32>
      tpu.vector_store %arg14[%swap3A_3132, %swap3A_3133], %swap3A_3136 {strides = array<i32>} : memref<40x64xf32, #tpu.memory_space<vmem>>, vector<1x16xf32>,
      %get3A_3137 = arith.constant 23 : i32
      %get3A_3138 = arith.index_cast %get3A_3137 : i32 to index
      %get3A_3139 = arith.constant 0 : index
      %get3A_3140 = tpu.vector_load %arg15[%get3A_3138, %get3A_3139] {strides = array<i32>} : memref<40x16xf32, #tpu.memory_space<vmem>>, vector<1x16xf32>,
      %get3A_3141 = vector.shape_cast %get3A_3140 : vector<1x16xf32> to vector<16xf32>
      %max3A_3142 = arith.constant 1.000000e+00 : f32
      %max3A_3143 = vector.broadcast %max3A_3142 : f32 to vector<16xf32>
      %max3A_3144 = arith.maximumf %get3A_3141, %max3A_3143 : vector<16xf32>
      %div3A_3145 = arith.constant 1.000000e+00 : f32
      %div3A_3146 = vector.broadcast %div3A_3145 : f32 to vector<16xf32>
      %div3A_3147 = arith.divf %div3A_3146, %max3A_3144 : vector<16xf32>
      %get3A_3148 = arith.constant 23 : i32
      %get3A_3149 = arith.index_cast %get3A_3148 : i32 to index
      %get3A_3150 = arith.constant 0 : index
      %get3A_3151 = tpu.vector_load %arg14[%get3A_3149, %get3A_3150] {strides = array<i32>} : memref<40x64xf32, #tpu.memory_space<vmem>>, vector<1x16xf32>,
      %get3A_3152 = vector.shape_cast %get3A_3151 : vector<1x16xf32> to vector<16xf32>
      %mul3A_3153 = arith.mulf %get3A_3152, %div3A_3147 : vector<16xf32>
      %swap3A_3154 = arith.constant 23 : i32
      %swap3A_3155 = arith.index_cast %swap3A_3154 : i32 to index
      %swap3A_3156 = arith.constant 0 : index
      %swap3A_3157 = tpu.vector_load %arg14[%swap3A_3155, %swap3A_3156] {strides = array<i32>} : memref<40x64xf32, #tpu.memory_space<vmem>>, vector<1x16xf32>,
      %swap3A_3158 = vector.shape_cast %swap3A_3157 : vector<1x16xf32> to vector<16xf32>
      %swap3A_3159 = vector.shape_cast %mul3A_3153 : vector<16xf32> to vector<1x16xf32>
      tpu.vector_store %arg14[%swap3A_3155, %swap3A_3156], %swap3A_3159 {strides = array<i32>} : memref<40x64xf32, #tpu.memory_space<vmem>>, vector<1x16xf32>,
      %get3A_3160 = arith.constant 23 : i32
      %get3A_3161 = arith.index_cast %get3A_3160 : i32 to index
      %get3A_3162 = arith.constant 16 : index
      %get3A_3163 = tpu.vector_load %arg14[%get3A_3161, %get3A_3162] {strides = array<i32>} : memref<40x64xf32, #tpu.memory_space<vmem>>, vector<1x16xf32>,
      %get3A_3164 = vector.shape_cast %get3A_3163 : vector<1x16xf32> to vector<16xf32>
      %mul3A_3165 = arith.mulf %get3A_3164, %div3A_3147 : vector<16xf32>
      %swap3A_3166 = arith.constant 23 : i32
      %swap3A_3167 = arith.index_cast %swap3A_3166 : i32 to index
      %swap3A_3168 = arith.constant 16 : index
      %swap3A_3169 = tpu.vector_load %arg14[%swap3A_3167, %swap3A_3168] {strides = array<i32>} : memref<40x64xf32, #tpu.memory_space<vmem>>, vector<1x16xf32>,
      %swap3A_3170 = vector.shape_cast %swap3A_3169 : vector<1x16xf32> to vector<16xf32>
      %swap3A_3171 = vector.shape_cast %mul3A_3165 : vector<16xf32> to vector<1x16xf32>
      tpu.vector_store %arg14[%swap3A_3167, %swap3A_3168], %swap3A_3171 {strides = array<i32>} : memref<40x64xf32, #tpu.memory_space<vmem>>, vector<1x16xf32>,
      %get3A_3172 = arith.constant 23 : i32
      %get3A_3173 = arith.index_cast %get3A_3172 : i32 to index
      %get3A_3174 = arith.constant 32 : index
      %get3A_3175 = tpu.vector_load %arg14[%get3A_3173, %get3A_3174] {strides = array<i32>} : memref<40x64xf32, #tpu.memory_space<vmem>>, vector<1x16xf32>,
      %get3A_3176 = vector.shape_cast %get3A_3175 : vector<1x16xf32> to vector<16xf32>
      %mul3A_3177 = arith.mulf %get3A_3176, %div3A_3147 : vector<16xf32>
      %swap3A_3178 = arith.constant 23 : i32
      %swap3A_3179 = arith.index_cast %swap3A_3178 : i32 to index
      %swap3A_3180 = arith.constant 32 : index
      %swap3A_3181 = tpu.vector_load %arg14[%swap3A_3179, %swap3A_3180] {strides = array<i32>} : memref<40x64xf32, #tpu.memory_space<vmem>>, vector<1x16xf32>,
      %swap3A_3182 = vector.shape_cast %swap3A_3181 : vector<1x16xf32> to vector<16xf32>
      %swap3A_3183 = vector.shape_cast %mul3A_3177 : vector<16xf32> to vector<1x16xf32>
      tpu.vector_store %arg14[%swap3A_3179, %swap3A_3180], %swap3A_3183 {strides = array<i32>} : memref<40x64xf32, #tpu.memory_space<vmem>>, vector<1x16xf32>,
      %get3A_3184 = arith.constant 23 : i32
      %get3A_3185 = arith.index_cast %get3A_3184 : i32 to index
      %get3A_3186 = arith.constant 48 : index
      %get3A_3187 = tpu.vector_load %arg14[%get3A_3185, %get3A_3186] {strides = array<i32>} : memref<40x64xf32, #tpu.memory_space<vmem>>, vector<1x16xf32>,
      %get3A_3188 = vector.shape_cast %get3A_3187 : vector<1x16xf32> to vector<16xf32>
      %mul3A_3189 = arith.mulf %get3A_3188, %div3A_3147 : vector<16xf32>
      %swap3A_3190 = arith.constant 23 : i32
      %swap3A_3191 = arith.index_cast %swap3A_3190 : i32 to index
      %swap3A_3192 = arith.constant 48 : index
      %swap3A_3193 = tpu.vector_load %arg14[%swap3A_3191, %swap3A_3192] {strides = array<i32>} : memref<40x64xf32, #tpu.memory_space<vmem>>, vector<1x16xf32>,
      %swap3A_3194 = vector.shape_cast %swap3A_3193 : vector<1x16xf32> to vector<16xf32>
      %swap3A_3195 = vector.shape_cast %mul3A_3189 : vector<16xf32> to vector<1x16xf32>
      tpu.vector_store %arg14[%swap3A_3191, %swap3A_3192], %swap3A_3195 {strides = array<i32>} : memref<40x64xf32, #tpu.memory_space<vmem>>, vector<1x16xf32>,
      %get3A_3196 = arith.constant 24 : i32
      %get3A_3197 = arith.index_cast %get3A_3196 : i32 to index
      %get3A_3198 = arith.constant 0 : index
      %get3A_3199 = tpu.vector_load %arg15[%get3A_3197, %get3A_3198] {strides = array<i32>} : memref<40x16xf32, #tpu.memory_space<vmem>>, vector<1x16xf32>,
      %get3A_3200 = vector.shape_cast %get3A_3199 : vector<1x16xf32> to vector<16xf32>
      %max3A_3201 = arith.constant 1.000000e+00 : f32
      %max3A_3202 = vector.broadcast %max3A_3201 : f32 to vector<16xf32>
      %max3A_3203 = arith.maximumf %get3A_3200, %max3A_3202 : vector<16xf32>
      %div3A_3204 = arith.constant 1.000000e+00 : f32
      %div3A_3205 = vector.broadcast %div3A_3204 : f32 to vector<16xf32>
      %div3A_3206 = arith.divf %div3A_3205, %max3A_3203 : vector<16xf32>
      %get3A_3207 = arith.constant 24 : i32
      %get3A_3208 = arith.index_cast %get3A_3207 : i32 to index
      %get3A_3209 = arith.constant 0 : index
      %get3A_3210 = tpu.vector_load %arg14[%get3A_3208, %get3A_3209] {strides = array<i32>} : memref<40x64xf32, #tpu.memory_space<vmem>>, vector<1x16xf32>,
      %get3A_3211 = vector.shape_cast %get3A_3210 : vector<1x16xf32> to vector<16xf32>
      %mul3A_3212 = arith.mulf %get3A_3211, %div3A_3206 : vector<16xf32>
      %swap3A_3213 = arith.constant 24 : i32
      %swap3A_3214 = arith.index_cast %swap3A_3213 : i32 to index
      %swap3A_3215 = arith.constant 0 : index
      %swap3A_3216 = tpu.vector_load %arg14[%swap3A_3214, %swap3A_3215] {strides = array<i32>} : memref<40x64xf32, #tpu.memory_space<vmem>>, vector<1x16xf32>,
      %swap3A_3217 = vector.shape_cast %swap3A_3216 : vector<1x16xf32> to vector<16xf32>
      %swap3A_3218 = vector.shape_cast %mul3A_3212 : vector<16xf32> to vector<1x16xf32>
      tpu.vector_store %arg14[%swap3A_3214, %swap3A_3215], %swap3A_3218 {strides = array<i32>} : memref<40x64xf32, #tpu.memory_space<vmem>>, vector<1x16xf32>,
      %get3A_3219 = arith.constant 24 : i32
      %get3A_3220 = arith.index_cast %get3A_3219 : i32 to index
      %get3A_3221 = arith.constant 16 : index
      %get3A_3222 = tpu.vector_load %arg14[%get3A_3220, %get3A_3221] {strides = array<i32>} : memref<40x64xf32, #tpu.memory_space<vmem>>, vector<1x16xf32>,
      %get3A_3223 = vector.shape_cast %get3A_3222 : vector<1x16xf32> to vector<16xf32>
      %mul3A_3224 = arith.mulf %get3A_3223, %div3A_3206 : vector<16xf32>
      %swap3A_3225 = arith.constant 24 : i32
      %swap3A_3226 = arith.index_cast %swap3A_3225 : i32 to index
      %swap3A_3227 = arith.constant 16 : index
      %swap3A_3228 = tpu.vector_load %arg14[%swap3A_3226, %swap3A_3227] {strides = array<i32>} : memref<40x64xf32, #tpu.memory_space<vmem>>, vector<1x16xf32>,
      %swap3A_3229 = vector.shape_cast %swap3A_3228 : vector<1x16xf32> to vector<16xf32>
      %swap3A_3230 = vector.shape_cast %mul3A_3224 : vector<16xf32> to vector<1x16xf32>
      tpu.vector_store %arg14[%swap3A_3226, %swap3A_3227], %swap3A_3230 {strides = array<i32>} : memref<40x64xf32, #tpu.memory_space<vmem>>, vector<1x16xf32>,
      %get3A_3231 = arith.constant 24 : i32
      %get3A_3232 = arith.index_cast %get3A_3231 : i32 to index
      %get3A_3233 = arith.constant 32 : index
      %get3A_3234 = tpu.vector_load %arg14[%get3A_3232, %get3A_3233] {strides = array<i32>} : memref<40x64xf32, #tpu.memory_space<vmem>>, vector<1x16xf32>,
      %get3A_3235 = vector.shape_cast %get3A_3234 : vector<1x16xf32> to vector<16xf32>
      %mul3A_3236 = arith.mulf %get3A_3235, %div3A_3206 : vector<16xf32>
      %swap3A_3237 = arith.constant 24 : i32
      %swap3A_3238 = arith.index_cast %swap3A_3237 : i32 to index
      %swap3A_3239 = arith.constant 32 : index
      %swap3A_3240 = tpu.vector_load %arg14[%swap3A_3238, %swap3A_3239] {strides = array<i32>} : memref<40x64xf32, #tpu.memory_space<vmem>>, vector<1x16xf32>,
      %swap3A_3241 = vector.shape_cast %swap3A_3240 : vector<1x16xf32> to vector<16xf32>
      %swap3A_3242 = vector.shape_cast %mul3A_3236 : vector<16xf32> to vector<1x16xf32>
      tpu.vector_store %arg14[%swap3A_3238, %swap3A_3239], %swap3A_3242 {strides = array<i32>} : memref<40x64xf32, #tpu.memory_space<vmem>>, vector<1x16xf32>,
      %get3A_3243 = arith.constant 24 : i32
      %get3A_3244 = arith.index_cast %get3A_3243 : i32 to index
      %get3A_3245 = arith.constant 48 : index
      %get3A_3246 = tpu.vector_load %arg14[%get3A_3244, %get3A_3245] {strides = array<i32>} : memref<40x64xf32, #tpu.memory_space<vmem>>, vector<1x16xf32>,
      %get3A_3247 = vector.shape_cast %get3A_3246 : vector<1x16xf32> to vector<16xf32>
      %mul3A_3248 = arith.mulf %get3A_3247, %div3A_3206 : vector<16xf32>
      %swap3A_3249 = arith.constant 24 : i32
      %swap3A_3250 = arith.index_cast %swap3A_3249 : i32 to index
      %swap3A_3251 = arith.constant 48 : index
      %swap3A_3252 = tpu.vector_load %arg14[%swap3A_3250, %swap3A_3251] {strides = array<i32>} : memref<40x64xf32, #tpu.memory_space<vmem>>, vector<1x16xf32>,
      %swap3A_3253 = vector.shape_cast %swap3A_3252 : vector<1x16xf32> to vector<16xf32>
      %swap3A_3254 = vector.shape_cast %mul3A_3248 : vector<16xf32> to vector<1x16xf32>
      tpu.vector_store %arg14[%swap3A_3250, %swap3A_3251], %swap3A_3254 {strides = array<i32>} : memref<40x64xf32, #tpu.memory_space<vmem>>, vector<1x16xf32>,
      %get3A_3255 = arith.constant 25 : i32
      %get3A_3256 = arith.index_cast %get3A_3255 : i32 to index
      %get3A_3257 = arith.constant 0 : index
      %get3A_3258 = tpu.vector_load %arg15[%get3A_3256, %get3A_3257] {strides = array<i32>} : memref<40x16xf32, #tpu.memory_space<vmem>>, vector<1x16xf32>,
      %get3A_3259 = vector.shape_cast %get3A_3258 : vector<1x16xf32> to vector<16xf32>
      %max3A_3260 = arith.constant 1.000000e+00 : f32
      %max3A_3261 = vector.broadcast %max3A_3260 : f32 to vector<16xf32>
      %max3A_3262 = arith.maximumf %get3A_3259, %max3A_3261 : vector<16xf32>
      %div3A_3263 = arith.constant 1.000000e+00 : f32
      %div3A_3264 = vector.broadcast %div3A_3263 : f32 to vector<16xf32>
      %div3A_3265 = arith.divf %div3A_3264, %max3A_3262 : vector<16xf32>
      %get3A_3266 = arith.constant 25 : i32
      %get3A_3267 = arith.index_cast %get3A_3266 : i32 to index
      %get3A_3268 = arith.constant 0 : index
      %get3A_3269 = tpu.vector_load %arg14[%get3A_3267, %get3A_3268] {strides = array<i32>} : memref<40x64xf32, #tpu.memory_space<vmem>>, vector<1x16xf32>,
      %get3A_3270 = vector.shape_cast %get3A_3269 : vector<1x16xf32> to vector<16xf32>
      %mul3A_3271 = arith.mulf %get3A_3270, %div3A_3265 : vector<16xf32>
      %swap3A_3272 = arith.constant 25 : i32
      %swap3A_3273 = arith.index_cast %swap3A_3272 : i32 to index
      %swap3A_3274 = arith.constant 0 : index
      %swap3A_3275 = tpu.vector_load %arg14[%swap3A_3273, %swap3A_3274] {strides = array<i32>} : memref<40x64xf32, #tpu.memory_space<vmem>>, vector<1x16xf32>,
      %swap3A_3276 = vector.shape_cast %swap3A_3275 : vector<1x16xf32> to vector<16xf32>
      %swap3A_3277 = vector.shape_cast %mul3A_3271 : vector<16xf32> to vector<1x16xf32>
      tpu.vector_store %arg14[%swap3A_3273, %swap3A_3274], %swap3A_3277 {strides = array<i32>} : memref<40x64xf32, #tpu.memory_space<vmem>>, vector<1x16xf32>,
      %get3A_3278 = arith.constant 25 : i32
      %get3A_3279 = arith.index_cast %get3A_3278 : i32 to index
      %get3A_3280 = arith.constant 16 : index
      %get3A_3281 = tpu.vector_load %arg14[%get3A_3279, %get3A_3280] {strides = array<i32>} : memref<40x64xf32, #tpu.memory_space<vmem>>, vector<1x16xf32>,
      %get3A_3282 = vector.shape_cast %get3A_3281 : vector<1x16xf32> to vector<16xf32>
      %mul3A_3283 = arith.mulf %get3A_3282, %div3A_3265 : vector<16xf32>
      %swap3A_3284 = arith.constant 25 : i32
      %swap3A_3285 = arith.index_cast %swap3A_3284 : i32 to index
      %swap3A_3286 = arith.constant 16 : index
      %swap3A_3287 = tpu.vector_load %arg14[%swap3A_3285, %swap3A_3286] {strides = array<i32>} : memref<40x64xf32, #tpu.memory_space<vmem>>, vector<1x16xf32>,
      %swap3A_3288 = vector.shape_cast %swap3A_3287 : vector<1x16xf32> to vector<16xf32>
      %swap3A_3289 = vector.shape_cast %mul3A_3283 : vector<16xf32> to vector<1x16xf32>
      tpu.vector_store %arg14[%swap3A_3285, %swap3A_3286], %swap3A_3289 {strides = array<i32>} : memref<40x64xf32, #tpu.memory_space<vmem>>, vector<1x16xf32>,
      %get3A_3290 = arith.constant 25 : i32
      %get3A_3291 = arith.index_cast %get3A_3290 : i32 to index
      %get3A_3292 = arith.constant 32 : index
      %get3A_3293 = tpu.vector_load %arg14[%get3A_3291, %get3A_3292] {strides = array<i32>} : memref<40x64xf32, #tpu.memory_space<vmem>>, vector<1x16xf32>,
      %get3A_3294 = vector.shape_cast %get3A_3293 : vector<1x16xf32> to vector<16xf32>
      %mul3A_3295 = arith.mulf %get3A_3294, %div3A_3265 : vector<16xf32>
      %swap3A_3296 = arith.constant 25 : i32
      %swap3A_3297 = arith.index_cast %swap3A_3296 : i32 to index
      %swap3A_3298 = arith.constant 32 : index
      %swap3A_3299 = tpu.vector_load %arg14[%swap3A_3297, %swap3A_3298] {strides = array<i32>} : memref<40x64xf32, #tpu.memory_space<vmem>>, vector<1x16xf32>,
      %swap3A_3300 = vector.shape_cast %swap3A_3299 : vector<1x16xf32> to vector<16xf32>
      %swap3A_3301 = vector.shape_cast %mul3A_3295 : vector<16xf32> to vector<1x16xf32>
      tpu.vector_store %arg14[%swap3A_3297, %swap3A_3298], %swap3A_3301 {strides = array<i32>} : memref<40x64xf32, #tpu.memory_space<vmem>>, vector<1x16xf32>,
      %get3A_3302 = arith.constant 25 : i32
      %get3A_3303 = arith.index_cast %get3A_3302 : i32 to index
      %get3A_3304 = arith.constant 48 : index
      %get3A_3305 = tpu.vector_load %arg14[%get3A_3303, %get3A_3304] {strides = array<i32>} : memref<40x64xf32, #tpu.memory_space<vmem>>, vector<1x16xf32>,
      %get3A_3306 = vector.shape_cast %get3A_3305 : vector<1x16xf32> to vector<16xf32>
      %mul3A_3307 = arith.mulf %get3A_3306, %div3A_3265 : vector<16xf32>
      %swap3A_3308 = arith.constant 25 : i32
      %swap3A_3309 = arith.index_cast %swap3A_3308 : i32 to index
      %swap3A_3310 = arith.constant 48 : index
      %swap3A_3311 = tpu.vector_load %arg14[%swap3A_3309, %swap3A_3310] {strides = array<i32>} : memref<40x64xf32, #tpu.memory_space<vmem>>, vector<1x16xf32>,
      %swap3A_3312 = vector.shape_cast %swap3A_3311 : vector<1x16xf32> to vector<16xf32>
      %swap3A_3313 = vector.shape_cast %mul3A_3307 : vector<16xf32> to vector<1x16xf32>
      tpu.vector_store %arg14[%swap3A_3309, %swap3A_3310], %swap3A_3313 {strides = array<i32>} : memref<40x64xf32, #tpu.memory_space<vmem>>, vector<1x16xf32>,
      %get3A_3314 = arith.constant 26 : i32
      %get3A_3315 = arith.index_cast %get3A_3314 : i32 to index
      %get3A_3316 = arith.constant 0 : index
      %get3A_3317 = tpu.vector_load %arg15[%get3A_3315, %get3A_3316] {strides = array<i32>} : memref<40x16xf32, #tpu.memory_space<vmem>>, vector<1x16xf32>,
      %get3A_3318 = vector.shape_cast %get3A_3317 : vector<1x16xf32> to vector<16xf32>
      %max3A_3319 = arith.constant 1.000000e+00 : f32
      %max3A_3320 = vector.broadcast %max3A_3319 : f32 to vector<16xf32>
      %max3A_3321 = arith.maximumf %get3A_3318, %max3A_3320 : vector<16xf32>
      %div3A_3322 = arith.constant 1.000000e+00 : f32
      %div3A_3323 = vector.broadcast %div3A_3322 : f32 to vector<16xf32>
      %div3A_3324 = arith.divf %div3A_3323, %max3A_3321 : vector<16xf32>
      %get3A_3325 = arith.constant 26 : i32
      %get3A_3326 = arith.index_cast %get3A_3325 : i32 to index
      %get3A_3327 = arith.constant 0 : index
      %get3A_3328 = tpu.vector_load %arg14[%get3A_3326, %get3A_3327] {strides = array<i32>} : memref<40x64xf32, #tpu.memory_space<vmem>>, vector<1x16xf32>,
      %get3A_3329 = vector.shape_cast %get3A_3328 : vector<1x16xf32> to vector<16xf32>
      %mul3A_3330 = arith.mulf %get3A_3329, %div3A_3324 : vector<16xf32>
      %swap3A_3331 = arith.constant 26 : i32
      %swap3A_3332 = arith.index_cast %swap3A_3331 : i32 to index
      %swap3A_3333 = arith.constant 0 : index
      %swap3A_3334 = tpu.vector_load %arg14[%swap3A_3332, %swap3A_3333] {strides = array<i32>} : memref<40x64xf32, #tpu.memory_space<vmem>>, vector<1x16xf32>,
      %swap3A_3335 = vector.shape_cast %swap3A_3334 : vector<1x16xf32> to vector<16xf32>
      %swap3A_3336 = vector.shape_cast %mul3A_3330 : vector<16xf32> to vector<1x16xf32>
      tpu.vector_store %arg14[%swap3A_3332, %swap3A_3333], %swap3A_3336 {strides = array<i32>} : memref<40x64xf32, #tpu.memory_space<vmem>>, vector<1x16xf32>,
      %get3A_3337 = arith.constant 26 : i32
      %get3A_3338 = arith.index_cast %get3A_3337 : i32 to index
      %get3A_3339 = arith.constant 16 : index
      %get3A_3340 = tpu.vector_load %arg14[%get3A_3338, %get3A_3339] {strides = array<i32>} : memref<40x64xf32, #tpu.memory_space<vmem>>, vector<1x16xf32>,
      %get3A_3341 = vector.shape_cast %get3A_3340 : vector<1x16xf32> to vector<16xf32>
      %mul3A_3342 = arith.mulf %get3A_3341, %div3A_3324 : vector<16xf32>
      %swap3A_3343 = arith.constant 26 : i32
      %swap3A_3344 = arith.index_cast %swap3A_3343 : i32 to index
      %swap3A_3345 = arith.constant 16 : index
      %swap3A_3346 = tpu.vector_load %arg14[%swap3A_3344, %swap3A_3345] {strides = array<i32>} : memref<40x64xf32, #tpu.memory_space<vmem>>, vector<1x16xf32>,
      %swap3A_3347 = vector.shape_cast %swap3A_3346 : vector<1x16xf32> to vector<16xf32>
      %swap3A_3348 = vector.shape_cast %mul3A_3342 : vector<16xf32> to vector<1x16xf32>
      tpu.vector_store %arg14[%swap3A_3344, %swap3A_3345], %swap3A_3348 {strides = array<i32>} : memref<40x64xf32, #tpu.memory_space<vmem>>, vector<1x16xf32>,
      %get3A_3349 = arith.constant 26 : i32
      %get3A_3350 = arith.index_cast %get3A_3349 : i32 to index
      %get3A_3351 = arith.constant 32 : index
      %get3A_3352 = tpu.vector_load %arg14[%get3A_3350, %get3A_3351] {strides = array<i32>} : memref<40x64xf32, #tpu.memory_space<vmem>>, vector<1x16xf32>,
      %get3A_3353 = vector.shape_cast %get3A_3352 : vector<1x16xf32> to vector<16xf32>
      %mul3A_3354 = arith.mulf %get3A_3353, %div3A_3324 : vector<16xf32>
      %swap3A_3355 = arith.constant 26 : i32
      %swap3A_3356 = arith.index_cast %swap3A_3355 : i32 to index
      %swap3A_3357 = arith.constant 32 : index
      %swap3A_3358 = tpu.vector_load %arg14[%swap3A_3356, %swap3A_3357] {strides = array<i32>} : memref<40x64xf32, #tpu.memory_space<vmem>>, vector<1x16xf32>,
      %swap3A_3359 = vector.shape_cast %swap3A_3358 : vector<1x16xf32> to vector<16xf32>
      %swap3A_3360 = vector.shape_cast %mul3A_3354 : vector<16xf32> to vector<1x16xf32>
      tpu.vector_store %arg14[%swap3A_3356, %swap3A_3357], %swap3A_3360 {strides = array<i32>} : memref<40x64xf32, #tpu.memory_space<vmem>>, vector<1x16xf32>,
      %get3A_3361 = arith.constant 26 : i32
      %get3A_3362 = arith.index_cast %get3A_3361 : i32 to index
      %get3A_3363 = arith.constant 48 : index
      %get3A_3364 = tpu.vector_load %arg14[%get3A_3362, %get3A_3363] {strides = array<i32>} : memref<40x64xf32, #tpu.memory_space<vmem>>, vector<1x16xf32>,
      %get3A_3365 = vector.shape_cast %get3A_3364 : vector<1x16xf32> to vector<16xf32>
      %mul3A_3366 = arith.mulf %get3A_3365, %div3A_3324 : vector<16xf32>
      %swap3A_3367 = arith.constant 26 : i32
      %swap3A_3368 = arith.index_cast %swap3A_3367 : i32 to index
      %swap3A_3369 = arith.constant 48 : index
      %swap3A_3370 = tpu.vector_load %arg14[%swap3A_3368, %swap3A_3369] {strides = array<i32>} : memref<40x64xf32, #tpu.memory_space<vmem>>, vector<1x16xf32>,
      %swap3A_3371 = vector.shape_cast %swap3A_3370 : vector<1x16xf32> to vector<16xf32>
      %swap3A_3372 = vector.shape_cast %mul3A_3366 : vector<16xf32> to vector<1x16xf32>
      tpu.vector_store %arg14[%swap3A_3368, %swap3A_3369], %swap3A_3372 {strides = array<i32>} : memref<40x64xf32, #tpu.memory_space<vmem>>, vector<1x16xf32>,
      %get3A_3373 = arith.constant 27 : i32
      %get3A_3374 = arith.index_cast %get3A_3373 : i32 to index
      %get3A_3375 = arith.constant 0 : index
      %get3A_3376 = tpu.vector_load %arg15[%get3A_3374, %get3A_3375] {strides = array<i32>} : memref<40x16xf32, #tpu.memory_space<vmem>>, vector<1x16xf32>,
      %get3A_3377 = vector.shape_cast %get3A_3376 : vector<1x16xf32> to vector<16xf32>
      %max3A_3378 = arith.constant 1.000000e+00 : f32
      %max3A_3379 = vector.broadcast %max3A_3378 : f32 to vector<16xf32>
      %max3A_3380 = arith.maximumf %get3A_3377, %max3A_3379 : vector<16xf32>
      %div3A_3381 = arith.constant 1.000000e+00 : f32
      %div3A_3382 = vector.broadcast %div3A_3381 : f32 to vector<16xf32>
      %div3A_3383 = arith.divf %div3A_3382, %max3A_3380 : vector<16xf32>
      %get3A_3384 = arith.constant 27 : i32
      %get3A_3385 = arith.index_cast %get3A_3384 : i32 to index
      %get3A_3386 = arith.constant 0 : index
      %get3A_3387 = tpu.vector_load %arg14[%get3A_3385, %get3A_3386] {strides = array<i32>} : memref<40x64xf32, #tpu.memory_space<vmem>>, vector<1x16xf32>,
      %get3A_3388 = vector.shape_cast %get3A_3387 : vector<1x16xf32> to vector<16xf32>
      %mul3A_3389 = arith.mulf %get3A_3388, %div3A_3383 : vector<16xf32>
      %swap3A_3390 = arith.constant 27 : i32
      %swap3A_3391 = arith.index_cast %swap3A_3390 : i32 to index
      %swap3A_3392 = arith.constant 0 : index
      %swap3A_3393 = tpu.vector_load %arg14[%swap3A_3391, %swap3A_3392] {strides = array<i32>} : memref<40x64xf32, #tpu.memory_space<vmem>>, vector<1x16xf32>,
      %swap3A_3394 = vector.shape_cast %swap3A_3393 : vector<1x16xf32> to vector<16xf32>
      %swap3A_3395 = vector.shape_cast %mul3A_3389 : vector<16xf32> to vector<1x16xf32>
      tpu.vector_store %arg14[%swap3A_3391, %swap3A_3392], %swap3A_3395 {strides = array<i32>} : memref<40x64xf32, #tpu.memory_space<vmem>>, vector<1x16xf32>,
      %get3A_3396 = arith.constant 27 : i32
      %get3A_3397 = arith.index_cast %get3A_3396 : i32 to index
      %get3A_3398 = arith.constant 16 : index
      %get3A_3399 = tpu.vector_load %arg14[%get3A_3397, %get3A_3398] {strides = array<i32>} : memref<40x64xf32, #tpu.memory_space<vmem>>, vector<1x16xf32>,
      %get3A_3400 = vector.shape_cast %get3A_3399 : vector<1x16xf32> to vector<16xf32>
      %mul3A_3401 = arith.mulf %get3A_3400, %div3A_3383 : vector<16xf32>
      %swap3A_3402 = arith.constant 27 : i32
      %swap3A_3403 = arith.index_cast %swap3A_3402 : i32 to index
      %swap3A_3404 = arith.constant 16 : index
      %swap3A_3405 = tpu.vector_load %arg14[%swap3A_3403, %swap3A_3404] {strides = array<i32>} : memref<40x64xf32, #tpu.memory_space<vmem>>, vector<1x16xf32>,
      %swap3A_3406 = vector.shape_cast %swap3A_3405 : vector<1x16xf32> to vector<16xf32>
      %swap3A_3407 = vector.shape_cast %mul3A_3401 : vector<16xf32> to vector<1x16xf32>
      tpu.vector_store %arg14[%swap3A_3403, %swap3A_3404], %swap3A_3407 {strides = array<i32>} : memref<40x64xf32, #tpu.memory_space<vmem>>, vector<1x16xf32>,
      %get3A_3408 = arith.constant 27 : i32
      %get3A_3409 = arith.index_cast %get3A_3408 : i32 to index
      %get3A_3410 = arith.constant 32 : index
      %get3A_3411 = tpu.vector_load %arg14[%get3A_3409, %get3A_3410] {strides = array<i32>} : memref<40x64xf32, #tpu.memory_space<vmem>>, vector<1x16xf32>,
      %get3A_3412 = vector.shape_cast %get3A_3411 : vector<1x16xf32> to vector<16xf32>
      %mul3A_3413 = arith.mulf %get3A_3412, %div3A_3383 : vector<16xf32>
      %swap3A_3414 = arith.constant 27 : i32
      %swap3A_3415 = arith.index_cast %swap3A_3414 : i32 to index
      %swap3A_3416 = arith.constant 32 : index
      %swap3A_3417 = tpu.vector_load %arg14[%swap3A_3415, %swap3A_3416] {strides = array<i32>} : memref<40x64xf32, #tpu.memory_space<vmem>>, vector<1x16xf32>,
      %swap3A_3418 = vector.shape_cast %swap3A_3417 : vector<1x16xf32> to vector<16xf32>
      %swap3A_3419 = vector.shape_cast %mul3A_3413 : vector<16xf32> to vector<1x16xf32>
      tpu.vector_store %arg14[%swap3A_3415, %swap3A_3416], %swap3A_3419 {strides = array<i32>} : memref<40x64xf32, #tpu.memory_space<vmem>>, vector<1x16xf32>,
      %get3A_3420 = arith.constant 27 : i32
      %get3A_3421 = arith.index_cast %get3A_3420 : i32 to index
      %get3A_3422 = arith.constant 48 : index
      %get3A_3423 = tpu.vector_load %arg14[%get3A_3421, %get3A_3422] {strides = array<i32>} : memref<40x64xf32, #tpu.memory_space<vmem>>, vector<1x16xf32>,
      %get3A_3424 = vector.shape_cast %get3A_3423 : vector<1x16xf32> to vector<16xf32>
      %mul3A_3425 = arith.mulf %get3A_3424, %div3A_3383 : vector<16xf32>
      %swap3A_3426 = arith.constant 27 : i32
      %swap3A_3427 = arith.index_cast %swap3A_3426 : i32 to index
      %swap3A_3428 = arith.constant 48 : index
      %swap3A_3429 = tpu.vector_load %arg14[%swap3A_3427, %swap3A_3428] {strides = array<i32>} : memref<40x64xf32, #tpu.memory_space<vmem>>, vector<1x16xf32>,
      %swap3A_3430 = vector.shape_cast %swap3A_3429 : vector<1x16xf32> to vector<16xf32>
      %swap3A_3431 = vector.shape_cast %mul3A_3425 : vector<16xf32> to vector<1x16xf32>
      tpu.vector_store %arg14[%swap3A_3427, %swap3A_3428], %swap3A_3431 {strides = array<i32>} : memref<40x64xf32, #tpu.memory_space<vmem>>, vector<1x16xf32>,
      %get3A_3432 = arith.constant 28 : i32
      %get3A_3433 = arith.index_cast %get3A_3432 : i32 to index
      %get3A_3434 = arith.constant 0 : index
      %get3A_3435 = tpu.vector_load %arg15[%get3A_3433, %get3A_3434] {strides = array<i32>} : memref<40x16xf32, #tpu.memory_space<vmem>>, vector<1x16xf32>,
      %get3A_3436 = vector.shape_cast %get3A_3435 : vector<1x16xf32> to vector<16xf32>
      %max3A_3437 = arith.constant 1.000000e+00 : f32
      %max3A_3438 = vector.broadcast %max3A_3437 : f32 to vector<16xf32>
      %max3A_3439 = arith.maximumf %get3A_3436, %max3A_3438 : vector<16xf32>
      %div3A_3440 = arith.constant 1.000000e+00 : f32
      %div3A_3441 = vector.broadcast %div3A_3440 : f32 to vector<16xf32>
      %div3A_3442 = arith.divf %div3A_3441, %max3A_3439 : vector<16xf32>
      %get3A_3443 = arith.constant 28 : i32
      %get3A_3444 = arith.index_cast %get3A_3443 : i32 to index
      %get3A_3445 = arith.constant 0 : index
      %get3A_3446 = tpu.vector_load %arg14[%get3A_3444, %get3A_3445] {strides = array<i32>} : memref<40x64xf32, #tpu.memory_space<vmem>>, vector<1x16xf32>,
      %get3A_3447 = vector.shape_cast %get3A_3446 : vector<1x16xf32> to vector<16xf32>
      %mul3A_3448 = arith.mulf %get3A_3447, %div3A_3442 : vector<16xf32>
      %swap3A_3449 = arith.constant 28 : i32
      %swap3A_3450 = arith.index_cast %swap3A_3449 : i32 to index
      %swap3A_3451 = arith.constant 0 : index
      %swap3A_3452 = tpu.vector_load %arg14[%swap3A_3450, %swap3A_3451] {strides = array<i32>} : memref<40x64xf32, #tpu.memory_space<vmem>>, vector<1x16xf32>,
      %swap3A_3453 = vector.shape_cast %swap3A_3452 : vector<1x16xf32> to vector<16xf32>
      %swap3A_3454 = vector.shape_cast %mul3A_3448 : vector<16xf32> to vector<1x16xf32>
      tpu.vector_store %arg14[%swap3A_3450, %swap3A_3451], %swap3A_3454 {strides = array<i32>} : memref<40x64xf32, #tpu.memory_space<vmem>>, vector<1x16xf32>,
      %get3A_3455 = arith.constant 28 : i32
      %get3A_3456 = arith.index_cast %get3A_3455 : i32 to index
      %get3A_3457 = arith.constant 16 : index
      %get3A_3458 = tpu.vector_load %arg14[%get3A_3456, %get3A_3457] {strides = array<i32>} : memref<40x64xf32, #tpu.memory_space<vmem>>, vector<1x16xf32>,
      %get3A_3459 = vector.shape_cast %get3A_3458 : vector<1x16xf32> to vector<16xf32>
      %mul3A_3460 = arith.mulf %get3A_3459, %div3A_3442 : vector<16xf32>
      %swap3A_3461 = arith.constant 28 : i32
      %swap3A_3462 = arith.index_cast %swap3A_3461 : i32 to index
      %swap3A_3463 = arith.constant 16 : index
      %swap3A_3464 = tpu.vector_load %arg14[%swap3A_3462, %swap3A_3463] {strides = array<i32>} : memref<40x64xf32, #tpu.memory_space<vmem>>, vector<1x16xf32>,
      %swap3A_3465 = vector.shape_cast %swap3A_3464 : vector<1x16xf32> to vector<16xf32>
      %swap3A_3466 = vector.shape_cast %mul3A_3460 : vector<16xf32> to vector<1x16xf32>
      tpu.vector_store %arg14[%swap3A_3462, %swap3A_3463], %swap3A_3466 {strides = array<i32>} : memref<40x64xf32, #tpu.memory_space<vmem>>, vector<1x16xf32>,
      %get3A_3467 = arith.constant 28 : i32
      %get3A_3468 = arith.index_cast %get3A_3467 : i32 to index
      %get3A_3469 = arith.constant 32 : index
      %get3A_3470 = tpu.vector_load %arg14[%get3A_3468, %get3A_3469] {strides = array<i32>} : memref<40x64xf32, #tpu.memory_space<vmem>>, vector<1x16xf32>,
      %get3A_3471 = vector.shape_cast %get3A_3470 : vector<1x16xf32> to vector<16xf32>
      %mul3A_3472 = arith.mulf %get3A_3471, %div3A_3442 : vector<16xf32>
      %swap3A_3473 = arith.constant 28 : i32
      %swap3A_3474 = arith.index_cast %swap3A_3473 : i32 to index
      %swap3A_3475 = arith.constant 32 : index
      %swap3A_3476 = tpu.vector_load %arg14[%swap3A_3474, %swap3A_3475] {strides = array<i32>} : memref<40x64xf32, #tpu.memory_space<vmem>>, vector<1x16xf32>,
      %swap3A_3477 = vector.shape_cast %swap3A_3476 : vector<1x16xf32> to vector<16xf32>
      %swap3A_3478 = vector.shape_cast %mul3A_3472 : vector<16xf32> to vector<1x16xf32>
      tpu.vector_store %arg14[%swap3A_3474, %swap3A_3475], %swap3A_3478 {strides = array<i32>} : memref<40x64xf32, #tpu.memory_space<vmem>>, vector<1x16xf32>,
      %get3A_3479 = arith.constant 28 : i32
      %get3A_3480 = arith.index_cast %get3A_3479 : i32 to index
      %get3A_3481 = arith.constant 48 : index
      %get3A_3482 = tpu.vector_load %arg14[%get3A_3480, %get3A_3481] {strides = array<i32>} : memref<40x64xf32, #tpu.memory_space<vmem>>, vector<1x16xf32>,
      %get3A_3483 = vector.shape_cast %get3A_3482 : vector<1x16xf32> to vector<16xf32>
      %mul3A_3484 = arith.mulf %get3A_3483, %div3A_3442 : vector<16xf32>
      %swap3A_3485 = arith.constant 28 : i32
      %swap3A_3486 = arith.index_cast %swap3A_3485 : i32 to index
      %swap3A_3487 = arith.constant 48 : index
      %swap3A_3488 = tpu.vector_load %arg14[%swap3A_3486, %swap3A_3487] {strides = array<i32>} : memref<40x64xf32, #tpu.memory_space<vmem>>, vector<1x16xf32>,
      %swap3A_3489 = vector.shape_cast %swap3A_3488 : vector<1x16xf32> to vector<16xf32>
      %swap3A_3490 = vector.shape_cast %mul3A_3484 : vector<16xf32> to vector<1x16xf32>
      tpu.vector_store %arg14[%swap3A_3486, %swap3A_3487], %swap3A_3490 {strides = array<i32>} : memref<40x64xf32, #tpu.memory_space<vmem>>, vector<1x16xf32>,
      %get3A_3491 = arith.constant 29 : i32
      %get3A_3492 = arith.index_cast %get3A_3491 : i32 to index
      %get3A_3493 = arith.constant 0 : index
      %get3A_3494 = tpu.vector_load %arg15[%get3A_3492, %get3A_3493] {strides = array<i32>} : memref<40x16xf32, #tpu.memory_space<vmem>>, vector<1x16xf32>,
      %get3A_3495 = vector.shape_cast %get3A_3494 : vector<1x16xf32> to vector<16xf32>
      %max3A_3496 = arith.constant 1.000000e+00 : f32
      %max3A_3497 = vector.broadcast %max3A_3496 : f32 to vector<16xf32>
      %max3A_3498 = arith.maximumf %get3A_3495, %max3A_3497 : vector<16xf32>
      %div3A_3499 = arith.constant 1.000000e+00 : f32
      %div3A_3500 = vector.broadcast %div3A_3499 : f32 to vector<16xf32>
      %div3A_3501 = arith.divf %div3A_3500, %max3A_3498 : vector<16xf32>
      %get3A_3502 = arith.constant 29 : i32
      %get3A_3503 = arith.index_cast %get3A_3502 : i32 to index
      %get3A_3504 = arith.constant 0 : index
      %get3A_3505 = tpu.vector_load %arg14[%get3A_3503, %get3A_3504] {strides = array<i32>} : memref<40x64xf32, #tpu.memory_space<vmem>>, vector<1x16xf32>,
      %get3A_3506 = vector.shape_cast %get3A_3505 : vector<1x16xf32> to vector<16xf32>
      %mul3A_3507 = arith.mulf %get3A_3506, %div3A_3501 : vector<16xf32>
      %swap3A_3508 = arith.constant 29 : i32
      %swap3A_3509 = arith.index_cast %swap3A_3508 : i32 to index
      %swap3A_3510 = arith.constant 0 : index
      %swap3A_3511 = tpu.vector_load %arg14[%swap3A_3509, %swap3A_3510] {strides = array<i32>} : memref<40x64xf32, #tpu.memory_space<vmem>>, vector<1x16xf32>,
      %swap3A_3512 = vector.shape_cast %swap3A_3511 : vector<1x16xf32> to vector<16xf32>
      %swap3A_3513 = vector.shape_cast %mul3A_3507 : vector<16xf32> to vector<1x16xf32>
      tpu.vector_store %arg14[%swap3A_3509, %swap3A_3510], %swap3A_3513 {strides = array<i32>} : memref<40x64xf32, #tpu.memory_space<vmem>>, vector<1x16xf32>,
      %get3A_3514 = arith.constant 29 : i32
      %get3A_3515 = arith.index_cast %get3A_3514 : i32 to index
      %get3A_3516 = arith.constant 16 : index
      %get3A_3517 = tpu.vector_load %arg14[%get3A_3515, %get3A_3516] {strides = array<i32>} : memref<40x64xf32, #tpu.memory_space<vmem>>, vector<1x16xf32>,
      %get3A_3518 = vector.shape_cast %get3A_3517 : vector<1x16xf32> to vector<16xf32>
      %mul3A_3519 = arith.mulf %get3A_3518, %div3A_3501 : vector<16xf32>
      %swap3A_3520 = arith.constant 29 : i32
      %swap3A_3521 = arith.index_cast %swap3A_3520 : i32 to index
      %swap3A_3522 = arith.constant 16 : index
      %swap3A_3523 = tpu.vector_load %arg14[%swap3A_3521, %swap3A_3522] {strides = array<i32>} : memref<40x64xf32, #tpu.memory_space<vmem>>, vector<1x16xf32>,
      %swap3A_3524 = vector.shape_cast %swap3A_3523 : vector<1x16xf32> to vector<16xf32>
      %swap3A_3525 = vector.shape_cast %mul3A_3519 : vector<16xf32> to vector<1x16xf32>
      tpu.vector_store %arg14[%swap3A_3521, %swap3A_3522], %swap3A_3525 {strides = array<i32>} : memref<40x64xf32, #tpu.memory_space<vmem>>, vector<1x16xf32>,
      %get3A_3526 = arith.constant 29 : i32
      %get3A_3527 = arith.index_cast %get3A_3526 : i32 to index
      %get3A_3528 = arith.constant 32 : index
      %get3A_3529 = tpu.vector_load %arg14[%get3A_3527, %get3A_3528] {strides = array<i32>} : memref<40x64xf32, #tpu.memory_space<vmem>>, vector<1x16xf32>,
      %get3A_3530 = vector.shape_cast %get3A_3529 : vector<1x16xf32> to vector<16xf32>
      %mul3A_3531 = arith.mulf %get3A_3530, %div3A_3501 : vector<16xf32>
      %swap3A_3532 = arith.constant 29 : i32
      %swap3A_3533 = arith.index_cast %swap3A_3532 : i32 to index
      %swap3A_3534 = arith.constant 32 : index
      %swap3A_3535 = tpu.vector_load %arg14[%swap3A_3533, %swap3A_3534] {strides = array<i32>} : memref<40x64xf32, #tpu.memory_space<vmem>>, vector<1x16xf32>,
      %swap3A_3536 = vector.shape_cast %swap3A_3535 : vector<1x16xf32> to vector<16xf32>
      %swap3A_3537 = vector.shape_cast %mul3A_3531 : vector<16xf32> to vector<1x16xf32>
      tpu.vector_store %arg14[%swap3A_3533, %swap3A_3534], %swap3A_3537 {strides = array<i32>} : memref<40x64xf32, #tpu.memory_space<vmem>>, vector<1x16xf32>,
      %get3A_3538 = arith.constant 29 : i32
      %get3A_3539 = arith.index_cast %get3A_3538 : i32 to index
      %get3A_3540 = arith.constant 48 : index
      %get3A_3541 = tpu.vector_load %arg14[%get3A_3539, %get3A_3540] {strides = array<i32>} : memref<40x64xf32, #tpu.memory_space<vmem>>, vector<1x16xf32>,
      %get3A_3542 = vector.shape_cast %get3A_3541 : vector<1x16xf32> to vector<16xf32>
      %mul3A_3543 = arith.mulf %get3A_3542, %div3A_3501 : vector<16xf32>
      %swap3A_3544 = arith.constant 29 : i32
      %swap3A_3545 = arith.index_cast %swap3A_3544 : i32 to index
      %swap3A_3546 = arith.constant 48 : index
      %swap3A_3547 = tpu.vector_load %arg14[%swap3A_3545, %swap3A_3546] {strides = array<i32>} : memref<40x64xf32, #tpu.memory_space<vmem>>, vector<1x16xf32>,
      %swap3A_3548 = vector.shape_cast %swap3A_3547 : vector<1x16xf32> to vector<16xf32>
      %swap3A_3549 = vector.shape_cast %mul3A_3543 : vector<16xf32> to vector<1x16xf32>
      tpu.vector_store %arg14[%swap3A_3545, %swap3A_3546], %swap3A_3549 {strides = array<i32>} : memref<40x64xf32, #tpu.memory_space<vmem>>, vector<1x16xf32>,
      %get3A_3550 = arith.constant 30 : i32
      %get3A_3551 = arith.index_cast %get3A_3550 : i32 to index
      %get3A_3552 = arith.constant 0 : index
      %get3A_3553 = tpu.vector_load %arg15[%get3A_3551, %get3A_3552] {strides = array<i32>} : memref<40x16xf32, #tpu.memory_space<vmem>>, vector<1x16xf32>,
      %get3A_3554 = vector.shape_cast %get3A_3553 : vector<1x16xf32> to vector<16xf32>
      %max3A_3555 = arith.constant 1.000000e+00 : f32
      %max3A_3556 = vector.broadcast %max3A_3555 : f32 to vector<16xf32>
      %max3A_3557 = arith.maximumf %get3A_3554, %max3A_3556 : vector<16xf32>
      %div3A_3558 = arith.constant 1.000000e+00 : f32
      %div3A_3559 = vector.broadcast %div3A_3558 : f32 to vector<16xf32>
      %div3A_3560 = arith.divf %div3A_3559, %max3A_3557 : vector<16xf32>
      %get3A_3561 = arith.constant 30 : i32
      %get3A_3562 = arith.index_cast %get3A_3561 : i32 to index
      %get3A_3563 = arith.constant 0 : index
      %get3A_3564 = tpu.vector_load %arg14[%get3A_3562, %get3A_3563] {strides = array<i32>} : memref<40x64xf32, #tpu.memory_space<vmem>>, vector<1x16xf32>,
      %get3A_3565 = vector.shape_cast %get3A_3564 : vector<1x16xf32> to vector<16xf32>
      %mul3A_3566 = arith.mulf %get3A_3565, %div3A_3560 : vector<16xf32>
      %swap3A_3567 = arith.constant 30 : i32
      %swap3A_3568 = arith.index_cast %swap3A_3567 : i32 to index
      %swap3A_3569 = arith.constant 0 : index
      %swap3A_3570 = tpu.vector_load %arg14[%swap3A_3568, %swap3A_3569] {strides = array<i32>} : memref<40x64xf32, #tpu.memory_space<vmem>>, vector<1x16xf32>,
      %swap3A_3571 = vector.shape_cast %swap3A_3570 : vector<1x16xf32> to vector<16xf32>
      %swap3A_3572 = vector.shape_cast %mul3A_3566 : vector<16xf32> to vector<1x16xf32>
      tpu.vector_store %arg14[%swap3A_3568, %swap3A_3569], %swap3A_3572 {strides = array<i32>} : memref<40x64xf32, #tpu.memory_space<vmem>>, vector<1x16xf32>,
      %get3A_3573 = arith.constant 30 : i32
      %get3A_3574 = arith.index_cast %get3A_3573 : i32 to index
      %get3A_3575 = arith.constant 16 : index
      %get3A_3576 = tpu.vector_load %arg14[%get3A_3574, %get3A_3575] {strides = array<i32>} : memref<40x64xf32, #tpu.memory_space<vmem>>, vector<1x16xf32>,
      %get3A_3577 = vector.shape_cast %get3A_3576 : vector<1x16xf32> to vector<16xf32>
      %mul3A_3578 = arith.mulf %get3A_3577, %div3A_3560 : vector<16xf32>
      %swap3A_3579 = arith.constant 30 : i32
      %swap3A_3580 = arith.index_cast %swap3A_3579 : i32 to index
      %swap3A_3581 = arith.constant 16 : index
      %swap3A_3582 = tpu.vector_load %arg14[%swap3A_3580, %swap3A_3581] {strides = array<i32>} : memref<40x64xf32, #tpu.memory_space<vmem>>, vector<1x16xf32>,
      %swap3A_3583 = vector.shape_cast %swap3A_3582 : vector<1x16xf32> to vector<16xf32>
      %swap3A_3584 = vector.shape_cast %mul3A_3578 : vector<16xf32> to vector<1x16xf32>
      tpu.vector_store %arg14[%swap3A_3580, %swap3A_3581], %swap3A_3584 {strides = array<i32>} : memref<40x64xf32, #tpu.memory_space<vmem>>, vector<1x16xf32>,
      %get3A_3585 = arith.constant 30 : i32
      %get3A_3586 = arith.index_cast %get3A_3585 : i32 to index
      %get3A_3587 = arith.constant 32 : index
      %get3A_3588 = tpu.vector_load %arg14[%get3A_3586, %get3A_3587] {strides = array<i32>} : memref<40x64xf32, #tpu.memory_space<vmem>>, vector<1x16xf32>,
      %get3A_3589 = vector.shape_cast %get3A_3588 : vector<1x16xf32> to vector<16xf32>
      %mul3A_3590 = arith.mulf %get3A_3589, %div3A_3560 : vector<16xf32>
      %swap3A_3591 = arith.constant 30 : i32
      %swap3A_3592 = arith.index_cast %swap3A_3591 : i32 to index
      %swap3A_3593 = arith.constant 32 : index
      %swap3A_3594 = tpu.vector_load %arg14[%swap3A_3592, %swap3A_3593] {strides = array<i32>} : memref<40x64xf32, #tpu.memory_space<vmem>>, vector<1x16xf32>,
      %swap3A_3595 = vector.shape_cast %swap3A_3594 : vector<1x16xf32> to vector<16xf32>
      %swap3A_3596 = vector.shape_cast %mul3A_3590 : vector<16xf32> to vector<1x16xf32>
      tpu.vector_store %arg14[%swap3A_3592, %swap3A_3593], %swap3A_3596 {strides = array<i32>} : memref<40x64xf32, #tpu.memory_space<vmem>>, vector<1x16xf32>,
      %get3A_3597 = arith.constant 30 : i32
      %get3A_3598 = arith.index_cast %get3A_3597 : i32 to index
      %get3A_3599 = arith.constant 48 : index
      %get3A_3600 = tpu.vector_load %arg14[%get3A_3598, %get3A_3599] {strides = array<i32>} : memref<40x64xf32, #tpu.memory_space<vmem>>, vector<1x16xf32>,
      %get3A_3601 = vector.shape_cast %get3A_3600 : vector<1x16xf32> to vector<16xf32>
      %mul3A_3602 = arith.mulf %get3A_3601, %div3A_3560 : vector<16xf32>
      %swap3A_3603 = arith.constant 30 : i32
      %swap3A_3604 = arith.index_cast %swap3A_3603 : i32 to index
      %swap3A_3605 = arith.constant 48 : index
      %swap3A_3606 = tpu.vector_load %arg14[%swap3A_3604, %swap3A_3605] {strides = array<i32>} : memref<40x64xf32, #tpu.memory_space<vmem>>, vector<1x16xf32>,
      %swap3A_3607 = vector.shape_cast %swap3A_3606 : vector<1x16xf32> to vector<16xf32>
      %swap3A_3608 = vector.shape_cast %mul3A_3602 : vector<16xf32> to vector<1x16xf32>
      tpu.vector_store %arg14[%swap3A_3604, %swap3A_3605], %swap3A_3608 {strides = array<i32>} : memref<40x64xf32, #tpu.memory_space<vmem>>, vector<1x16xf32>,
      %get3A_3609 = arith.constant 31 : i32
      %get3A_3610 = arith.index_cast %get3A_3609 : i32 to index
      %get3A_3611 = arith.constant 0 : index
      %get3A_3612 = tpu.vector_load %arg15[%get3A_3610, %get3A_3611] {strides = array<i32>} : memref<40x16xf32, #tpu.memory_space<vmem>>, vector<1x16xf32>,
      %get3A_3613 = vector.shape_cast %get3A_3612 : vector<1x16xf32> to vector<16xf32>
      %max3A_3614 = arith.constant 1.000000e+00 : f32
      %max3A_3615 = vector.broadcast %max3A_3614 : f32 to vector<16xf32>
      %max3A_3616 = arith.maximumf %get3A_3613, %max3A_3615 : vector<16xf32>
      %div3A_3617 = arith.constant 1.000000e+00 : f32
      %div3A_3618 = vector.broadcast %div3A_3617 : f32 to vector<16xf32>
      %div3A_3619 = arith.divf %div3A_3618, %max3A_3616 : vector<16xf32>
      %get3A_3620 = arith.constant 31 : i32
      %get3A_3621 = arith.index_cast %get3A_3620 : i32 to index
      %get3A_3622 = arith.constant 0 : index
      %get3A_3623 = tpu.vector_load %arg14[%get3A_3621, %get3A_3622] {strides = array<i32>} : memref<40x64xf32, #tpu.memory_space<vmem>>, vector<1x16xf32>,
      %get3A_3624 = vector.shape_cast %get3A_3623 : vector<1x16xf32> to vector<16xf32>
      %mul3A_3625 = arith.mulf %get3A_3624, %div3A_3619 : vector<16xf32>
      %swap3A_3626 = arith.constant 31 : i32
      %swap3A_3627 = arith.index_cast %swap3A_3626 : i32 to index
      %swap3A_3628 = arith.constant 0 : index
      %swap3A_3629 = tpu.vector_load %arg14[%swap3A_3627, %swap3A_3628] {strides = array<i32>} : memref<40x64xf32, #tpu.memory_space<vmem>>, vector<1x16xf32>,
      %swap3A_3630 = vector.shape_cast %swap3A_3629 : vector<1x16xf32> to vector<16xf32>
      %swap3A_3631 = vector.shape_cast %mul3A_3625 : vector<16xf32> to vector<1x16xf32>
      tpu.vector_store %arg14[%swap3A_3627, %swap3A_3628], %swap3A_3631 {strides = array<i32>} : memref<40x64xf32, #tpu.memory_space<vmem>>, vector<1x16xf32>,
      %get3A_3632 = arith.constant 31 : i32
      %get3A_3633 = arith.index_cast %get3A_3632 : i32 to index
      %get3A_3634 = arith.constant 16 : index
      %get3A_3635 = tpu.vector_load %arg14[%get3A_3633, %get3A_3634] {strides = array<i32>} : memref<40x64xf32, #tpu.memory_space<vmem>>, vector<1x16xf32>,
      %get3A_3636 = vector.shape_cast %get3A_3635 : vector<1x16xf32> to vector<16xf32>
      %mul3A_3637 = arith.mulf %get3A_3636, %div3A_3619 : vector<16xf32>
      %swap3A_3638 = arith.constant 31 : i32
      %swap3A_3639 = arith.index_cast %swap3A_3638 : i32 to index
      %swap3A_3640 = arith.constant 16 : index
      %swap3A_3641 = tpu.vector_load %arg14[%swap3A_3639, %swap3A_3640] {strides = array<i32>} : memref<40x64xf32, #tpu.memory_space<vmem>>, vector<1x16xf32>,
      %swap3A_3642 = vector.shape_cast %swap3A_3641 : vector<1x16xf32> to vector<16xf32>
      %swap3A_3643 = vector.shape_cast %mul3A_3637 : vector<16xf32> to vector<1x16xf32>
      tpu.vector_store %arg14[%swap3A_3639, %swap3A_3640], %swap3A_3643 {strides = array<i32>} : memref<40x64xf32, #tpu.memory_space<vmem>>, vector<1x16xf32>,
      %get3A_3644 = arith.constant 31 : i32
      %get3A_3645 = arith.index_cast %get3A_3644 : i32 to index
      %get3A_3646 = arith.constant 32 : index
      %get3A_3647 = tpu.vector_load %arg14[%get3A_3645, %get3A_3646] {strides = array<i32>} : memref<40x64xf32, #tpu.memory_space<vmem>>, vector<1x16xf32>,
      %get3A_3648 = vector.shape_cast %get3A_3647 : vector<1x16xf32> to vector<16xf32>
      %mul3A_3649 = arith.mulf %get3A_3648, %div3A_3619 : vector<16xf32>
      %swap3A_3650 = arith.constant 31 : i32
      %swap3A_3651 = arith.index_cast %swap3A_3650 : i32 to index
      %swap3A_3652 = arith.constant 32 : index
      %swap3A_3653 = tpu.vector_load %arg14[%swap3A_3651, %swap3A_3652] {strides = array<i32>} : memref<40x64xf32, #tpu.memory_space<vmem>>, vector<1x16xf32>,
      %swap3A_3654 = vector.shape_cast %swap3A_3653 : vector<1x16xf32> to vector<16xf32>
      %swap3A_3655 = vector.shape_cast %mul3A_3649 : vector<16xf32> to vector<1x16xf32>
      tpu.vector_store %arg14[%swap3A_3651, %swap3A_3652], %swap3A_3655 {strides = array<i32>} : memref<40x64xf32, #tpu.memory_space<vmem>>, vector<1x16xf32>,
      %get3A_3656 = arith.constant 31 : i32
      %get3A_3657 = arith.index_cast %get3A_3656 : i32 to index
      %get3A_3658 = arith.constant 48 : index
      %get3A_3659 = tpu.vector_load %arg14[%get3A_3657, %get3A_3658] {strides = array<i32>} : memref<40x64xf32, #tpu.memory_space<vmem>>, vector<1x16xf32>,
      %get3A_3660 = vector.shape_cast %get3A_3659 : vector<1x16xf32> to vector<16xf32>
      %mul3A_3661 = arith.mulf %get3A_3660, %div3A_3619 : vector<16xf32>
      %swap3A_3662 = arith.constant 31 : i32
      %swap3A_3663 = arith.index_cast %swap3A_3662 : i32 to index
      %swap3A_3664 = arith.constant 48 : index
      %swap3A_3665 = tpu.vector_load %arg14[%swap3A_3663, %swap3A_3664] {strides = array<i32>} : memref<40x64xf32, #tpu.memory_space<vmem>>, vector<1x16xf32>,
      %swap3A_3666 = vector.shape_cast %swap3A_3665 : vector<1x16xf32> to vector<16xf32>
      %swap3A_3667 = vector.shape_cast %mul3A_3661 : vector<16xf32> to vector<1x16xf32>
      tpu.vector_store %arg14[%swap3A_3663, %swap3A_3664], %swap3A_3667 {strides = array<i32>} : memref<40x64xf32, #tpu.memory_space<vmem>>, vector<1x16xf32>,
      %get3A_3668 = arith.constant 32 : i32
      %get3A_3669 = arith.index_cast %get3A_3668 : i32 to index
      %get3A_3670 = arith.constant 0 : index
      %get3A_3671 = tpu.vector_load %arg15[%get3A_3669, %get3A_3670] {strides = array<i32>} : memref<40x16xf32, #tpu.memory_space<vmem>>, vector<1x16xf32>,
      %get3A_3672 = vector.shape_cast %get3A_3671 : vector<1x16xf32> to vector<16xf32>
      %max3A_3673 = arith.constant 1.000000e+00 : f32
      %max3A_3674 = vector.broadcast %max3A_3673 : f32 to vector<16xf32>
      %max3A_3675 = arith.maximumf %get3A_3672, %max3A_3674 : vector<16xf32>
      %div3A_3676 = arith.constant 1.000000e+00 : f32
      %div3A_3677 = vector.broadcast %div3A_3676 : f32 to vector<16xf32>
      %div3A_3678 = arith.divf %div3A_3677, %max3A_3675 : vector<16xf32>
      %get3A_3679 = arith.constant 32 : i32
      %get3A_3680 = arith.index_cast %get3A_3679 : i32 to index
      %get3A_3681 = arith.constant 0 : index
      %get3A_3682 = tpu.vector_load %arg14[%get3A_3680, %get3A_3681] {strides = array<i32>} : memref<40x64xf32, #tpu.memory_space<vmem>>, vector<1x16xf32>,
      %get3A_3683 = vector.shape_cast %get3A_3682 : vector<1x16xf32> to vector<16xf32>
      %mul3A_3684 = arith.mulf %get3A_3683, %div3A_3678 : vector<16xf32>
      %swap3A_3685 = arith.constant 32 : i32
      %swap3A_3686 = arith.index_cast %swap3A_3685 : i32 to index
      %swap3A_3687 = arith.constant 0 : index
      %swap3A_3688 = tpu.vector_load %arg14[%swap3A_3686, %swap3A_3687] {strides = array<i32>} : memref<40x64xf32, #tpu.memory_space<vmem>>, vector<1x16xf32>,
      %swap3A_3689 = vector.shape_cast %swap3A_3688 : vector<1x16xf32> to vector<16xf32>
      %swap3A_3690 = vector.shape_cast %mul3A_3684 : vector<16xf32> to vector<1x16xf32>
      tpu.vector_store %arg14[%swap3A_3686, %swap3A_3687], %swap3A_3690 {strides = array<i32>} : memref<40x64xf32, #tpu.memory_space<vmem>>, vector<1x16xf32>,
      %get3A_3691 = arith.constant 32 : i32
      %get3A_3692 = arith.index_cast %get3A_3691 : i32 to index
      %get3A_3693 = arith.constant 16 : index
      %get3A_3694 = tpu.vector_load %arg14[%get3A_3692, %get3A_3693] {strides = array<i32>} : memref<40x64xf32, #tpu.memory_space<vmem>>, vector<1x16xf32>,
      %get3A_3695 = vector.shape_cast %get3A_3694 : vector<1x16xf32> to vector<16xf32>
      %mul3A_3696 = arith.mulf %get3A_3695, %div3A_3678 : vector<16xf32>
      %swap3A_3697 = arith.constant 32 : i32
      %swap3A_3698 = arith.index_cast %swap3A_3697 : i32 to index
      %swap3A_3699 = arith.constant 16 : index
      %swap3A_3700 = tpu.vector_load %arg14[%swap3A_3698, %swap3A_3699] {strides = array<i32>} : memref<40x64xf32, #tpu.memory_space<vmem>>, vector<1x16xf32>,
      %swap3A_3701 = vector.shape_cast %swap3A_3700 : vector<1x16xf32> to vector<16xf32>
      %swap3A_3702 = vector.shape_cast %mul3A_3696 : vector<16xf32> to vector<1x16xf32>
      tpu.vector_store %arg14[%swap3A_3698, %swap3A_3699], %swap3A_3702 {strides = array<i32>} : memref<40x64xf32, #tpu.memory_space<vmem>>, vector<1x16xf32>,
      %get3A_3703 = arith.constant 32 : i32
      %get3A_3704 = arith.index_cast %get3A_3703 : i32 to index
      %get3A_3705 = arith.constant 32 : index
      %get3A_3706 = tpu.vector_load %arg14[%get3A_3704, %get3A_3705] {strides = array<i32>} : memref<40x64xf32, #tpu.memory_space<vmem>>, vector<1x16xf32>,
      %get3A_3707 = vector.shape_cast %get3A_3706 : vector<1x16xf32> to vector<16xf32>
      %mul3A_3708 = arith.mulf %get3A_3707, %div3A_3678 : vector<16xf32>
      %swap3A_3709 = arith.constant 32 : i32
      %swap3A_3710 = arith.index_cast %swap3A_3709 : i32 to index
      %swap3A_3711 = arith.constant 32 : index
      %swap3A_3712 = tpu.vector_load %arg14[%swap3A_3710, %swap3A_3711] {strides = array<i32>} : memref<40x64xf32, #tpu.memory_space<vmem>>, vector<1x16xf32>,
      %swap3A_3713 = vector.shape_cast %swap3A_3712 : vector<1x16xf32> to vector<16xf32>
      %swap3A_3714 = vector.shape_cast %mul3A_3708 : vector<16xf32> to vector<1x16xf32>
      tpu.vector_store %arg14[%swap3A_3710, %swap3A_3711], %swap3A_3714 {strides = array<i32>} : memref<40x64xf32, #tpu.memory_space<vmem>>, vector<1x16xf32>,
      %get3A_3715 = arith.constant 32 : i32
      %get3A_3716 = arith.index_cast %get3A_3715 : i32 to index
      %get3A_3717 = arith.constant 48 : index
      %get3A_3718 = tpu.vector_load %arg14[%get3A_3716, %get3A_3717] {strides = array<i32>} : memref<40x64xf32, #tpu.memory_space<vmem>>, vector<1x16xf32>,
      %get3A_3719 = vector.shape_cast %get3A_3718 : vector<1x16xf32> to vector<16xf32>
      %mul3A_3720 = arith.mulf %get3A_3719, %div3A_3678 : vector<16xf32>
      %swap3A_3721 = arith.constant 32 : i32
      %swap3A_3722 = arith.index_cast %swap3A_3721 : i32 to index
      %swap3A_3723 = arith.constant 48 : index
      %swap3A_3724 = tpu.vector_load %arg14[%swap3A_3722, %swap3A_3723] {strides = array<i32>} : memref<40x64xf32, #tpu.memory_space<vmem>>, vector<1x16xf32>,
      %swap3A_3725 = vector.shape_cast %swap3A_3724 : vector<1x16xf32> to vector<16xf32>
      %swap3A_3726 = vector.shape_cast %mul3A_3720 : vector<16xf32> to vector<1x16xf32>
      tpu.vector_store %arg14[%swap3A_3722, %swap3A_3723], %swap3A_3726 {strides = array<i32>} : memref<40x64xf32, #tpu.memory_space<vmem>>, vector<1x16xf32>,
      %get3A_3727 = arith.constant 33 : i32
      %get3A_3728 = arith.index_cast %get3A_3727 : i32 to index
      %get3A_3729 = arith.constant 0 : index
      %get3A_3730 = tpu.vector_load %arg15[%get3A_3728, %get3A_3729] {strides = array<i32>} : memref<40x16xf32, #tpu.memory_space<vmem>>, vector<1x16xf32>,
      %get3A_3731 = vector.shape_cast %get3A_3730 : vector<1x16xf32> to vector<16xf32>
      %max3A_3732 = arith.constant 1.000000e+00 : f32
      %max3A_3733 = vector.broadcast %max3A_3732 : f32 to vector<16xf32>
      %max3A_3734 = arith.maximumf %get3A_3731, %max3A_3733 : vector<16xf32>
      %div3A_3735 = arith.constant 1.000000e+00 : f32
      %div3A_3736 = vector.broadcast %div3A_3735 : f32 to vector<16xf32>
      %div3A_3737 = arith.divf %div3A_3736, %max3A_3734 : vector<16xf32>
      %get3A_3738 = arith.constant 33 : i32
      %get3A_3739 = arith.index_cast %get3A_3738 : i32 to index
      %get3A_3740 = arith.constant 0 : index
      %get3A_3741 = tpu.vector_load %arg14[%get3A_3739, %get3A_3740] {strides = array<i32>} : memref<40x64xf32, #tpu.memory_space<vmem>>, vector<1x16xf32>,
      %get3A_3742 = vector.shape_cast %get3A_3741 : vector<1x16xf32> to vector<16xf32>
      %mul3A_3743 = arith.mulf %get3A_3742, %div3A_3737 : vector<16xf32>
      %swap3A_3744 = arith.constant 33 : i32
      %swap3A_3745 = arith.index_cast %swap3A_3744 : i32 to index
      %swap3A_3746 = arith.constant 0 : index
      %swap3A_3747 = tpu.vector_load %arg14[%swap3A_3745, %swap3A_3746] {strides = array<i32>} : memref<40x64xf32, #tpu.memory_space<vmem>>, vector<1x16xf32>,
      %swap3A_3748 = vector.shape_cast %swap3A_3747 : vector<1x16xf32> to vector<16xf32>
      %swap3A_3749 = vector.shape_cast %mul3A_3743 : vector<16xf32> to vector<1x16xf32>
      tpu.vector_store %arg14[%swap3A_3745, %swap3A_3746], %swap3A_3749 {strides = array<i32>} : memref<40x64xf32, #tpu.memory_space<vmem>>, vector<1x16xf32>,
      %get3A_3750 = arith.constant 33 : i32
      %get3A_3751 = arith.index_cast %get3A_3750 : i32 to index
      %get3A_3752 = arith.constant 16 : index
      %get3A_3753 = tpu.vector_load %arg14[%get3A_3751, %get3A_3752] {strides = array<i32>} : memref<40x64xf32, #tpu.memory_space<vmem>>, vector<1x16xf32>,
      %get3A_3754 = vector.shape_cast %get3A_3753 : vector<1x16xf32> to vector<16xf32>
      %mul3A_3755 = arith.mulf %get3A_3754, %div3A_3737 : vector<16xf32>
      %swap3A_3756 = arith.constant 33 : i32
      %swap3A_3757 = arith.index_cast %swap3A_3756 : i32 to index
      %swap3A_3758 = arith.constant 16 : index
      %swap3A_3759 = tpu.vector_load %arg14[%swap3A_3757, %swap3A_3758] {strides = array<i32>} : memref<40x64xf32, #tpu.memory_space<vmem>>, vector<1x16xf32>,
      %swap3A_3760 = vector.shape_cast %swap3A_3759 : vector<1x16xf32> to vector<16xf32>
      %swap3A_3761 = vector.shape_cast %mul3A_3755 : vector<16xf32> to vector<1x16xf32>
      tpu.vector_store %arg14[%swap3A_3757, %swap3A_3758], %swap3A_3761 {strides = array<i32>} : memref<40x64xf32, #tpu.memory_space<vmem>>, vector<1x16xf32>,
      %get3A_3762 = arith.constant 33 : i32
      %get3A_3763 = arith.index_cast %get3A_3762 : i32 to index
      %get3A_3764 = arith.constant 32 : index
      %get3A_3765 = tpu.vector_load %arg14[%get3A_3763, %get3A_3764] {strides = array<i32>} : memref<40x64xf32, #tpu.memory_space<vmem>>, vector<1x16xf32>,
      %get3A_3766 = vector.shape_cast %get3A_3765 : vector<1x16xf32> to vector<16xf32>
      %mul3A_3767 = arith.mulf %get3A_3766, %div3A_3737 : vector<16xf32>
      %swap3A_3768 = arith.constant 33 : i32
      %swap3A_3769 = arith.index_cast %swap3A_3768 : i32 to index
      %swap3A_3770 = arith.constant 32 : index
      %swap3A_3771 = tpu.vector_load %arg14[%swap3A_3769, %swap3A_3770] {strides = array<i32>} : memref<40x64xf32, #tpu.memory_space<vmem>>, vector<1x16xf32>,
      %swap3A_3772 = vector.shape_cast %swap3A_3771 : vector<1x16xf32> to vector<16xf32>
      %swap3A_3773 = vector.shape_cast %mul3A_3767 : vector<16xf32> to vector<1x16xf32>
      tpu.vector_store %arg14[%swap3A_3769, %swap3A_3770], %swap3A_3773 {strides = array<i32>} : memref<40x64xf32, #tpu.memory_space<vmem>>, vector<1x16xf32>,
      %get3A_3774 = arith.constant 33 : i32
      %get3A_3775 = arith.index_cast %get3A_3774 : i32 to index
      %get3A_3776 = arith.constant 48 : index
      %get3A_3777 = tpu.vector_load %arg14[%get3A_3775, %get3A_3776] {strides = array<i32>} : memref<40x64xf32, #tpu.memory_space<vmem>>, vector<1x16xf32>,
      %get3A_3778 = vector.shape_cast %get3A_3777 : vector<1x16xf32> to vector<16xf32>
      %mul3A_3779 = arith.mulf %get3A_3778, %div3A_3737 : vector<16xf32>
      %swap3A_3780 = arith.constant 33 : i32
      %swap3A_3781 = arith.index_cast %swap3A_3780 : i32 to index
      %swap3A_3782 = arith.constant 48 : index
      %swap3A_3783 = tpu.vector_load %arg14[%swap3A_3781, %swap3A_3782] {strides = array<i32>} : memref<40x64xf32, #tpu.memory_space<vmem>>, vector<1x16xf32>,
      %swap3A_3784 = vector.shape_cast %swap3A_3783 : vector<1x16xf32> to vector<16xf32>
      %swap3A_3785 = vector.shape_cast %mul3A_3779 : vector<16xf32> to vector<1x16xf32>
      tpu.vector_store %arg14[%swap3A_3781, %swap3A_3782], %swap3A_3785 {strides = array<i32>} : memref<40x64xf32, #tpu.memory_space<vmem>>, vector<1x16xf32>,
      %get3A_3786 = arith.constant 34 : i32
      %get3A_3787 = arith.index_cast %get3A_3786 : i32 to index
      %get3A_3788 = arith.constant 0 : index
      %get3A_3789 = tpu.vector_load %arg15[%get3A_3787, %get3A_3788] {strides = array<i32>} : memref<40x16xf32, #tpu.memory_space<vmem>>, vector<1x16xf32>,
      %get3A_3790 = vector.shape_cast %get3A_3789 : vector<1x16xf32> to vector<16xf32>
      %max3A_3791 = arith.constant 1.000000e+00 : f32
      %max3A_3792 = vector.broadcast %max3A_3791 : f32 to vector<16xf32>
      %max3A_3793 = arith.maximumf %get3A_3790, %max3A_3792 : vector<16xf32>
      %div3A_3794 = arith.constant 1.000000e+00 : f32
      %div3A_3795 = vector.broadcast %div3A_3794 : f32 to vector<16xf32>
      %div3A_3796 = arith.divf %div3A_3795, %max3A_3793 : vector<16xf32>
      %get3A_3797 = arith.constant 34 : i32
      %get3A_3798 = arith.index_cast %get3A_3797 : i32 to index
      %get3A_3799 = arith.constant 0 : index
      %get3A_3800 = tpu.vector_load %arg14[%get3A_3798, %get3A_3799] {strides = array<i32>} : memref<40x64xf32, #tpu.memory_space<vmem>>, vector<1x16xf32>,
      %get3A_3801 = vector.shape_cast %get3A_3800 : vector<1x16xf32> to vector<16xf32>
      %mul3A_3802 = arith.mulf %get3A_3801, %div3A_3796 : vector<16xf32>
      %swap3A_3803 = arith.constant 34 : i32
      %swap3A_3804 = arith.index_cast %swap3A_3803 : i32 to index
      %swap3A_3805 = arith.constant 0 : index
      %swap3A_3806 = tpu.vector_load %arg14[%swap3A_3804, %swap3A_3805] {strides = array<i32>} : memref<40x64xf32, #tpu.memory_space<vmem>>, vector<1x16xf32>,
      %swap3A_3807 = vector.shape_cast %swap3A_3806 : vector<1x16xf32> to vector<16xf32>
      %swap3A_3808 = vector.shape_cast %mul3A_3802 : vector<16xf32> to vector<1x16xf32>
      tpu.vector_store %arg14[%swap3A_3804, %swap3A_3805], %swap3A_3808 {strides = array<i32>} : memref<40x64xf32, #tpu.memory_space<vmem>>, vector<1x16xf32>,
      %get3A_3809 = arith.constant 34 : i32
      %get3A_3810 = arith.index_cast %get3A_3809 : i32 to index
      %get3A_3811 = arith.constant 16 : index
      %get3A_3812 = tpu.vector_load %arg14[%get3A_3810, %get3A_3811] {strides = array<i32>} : memref<40x64xf32, #tpu.memory_space<vmem>>, vector<1x16xf32>,
      %get3A_3813 = vector.shape_cast %get3A_3812 : vector<1x16xf32> to vector<16xf32>
      %mul3A_3814 = arith.mulf %get3A_3813, %div3A_3796 : vector<16xf32>
      %swap3A_3815 = arith.constant 34 : i32
      %swap3A_3816 = arith.index_cast %swap3A_3815 : i32 to index
      %swap3A_3817 = arith.constant 16 : index
      %swap3A_3818 = tpu.vector_load %arg14[%swap3A_3816, %swap3A_3817] {strides = array<i32>} : memref<40x64xf32, #tpu.memory_space<vmem>>, vector<1x16xf32>,
      %swap3A_3819 = vector.shape_cast %swap3A_3818 : vector<1x16xf32> to vector<16xf32>
      %swap3A_3820 = vector.shape_cast %mul3A_3814 : vector<16xf32> to vector<1x16xf32>
      tpu.vector_store %arg14[%swap3A_3816, %swap3A_3817], %swap3A_3820 {strides = array<i32>} : memref<40x64xf32, #tpu.memory_space<vmem>>, vector<1x16xf32>,
      %get3A_3821 = arith.constant 34 : i32
      %get3A_3822 = arith.index_cast %get3A_3821 : i32 to index
      %get3A_3823 = arith.constant 32 : index
      %get3A_3824 = tpu.vector_load %arg14[%get3A_3822, %get3A_3823] {strides = array<i32>} : memref<40x64xf32, #tpu.memory_space<vmem>>, vector<1x16xf32>,
      %get3A_3825 = vector.shape_cast %get3A_3824 : vector<1x16xf32> to vector<16xf32>
      %mul3A_3826 = arith.mulf %get3A_3825, %div3A_3796 : vector<16xf32>
      %swap3A_3827 = arith.constant 34 : i32
      %swap3A_3828 = arith.index_cast %swap3A_3827 : i32 to index
      %swap3A_3829 = arith.constant 32 : index
      %swap3A_3830 = tpu.vector_load %arg14[%swap3A_3828, %swap3A_3829] {strides = array<i32>} : memref<40x64xf32, #tpu.memory_space<vmem>>, vector<1x16xf32>,
      %swap3A_3831 = vector.shape_cast %swap3A_3830 : vector<1x16xf32> to vector<16xf32>
      %swap3A_3832 = vector.shape_cast %mul3A_3826 : vector<16xf32> to vector<1x16xf32>
      tpu.vector_store %arg14[%swap3A_3828, %swap3A_3829], %swap3A_3832 {strides = array<i32>} : memref<40x64xf32, #tpu.memory_space<vmem>>, vector<1x16xf32>,
      %get3A_3833 = arith.constant 34 : i32
      %get3A_3834 = arith.index_cast %get3A_3833 : i32 to index
      %get3A_3835 = arith.constant 48 : index
      %get3A_3836 = tpu.vector_load %arg14[%get3A_3834, %get3A_3835] {strides = array<i32>} : memref<40x64xf32, #tpu.memory_space<vmem>>, vector<1x16xf32>,
      %get3A_3837 = vector.shape_cast %get3A_3836 : vector<1x16xf32> to vector<16xf32>
      %mul3A_3838 = arith.mulf %get3A_3837, %div3A_3796 : vector<16xf32>
      %swap3A_3839 = arith.constant 34 : i32
      %swap3A_3840 = arith.index_cast %swap3A_3839 : i32 to index
      %swap3A_3841 = arith.constant 48 : index
      %swap3A_3842 = tpu.vector_load %arg14[%swap3A_3840, %swap3A_3841] {strides = array<i32>} : memref<40x64xf32, #tpu.memory_space<vmem>>, vector<1x16xf32>,
      %swap3A_3843 = vector.shape_cast %swap3A_3842 : vector<1x16xf32> to vector<16xf32>
      %swap3A_3844 = vector.shape_cast %mul3A_3838 : vector<16xf32> to vector<1x16xf32>
      tpu.vector_store %arg14[%swap3A_3840, %swap3A_3841], %swap3A_3844 {strides = array<i32>} : memref<40x64xf32, #tpu.memory_space<vmem>>, vector<1x16xf32>,
      %get3A_3845 = arith.constant 35 : i32
      %get3A_3846 = arith.index_cast %get3A_3845 : i32 to index
      %get3A_3847 = arith.constant 0 : index
      %get3A_3848 = tpu.vector_load %arg15[%get3A_3846, %get3A_3847] {strides = array<i32>} : memref<40x16xf32, #tpu.memory_space<vmem>>, vector<1x16xf32>,
      %get3A_3849 = vector.shape_cast %get3A_3848 : vector<1x16xf32> to vector<16xf32>
      %max3A_3850 = arith.constant 1.000000e+00 : f32
      %max3A_3851 = vector.broadcast %max3A_3850 : f32 to vector<16xf32>
      %max3A_3852 = arith.maximumf %get3A_3849, %max3A_3851 : vector<16xf32>
      %div3A_3853 = arith.constant 1.000000e+00 : f32
      %div3A_3854 = vector.broadcast %div3A_3853 : f32 to vector<16xf32>
      %div3A_3855 = arith.divf %div3A_3854, %max3A_3852 : vector<16xf32>
      %get3A_3856 = arith.constant 35 : i32
      %get3A_3857 = arith.index_cast %get3A_3856 : i32 to index
      %get3A_3858 = arith.constant 0 : index
      %get3A_3859 = tpu.vector_load %arg14[%get3A_3857, %get3A_3858] {strides = array<i32>} : memref<40x64xf32, #tpu.memory_space<vmem>>, vector<1x16xf32>,
      %get3A_3860 = vector.shape_cast %get3A_3859 : vector<1x16xf32> to vector<16xf32>
      %mul3A_3861 = arith.mulf %get3A_3860, %div3A_3855 : vector<16xf32>
      %swap3A_3862 = arith.constant 35 : i32
      %swap3A_3863 = arith.index_cast %swap3A_3862 : i32 to index
      %swap3A_3864 = arith.constant 0 : index
      %swap3A_3865 = tpu.vector_load %arg14[%swap3A_3863, %swap3A_3864] {strides = array<i32>} : memref<40x64xf32, #tpu.memory_space<vmem>>, vector<1x16xf32>,
      %swap3A_3866 = vector.shape_cast %swap3A_3865 : vector<1x16xf32> to vector<16xf32>
      %swap3A_3867 = vector.shape_cast %mul3A_3861 : vector<16xf32> to vector<1x16xf32>
      tpu.vector_store %arg14[%swap3A_3863, %swap3A_3864], %swap3A_3867 {strides = array<i32>} : memref<40x64xf32, #tpu.memory_space<vmem>>, vector<1x16xf32>,
      %get3A_3868 = arith.constant 35 : i32
      %get3A_3869 = arith.index_cast %get3A_3868 : i32 to index
      %get3A_3870 = arith.constant 16 : index
      %get3A_3871 = tpu.vector_load %arg14[%get3A_3869, %get3A_3870] {strides = array<i32>} : memref<40x64xf32, #tpu.memory_space<vmem>>, vector<1x16xf32>,
      %get3A_3872 = vector.shape_cast %get3A_3871 : vector<1x16xf32> to vector<16xf32>
      %mul3A_3873 = arith.mulf %get3A_3872, %div3A_3855 : vector<16xf32>
      %swap3A_3874 = arith.constant 35 : i32
      %swap3A_3875 = arith.index_cast %swap3A_3874 : i32 to index
      %swap3A_3876 = arith.constant 16 : index
      %swap3A_3877 = tpu.vector_load %arg14[%swap3A_3875, %swap3A_3876] {strides = array<i32>} : memref<40x64xf32, #tpu.memory_space<vmem>>, vector<1x16xf32>,
      %swap3A_3878 = vector.shape_cast %swap3A_3877 : vector<1x16xf32> to vector<16xf32>
      %swap3A_3879 = vector.shape_cast %mul3A_3873 : vector<16xf32> to vector<1x16xf32>
      tpu.vector_store %arg14[%swap3A_3875, %swap3A_3876], %swap3A_3879 {strides = array<i32>} : memref<40x64xf32, #tpu.memory_space<vmem>>, vector<1x16xf32>,
      %get3A_3880 = arith.constant 35 : i32
      %get3A_3881 = arith.index_cast %get3A_3880 : i32 to index
      %get3A_3882 = arith.constant 32 : index
      %get3A_3883 = tpu.vector_load %arg14[%get3A_3881, %get3A_3882] {strides = array<i32>} : memref<40x64xf32, #tpu.memory_space<vmem>>, vector<1x16xf32>,
      %get3A_3884 = vector.shape_cast %get3A_3883 : vector<1x16xf32> to vector<16xf32>
      %mul3A_3885 = arith.mulf %get3A_3884, %div3A_3855 : vector<16xf32>
      %swap3A_3886 = arith.constant 35 : i32
      %swap3A_3887 = arith.index_cast %swap3A_3886 : i32 to index
      %swap3A_3888 = arith.constant 32 : index
      %swap3A_3889 = tpu.vector_load %arg14[%swap3A_3887, %swap3A_3888] {strides = array<i32>} : memref<40x64xf32, #tpu.memory_space<vmem>>, vector<1x16xf32>,
      %swap3A_3890 = vector.shape_cast %swap3A_3889 : vector<1x16xf32> to vector<16xf32>
      %swap3A_3891 = vector.shape_cast %mul3A_3885 : vector<16xf32> to vector<1x16xf32>
      tpu.vector_store %arg14[%swap3A_3887, %swap3A_3888], %swap3A_3891 {strides = array<i32>} : memref<40x64xf32, #tpu.memory_space<vmem>>, vector<1x16xf32>,
      %get3A_3892 = arith.constant 35 : i32
      %get3A_3893 = arith.index_cast %get3A_3892 : i32 to index
      %get3A_3894 = arith.constant 48 : index
      %get3A_3895 = tpu.vector_load %arg14[%get3A_3893, %get3A_3894] {strides = array<i32>} : memref<40x64xf32, #tpu.memory_space<vmem>>, vector<1x16xf32>,
      %get3A_3896 = vector.shape_cast %get3A_3895 : vector<1x16xf32> to vector<16xf32>
      %mul3A_3897 = arith.mulf %get3A_3896, %div3A_3855 : vector<16xf32>
      %swap3A_3898 = arith.constant 35 : i32
      %swap3A_3899 = arith.index_cast %swap3A_3898 : i32 to index
      %swap3A_3900 = arith.constant 48 : index
      %swap3A_3901 = tpu.vector_load %arg14[%swap3A_3899, %swap3A_3900] {strides = array<i32>} : memref<40x64xf32, #tpu.memory_space<vmem>>, vector<1x16xf32>,
      %swap3A_3902 = vector.shape_cast %swap3A_3901 : vector<1x16xf32> to vector<16xf32>
      %swap3A_3903 = vector.shape_cast %mul3A_3897 : vector<16xf32> to vector<1x16xf32>
      tpu.vector_store %arg14[%swap3A_3899, %swap3A_3900], %swap3A_3903 {strides = array<i32>} : memref<40x64xf32, #tpu.memory_space<vmem>>, vector<1x16xf32>,
      %get3A_3904 = arith.constant 36 : i32
      %get3A_3905 = arith.index_cast %get3A_3904 : i32 to index
      %get3A_3906 = arith.constant 0 : index
      %get3A_3907 = tpu.vector_load %arg15[%get3A_3905, %get3A_3906] {strides = array<i32>} : memref<40x16xf32, #tpu.memory_space<vmem>>, vector<1x16xf32>,
      %get3A_3908 = vector.shape_cast %get3A_3907 : vector<1x16xf32> to vector<16xf32>
      %max3A_3909 = arith.constant 1.000000e+00 : f32
      %max3A_3910 = vector.broadcast %max3A_3909 : f32 to vector<16xf32>
      %max3A_3911 = arith.maximumf %get3A_3908, %max3A_3910 : vector<16xf32>
      %div3A_3912 = arith.constant 1.000000e+00 : f32
      %div3A_3913 = vector.broadcast %div3A_3912 : f32 to vector<16xf32>
      %div3A_3914 = arith.divf %div3A_3913, %max3A_3911 : vector<16xf32>
      %get3A_3915 = arith.constant 36 : i32
      %get3A_3916 = arith.index_cast %get3A_3915 : i32 to index
      %get3A_3917 = arith.constant 0 : index
      %get3A_3918 = tpu.vector_load %arg14[%get3A_3916, %get3A_3917] {strides = array<i32>} : memref<40x64xf32, #tpu.memory_space<vmem>>, vector<1x16xf32>,
      %get3A_3919 = vector.shape_cast %get3A_3918 : vector<1x16xf32> to vector<16xf32>
      %mul3A_3920 = arith.mulf %get3A_3919, %div3A_3914 : vector<16xf32>
      %swap3A_3921 = arith.constant 36 : i32
      %swap3A_3922 = arith.index_cast %swap3A_3921 : i32 to index
      %swap3A_3923 = arith.constant 0 : index
      %swap3A_3924 = tpu.vector_load %arg14[%swap3A_3922, %swap3A_3923] {strides = array<i32>} : memref<40x64xf32, #tpu.memory_space<vmem>>, vector<1x16xf32>,
      %swap3A_3925 = vector.shape_cast %swap3A_3924 : vector<1x16xf32> to vector<16xf32>
      %swap3A_3926 = vector.shape_cast %mul3A_3920 : vector<16xf32> to vector<1x16xf32>
      tpu.vector_store %arg14[%swap3A_3922, %swap3A_3923], %swap3A_3926 {strides = array<i32>} : memref<40x64xf32, #tpu.memory_space<vmem>>, vector<1x16xf32>,
      %get3A_3927 = arith.constant 36 : i32
      %get3A_3928 = arith.index_cast %get3A_3927 : i32 to index
      %get3A_3929 = arith.constant 16 : index
      %get3A_3930 = tpu.vector_load %arg14[%get3A_3928, %get3A_3929] {strides = array<i32>} : memref<40x64xf32, #tpu.memory_space<vmem>>, vector<1x16xf32>,
      %get3A_3931 = vector.shape_cast %get3A_3930 : vector<1x16xf32> to vector<16xf32>
      %mul3A_3932 = arith.mulf %get3A_3931, %div3A_3914 : vector<16xf32>
      %swap3A_3933 = arith.constant 36 : i32
      %swap3A_3934 = arith.index_cast %swap3A_3933 : i32 to index
      %swap3A_3935 = arith.constant 16 : index
      %swap3A_3936 = tpu.vector_load %arg14[%swap3A_3934, %swap3A_3935] {strides = array<i32>} : memref<40x64xf32, #tpu.memory_space<vmem>>, vector<1x16xf32>,
      %swap3A_3937 = vector.shape_cast %swap3A_3936 : vector<1x16xf32> to vector<16xf32>
      %swap3A_3938 = vector.shape_cast %mul3A_3932 : vector<16xf32> to vector<1x16xf32>
      tpu.vector_store %arg14[%swap3A_3934, %swap3A_3935], %swap3A_3938 {strides = array<i32>} : memref<40x64xf32, #tpu.memory_space<vmem>>, vector<1x16xf32>,
      %get3A_3939 = arith.constant 36 : i32
      %get3A_3940 = arith.index_cast %get3A_3939 : i32 to index
      %get3A_3941 = arith.constant 32 : index
      %get3A_3942 = tpu.vector_load %arg14[%get3A_3940, %get3A_3941] {strides = array<i32>} : memref<40x64xf32, #tpu.memory_space<vmem>>, vector<1x16xf32>,
      %get3A_3943 = vector.shape_cast %get3A_3942 : vector<1x16xf32> to vector<16xf32>
      %mul3A_3944 = arith.mulf %get3A_3943, %div3A_3914 : vector<16xf32>
      %swap3A_3945 = arith.constant 36 : i32
      %swap3A_3946 = arith.index_cast %swap3A_3945 : i32 to index
      %swap3A_3947 = arith.constant 32 : index
      %swap3A_3948 = tpu.vector_load %arg14[%swap3A_3946, %swap3A_3947] {strides = array<i32>} : memref<40x64xf32, #tpu.memory_space<vmem>>, vector<1x16xf32>,
      %swap3A_3949 = vector.shape_cast %swap3A_3948 : vector<1x16xf32> to vector<16xf32>
      %swap3A_3950 = vector.shape_cast %mul3A_3944 : vector<16xf32> to vector<1x16xf32>
      tpu.vector_store %arg14[%swap3A_3946, %swap3A_3947], %swap3A_3950 {strides = array<i32>} : memref<40x64xf32, #tpu.memory_space<vmem>>, vector<1x16xf32>,
      %get3A_3951 = arith.constant 36 : i32
      %get3A_3952 = arith.index_cast %get3A_3951 : i32 to index
      %get3A_3953 = arith.constant 48 : index
      %get3A_3954 = tpu.vector_load %arg14[%get3A_3952, %get3A_3953] {strides = array<i32>} : memref<40x64xf32, #tpu.memory_space<vmem>>, vector<1x16xf32>,
      %get3A_3955 = vector.shape_cast %get3A_3954 : vector<1x16xf32> to vector<16xf32>
      %mul3A_3956 = arith.mulf %get3A_3955, %div3A_3914 : vector<16xf32>
      %swap3A_3957 = arith.constant 36 : i32
      %swap3A_3958 = arith.index_cast %swap3A_3957 : i32 to index
      %swap3A_3959 = arith.constant 48 : index
      %swap3A_3960 = tpu.vector_load %arg14[%swap3A_3958, %swap3A_3959] {strides = array<i32>} : memref<40x64xf32, #tpu.memory_space<vmem>>, vector<1x16xf32>,
      %swap3A_3961 = vector.shape_cast %swap3A_3960 : vector<1x16xf32> to vector<16xf32>
      %swap3A_3962 = vector.shape_cast %mul3A_3956 : vector<16xf32> to vector<1x16xf32>
      tpu.vector_store %arg14[%swap3A_3958, %swap3A_3959], %swap3A_3962 {strides = array<i32>} : memref<40x64xf32, #tpu.memory_space<vmem>>, vector<1x16xf32>,
      %get3A_3963 = arith.constant 37 : i32
      %get3A_3964 = arith.index_cast %get3A_3963 : i32 to index
      %get3A_3965 = arith.constant 0 : index
      %get3A_3966 = tpu.vector_load %arg15[%get3A_3964, %get3A_3965] {strides = array<i32>} : memref<40x16xf32, #tpu.memory_space<vmem>>, vector<1x16xf32>,
      %get3A_3967 = vector.shape_cast %get3A_3966 : vector<1x16xf32> to vector<16xf32>
      %max3A_3968 = arith.constant 1.000000e+00 : f32
      %max3A_3969 = vector.broadcast %max3A_3968 : f32 to vector<16xf32>
      %max3A_3970 = arith.maximumf %get3A_3967, %max3A_3969 : vector<16xf32>
      %div3A_3971 = arith.constant 1.000000e+00 : f32
      %div3A_3972 = vector.broadcast %div3A_3971 : f32 to vector<16xf32>
      %div3A_3973 = arith.divf %div3A_3972, %max3A_3970 : vector<16xf32>
      %get3A_3974 = arith.constant 37 : i32
      %get3A_3975 = arith.index_cast %get3A_3974 : i32 to index
      %get3A_3976 = arith.constant 0 : index
      %get3A_3977 = tpu.vector_load %arg14[%get3A_3975, %get3A_3976] {strides = array<i32>} : memref<40x64xf32, #tpu.memory_space<vmem>>, vector<1x16xf32>,
      %get3A_3978 = vector.shape_cast %get3A_3977 : vector<1x16xf32> to vector<16xf32>
      %mul3A_3979 = arith.mulf %get3A_3978, %div3A_3973 : vector<16xf32>
      %swap3A_3980 = arith.constant 37 : i32
      %swap3A_3981 = arith.index_cast %swap3A_3980 : i32 to index
      %swap3A_3982 = arith.constant 0 : index
      %swap3A_3983 = tpu.vector_load %arg14[%swap3A_3981, %swap3A_3982] {strides = array<i32>} : memref<40x64xf32, #tpu.memory_space<vmem>>, vector<1x16xf32>,
      %swap3A_3984 = vector.shape_cast %swap3A_3983 : vector<1x16xf32> to vector<16xf32>
      %swap3A_3985 = vector.shape_cast %mul3A_3979 : vector<16xf32> to vector<1x16xf32>
      tpu.vector_store %arg14[%swap3A_3981, %swap3A_3982], %swap3A_3985 {strides = array<i32>} : memref<40x64xf32, #tpu.memory_space<vmem>>, vector<1x16xf32>,
      %get3A_3986 = arith.constant 37 : i32
      %get3A_3987 = arith.index_cast %get3A_3986 : i32 to index
      %get3A_3988 = arith.constant 16 : index
      %get3A_3989 = tpu.vector_load %arg14[%get3A_3987, %get3A_3988] {strides = array<i32>} : memref<40x64xf32, #tpu.memory_space<vmem>>, vector<1x16xf32>,
      %get3A_3990 = vector.shape_cast %get3A_3989 : vector<1x16xf32> to vector<16xf32>
      %mul3A_3991 = arith.mulf %get3A_3990, %div3A_3973 : vector<16xf32>
      %swap3A_3992 = arith.constant 37 : i32
      %swap3A_3993 = arith.index_cast %swap3A_3992 : i32 to index
      %swap3A_3994 = arith.constant 16 : index
      %swap3A_3995 = tpu.vector_load %arg14[%swap3A_3993, %swap3A_3994] {strides = array<i32>} : memref<40x64xf32, #tpu.memory_space<vmem>>, vector<1x16xf32>,
      %swap3A_3996 = vector.shape_cast %swap3A_3995 : vector<1x16xf32> to vector<16xf32>
      %swap3A_3997 = vector.shape_cast %mul3A_3991 : vector<16xf32> to vector<1x16xf32>
      tpu.vector_store %arg14[%swap3A_3993, %swap3A_3994], %swap3A_3997 {strides = array<i32>} : memref<40x64xf32, #tpu.memory_space<vmem>>, vector<1x16xf32>,
      %get3A_3998 = arith.constant 37 : i32
      %get3A_3999 = arith.index_cast %get3A_3998 : i32 to index
      %get3A_4000 = arith.constant 32 : index
      %get3A_4001 = tpu.vector_load %arg14[%get3A_3999, %get3A_4000] {strides = array<i32>} : memref<40x64xf32, #tpu.memory_space<vmem>>, vector<1x16xf32>,
      %get3A_4002 = vector.shape_cast %get3A_4001 : vector<1x16xf32> to vector<16xf32>
      %mul3A_4003 = arith.mulf %get3A_4002, %div3A_3973 : vector<16xf32>
      %swap3A_4004 = arith.constant 37 : i32
      %swap3A_4005 = arith.index_cast %swap3A_4004 : i32 to index
      %swap3A_4006 = arith.constant 32 : index
      %swap3A_4007 = tpu.vector_load %arg14[%swap3A_4005, %swap3A_4006] {strides = array<i32>} : memref<40x64xf32, #tpu.memory_space<vmem>>, vector<1x16xf32>,
      %swap3A_4008 = vector.shape_cast %swap3A_4007 : vector<1x16xf32> to vector<16xf32>
      %swap3A_4009 = vector.shape_cast %mul3A_4003 : vector<16xf32> to vector<1x16xf32>
      tpu.vector_store %arg14[%swap3A_4005, %swap3A_4006], %swap3A_4009 {strides = array<i32>} : memref<40x64xf32, #tpu.memory_space<vmem>>, vector<1x16xf32>,
      %get3A_4010 = arith.constant 37 : i32
      %get3A_4011 = arith.index_cast %get3A_4010 : i32 to index
      %get3A_4012 = arith.constant 48 : index
      %get3A_4013 = tpu.vector_load %arg14[%get3A_4011, %get3A_4012] {strides = array<i32>} : memref<40x64xf32, #tpu.memory_space<vmem>>, vector<1x16xf32>,
      %get3A_4014 = vector.shape_cast %get3A_4013 : vector<1x16xf32> to vector<16xf32>
      %mul3A_4015 = arith.mulf %get3A_4014, %div3A_3973 : vector<16xf32>
      %swap3A_4016 = arith.constant 37 : i32
      %swap3A_4017 = arith.index_cast %swap3A_4016 : i32 to index
      %swap3A_4018 = arith.constant 48 : index
      %swap3A_4019 = tpu.vector_load %arg14[%swap3A_4017, %swap3A_4018] {strides = array<i32>} : memref<40x64xf32, #tpu.memory_space<vmem>>, vector<1x16xf32>,
      %swap3A_4020 = vector.shape_cast %swap3A_4019 : vector<1x16xf32> to vector<16xf32>
      %swap3A_4021 = vector.shape_cast %mul3A_4015 : vector<16xf32> to vector<1x16xf32>
      tpu.vector_store %arg14[%swap3A_4017, %swap3A_4018], %swap3A_4021 {strides = array<i32>} : memref<40x64xf32, #tpu.memory_space<vmem>>, vector<1x16xf32>,
      %get3A_4022 = arith.constant 38 : i32
      %get3A_4023 = arith.index_cast %get3A_4022 : i32 to index
      %get3A_4024 = arith.constant 0 : index
      %get3A_4025 = tpu.vector_load %arg15[%get3A_4023, %get3A_4024] {strides = array<i32>} : memref<40x16xf32, #tpu.memory_space<vmem>>, vector<1x16xf32>,
      %get3A_4026 = vector.shape_cast %get3A_4025 : vector<1x16xf32> to vector<16xf32>
      %max3A_4027 = arith.constant 1.000000e+00 : f32
      %max3A_4028 = vector.broadcast %max3A_4027 : f32 to vector<16xf32>
      %max3A_4029 = arith.maximumf %get3A_4026, %max3A_4028 : vector<16xf32>
      %div3A_4030 = arith.constant 1.000000e+00 : f32
      %div3A_4031 = vector.broadcast %div3A_4030 : f32 to vector<16xf32>
      %div3A_4032 = arith.divf %div3A_4031, %max3A_4029 : vector<16xf32>
      %get3A_4033 = arith.constant 38 : i32
      %get3A_4034 = arith.index_cast %get3A_4033 : i32 to index
      %get3A_4035 = arith.constant 0 : index
      %get3A_4036 = tpu.vector_load %arg14[%get3A_4034, %get3A_4035] {strides = array<i32>} : memref<40x64xf32, #tpu.memory_space<vmem>>, vector<1x16xf32>,
      %get3A_4037 = vector.shape_cast %get3A_4036 : vector<1x16xf32> to vector<16xf32>
      %mul3A_4038 = arith.mulf %get3A_4037, %div3A_4032 : vector<16xf32>
      %swap3A_4039 = arith.constant 38 : i32
      %swap3A_4040 = arith.index_cast %swap3A_4039 : i32 to index
      %swap3A_4041 = arith.constant 0 : index
      %swap3A_4042 = tpu.vector_load %arg14[%swap3A_4040, %swap3A_4041] {strides = array<i32>} : memref<40x64xf32, #tpu.memory_space<vmem>>, vector<1x16xf32>,
      %swap3A_4043 = vector.shape_cast %swap3A_4042 : vector<1x16xf32> to vector<16xf32>
      %swap3A_4044 = vector.shape_cast %mul3A_4038 : vector<16xf32> to vector<1x16xf32>
      tpu.vector_store %arg14[%swap3A_4040, %swap3A_4041], %swap3A_4044 {strides = array<i32>} : memref<40x64xf32, #tpu.memory_space<vmem>>, vector<1x16xf32>,
      %get3A_4045 = arith.constant 38 : i32
      %get3A_4046 = arith.index_cast %get3A_4045 : i32 to index
      %get3A_4047 = arith.constant 16 : index
      %get3A_4048 = tpu.vector_load %arg14[%get3A_4046, %get3A_4047] {strides = array<i32>} : memref<40x64xf32, #tpu.memory_space<vmem>>, vector<1x16xf32>,
      %get3A_4049 = vector.shape_cast %get3A_4048 : vector<1x16xf32> to vector<16xf32>
      %mul3A_4050 = arith.mulf %get3A_4049, %div3A_4032 : vector<16xf32>
      %swap3A_4051 = arith.constant 38 : i32
      %swap3A_4052 = arith.index_cast %swap3A_4051 : i32 to index
      %swap3A_4053 = arith.constant 16 : index
      %swap3A_4054 = tpu.vector_load %arg14[%swap3A_4052, %swap3A_4053] {strides = array<i32>} : memref<40x64xf32, #tpu.memory_space<vmem>>, vector<1x16xf32>,
      %swap3A_4055 = vector.shape_cast %swap3A_4054 : vector<1x16xf32> to vector<16xf32>
      %swap3A_4056 = vector.shape_cast %mul3A_4050 : vector<16xf32> to vector<1x16xf32>
      tpu.vector_store %arg14[%swap3A_4052, %swap3A_4053], %swap3A_4056 {strides = array<i32>} : memref<40x64xf32, #tpu.memory_space<vmem>>, vector<1x16xf32>,
      %get3A_4057 = arith.constant 38 : i32
      %get3A_4058 = arith.index_cast %get3A_4057 : i32 to index
      %get3A_4059 = arith.constant 32 : index
      %get3A_4060 = tpu.vector_load %arg14[%get3A_4058, %get3A_4059] {strides = array<i32>} : memref<40x64xf32, #tpu.memory_space<vmem>>, vector<1x16xf32>,
      %get3A_4061 = vector.shape_cast %get3A_4060 : vector<1x16xf32> to vector<16xf32>
      %mul3A_4062 = arith.mulf %get3A_4061, %div3A_4032 : vector<16xf32>
      %swap3A_4063 = arith.constant 38 : i32
      %swap3A_4064 = arith.index_cast %swap3A_4063 : i32 to index
      %swap3A_4065 = arith.constant 32 : index
      %swap3A_4066 = tpu.vector_load %arg14[%swap3A_4064, %swap3A_4065] {strides = array<i32>} : memref<40x64xf32, #tpu.memory_space<vmem>>, vector<1x16xf32>,
      %swap3A_4067 = vector.shape_cast %swap3A_4066 : vector<1x16xf32> to vector<16xf32>
      %swap3A_4068 = vector.shape_cast %mul3A_4062 : vector<16xf32> to vector<1x16xf32>
      tpu.vector_store %arg14[%swap3A_4064, %swap3A_4065], %swap3A_4068 {strides = array<i32>} : memref<40x64xf32, #tpu.memory_space<vmem>>, vector<1x16xf32>,
      %get3A_4069 = arith.constant 38 : i32
      %get3A_4070 = arith.index_cast %get3A_4069 : i32 to index
      %get3A_4071 = arith.constant 48 : index
      %get3A_4072 = tpu.vector_load %arg14[%get3A_4070, %get3A_4071] {strides = array<i32>} : memref<40x64xf32, #tpu.memory_space<vmem>>, vector<1x16xf32>,
      %get3A_4073 = vector.shape_cast %get3A_4072 : vector<1x16xf32> to vector<16xf32>
      %mul3A_4074 = arith.mulf %get3A_4073, %div3A_4032 : vector<16xf32>
      %swap3A_4075 = arith.constant 38 : i32
      %swap3A_4076 = arith.index_cast %swap3A_4075 : i32 to index
      %swap3A_4077 = arith.constant 48 : index
      %swap3A_4078 = tpu.vector_load %arg14[%swap3A_4076, %swap3A_4077] {strides = array<i32>} : memref<40x64xf32, #tpu.memory_space<vmem>>, vector<1x16xf32>,
      %swap3A_4079 = vector.shape_cast %swap3A_4078 : vector<1x16xf32> to vector<16xf32>
      %swap3A_4080 = vector.shape_cast %mul3A_4074 : vector<16xf32> to vector<1x16xf32>
      tpu.vector_store %arg14[%swap3A_4076, %swap3A_4077], %swap3A_4080 {strides = array<i32>} : memref<40x64xf32, #tpu.memory_space<vmem>>, vector<1x16xf32>,
      %get3A_4081 = arith.constant 39 : i32
      %get3A_4082 = arith.index_cast %get3A_4081 : i32 to index
      %get3A_4083 = arith.constant 0 : index
      %get3A_4084 = tpu.vector_load %arg15[%get3A_4082, %get3A_4083] {strides = array<i32>} : memref<40x16xf32, #tpu.memory_space<vmem>>, vector<1x16xf32>,
      %get3A_4085 = vector.shape_cast %get3A_4084 : vector<1x16xf32> to vector<16xf32>
      %max3A_4086 = arith.constant 1.000000e+00 : f32
      %max3A_4087 = vector.broadcast %max3A_4086 : f32 to vector<16xf32>
      %max3A_4088 = arith.maximumf %get3A_4085, %max3A_4087 : vector<16xf32>
      %div3A_4089 = arith.constant 1.000000e+00 : f32
      %div3A_4090 = vector.broadcast %div3A_4089 : f32 to vector<16xf32>
      %div3A_4091 = arith.divf %div3A_4090, %max3A_4088 : vector<16xf32>
      %get3A_4092 = arith.constant 39 : i32
      %get3A_4093 = arith.index_cast %get3A_4092 : i32 to index
      %get3A_4094 = arith.constant 0 : index
      %get3A_4095 = tpu.vector_load %arg14[%get3A_4093, %get3A_4094] {strides = array<i32>} : memref<40x64xf32, #tpu.memory_space<vmem>>, vector<1x16xf32>,
      %get3A_4096 = vector.shape_cast %get3A_4095 : vector<1x16xf32> to vector<16xf32>
      %mul3A_4097 = arith.mulf %get3A_4096, %div3A_4091 : vector<16xf32>
      %swap3A_4098 = arith.constant 39 : i32
      %swap3A_4099 = arith.index_cast %swap3A_4098 : i32 to index
      %swap3A_4100 = arith.constant 0 : index
      %swap3A_4101 = tpu.vector_load %arg14[%swap3A_4099, %swap3A_4100] {strides = array<i32>} : memref<40x64xf32, #tpu.memory_space<vmem>>, vector<1x16xf32>,
      %swap3A_4102 = vector.shape_cast %swap3A_4101 : vector<1x16xf32> to vector<16xf32>
      %swap3A_4103 = vector.shape_cast %mul3A_4097 : vector<16xf32> to vector<1x16xf32>
      tpu.vector_store %arg14[%swap3A_4099, %swap3A_4100], %swap3A_4103 {strides = array<i32>} : memref<40x64xf32, #tpu.memory_space<vmem>>, vector<1x16xf32>,
      %get3A_4104 = arith.constant 39 : i32
      %get3A_4105 = arith.index_cast %get3A_4104 : i32 to index
      %get3A_4106 = arith.constant 16 : index
      %get3A_4107 = tpu.vector_load %arg14[%get3A_4105, %get3A_4106] {strides = array<i32>} : memref<40x64xf32, #tpu.memory_space<vmem>>, vector<1x16xf32>,
      %get3A_4108 = vector.shape_cast %get3A_4107 : vector<1x16xf32> to vector<16xf32>
      %mul3A_4109 = arith.mulf %get3A_4108, %div3A_4091 : vector<16xf32>
      %swap3A_4110 = arith.constant 39 : i32
      %swap3A_4111 = arith.index_cast %swap3A_4110 : i32 to index
      %swap3A_4112 = arith.constant 16 : index
      %swap3A_4113 = tpu.vector_load %arg14[%swap3A_4111, %swap3A_4112] {strides = array<i32>} : memref<40x64xf32, #tpu.memory_space<vmem>>, vector<1x16xf32>,
      %swap3A_4114 = vector.shape_cast %swap3A_4113 : vector<1x16xf32> to vector<16xf32>
      %swap3A_4115 = vector.shape_cast %mul3A_4109 : vector<16xf32> to vector<1x16xf32>
      tpu.vector_store %arg14[%swap3A_4111, %swap3A_4112], %swap3A_4115 {strides = array<i32>} : memref<40x64xf32, #tpu.memory_space<vmem>>, vector<1x16xf32>,
      %get3A_4116 = arith.constant 39 : i32
      %get3A_4117 = arith.index_cast %get3A_4116 : i32 to index
      %get3A_4118 = arith.constant 32 : index
      %get3A_4119 = tpu.vector_load %arg14[%get3A_4117, %get3A_4118] {strides = array<i32>} : memref<40x64xf32, #tpu.memory_space<vmem>>, vector<1x16xf32>,
      %get3A_4120 = vector.shape_cast %get3A_4119 : vector<1x16xf32> to vector<16xf32>
      %mul3A_4121 = arith.mulf %get3A_4120, %div3A_4091 : vector<16xf32>
      %swap3A_4122 = arith.constant 39 : i32
      %swap3A_4123 = arith.index_cast %swap3A_4122 : i32 to index
      %swap3A_4124 = arith.constant 32 : index
      %swap3A_4125 = tpu.vector_load %arg14[%swap3A_4123, %swap3A_4124] {strides = array<i32>} : memref<40x64xf32, #tpu.memory_space<vmem>>, vector<1x16xf32>,
      %swap3A_4126 = vector.shape_cast %swap3A_4125 : vector<1x16xf32> to vector<16xf32>
      %swap3A_4127 = vector.shape_cast %mul3A_4121 : vector<16xf32> to vector<1x16xf32>
      tpu.vector_store %arg14[%swap3A_4123, %swap3A_4124], %swap3A_4127 {strides = array<i32>} : memref<40x64xf32, #tpu.memory_space<vmem>>, vector<1x16xf32>,
      %get3A_4128 = arith.constant 39 : i32
      %get3A_4129 = arith.index_cast %get3A_4128 : i32 to index
      %get3A_4130 = arith.constant 48 : index
      %get3A_4131 = tpu.vector_load %arg14[%get3A_4129, %get3A_4130] {strides = array<i32>} : memref<40x64xf32, #tpu.memory_space<vmem>>, vector<1x16xf32>,
      %get3A_4132 = vector.shape_cast %get3A_4131 : vector<1x16xf32> to vector<16xf32>
      %mul3A_4133 = arith.mulf %get3A_4132, %div3A_4091 : vector<16xf32>
      %swap3A_4134 = arith.constant 39 : i32
      %swap3A_4135 = arith.index_cast %swap3A_4134 : i32 to index
      %swap3A_4136 = arith.constant 48 : index
      %swap3A_4137 = tpu.vector_load %arg14[%swap3A_4135, %swap3A_4136] {strides = array<i32>} : memref<40x64xf32, #tpu.memory_space<vmem>>, vector<1x16xf32>,
      %swap3A_4138 = vector.shape_cast %swap3A_4137 : vector<1x16xf32> to vector<16xf32>
      %swap3A_4139 = vector.shape_cast %mul3A_4133 : vector<16xf32> to vector<1x16xf32>
      tpu.vector_store %arg14[%swap3A_4135, %swap3A_4136], %swap3A_4139 {strides = array<i32>} : memref<40x64xf32, #tpu.memory_space<vmem>>, vector<1x16xf32>,
      %mul3A_4140 = arith.constant 10240 : i32
      %mul3A_4141 = arith.muli %arg0, %mul3A_4140 : i32
      %add3A_4142 = arith.addi %mul3A_4141, %add3A : i32
      "tpu.region"() ({
        %run_scoped3A = tpu.sem_alloc : memref<!tpu.dma_semaphore, #tpu.memory_space<semaphore_mem>>
        %dma_start3A_4144 = arith.constant 0 : i32
        %dma_start3A_4145 = tpu.memref_slice %arg7[%add3A_4142, %dma_start3A_4144] : memref<20480x64xf32, #tpu.memory_space<hbm>> -> memref<40x64xf32, #tpu.memory_space<hbm>>
        %dma_start3A_4146 = arith.constant 0 : i32
        %dma_start3A_4147 = tpu.memref_slice %arg7[%add3A_4142, %dma_start3A_4146] : memref<20480x64xf32, #tpu.memory_space<hbm>> -> memref<40x64xf32, #tpu.memory_space<hbm>>
        tpu.enqueue_dma source(%arg14 : memref<40x64xf32, #tpu.memory_space<vmem>>) target(%dma_start3A_4147 : memref<40x64xf32, #tpu.memory_space<hbm>>) target_semaphore(%run_scoped3A : memref<!tpu.dma_semaphore, #tpu.memory_space<semaphore_mem>>)
        %dma_wait3A = arith.constant 0 : i32
        %dma_wait3A_4148 = tpu.memref_slice %arg7[%add3A_4142, %dma_wait3A] : memref<20480x64xf32, #tpu.memory_space<hbm>> -> memref<40x64xf32, #tpu.memory_space<hbm>>
        %dma_wait3A_4149 = arith.constant 0 : i32
        %dma_wait3A_4150 = tpu.memref_slice %arg7[%add3A_4142, %dma_wait3A_4149] : memref<20480x64xf32, #tpu.memory_space<hbm>> -> memref<40x64xf32, #tpu.memory_space<hbm>>
        tpu.wait_dma2 semaphore(%run_scoped3A : memref<!tpu.dma_semaphore, #tpu.memory_space<semaphore_mem>>) src(%arg14 : memref<40x64xf32, #tpu.memory_space<vmem>>) dst(%dma_wait3A_4150 : memref<40x64xf32, #tpu.memory_space<hbm>>)
        tpu.yield
      }) : () -> ()
      %scan3A_4143 = arith.constant 0 : i32
      scf.yield %scan3A_4143 : i32
    }
    %scan3A_1776 = arith.constant 16 : i32
    return
  }
}

module attributes {stable_mosaic.version = 14 : i64} {
  func.func @_mm_l_body(%arg0: memref<10000x128xf32, #tpu.memory_space<vmem>>, %arg1: memref<128x128xf32, #tpu.memory_space<vmem>>, %arg2: memref<10000x128xf32, #tpu.memory_space<vmem>>) attributes {dimension_semantics = [], scalar_prefetch = 0 : i64, scratch_operands = 0 : i64, tpu.core_type = #tpu.core_type<tc>} {
    %get3A = arith.constant 0 : index
    %get3A_0 = arith.constant 0 : index
    %get3A_1 = vector.load %arg0[%get3A, %get3A_0] : memref<10000x128xf32, #tpu.memory_space<vmem>>, vector<10000x128xf32>
    %get3A_2 = arith.constant 0 : index
    %get3A_3 = arith.constant 0 : index
    %get3A_4 = vector.load %arg1[%get3A_2, %get3A_3] : memref<128x128xf32, #tpu.memory_space<vmem>>, vector<128x128xf32>
    %dot_general3A = arith.constant dense<0.000000e+00> : vector<10000x128xf32>
    %dot_general3A_5 = tpu.matmul %get3A_1, %get3A_4, %dot_general3A {dimension_numbers = #tpu.dot_dimension_numbers<[1], [0], [0], [1], [0, 0, 1, 1], [], []>, transpose_lhs_hint = false} : vector<10000x128xf32>, vector<128x128xf32>, vector<10000x128xf32> -> vector<10000x128xf32>
    %swap3A = arith.constant 0 : index
    %swap3A_6 = arith.constant 0 : index
    %swap3A_7 = vector.load %arg2[%swap3A, %swap3A_6] : memref<10000x128xf32, #tpu.memory_space<vmem>>, vector<10000x128xf32>
    tpu.vector_store %arg2[%swap3A, %swap3A_6], %dot_general3A_5 {strides = array<i32>} : memref<10000x128xf32, #tpu.memory_space<vmem>>, vector<10000x128xf32>,
    return
  }
}

module attributes {stable_mosaic.version = 14 : i64} {
  func.func @_mm_r_body(%arg0: memref<10000x128xf32, #tpu.memory_space<vmem>>, %arg1: memref<128x128xf32, #tpu.memory_space<vmem>>, %arg2: memref<10000x128xf32, #tpu.memory_space<vmem>>) attributes {dimension_semantics = [], scalar_prefetch = 0 : i64, scratch_operands = 0 : i64, tpu.core_type = #tpu.core_type<tc>} {
    %get3A = arith.constant 0 : index
    %get3A_0 = arith.constant 0 : index
    %get3A_1 = vector.load %arg0[%get3A, %get3A_0] : memref<10000x128xf32, #tpu.memory_space<vmem>>, vector<10000x128xf32>
    %get3A_2 = arith.constant 0 : index
    %get3A_3 = arith.constant 0 : index
    %get3A_4 = vector.load %arg1[%get3A_2, %get3A_3] : memref<128x128xf32, #tpu.memory_space<vmem>>, vector<128x128xf32>
    %dot_general3A = arith.constant dense<0.000000e+00> : vector<10000x128xf32>
    %dot_general3A_5 = tpu.matmul %get3A_1, %get3A_4, %dot_general3A {dimension_numbers = #tpu.dot_dimension_numbers<[1], [0], [0], [1], [0, 0, 1, 1], [], []>, transpose_lhs_hint = false} : vector<10000x128xf32>, vector<128x128xf32>, vector<10000x128xf32> -> vector<10000x128xf32>
    %swap3A = arith.constant 0 : index
    %swap3A_6 = arith.constant 0 : index
    %swap3A_7 = vector.load %arg2[%swap3A, %swap3A_6] : memref<10000x128xf32, #tpu.memory_space<vmem>>, vector<10000x128xf32>
    tpu.vector_store %arg2[%swap3A, %swap3A_6], %dot_general3A_5 {strides = array<i32>} : memref<10000x128xf32, #tpu.memory_space<vmem>>, vector<10000x128xf32>,
    return
  }
}

module attributes {stable_mosaic.version = 14 : i64} {
  func.func @_finish_body(%arg0: memref<10000x128xf32, #tpu.memory_space<vmem>>, %arg1: memref<20480x64xf32, #tpu.memory_space<vmem>>, %arg2: memref<1x128xf32, #tpu.memory_space<vmem>>, %arg3: memref<1x128xf32, #tpu.memory_space<vmem>>, %arg4: memref<10000x128xf32, #tpu.memory_space<vmem>>) attributes {dimension_semantics = [], scalar_prefetch = 0 : i64, scratch_operands = 0 : i64, tpu.core_type = #tpu.core_type<tc>} {
    %get3A = arith.constant 0 : index
    %get3A_0 = arith.constant 0 : index
    %get3A_1 = vector.load %arg1[%get3A, %get3A_0] : memref<20480x64xf32, #tpu.memory_space<vmem>>, vector<10000x64xf32>
    %get3A_2 = arith.constant 10240 : index
    %get3A_3 = arith.constant 0 : index
    %get3A_4 = vector.load %arg1[%get3A_2, %get3A_3] : memref<20480x64xf32, #tpu.memory_space<vmem>>, vector<10000x64xf32>
    %concatenate3A = tpu.concatenate %get3A_1, %get3A_4 in 1 : vector<10000x64xf32>, vector<10000x64xf32> -> vector<10000x128xf32>
    %get3A_5 = arith.constant 0 : index
    %get3A_6 = arith.constant 0 : index
    %get3A_7 = vector.load %arg0[%get3A_5, %get3A_6] : memref<10000x128xf32, #tpu.memory_space<vmem>>, vector<10000x128xf32>
    %add3A = arith.addf %concatenate3A, %get3A_7 : vector<10000x128xf32>
    %reduce_sum3A = arith.constant dense<0.000000e+00> : vector<128xf32>
    %reduce_sum3A_8 = vector.multi_reduction <add>, %add3A, %reduce_sum3A [0] : vector<10000x128xf32> to vector<128xf32>
    %broadcast_in_dim3A = vector.shape_cast %reduce_sum3A_8 : vector<128xf32> to vector<1x128xf32>
    %mul3A = arith.mulf %add3A, %add3A : vector<10000x128xf32>
    %reduce_sum3A_9 = arith.constant dense<0.000000e+00> : vector<128xf32>
    %reduce_sum3A_10 = vector.multi_reduction <add>, %mul3A, %reduce_sum3A_9 [0] : vector<10000x128xf32> to vector<128xf32>
    %broadcast_in_dim3A_11 = vector.shape_cast %reduce_sum3A_10 : vector<128xf32> to vector<1x128xf32>
    %mul3A_12 = arith.constant 9.99999974E-5 : f32
    %mul3A_13 = vector.broadcast %mul3A_12 : f32 to vector<1x128xf32>
    %mul3A_14 = arith.mulf %broadcast_in_dim3A, %mul3A_13 : vector<1x128xf32>
    %mul3A_15 = arith.constant 9.99999974E-5 : f32
    %mul3A_16 = vector.broadcast %mul3A_15 : f32 to vector<1x128xf32>
    %mul3A_17 = arith.mulf %broadcast_in_dim3A_11, %mul3A_16 : vector<1x128xf32>
    %mul3A_18 = arith.mulf %mul3A_14, %mul3A_14 : vector<1x128xf32>
    %sub3A = arith.subf %mul3A_17, %mul3A_18 : vector<1x128xf32>
    %sub3A_19 = vector.broadcast %mul3A_14 : vector<1x128xf32> to vector<10000x128xf32>
    %sub3A_20 = arith.subf %add3A, %sub3A_19 : vector<10000x128xf32>
    %add3A_21 = arith.constant 9.99999974E-6 : f32
    %add3A_22 = vector.broadcast %add3A_21 : f32 to vector<1x128xf32>
    %add3A_23 = arith.addf %sub3A, %add3A_22 : vector<1x128xf32>
    %rsqrt3A = math.rsqrt %add3A_23 : vector<1x128xf32>
    %mul3A_24 = vector.broadcast %rsqrt3A : vector<1x128xf32> to vector<10000x128xf32>
    %mul3A_25 = arith.mulf %sub3A_20, %mul3A_24 : vector<10000x128xf32>
    %get3A_26 = arith.constant 0 : index
    %get3A_27 = arith.constant 0 : index
    %get3A_28 = vector.load %arg2[%get3A_26, %get3A_27] : memref<1x128xf32, #tpu.memory_space<vmem>>, vector<1x128xf32>
    %mul3A_29 = vector.broadcast %get3A_28 : vector<1x128xf32> to vector<10000x128xf32>
    %mul3A_30 = arith.mulf %mul3A_25, %mul3A_29 : vector<10000x128xf32>
    %get3A_31 = arith.constant 0 : index
    %get3A_32 = arith.constant 0 : index
    %get3A_33 = vector.load %arg3[%get3A_31, %get3A_32] : memref<1x128xf32, #tpu.memory_space<vmem>>, vector<1x128xf32>
    %add3A_34 = vector.broadcast %get3A_33 : vector<1x128xf32> to vector<10000x128xf32>
    %add3A_35 = arith.addf %mul3A_30, %add3A_34 : vector<10000x128xf32>
    %max3A = arith.constant 0.000000e+00 : f32
    %max3A_36 = vector.broadcast %max3A : f32 to vector<10000x128xf32>
    %max3A_37 = arith.maximumf %add3A_35, %max3A_36 : vector<10000x128xf32>
    %swap3A = arith.constant 0 : index
    %swap3A_38 = arith.constant 0 : index
    %swap3A_39 = vector.load %arg4[%swap3A, %swap3A_38] : memref<10000x128xf32, #tpu.memory_space<vmem>>, vector<10000x128xf32>
    tpu.vector_store %arg4[%swap3A, %swap3A_38], %max3A_37 {strides = array<i32>} : memref<10000x128xf32, #tpu.memory_space<vmem>>, vector<10000x128xf32>,
    return
  }
}

</mosaic_0001>

<sc_bundles>
// kernel: kernel.6.cloned.1.call-start
scs
__scs_entry_jumppad:
0x0: {  	(pc) =	sbr.rel $0x88, $3  }
0x1: {  	(tag) =	ssettag $0x0;
	lr =	simm.s32 $0x1  }
0x2: {  	[smem:$0x3F98] =	sst lr;
	_ =	strace $0xD0000000  }
0x3: {  	_ = 	snop  }
0x4: {  	_ = 	snop  }
0x5: {  	_ = 	snop  }
0x6: {  	_ = 	snop  }
0x7: {  	_ = 	snop  }
__scs_overlays_trampoline_lowered:
0x8: {  	[smem:$0x3FA7] =	sst s0  }
0x9: {  	[smem:$0x3FA8] =	sst s1  }
0xa: {  	[smem:$0x3FA9] =	sst s2  }
0xb: {  	[smem:$0x3FAA] =	sst s3  }
0xc: {  	[smem:$0x3FAB] =	sst s4  }
0xd: {  	[smem:$0x3FAC] =	sst s5  }
0xe: {  	[smem:$0x3FAD] =	sst s6  }
0xf: {  	[smem:$0x3FAE] =	sst s7  }
0x10: {  	[smem:$0x3FAF] =	sst s8  }
0x11: {  	[smem:$0x3FB0] =	sst s9;
	s0 =	simm.s32 @!p0 $0x0  }
0x12: {  	s1 =	sld [smem:$0x3F96];
	s0 =	simm.s32 @p0 $0x1  }
0x13: {  	[smem:$0x3FB1] =	sst s0;
	s0 =	simm.s32 @!p1 $0x0  }
0x14: {  	s2 =	sld [smem:$0x3F95];
	s0 =	simm.s32 @p1 $0x1  }
0x15: {  	[smem:$0x3FB2] =	sst s0;
	s0 =	simm.s32 @!p2 $0x0  }
0x16: {  	s3 =	sld [smem:$0x3FDB];
	s0 =	simm.s32 @p2 $0x1  }
0x17: {  	s4 =	simm.s32 $0x1BF5;
	[smem:$0x3FB4] =	sst s0  }
0x18: {  	s0 =	sld [smem:$0x3F97];
	_ =	swait.ge [sflag:s4], $0x0  }
0x19: {  	s7 =	sld [smem:$0x3F98]  }
0x1a: {  	s8 =	sadd.s32 $0xFFFFE003, lr  }
0x1b: {  	s9 =	sadd.s32 $0xFFFFFEF7, lr;
	s5 =	simm.s32 $0xFFFFFFFF;
	p2 =	slt.u32 s8, $0xFFFFF086  }
0x1c: {  	p1 =	slt.u32 s9, $0xF7A;
	s5 =	simm.s32 @!p2 $0x0  }
0x1d: {  	s5 =	simm.s32 @p1 $0x1;
	p0 =	seq.s32 s7, s2  }
0x1e: {  	s7 =	smul.u32 @!p0 $0xF7A, s2;
	p2 =	seq.s32 @!p0 s5, $0x0  }
0x1f: {  	s9 =	smul.u32 $0xF7A, s1;
	s8 =	simm.s32 @!p0 $0x1BF5;
	p2 =	por !p2, p0  }
0x20: {  	[sflag:s8] =	ssyncset.s32 @!p0 $0xFFFFF086;
	s6 =	sadd.s32 @!p0 s3, s7;
	s7 =	simm.s32 @!p0 $0x108  }
0x21: {  	s3 =	sadd.s32 s3, s9;
	s6 =	sadd.s32 @!p0 $0x88, s6;
	s7 =	simm.s32 @p2 $0x1082  }
0x22: {  	[simem:s7], [sflag:s8] =	dma.local @!p0 [hbm:s6], $0xF7A  }
0x23: {  	s9 =	sor.u32 $0xD0000000, s2;
	s6 =	simm.s32 $0x108;
	_ =	swait.ge @!p0 [sflag:s8], $0x0  }
0x24: {  	s3 =	sadd.s32 $0x88, s3;
	s6 =	simm.s32 @!p1 $0x1082;
	[sflag:s4] =	ssyncset.s32 $0xFFFFF086  }
0x25: {  	[simem:s6], [sflag:s4] =	dma.local [hbm:s3], $0xF7A  }
0x26: {  	[smem:$0x3F98] =	sst s1;
	(tag) =	ssettag s2;
	_ =	strace s9  }
0x27: {  	s1 =	sld [smem:$0x3FA8]  }
0x28: {  	s2 =	sld [smem:$0x3FA9]  }
0x29: {  	s4 =	sld [smem:$0x3FAB]  }
0x2a: {  	p0 =	seq.s32 s5, $0x0;
	s5 =	sld [smem:$0x3FAC]  }
0x2b: {  	s6 =	sld [smem:$0x3FAD]  }
0x2c: {  	s7 =	sld [smem:$0x3FAE]  }
0x2d: {  	s3 =	simm.s32 $0x108;
	s8 =	sld [smem:$0x3FAF]  }
0x2e: {  	s3 =	simm.s32 @!p0 $0x1082;
	s9 =	sld [smem:$0x3FB0]  }
0x2f: {  	lr =	sadd.s32 s0, s3;
	s0 =	sld [smem:$0x3FA7]  }
0x30: {  	s3 =	sld [smem:$0x3FAA]  }
0x31: {  	[smem:$0x3FB3] =	sst s10  }
0x32: {  	s10 =	sld [smem:$0x3FB1];
	_ =	sdelay $0x3  }
0x33: {  	p0 =	seq.s32 s10, $0x1;
	s10 =	sld [smem:$0x3FB3];
	_ =	sdelay $0x3  }
0x34: {  	[smem:$0x3FB3] =	sst s10  }
0x35: {  	s10 =	sld [smem:$0x3FB2];
	_ =	sdelay $0x3  }
0x36: {  	p1 =	seq.s32 s10, $0x1;
	s10 =	sld [smem:$0x3FB3];
	_ =	sdelay $0x3  }
0x37: {  	[smem:$0x3FB3] =	sst s10  }
0x38: {  	s10 =	sld [smem:$0x3FB4]  }
0x39: {  	_ = 	snop;
	(pc) =	sbr.ind lr, $3  }
0x3a: {  	_ = 	snop  }
0x3b: {  	_ = 	snop  }
0x3c: {  	p2 =	seq.s32 s10, $0x1;
	s10 =	sld [smem:$0x3FB3]  }
0x3d: {  	_ =	shalt  }
0x3e: {  	_ =	shalt  }
0x3f: {  	_ =	shalt  }
0x40: {  	_ =	shalt  }
0x41: {  	_ =	shalt  }
0x42: {  	_ =	shalt  }
0x43: {  	_ =	shalt  }
0x44: {  	_ =	shalt  }
0x45: {  	_ =	shalt  }
0x46: {  	_ =	shalt  }
0x47: {  	_ =	shalt  }
0x48: {  	_ =	shalt  }
0x49: {  	_ =	shalt  }
0x4a: {  	_ =	shalt  }
0x4b: {  	_ =	shalt  }
0x4c: {  	_ =	shalt  }
0x4d: {  	_ =	shalt  }
0x4e: {  	_ =	shalt  }
0x4f: {  	_ =	shalt  }
0x50: {  	_ =	shalt  }
0x51: {  	_ =	shalt  }
0x52: {  	_ =	shalt  }
0x53: {  	_ =	shalt  }
0x54: {  	_ =	shalt  }
0x55: {  	_ =	shalt  }
0x56: {  	_ =	shalt  }
0x57: {  	_ =	shalt  }
0x58: {  	_ =	shalt  }
0x59: {  	_ =	shalt  }
0x5a: {  	_ =	shalt  }
0x5b: {  	_ =	shalt  }
0x5c: {  	_ =	shalt  }
0x5d: {  	_ =	shalt  }
0x5e: {  	_ =	shalt  }
0x5f: {  	_ =	shalt  }
0x60: {  	_ =	shalt  }
0x61: {  	_ =	shalt  }
0x62: {  	_ =	shalt  }
0x63: {  	_ =	shalt  }
0x64: {  	_ =	shalt  }
0x65: {  	_ =	shalt  }
0x66: {  	_ =	shalt  }
0x67: {  	_ =	shalt  }
0x68: {  	_ =	shalt  }
0x69: {  	_ =	shalt  }
0x6a: {  	_ =	shalt  }
0x6b: {  	_ =	shalt  }
0x6c: {  	_ =	shalt  }
0x6d: {  	_ =	shalt  }
0x6e: {  	_ =	shalt  }
0x6f: {  	_ =	shalt  }
0x70: {  	_ =	shalt  }
0x71: {  	_ =	shalt  }
0x72: {  	_ =	shalt  }
0x73: {  	_ =	shalt  }
0x74: {  	_ =	shalt  }
0x75: {  	_ =	shalt  }
0x76: {  	_ =	shalt  }
0x77: {  	_ =	shalt  }
0x78: {  	_ =	shalt  }
0x79: {  	_ =	shalt  }
0x7a: {  	_ =	shalt  }
0x7b: {  	_ =	shalt  }
0x7c: {  	_ =	shalt  }
0x7d: {  	_ =	shalt  }
0x7e: {  	_ =	shalt  }
0x7f: {  	_ =	shalt  }
0x80: {  	_ =	shalt  }
0x81: {  	_ =	shalt  }
0x82: {  	_ =	shalt  }
0x83: {  	_ =	shalt  }
0x84: {  	_ =	shalt  }
0x85: {  	_ =	shalt  }
0x86: {  	_ =	shalt  }
0x87: {  	_ =	shalt  }
.Lfunc_end0:
.L_simem_size_0:
called_computation_lowered:
.L_overlay_start_0:
0x88: {  	s2 =	sld [smem:$0x3FD9]  }
0x89: {  	s3 =	sld [smem:$0x3FFE];
	_ =	sdelay $0x1  }
0x8a: {  	s1 =	srdreg.scid  }
0x8b: {  	s0 =	sand.u32 $0x1, s1  }
0x8c: {  	s17 =	sshll.u32 s0, $0xA;
	s2 =	sadd.s32 s3, s2  }
0x8d: {  	s2 =	sadd.s32 s2, s17  }
0x8e: {  	[smem:$0x3FBF] =	sst s2  }
0x8f: {  	_ = 	snop  }
0x90: {  	s2 =	sld [smem:$0x3FD0];
	(tm) =	ssettm $0x1  }
0x91: {  	s18 =	sld [smem:$0x3FFB];
	_ =	sdelay $0x3  }
0x92: {  	_ =	strace s18  }
0x93: {  	s3 =	sld [smem:$0x3FFC];
	_ =	sdelay $0x3  }
0x94: {  	_ =	strace s3  }
0x95: {  	s3 =	sld [smem:$0x3FFD];
	_ =	sdelay $0x3  }
0x96: {  	_ =	strace s3  }
0x97: {  	_ =	strace $0x8FFFFFFF  }
0x98: {  	s19 =	sld [smem:$0x3FDB];
	_ =	sdelay $0x1  }
0x99: {  	s4 =	simm.s32 $_scs_section_size  }
0x9a: {  	s5 =	simm.s32 $_size__tile_overlayer_lowered;
	s6 =	simm.s32 $_tile_overlayer_lowered  }
0x9b: {  	s22 =	simm.s32 $0x1BFF;
	s21 =	sshll.u32 s6, $0x1;
	s3 =	sadd.s32 s4, s19  }
0x9c: {  	s7 =	simm.s32 $0x0;
	s20 =	sshll.u32 s5, $0x1;
	s5 =	sadd.s32 s21, s3  }
0x9d: {  	[timem:s7], [sflag:s22] =	dma.local [hbm:s5], s20  }
0x9e: {  	_ =	swait.ge [sflag:s22], s20  }
0x9f: {  	s4 =	ssub.s32 $0x0, s20;
	[sflag:s22] =	ssyncset.done $0x0  }
0xa0: {  	[sflag:s22] =	ssyncadd.s32 s4;
	_ =	sdelay $0x1  }
0xa1: {  	s23 =	simm.s32 $0x1B8B  }
0xa2: {  	_ =	swait.ge [sflag:s23], $0x1  }
0xa3: {  	[sflag:s23] =	ssyncset.done $0x0  }
0xa4: {  	s25 =	simm.s32 $0x1B8E;
	s24 =	sld [smem:$0x3FFE];
	[sflag:s23] =	ssyncadd.s32 $0xFFFFFFFF  }
0xa5: {  	s26 =	simm.s32 $execute0_lowered;
	[smem:$0x3FD2] =	sst s25  }
0xa6: {  	s5 =	sshll.u32 s26, $0x1;
	_ =	strace $0x80000046;
	[dreg:$0x1] =	wrdreg $0xFFFFFFFF  }
0xa7: {  	s28 =	simm.s32 $_size_execute0_lowered;
	s3 =	sadd.s32 s3, s5;
	[dreg:$0x0] =	wrdreg $0x0  }
0xa8: {  	s5 =	sshll.u32 s28, $0x1;
	[dreg:$0x2] =	wrdreg s3  }
0xa9: {  	[dreg:$0x3] =	wrdreg s5  }
0xaa: {  	[dreg:$0x4] =	wrdreg $0xC0  }
0xab: {  	_ =	task [dreg:s7], $0x5FFFF  }
0xac: {  	[dreg:$0x1] =	wrdreg $0xFFFFFFFF  }
0xad: {  	[dreg:$0x0] =	wrdreg $0x60  }
0xae: {  	[dreg:$0x2] =	wrdreg s2  }
0xaf: {  	[dreg:$0x3] =	wrdreg s24  }
0xb0: {  	[dreg:$0x4] =	wrdreg $0x11E400  }
0xb1: {  	[dreg:$0x5] =	wrdreg $0x1BE400  }
0xb2: {  	[dreg:$0x6] =	wrdreg $0x9  }
0xb3: {  	_ =	task.clear_ibuf [dreg:s7], $0x7FFFF;
	_ =	strace $0x90000046  }
0xb4: {  	s29 =	simm.s32 $0x9;
	_ =	strace $0x80000048  }
0xb5: {  	_ =	swait.ge [sflag:s29], $0x1  }
0xb6: {  	[sflag:s29] =	ssyncadd.s32 $0xFFFFFFFF  }
0xb7: {  	_ =	strace $0x90000048  }
0xb8: {  	_ =	sfence  }
0xb9: {  	s30 =	sld [smem:$0x0];
	_ =	sdelay $0x2  }
0xba: {  	s31 =	sshll.u32 s1, $0xD;
	s1 =	sshrl.u32 s1, $0x2  }
0xbb: {  	s3 =	sand.u32 $0x4000, s31;
	s1 =	sadd.s32 s1, s30  }
0xbc: {  	s0 =	sor.u32 s3, s0;
	s1 =	sshll.u32 s1, $0x11  }
0xbd: {  	s0 =	sor.u32 s1, s0  }
0xbe: {  	s0 =	sadd.s32 $0x8F2B, s0  }
0xbf: {  	[sflag:s0] =	ssyncadd.remote.s32 $0x1  }
0xc0: {  	_ =	sfence.sel $0xFFFF  }
0xc1: {  	[dreg:$0x0] =	wrdreg $0xFFFFFFFF;
	(pc) =	sbr.abs _section_cstart, $3  }
0xc2: {  	[dreg:$0x1] =	wrdreg $0xFFFFFFFF  }
0xc3: {  	_ =	task.clear_ibuf [dreg:s7], $0x2FFFF;
	_ =	strace $0x9FFFFFFF  }
0xc4: {  	(tm) =	ssettm $0x7FFFFFFF  }
0xc5: {  	_ =	shalt  }
tec
execute0_lowered:
.L_overlay_start_1:
0x0: {  	(tag) =	ssettag $0x1  }
0x1: {  	s1 =	rddreg [dreg:$0x0]  }
0x2: {  	s0 =	rddreg [dreg:$0x1]  }
0x3: {  	s2 =	rddreg [dreg:$0x2]  }
0x4: {  	s3 =	rddreg [dreg:$0x3];
	s5 =	simm.s32 $0x0  }
0x5: {  	s4 =	srdreg.scid;
	s12 =	stileid.u32;
	s13 =	simm.s32 $0xC  }
0x6: {  	s14 =	simm.s32 $0x10F40;
	s16 =	simm.s32 $0x50;
	s17 =	simm.s32 $0x9C40  }
0x7: {  	s18 =	simm.s32 $0xB040;
	s28 =	simm.s32 $0x6;
	s29 =	simm.s32 $0x2  }
0x8: {  	s30 =	simm.s32 $0x7;
	s31 =	simm.s32 $0x3;
	s15 =	simm.s32 $0x9  }
0x9: {  	s19 =	simm.s32 $0x5;
	[smem:$0x7FF] =	sst s5;
	s20 =	smul.u32 $0x9C4, s12  }
0xa: {  	s4 =	sand.u32 $0x1, s4;
	s5 =	sadd.s32 $0x1DE00, s0;
	s21 =	smul.u32 $0xA000, s12  }
0xb: {  	s7 =	sadd.s32 $0xA200, s0;
	s8 =	sadd.s32 $0x14000, s0;
	s22 =	smul.u32 $0x28000, s12  }
0xc: {  	s9 =	sadd.s32 $0x400, s0;
	s23 =	smul.u32 $0x1400, s12;
	s12 =	simm.s32 $0x10540  }
0xd: {  	_ =	strace $0x80000047;
	s10 =	ssub.s32 $0x2, s4;
	p0 =	seq.s32 s4, $0x1  }
0xe: {  	s6 =	smul.u32 $0x14000, s4;
	s11 =	sshrl.u32 s10, $0x1;
	s5 =	smov.u32 @p0 s7  }
0xf: {  	s8 =	smov.u32 @p0 s9;
	s4 =	sshrl.u32 s21, $0x2;
	s25 =	sshrl.u32 s22, $0x2  }
0x10: {  	s22 =	simm.s32 $0xD840;
	s21 =	simm.s32 $0xA;
	s7 =	simm.s32 $0x111C0  }
0x11: {  	s0 =	sadd.s32 s6, s0;
	s10 =	ssub.s32 s10, s11;
	s5 =	sadd.s32 s5, s20  }
0x12: {  	s24 =	sadd.s32 s8, s20;
	s9 =	sadd.s32 s4, s3;
	s26 =	sadd.s32 s25, s2  }
0x13: {  	s20 =	simm.s32 $0xC440;
	s25 =	simm.s32 $0x1;
	[dreg:$0x6] =	wrdreg s5  }
0x14: {  	s6 =	simm.s32 $0xB;
	s8 =	simm.s32 $0x0;
	[dreg:$0x7] =	wrdreg s24  }
0x15: {  	s10 =	smax.u32 s10, $0x1;
	s0 =	sadd.s32 s23, s0;
	[dreg:$0x8] =	wrdreg s26  }
0x16: {  	s24 =	simm.s32 $0xEC40;
	s26 =	simm.s32 $0x10040;
	s5 =	simm.s32 $0x4  }
0x17: {  	v0 =	vimm.f32 $0.0e+00;
	v1 =	vimm.f32 $1.000000000e+00;
	[dreg:$0x5] =	wrdreg s10;
	s11 =	sadd.s32 $0x27C00, s0;
	s0 =	simm.s32 $0x8  }
.LBB2_1:
0x18: {  	[tilespmem:$0x10540] =	vst v0  }
0x19: {  	[tilespmem:$0x10550] =	vst v0  }
0x1a: {  	[tilespmem:$0x10560] =	vst v0  }
0x1b: {  	[tilespmem:$0x10570] =	vst v0  }
0x1c: {  	[tilespmem:$0x10F40] =	vst v0  }
0x1d: {  	[tilespmem:$0x10580] =	vst v0  }
0x1e: {  	[tilespmem:$0x10590] =	vst v0  }
0x1f: {  	[tilespmem:$0x105A0] =	vst v0  }
0x20: {  	[tilespmem:$0x105B0] =	vst v0  }
0x21: {  	[tilespmem:$0x10F50] =	vst v0  }
0x22: {  	[tilespmem:$0x105C0] =	vst v0  }
0x23: {  	[tilespmem:$0x105D0] =	vst v0  }
0x24: {  	[tilespmem:$0x105E0] =	vst v0  }
0x25: {  	[tilespmem:$0x105F0] =	vst v0  }
0x26: {  	[tilespmem:$0x10F60] =	vst v0  }
0x27: {  	[tilespmem:$0x10600] =	vst v0  }
0x28: {  	[tilespmem:$0x10610] =	vst v0  }
0x29: {  	[tilespmem:$0x10620] =	vst v0  }
0x2a: {  	[tilespmem:$0x10630] =	vst v0  }
0x2b: {  	[tilespmem:$0x10F70] =	vst v0  }
0x2c: {  	[tilespmem:$0x10640] =	vst v0  }
0x2d: {  	[tilespmem:$0x10650] =	vst v0  }
0x2e: {  	[tilespmem:$0x10660] =	vst v0  }
0x2f: {  	[tilespmem:$0x10670] =	vst v0  }
0x30: {  	[tilespmem:$0x10F80] =	vst v0  }
0x31: {  	[tilespmem:$0x10680] =	vst v0  }
0x32: {  	[tilespmem:$0x10690] =	vst v0  }
0x33: {  	[tilespmem:$0x106A0] =	vst v0  }
0x34: {  	[tilespmem:$0x106B0] =	vst v0  }
0x35: {  	[tilespmem:$0x10F90] =	vst v0  }
0x36: {  	[tilespmem:$0x106C0] =	vst v0  }
0x37: {  	[tilespmem:$0x106D0] =	vst v0  }
0x38: {  	[tilespmem:$0x106E0] =	vst v0  }
0x39: {  	[tilespmem:$0x106F0] =	vst v0  }
0x3a: {  	[tilespmem:$0x10FA0] =	vst v0  }
0x3b: {  	[tilespmem:$0x10700] =	vst v0  }
0x3c: {  	[tilespmem:$0x10710] =	vst v0  }
0x3d: {  	[tilespmem:$0x10720] =	vst v0  }
0x3e: {  	[tilespmem:$0x10730] =	vst v0  }
0x3f: {  	[tilespmem:$0x10FB0] =	vst v0  }
0x40: {  	[tilespmem:$0x10740] =	vst v0  }
0x41: {  	[tilespmem:$0x10750] =	vst v0  }
0x42: {  	[tilespmem:$0x10760] =	vst v0  }
0x43: {  	[tilespmem:$0x10770] =	vst v0  }
0x44: {  	[tilespmem:$0x10FC0] =	vst v0  }
0x45: {  	[tilespmem:$0x10780] =	vst v0  }
0x46: {  	[tilespmem:$0x10790] =	vst v0  }
0x47: {  	[tilespmem:$0x107A0] =	vst v0  }
0x48: {  	[tilespmem:$0x107B0] =	vst v0  }
0x49: {  	[tilespmem:$0x10FD0] =	vst v0  }
0x4a: {  	[tilespmem:$0x107C0] =	vst v0  }
0x4b: {  	[tilespmem:$0x107D0] =	vst v0  }
0x4c: {  	[tilespmem:$0x107E0] =	vst v0  }
0x4d: {  	[tilespmem:$0x107F0] =	vst v0  }
0x4e: {  	[tilespmem:$0x10FE0] =	vst v0  }
0x4f: {  	[tilespmem:$0x10800] =	vst v0  }
0x50: {  	[tilespmem:$0x10810] =	vst v0  }
0x51: {  	[tilespmem:$0x10820] =	vst v0  }
0x52: {  	[tilespmem:$0x10830] =	vst v0  }
0x53: {  	[tilespmem:$0x10FF0] =	vst v0  }
0x54: {  	[tilespmem:$0x10840] =	vst v0  }
0x55: {  	[tilespmem:$0x10850] =	vst v0  }
0x56: {  	[tilespmem:$0x10860] =	vst v0  }
0x57: {  	[tilespmem:$0x10870] =	vst v0  }
0x58: {  	[tilespmem:$0x11000] =	vst v0  }
0x59: {  	[tilespmem:$0x10880] =	vst v0  }
0x5a: {  	[tilespmem:$0x10890] =	vst v0  }
0x5b: {  	[tilespmem:$0x108A0] =	vst v0  }
0x5c: {  	[tilespmem:$0x108B0] =	vst v0  }
0x5d: {  	[tilespmem:$0x11010] =	vst v0  }
0x5e: {  	[tilespmem:$0x108C0] =	vst v0  }
0x5f: {  	[tilespmem:$0x108D0] =	vst v0  }
0x60: {  	[tilespmem:$0x108E0] =	vst v0  }
0x61: {  	[tilespmem:$0x108F0] =	vst v0  }
0x62: {  	[tilespmem:$0x11020] =	vst v0  }
0x63: {  	[tilespmem:$0x10900] =	vst v0  }
0x64: {  	[tilespmem:$0x10910] =	vst v0  }
0x65: {  	[tilespmem:$0x10920] =	vst v0  }
0x66: {  	[tilespmem:$0x10930] =	vst v0  }
0x67: {  	[tilespmem:$0x11030] =	vst v0  }
0x68: {  	[tilespmem:$0x10940] =	vst v0  }
0x69: {  	[tilespmem:$0x10950] =	vst v0  }
0x6a: {  	[tilespmem:$0x10960] =	vst v0  }
0x6b: {  	[tilespmem:$0x10970] =	vst v0  }
0x6c: {  	[tilespmem:$0x11040] =	vst v0  }
0x6d: {  	[tilespmem:$0x10980] =	vst v0  }
0x6e: {  	[tilespmem:$0x10990] =	vst v0  }
0x6f: {  	[tilespmem:$0x109A0] =	vst v0  }
0x70: {  	[tilespmem:$0x109B0] =	vst v0  }
0x71: {  	[tilespmem:$0x11050] =	vst v0  }
0x72: {  	[tilespmem:$0x109C0] =	vst v0  }
0x73: {  	[tilespmem:$0x109D0] =	vst v0  }
0x74: {  	[tilespmem:$0x109E0] =	vst v0  }
0x75: {  	[tilespmem:$0x109F0] =	vst v0  }
0x76: {  	[tilespmem:$0x11060] =	vst v0  }
0x77: {  	[tilespmem:$0x10A00] =	vst v0  }
0x78: {  	[tilespmem:$0x10A10] =	vst v0  }
0x79: {  	[tilespmem:$0x10A20] =	vst v0  }
0x7a: {  	[tilespmem:$0x10A30] =	vst v0  }
0x7b: {  	[tilespmem:$0x11070] =	vst v0  }
0x7c: {  	[tilespmem:$0x10A40] =	vst v0  }
0x7d: {  	[tilespmem:$0x10A50] =	vst v0  }
0x7e: {  	[tilespmem:$0x10A60] =	vst v0  }
0x7f: {  	[tilespmem:$0x10A70] =	vst v0  }
0x80: {  	[tilespmem:$0x11080] =	vst v0  }
0x81: {  	[tilespmem:$0x10A80] =	vst v0  }
0x82: {  	[tilespmem:$0x10A90] =	vst v0  }
0x83: {  	[tilespmem:$0x10AA0] =	vst v0  }
0x84: {  	[tilespmem:$0x10AB0] =	vst v0  }
0x85: {  	[tilespmem:$0x11090] =	vst v0  }
0x86: {  	[tilespmem:$0x10AC0] =	vst v0  }
0x87: {  	[tilespmem:$0x10AD0] =	vst v0  }
0x88: {  	[tilespmem:$0x10AE0] =	vst v0  }
0x89: {  	[tilespmem:$0x10AF0] =	vst v0  }
0x8a: {  	[tilespmem:$0x110A0] =	vst v0  }
0x8b: {  	[tilespmem:$0x10B00] =	vst v0  }
0x8c: {  	[tilespmem:$0x10B10] =	vst v0  }
0x8d: {  	[tilespmem:$0x10B20] =	vst v0  }
0x8e: {  	[tilespmem:$0x10B30] =	vst v0  }
0x8f: {  	[tilespmem:$0x110B0] =	vst v0  }
0x90: {  	[tilespmem:$0x10B40] =	vst v0  }
0x91: {  	[tilespmem:$0x10B50] =	vst v0  }
0x92: {  	[tilespmem:$0x10B60] =	vst v0  }
0x93: {  	[tilespmem:$0x10B70] =	vst v0  }
0x94: {  	[tilespmem:$0x110C0] =	vst v0  }
0x95: {  	[tilespmem:$0x10B80] =	vst v0  }
0x96: {  	[tilespmem:$0x10B90] =	vst v0  }
0x97: {  	[tilespmem:$0x10BA0] =	vst v0  }
0x98: {  	[tilespmem:$0x10BB0] =	vst v0  }
0x99: {  	[tilespmem:$0x110D0] =	vst v0  }
0x9a: {  	[tilespmem:$0x10BC0] =	vst v0  }
0x9b: {  	[tilespmem:$0x10BD0] =	vst v0  }
0x9c: {  	[tilespmem:$0x10BE0] =	vst v0  }
0x9d: {  	[tilespmem:$0x10BF0] =	vst v0  }
0x9e: {  	[tilespmem:$0x110E0] =	vst v0  }
0x9f: {  	[tilespmem:$0x10C00] =	vst v0  }
0xa0: {  	[tilespmem:$0x10C10] =	vst v0  }
0xa1: {  	[tilespmem:$0x10C20] =	vst v0  }
0xa2: {  	[tilespmem:$0x10C30] =	vst v0  }
0xa3: {  	[tilespmem:$0x110F0] =	vst v0  }
0xa4: {  	[tilespmem:$0x10C40] =	vst v0  }
0xa5: {  	[tilespmem:$0x10C50] =	vst v0  }
0xa6: {  	[tilespmem:$0x10C60] =	vst v0  }
0xa7: {  	[tilespmem:$0x10C70] =	vst v0  }
0xa8: {  	[tilespmem:$0x11100] =	vst v0  }
0xa9: {  	[tilespmem:$0x10C80] =	vst v0  }
0xaa: {  	[tilespmem:$0x10C90] =	vst v0  }
0xab: {  	[tilespmem:$0x10CA0] =	vst v0  }
0xac: {  	[tilespmem:$0x10CB0] =	vst v0  }
0xad: {  	[tilespmem:$0x11110] =	vst v0  }
0xae: {  	[tilespmem:$0x10CC0] =	vst v0  }
0xaf: {  	[tilespmem:$0x10CD0] =	vst v0  }
0xb0: {  	[tilespmem:$0x10CE0] =	vst v0  }
0xb1: {  	[tilespmem:$0x10CF0] =	vst v0  }
0xb2: {  	[tilespmem:$0x11120] =	vst v0  }
0xb3: {  	[tilespmem:$0x10D00] =	vst v0  }
0xb4: {  	[tilespmem:$0x10D10] =	vst v0  }
0xb5: {  	[tilespmem:$0x10D20] =	vst v0  }
0xb6: {  	[tilespmem:$0x10D30] =	vst v0  }
0xb7: {  	[tilespmem:$0x11130] =	vst v0  }
0xb8: {  	[tilespmem:$0x10D40] =	vst v0  }
0xb9: {  	[tilespmem:$0x10D50] =	vst v0  }
0xba: {  	[tilespmem:$0x10D60] =	vst v0  }
0xbb: {  	[tilespmem:$0x10D70] =	vst v0  }
0xbc: {  	[tilespmem:$0x11140] =	vst v0  }
0xbd: {  	[tilespmem:$0x10D80] =	vst v0  }
0xbe: {  	[tilespmem:$0x10D90] =	vst v0  }
0xbf: {  	[tilespmem:$0x10DA0] =	vst v0  }
0xc0: {  	[tilespmem:$0x10DB0] =	vst v0  }
0xc1: {  	[tilespmem:$0x11150] =	vst v0  }
0xc2: {  	[tilespmem:$0x10DC0] =	vst v0  }
0xc3: {  	[tilespmem:$0x10DD0] =	vst v0  }
0xc4: {  	[tilespmem:$0x10DE0] =	vst v0  }
0xc5: {  	[tilespmem:$0x10DF0] =	vst v0  }
0xc6: {  	[tilespmem:$0x11160] =	vst v0  }
0xc7: {  	[tilespmem:$0x10E00] =	vst v0  }
0xc8: {  	[tilespmem:$0x10E10] =	vst v0  }
0xc9: {  	[tilespmem:$0x10E20] =	vst v0  }
0xca: {  	[tilespmem:$0x10E30] =	vst v0  }
0xcb: {  	[tilespmem:$0x11170] =	vst v0  }
0xcc: {  	[tilespmem:$0x10E40] =	vst v0  }
0xcd: {  	[tilespmem:$0x10E50] =	vst v0  }
0xce: {  	[tilespmem:$0x10E60] =	vst v0  }
0xcf: {  	[tilespmem:$0x10E70] =	vst v0  }
0xd0: {  	[tilespmem:$0x11180] =	vst v0  }
0xd1: {  	[tilespmem:$0x10E80] =	vst v0  }
0xd2: {  	[tilespmem:$0x10E90] =	vst v0  }
0xd3: {  	[tilespmem:$0x10EA0] =	vst v0  }
0xd4: {  	[tilespmem:$0x10EB0] =	vst v0  }
0xd5: {  	[tilespmem:$0x11190] =	vst v0  }
0xd6: {  	[tilespmem:$0x10EC0] =	vst v0  }
0xd7: {  	[tilespmem:$0x10ED0] =	vst v0  }
0xd8: {  	[tilespmem:$0x10EE0] =	vst v0  }
0xd9: {  	[tilespmem:$0x10EF0] =	vst v0  }
0xda: {  	[tilespmem:$0x111A0] =	vst v0  }
0xdb: {  	[tilespmem:$0x10F00] =	vst v0  }
0xdc: {  	[tilespmem:$0x10F10] =	vst v0  }
0xdd: {  	[tilespmem:$0x10F20] =	vst v0  }
0xde: {  	[tilespmem:$0x10F30] =	vst v0  }
0xdf: {  	[tilespmem:$0x111B0] =	vst v0  }
0xe0: {  	[tilespmem:$0x10040] =	vst v1  }
0xe1: {  	[tilespmem:$0x10050] =	vst v1  }
0xe2: {  	[tilespmem:$0x10060] =	vst v1  }
0xe3: {  	[tilespmem:$0x10070] =	vst v1  }
0xe4: {  	[tilespmem:$0x10080] =	vst v1  }
0xe5: {  	[tilespmem:$0x10090] =	vst v1  }
0xe6: {  	[tilespmem:$0x100A0] =	vst v1  }
0xe7: {  	[tilespmem:$0x100B0] =	vst v1  }
0xe8: {  	[tilespmem:$0x100C0] =	vst v1  }
0xe9: {  	[tilespmem:$0x100D0] =	vst v1  }
0xea: {  	[tilespmem:$0x100E0] =	vst v1  }
0xeb: {  	[tilespmem:$0x100F0] =	vst v1  }
0xec: {  	[tilespmem:$0x10100] =	vst v1  }
0xed: {  	[tilespmem:$0x10110] =	vst v1  }
0xee: {  	[tilespmem:$0x10120] =	vst v1  }
0xef: {  	[tilespmem:$0x10130] =	vst v1  }
0xf0: {  	[tilespmem:$0x10140] =	vst v1  }
0xf1: {  	[tilespmem:$0x10150] =	vst v1  }
0xf2: {  	[tilespmem:$0x10160] =	vst v1  }
0xf3: {  	[tilespmem:$0x10170] =	vst v1  }
0xf4: {  	[tilespmem:$0x10180] =	vst v1  }
0xf5: {  	[tilespmem:$0x10190] =	vst v1  }
0xf6: {  	[tilespmem:$0x101A0] =	vst v1  }
0xf7: {  	[tilespmem:$0x101B0] =	vst v1  }
0xf8: {  	[tilespmem:$0x101C0] =	vst v1  }
0xf9: {  	[tilespmem:$0x101D0] =	vst v1  }
0xfa: {  	[tilespmem:$0x101E0] =	vst v1  }
0xfb: {  	[tilespmem:$0x101F0] =	vst v1  }
0xfc: {  	[tilespmem:$0x10200] =	vst v1  }
0xfd: {  	[tilespmem:$0x10210] =	vst v1  }
0xfe: {  	[tilespmem:$0x10220] =	vst v1  }
0xff: {  	[tilespmem:$0x10230] =	vst v1  }
0x100: {  	[tilespmem:$0x10240] =	vst v1  }
0x101: {  	[tilespmem:$0x10250] =	vst v1  }
0x102: {  	[tilespmem:$0x10260] =	vst v1  }
0x103: {  	[tilespmem:$0x10270] =	vst v1  }
0x104: {  	[tilespmem:$0x10280] =	vst v1  }
0x105: {  	[tilespmem:$0x10290] =	vst v1  }
0x106: {  	[tilespmem:$0x102A0] =	vst v1  }
0x107: {  	[tilespmem:$0x102B0] =	vst v1  }
0x108: {  	[tilespmem:$0x102C0] =	vst v1  }
0x109: {  	[tilespmem:$0x102D0] =	vst v1  }
0x10a: {  	[tilespmem:$0x102E0] =	vst v1  }
0x10b: {  	[tilespmem:$0x102F0] =	vst v1  }
0x10c: {  	[tilespmem:$0x10300] =	vst v1  }
0x10d: {  	[tilespmem:$0x10310] =	vst v1  }
0x10e: {  	[tilespmem:$0x10320] =	vst v1  }
0x10f: {  	[tilespmem:$0x10330] =	vst v1  }
0x110: {  	[tilespmem:$0x10340] =	vst v1  }
0x111: {  	[tilespmem:$0x10350] =	vst v1  }
0x112: {  	[tilespmem:$0x10360] =	vst v1  }
0x113: {  	[tilespmem:$0x10370] =	vst v1  }
0x114: {  	[tilespmem:$0x10380] =	vst v1  }
0x115: {  	[tilespmem:$0x10390] =	vst v1  }
0x116: {  	[tilespmem:$0x10510] =	vst v1  }
0x117: {  	[tilespmem:$0x10530] =	vst v1  }
0x118: {  	[tilespmem:$0x103B0] =	vst v1  }
0x119: {  	[tilespmem:$0x103C0] =	vst v1  }
0x11a: {  	[tilespmem:$0x103D0] =	vst v1  }
0x11b: {  	[tilespmem:$0x103E0] =	vst v1  }
0x11c: {  	[tilespmem:$0x103F0] =	vst v1  }
0x11d: {  	[tilespmem:$0x10400] =	vst v1  }
0x11e: {  	[tilespmem:$0x10410] =	vst v1  }
0x11f: {  	[tilespmem:$0x10420] =	vst v1  }
0x120: {  	[tilespmem:$0x10430] =	vst v1  }
0x121: {  	[tilespmem:$0x10440] =	vst v1  }
0x122: {  	[tilespmem:$0x10450] =	vst v1  }
0x123: {  	[tilespmem:$0x10460] =	vst v1  }
0x124: {  	[tilespmem:$0x10470] =	vst v1  }
0x125: {  	[tilespmem:$0x10480] =	vst v1  }
0x126: {  	[tilespmem:$0x10490] =	vst v1  }
0x127: {  	[tilespmem:$0x104A0] =	vst v1  }
0x128: {  	[tilespmem:$0x104B0] =	vst v1  }
0x129: {  	[tilespmem:$0x104C0] =	vst v1  }
0x12a: {  	[tilespmem:$0x104D0] =	vst v1  }
0x12b: {  	[tilespmem:$0x104E0] =	vst v1  }
0x12c: {  	[tilespmem:$0x104F0] =	vst v1  }
0x12d: {  	[tilespmem:$0x10500] =	vst v1  }
0x12e: {  	[dreg:$0x9] =	wrdreg s8;
	[tilespmem:$0x10520] =	vst v1  }
0x12f: {  	[tilespmem:$0x103A0] =	vst v1;
	s10 =	rddreg [dreg:$0x8]  }
0x130: {  	[spmem:s10] =	stream.linear.scatter [tilespmem:s12], [sflag:$0xC], $0xA00, $0x38;
	[tilespmem:$0x1E640] =	vst v63  }
0x131: {  	_ =	swait.ge [sflag:s13], $0xA00  }
0x132: {  	[sflag:s13] =	ssyncset.done $0x0  }
0x133: {  	s4 =	sadd.s32 $0x0, s9;
	[sflag:s13] =	ssyncadd.s32 $0xFFFFF600  }
0x134: {  	[spmem:s4] =	stream.linear.scatter [tilespmem:s14], [sflag:$0xC], $0x280, $0x38;
	[tilespmem:$0x1E640] =	vst v63  }
0x135: {  	_ =	swait.ge [sflag:s13], $0x280  }
0x136: {  	s4 =	simm.s32 $0xA00;
	[sflag:s13] =	ssyncset.done $0x0  }
.LBB2_2:
0x137: {  	p0 =	sne.s32 s4, $0x9600;
	[sflag:s13] =	ssyncadd.s32 $0xFFFFFD80;
	s10 =	sadd.s32 $0xA00, s10  }
0x138: {  	[spmem:s10] =	stream.linear.scatter [tilespmem:s12], [sflag:$0xC], $0xA00, $0x38;
	[tilespmem:$0x1E640] =	vst v63  }
0x139: {  	s23 =	smov.u32 s4;
	s4 =	sadd.s32 $0xA00, s4;
	_ =	swait.ge [sflag:s13], $0xA00  }
.Ltmp0:
0x13a: {  	s23 =	sshra.s32 s23, $0x2;
	[sflag:s13] =	ssyncset.done $0x0;
	(pc) =	sbr.rel @p0 .LBB2_2-.Ltmp0, $4  }
0x13b: {  	s23 =	sadd.s32 s23, s9;
	[sflag:s13] =	ssyncadd.s32 $0xFFFFF600  }
0x13c: {  	[spmem:s23] =	stream.linear.scatter [tilespmem:s14], [sflag:$0xC], $0x280, $0x38;
	[tilespmem:$0x1E640] =	vst v63  }
0x13d: {  	_ =	swait.ge [sflag:s13], $0x280  }
0x13e: {  	[sflag:s13] =	ssyncset.done $0x0  }
0x13f: {  	[sflag:s13] =	ssyncadd.s32 $0xFFFFFD80  }
0x140: {  	[bflag:$0x0] =	sbarrier.arrive $0xFFFF  }
0x141: {  	s4 =	simm.s32 $0x0;
	s8 =	rddreg [dreg:$0x6]  }
0x142: {  	[tilespmem:s4], [sflag:$0xC] =	stream.linear.gather [hbm4b:s8+s4], $0x4E20, $0x38;
	[tilespmem:$0x1E640] =	vst v63  }
0x143: {  	_ =	swait.ge [sflag:s13], $0x4E20  }
0x144: {  	[sflag:s13] =	ssyncset.done $0x0  }
0x145: {  	s10 =	simm.s32 $0x4E20;
	s23 =	rddreg [dreg:$0x7];
	[sflag:s13] =	ssyncadd.s32 $0xFFFFB1E0  }
0x146: {  	[tilespmem:s10], [sflag:$0xC] =	stream.linear.gather [hbm4b:s23+s4], $0x4E20, $0x38;
	[tilespmem:$0x1E640] =	vst v63  }
0x147: {  	_ =	swait.ge [sflag:s13], $0x4E20  }
0x148: {  	[sflag:s13] =	ssyncset.done $0x0  }
0x149: {  	[sflag:s13] =	ssyncadd.s32 $0xFFFFB1E0  }
0x14a: {  	[tilespmem:s17], [sflag:$0x1] =	stream.indirect.gather [hbm4b:s1+s16], $0x40, s4, s16, $0xb8;
	[tilespmem:$0x1E640] =	vst v63  }
0x14b: {  	_ = 	snop  }
0x14c: {  	[tilespmem:s18], [sflag:$0x2] =	stream.indirect.gather [hbm4b:s1+s16], $0x40, s16, s16, $0xb8;
	[tilespmem:$0x1E640] =	vst v63  }
0x14d: {  	s8 =	simm.s32 $0xA0  }
0x14e: {  	[tilespmem:s20], [sflag:$0x3] =	stream.indirect.gather [hbm4b:s1+s16], $0x40, s8, s16, $0xb8;
	[tilespmem:$0x1E640] =	vst v63  }
0x14f: {  	s10 =	simm.s32 $0xF0  }
0x150: {  	[tilespmem:s22], [sflag:$0x4] =	stream.indirect.gather [hbm4b:s1+s16], $0x40, s10, s16, $0xb8;
	[tilespmem:$0x1E640] =	vst v63  }
0x151: {  	s12 =	simm.s32 $0x140  }
0x152: {  	[tilespmem:s24], [sflag:$0x5] =	stream.indirect.gather [hbm4b:s1+s16], $0x40, s12, s16, $0xb8;
	[tilespmem:$0x1E640] =	vst v63  }
0x153: {  	_ =	swait.ge [sflag:s25], $0x1400  }
0x154: {  	[sflag:s25] =	ssyncset.done $0x0  }
0x155: {  	s23 =	simm.s32 $0x4E20;
	[sflag:s25] =	ssyncadd.s32 $0xFFFFEC00  }
0x156: {  	[spmem:s2] =	stream.indirect.scatter.add.f32 [tilespmem:s17], [sflag:$0x6], $0x40, s23, s16, $0xb8;
	[tilespmem:$0x1E640] =	vst v63  }
0x157: {  	_ = 	snop  }
0x158: {  	[spmem:s3] =	stream.indirect.scatter.add.f32 [tilespmem:s26], [sflag:$0xB], $0x10, s23, s16, $0xb8;
	[tilespmem:$0x1E640] =	vst v63  }
0x159: {  	_ =	swait.ge [sflag:s28], $0x1400  }
0x15a: {  	[sflag:s28] =	ssyncset.done $0x0  }
0x15b: {  	s8 =	simm.s32 $0x190;
	[sflag:s28] =	ssyncadd.s32 $0xFFFFEC00  }
0x15c: {  	[tilespmem:s17], [sflag:$0x1] =	stream.indirect.gather [hbm4b:s1+s16], $0x40, s8, s16, $0xb8;
	[tilespmem:$0x1E640] =	vst v63  }
0x15d: {  	_ =	swait.ge [sflag:s29], $0x1400  }
0x15e: {  	[sflag:s29] =	ssyncset.done $0x0  }
0x15f: {  	s10 =	simm.s32 $0x4E70;
	[sflag:s29] =	ssyncadd.s32 $0xFFFFEC00  }
0x160: {  	[spmem:s2] =	stream.indirect.scatter.add.f32 [tilespmem:s18], [sflag:$0x7], $0x40, s10, s16, $0xb8;
	[tilespmem:$0x1E640] =	vst v63  }
0x161: {  	_ = 	snop  }
0x162: {  	[spmem:s3] =	stream.indirect.scatter.add.f32 [tilespmem:s26], [sflag:$0xB], $0x10, s10, s16, $0xb8;
	[tilespmem:$0x1E640] =	vst v63  }
0x163: {  	_ =	swait.ge [sflag:s30], $0x1400  }
0x164: {  	[sflag:s30] =	ssyncset.done $0x0  }
0x165: {  	s12 =	simm.s32 $0x1E0;
	[sflag:s30] =	ssyncadd.s32 $0xFFFFEC00  }
0x166: {  	[tilespmem:s18], [sflag:$0x2] =	stream.indirect.gather [hbm4b:s1+s16], $0x40, s12, s16, $0xb8;
	[tilespmem:$0x1E640] =	vst v63  }
0x167: {  	_ =	swait.ge [sflag:s31], $0x1400  }
0x168: {  	[sflag:s31] =	ssyncset.done $0x0  }
0x169: {  	s23 =	simm.s32 $0x4EC0;
	[sflag:s31] =	ssyncadd.s32 $0xFFFFEC00  }
0x16a: {  	[spmem:s2] =	stream.indirect.scatter.add.f32 [tilespmem:s20], [sflag:$0x8], $0x40, s23, s16, $0xb8;
	[tilespmem:$0x1E640] =	vst v63  }
0x16b: {  	_ = 	snop  }
0x16c: {  	[spmem:s3] =	stream.indirect.scatter.add.f32 [tilespmem:s26], [sflag:$0xB], $0x10, s23, s16, $0xb8;
	[tilespmem:$0x1E640] =	vst v63  }
0x16d: {  	_ =	swait.ge [sflag:s0], $0x1400  }
0x16e: {  	[sflag:s0] =	ssyncset.done $0x0  }
0x16f: {  	s8 =	simm.s32 $0x230;
	[sflag:s0] =	ssyncadd.s32 $0xFFFFEC00  }
0x170: {  	[tilespmem:s20], [sflag:$0x3] =	stream.indirect.gather [hbm4b:s1+s16], $0x40, s8, s16, $0xb8;
	[tilespmem:$0x1E640] =	vst v63  }
0x171: {  	_ =	swait.ge [sflag:s5], $0x1400  }
0x172: {  	[sflag:s5] =	ssyncset.done $0x0  }
0x173: {  	s10 =	simm.s32 $0x4F10;
	[sflag:s5] =	ssyncadd.s32 $0xFFFFEC00  }
0x174: {  	[spmem:s2] =	stream.indirect.scatter.add.f32 [tilespmem:s22], [sflag:$0x9], $0x40, s10, s16, $0xb8;
	[tilespmem:$0x1E640] =	vst v63  }
0x175: {  	_ = 	snop  }
0x176: {  	[spmem:s3] =	stream.indirect.scatter.add.f32 [tilespmem:s26], [sflag:$0xB], $0x10, s10, s16, $0xb8;
	[tilespmem:$0x1E640] =	vst v63  }
0x177: {  	_ =	swait.ge [sflag:s15], $0x1400  }
0x178: {  	[sflag:s15] =	ssyncset.done $0x0  }
0x179: {  	s12 =	simm.s32 $0x280;
	[sflag:s15] =	ssyncadd.s32 $0xFFFFEC00  }
0x17a: {  	[tilespmem:s22], [sflag:$0x4] =	stream.indirect.gather [hbm4b:s1+s16], $0x40, s12, s16, $0xb8;
	[tilespmem:$0x1E640] =	vst v63  }
0x17b: {  	_ =	swait.ge [sflag:s19], $0x1400  }
0x17c: {  	[sflag:s19] =	ssyncset.done $0x0  }
0x17d: {  	s23 =	simm.s32 $0x4F60;
	[sflag:s19] =	ssyncadd.s32 $0xFFFFEC00  }
0x17e: {  	[spmem:s2] =	stream.indirect.scatter.add.f32 [tilespmem:s24], [sflag:$0xA], $0x40, s23, s16, $0xb8;
	[tilespmem:$0x1E640] =	vst v63  }
0x17f: {  	_ = 	snop  }
0x180: {  	[spmem:s3] =	stream.indirect.scatter.add.f32 [tilespmem:s26], [sflag:$0xB], $0x10, s23, s16, $0xb8;
	[tilespmem:$0x1E640] =	vst v63  }
0x181: {  	_ =	swait.ge [sflag:s21], $0x1400  }
0x182: {  	[sflag:s21] =	ssyncset.done $0x0  }
0x183: {  	s4 =	simm.s32 $0x640;
	s10 =	simm.s32 $0x2D0;
	[sflag:s21] =	ssyncadd.s32 $0xFFFFEC00  }
.LBB2_4:
0x184: {  	[tilespmem:s24], [sflag:$0x5] =	stream.indirect.gather [hbm4b:s1+s16], $0x40, s10, s16, $0xb8;
	[tilespmem:$0x1E640] =	vst v63  }
0x185: {  	s10 =	smov.u32 s4  }
0x186: {  	p0 =	sne.s32 s4, $0x12C00;
	s4 =	sadd.s32 $0x640, s4;
	_ =	swait.ge [sflag:s25], $0x1400  }
0x187: {  	s10 =	sshra.s32 s10, $0x2;
	[sflag:s25] =	ssyncset.done $0x0  }
0x188: {  	s23 =	sadd.s32 $0x4E20, s10;
	[sflag:s25] =	ssyncadd.s32 $0xFFFFEC00  }
0x189: {  	[spmem:s2] =	stream.indirect.scatter.add.f32 [tilespmem:s17], [sflag:$0x6], $0x40, s23, s16, $0xb8;
	[tilespmem:$0x1E640] =	vst v63  }
0x18a: {  	_ = 	snop  }
0x18b: {  	[spmem:s3] =	stream.indirect.scatter.add.f32 [tilespmem:s26], [sflag:$0xB], $0x10, s23, s16, $0xb8;
	[tilespmem:$0x1E640] =	vst v63  }
0x18c: {  	_ =	swait.ge [sflag:s28], $0x1400  }
0x18d: {  	[sflag:s28] =	ssyncset.done $0x0  }
0x18e: {  	s23 =	sadd.s32 $0x190, s10;
	[sflag:s28] =	ssyncadd.s32 $0xFFFFEC00  }
0x18f: {  	[tilespmem:s17], [sflag:$0x1] =	stream.indirect.gather [hbm4b:s1+s16], $0x40, s23, s16, $0xb8;
	[tilespmem:$0x1E640] =	vst v63  }
0x190: {  	_ =	swait.ge [sflag:s29], $0x1400  }
0x191: {  	[sflag:s29] =	ssyncset.done $0x0  }
0x192: {  	s23 =	sadd.s32 $0x4E70, s10;
	[sflag:s29] =	ssyncadd.s32 $0xFFFFEC00  }
0x193: {  	[spmem:s2] =	stream.indirect.scatter.add.f32 [tilespmem:s18], [sflag:$0x7], $0x40, s23, s16, $0xb8;
	[tilespmem:$0x1E640] =	vst v63  }
0x194: {  	_ = 	snop  }
0x195: {  	[spmem:s3] =	stream.indirect.scatter.add.f32 [tilespmem:s26], [sflag:$0xB], $0x10, s23, s16, $0xb8;
	[tilespmem:$0x1E640] =	vst v63  }
0x196: {  	_ =	swait.ge [sflag:s30], $0x1400  }
0x197: {  	[sflag:s30] =	ssyncset.done $0x0  }
0x198: {  	s23 =	sadd.s32 $0x1E0, s10;
	[sflag:s30] =	ssyncadd.s32 $0xFFFFEC00  }
0x199: {  	[tilespmem:s18], [sflag:$0x2] =	stream.indirect.gather [hbm4b:s1+s16], $0x40, s23, s16, $0xb8;
	[tilespmem:$0x1E640] =	vst v63  }
0x19a: {  	_ =	swait.ge [sflag:s31], $0x1400  }
0x19b: {  	[sflag:s31] =	ssyncset.done $0x0  }
0x19c: {  	s23 =	sadd.s32 $0x4EC0, s10;
	[sflag:s31] =	ssyncadd.s32 $0xFFFFEC00  }
0x19d: {  	[spmem:s2] =	stream.indirect.scatter.add.f32 [tilespmem:s20], [sflag:$0x8], $0x40, s23, s16, $0xb8;
	[tilespmem:$0x1E640] =	vst v63  }
0x19e: {  	_ = 	snop  }
0x19f: {  	[spmem:s3] =	stream.indirect.scatter.add.f32 [tilespmem:s26], [sflag:$0xB], $0x10, s23, s16, $0xb8;
	[tilespmem:$0x1E640] =	vst v63  }
0x1a0: {  	_ =	swait.ge [sflag:s0], $0x1400  }
0x1a1: {  	[sflag:s0] =	ssyncset.done $0x0  }
0x1a2: {  	s23 =	sadd.s32 $0x230, s10;
	[sflag:s0] =	ssyncadd.s32 $0xFFFFEC00  }
0x1a3: {  	[tilespmem:s20], [sflag:$0x3] =	stream.indirect.gather [hbm4b:s1+s16], $0x40, s23, s16, $0xb8;
	[tilespmem:$0x1E640] =	vst v63  }
0x1a4: {  	_ =	swait.ge [sflag:s5], $0x1400  }
0x1a5: {  	[sflag:s5] =	ssyncset.done $0x0  }
0x1a6: {  	s23 =	sadd.s32 $0x4F10, s10;
	[sflag:s5] =	ssyncadd.s32 $0xFFFFEC00  }
0x1a7: {  	[spmem:s2] =	stream.indirect.scatter.add.f32 [tilespmem:s22], [sflag:$0x9], $0x40, s23, s16, $0xb8;
	[tilespmem:$0x1E640] =	vst v63  }
0x1a8: {  	_ = 	snop  }
0x1a9: {  	[spmem:s3] =	stream.indirect.scatter.add.f32 [tilespmem:s26], [sflag:$0xB], $0x10, s23, s16, $0xb8;
	[tilespmem:$0x1E640] =	vst v63  }
0x1aa: {  	_ =	swait.ge [sflag:s15], $0x1400  }
0x1ab: {  	[sflag:s15] =	ssyncset.done $0x0  }
0x1ac: {  	s23 =	sadd.s32 $0x280, s10;
	[sflag:s15] =	ssyncadd.s32 $0xFFFFEC00  }
0x1ad: {  	[tilespmem:s22], [sflag:$0x4] =	stream.indirect.gather [hbm4b:s1+s16], $0x40, s23, s16, $0xb8;
	[tilespmem:$0x1E640] =	vst v63  }
0x1ae: {  	_ =	swait.ge [sflag:s19], $0x1400  }
0x1af: {  	[sflag:s19] =	ssyncset.done $0x0  }
0x1b0: {  	s23 =	sadd.s32 $0x4F60, s10;
	[sflag:s19] =	ssyncadd.s32 $0xFFFFEC00  }
0x1b1: {  	[spmem:s2] =	stream.indirect.scatter.add.f32 [tilespmem:s24], [sflag:$0xA], $0x40, s23, s16, $0xb8;
	[tilespmem:$0x1E640] =	vst v63  }
.Ltmp1:
0x1b2: {  	(pc) =	sbr.rel @p0 .LBB2_4-.Ltmp1, $4  }
0x1b3: {  	[spmem:s3] =	stream.indirect.scatter.add.f32 [tilespmem:s26], [sflag:$0xB], $0x10, s23, s16, $0xb8;
	[tilespmem:$0x1E640] =	vst v63  }
0x1b4: {  	_ =	swait.ge [sflag:s21], $0x1400  }
0x1b5: {  	[sflag:s21] =	ssyncset.done $0x0  }
0x1b6: {  	s10 =	sadd.s32 $0x2D0, s10;
	[sflag:s21] =	ssyncadd.s32 $0xFFFFEC00  }
0x1b7: {  	[tilespmem:s24], [sflag:$0x5] =	stream.indirect.gather [hbm4b:s1+s16], $0x40, s10, s16, $0xb8;
	[tilespmem:$0x1E640] =	vst v63  }
0x1b8: {  	_ =	swait.ge [sflag:s25], $0x1400  }
0x1b9: {  	[sflag:s25] =	ssyncset.done $0x0  }
0x1ba: {  	s4 =	simm.s32 $0x9AB0;
	[sflag:s25] =	ssyncadd.s32 $0xFFFFEC00  }
0x1bb: {  	[spmem:s2] =	stream.indirect.scatter.add.f32 [tilespmem:s17], [sflag:$0x6], $0x40, s4, s16, $0xb8;
	[tilespmem:$0x1E640] =	vst v63  }
0x1bc: {  	_ = 	snop  }
0x1bd: {  	[spmem:s3] =	stream.indirect.scatter.add.f32 [tilespmem:s26], [sflag:$0xB], $0x10, s4, s16, $0xb8;
	[tilespmem:$0x1E640] =	vst v63  }
0x1be: {  	_ =	swait.ge [sflag:s28], $0x1400  }
0x1bf: {  	[sflag:s28] =	ssyncset.done $0x0  }
0x1c0: {  	[sflag:s28] =	ssyncadd.s32 $0xFFFFEC00  }
0x1c1: {  	_ =	swait.ge [sflag:s29], $0x1400  }
0x1c2: {  	[sflag:s29] =	ssyncset.done $0x0  }
0x1c3: {  	s8 =	simm.s32 $0x9B00;
	[sflag:s29] =	ssyncadd.s32 $0xFFFFEC00  }
0x1c4: {  	[spmem:s2] =	stream.indirect.scatter.add.f32 [tilespmem:s18], [sflag:$0x7], $0x40, s8, s16, $0xb8;
	[tilespmem:$0x1E640] =	vst v63  }
0x1c5: {  	_ = 	snop  }
0x1c6: {  	[spmem:s3] =	stream.indirect.scatter.add.f32 [tilespmem:s26], [sflag:$0xB], $0x10, s8, s16, $0xb8;
	[tilespmem:$0x1E640] =	vst v63  }
0x1c7: {  	_ =	swait.ge [sflag:s30], $0x1400  }
0x1c8: {  	[sflag:s30] =	ssyncset.done $0x0  }
0x1c9: {  	[sflag:s30] =	ssyncadd.s32 $0xFFFFEC00  }
0x1ca: {  	_ =	swait.ge [sflag:s31], $0x1400  }
0x1cb: {  	[sflag:s31] =	ssyncset.done $0x0  }
0x1cc: {  	s10 =	simm.s32 $0x9B50;
	[sflag:s31] =	ssyncadd.s32 $0xFFFFEC00  }
0x1cd: {  	[spmem:s2] =	stream.indirect.scatter.add.f32 [tilespmem:s20], [sflag:$0x8], $0x40, s10, s16, $0xb8;
	[tilespmem:$0x1E640] =	vst v63  }
0x1ce: {  	_ = 	snop  }
0x1cf: {  	[spmem:s3] =	stream.indirect.scatter.add.f32 [tilespmem:s26], [sflag:$0xB], $0x10, s10, s16, $0xb8;
	[tilespmem:$0x1E640] =	vst v63  }
0x1d0: {  	_ =	swait.ge [sflag:s0], $0x1400  }
0x1d1: {  	[sflag:s0] =	ssyncset.done $0x0  }
0x1d2: {  	[sflag:s0] =	ssyncadd.s32 $0xFFFFEC00  }
0x1d3: {  	_ =	swait.ge [sflag:s5], $0x1400  }
0x1d4: {  	[sflag:s5] =	ssyncset.done $0x0  }
0x1d5: {  	s12 =	simm.s32 $0x9BA0;
	[sflag:s5] =	ssyncadd.s32 $0xFFFFEC00  }
0x1d6: {  	[spmem:s2] =	stream.indirect.scatter.add.f32 [tilespmem:s22], [sflag:$0x9], $0x40, s12, s16, $0xb8;
	[tilespmem:$0x1E640] =	vst v63  }
0x1d7: {  	_ = 	snop  }
0x1d8: {  	[spmem:s3] =	stream.indirect.scatter.add.f32 [tilespmem:s26], [sflag:$0xB], $0x10, s12, s16, $0xb8;
	[tilespmem:$0x1E640] =	vst v63  }
0x1d9: {  	_ =	swait.ge [sflag:s15], $0x1400  }
0x1da: {  	[sflag:s15] =	ssyncset.done $0x0  }
0x1db: {  	[sflag:s15] =	ssyncadd.s32 $0xFFFFEC00  }
0x1dc: {  	_ =	swait.ge [sflag:s19], $0x1400  }
0x1dd: {  	[sflag:s19] =	ssyncset.done $0x0  }
0x1de: {  	s23 =	simm.s32 $0x9BF0;
	[sflag:s19] =	ssyncadd.s32 $0xFFFFEC00  }
0x1df: {  	[spmem:s2] =	stream.indirect.scatter.add.f32 [tilespmem:s24], [sflag:$0xA], $0x40, s23, s16, $0xb8;
	[tilespmem:$0x1E640] =	vst v63  }
0x1e0: {  	_ = 	snop  }
0x1e1: {  	[spmem:s3] =	stream.indirect.scatter.add.f32 [tilespmem:s26], [sflag:$0xB], $0x10, s23, s16, $0xb8;
	[tilespmem:$0x1E640] =	vst v63  }
0x1e2: {  	_ =	swait.ge [sflag:s21], $0x1400  }
0x1e3: {  	[sflag:s21] =	ssyncset.done $0x0  }
0x1e4: {  	[sflag:s21] =	ssyncadd.s32 $0xFFFFEC00  }
0x1e5: {  	_ =	swait.ge [sflag:s6], $0x500  }
0x1e6: {  	s4 =	simm.s32 $0xF9;
	[sflag:s6] =	ssyncset.done $0x0  }
.LBB2_6:
0x1e7: {  	p0 =	sne.s32 s4, $0x1;
	s4 =	sadd.s32 $0xFFFFFFFF, s4;
	[sflag:s6] =	ssyncadd.s32 $0xFFFFFB00  }
.Ltmp2:
0x1e8: {  	(pc) =	sbr.rel @p0 .LBB2_6-.Ltmp2, $3  }
0x1e9: {  	_ =	sdelay $0x1  }
0x1ea: {  	_ =	swait.ge [sflag:s6], $0x500  }
0x1eb: {  	[sflag:s6] =	ssyncset.done $0x0  }
0x1ec: {  	[sflag:s6] =	ssyncadd.s32 $0xFFFFFB00  }
0x1ed: {  	s10 =	simm.s32 $0x0;
	[bflag:$0x0] =	sbarrier.arrive $0xFFFF  }
0x1ee: {  	s4 =	smov.u32 s9;
	s8 =	simm.s32 $0x11BC0;
	s23 =	rddreg [dreg:$0x8]  }
.LBB2_8:
0x1ef: {  	[tilespmem:s7], [sflag:$0xC] =	stream.linear.gather [spmem:s23], $0xA00, $0x38;
	[tilespmem:$0x1E640] =	vst v63  }
0x1f0: {  	_ =	swait.ge [sflag:s13], $0xA00  }
0x1f1: {  	[sflag:s13] =	ssyncset.done $0x0  }
0x1f2: {  	[sflag:s13] =	ssyncadd.s32 $0xFFFFF600  }
0x1f3: {  	[tilespmem:s8], [sflag:$0xC] =	stream.linear.gather [spmem:s4], $0x280, $0x38;
	[tilespmem:$0x1E640] =	vst v63  }
0x1f4: {  	_ =	swait.ge [sflag:s13], $0x280  }
0x1f5: {  	[sflag:s13] =	ssyncset.done $0x0  }
0x1f6: {  	[sflag:s13] =	ssyncadd.s32 $0xFFFFFD80  }
0x1f7: {  	v2 =	vld [tilespmem:$0x11BC0]  }
0x1f8: {  	v3 =	vld [tilespmem:$0x111C0]  }
0x1f9: {  	v4 =	vld [tilespmem:$0x111D0]  }
0x1fa: {  	v6 =	vld [tilespmem:$0x111E0]  }
0x1fb: {  	v7 =	vld [tilespmem:$0x111F0]  }
0x1fc: {  	v5 =	vld [tilespmem:$0x11BD0]  }
0x1fd: {  	v8 =	vld [tilespmem:$0x11200]  }
0x1fe: {  	v9 =	vld [tilespmem:$0x11210]  }
0x1ff: {  	v10 =	vld [tilespmem:$0x11220]  }
0x200: {  	v11 =	vld [tilespmem:$0x11230]  }
0x201: {  	v12 =	vld [tilespmem:$0x11BE0]  }
0x202: {  	v13 =	vld [tilespmem:$0x11240]  }
0x203: {  	v14 =	vld [tilespmem:$0x11250]  }
0x204: {  	v15 =	vld [tilespmem:$0x11260]  }
0x205: {  	v16 =	vld [tilespmem:$0x11270]  }
0x206: {  	v17 =	vld [tilespmem:$0x11BF0]  }
0x207: {  	v18 =	vld [tilespmem:$0x11280]  }
0x208: {  	v19 =	vld [tilespmem:$0x11290]  }
0x209: {  	v20 =	vld [tilespmem:$0x112A0]  }
0x20a: {  	v21 =	vld [tilespmem:$0x112B0]  }
0x20b: {  	v22 =	vld [tilespmem:$0x11C00]  }
0x20c: {  	v23 =	vld [tilespmem:$0x112C0]  }
0x20d: {  	v24 =	vld [tilespmem:$0x112D0]  }
0x20e: {  	v25 =	vld [tilespmem:$0x112E0]  }
0x20f: {  	v26 =	vld [tilespmem:$0x112F0]  }
0x210: {  	v27 =	vld [tilespmem:$0x11C10]  }
0x211: {  	v28 =	vld [tilespmem:$0x11300]  }
0x212: {  	v29 =	vld [tilespmem:$0x11310]  }
0x213: {  	v30 =	vld [tilespmem:$0x11320]  }
0x214: {  	v31 =	vld [tilespmem:$0x11330]  }
0x215: {  	v32 =	vld [tilespmem:$0x11C20]  }
0x216: {  	v33 =	vld [tilespmem:$0x11340]  }
0x217: {  	v34 =	vld [tilespmem:$0x11350]  }
0x218: {  	v35 =	vld [tilespmem:$0x11360]  }
0x219: {  	v36 =	vld [tilespmem:$0x11370];
	v2 =	vmax.f32 v2, $1.000000000e+00  }
0x21a: {  	v37 =	vld [tilespmem:$0x11C30];
	(erf) = vrcp.f32 v2  }
0x21b: {  	v38 =	vld [tilespmem:$0x11380]  }
0x21c: {  	v39 =	vld [tilespmem:$0x11390]  }
0x21d: {  	v40 =	vld [tilespmem:$0x113A0];
	v2 =	vmax.f32 v5, $1.000000000e+00  }
0x21e: {  	v41 =	vld [tilespmem:$0x113B0];
	(erf) = vrcp.f32 v2  }
0x21f: {  	v42 =	vld [tilespmem:$0x11C40]  }
0x220: {  	v43 =	vld [tilespmem:$0x113C0]  }
0x221: {  	v46 =	vld [tilespmem:$0x11C50];
	v2 =	vmax.f32 v12, $1.000000000e+00  }
0x222: {  	v54 =	vmax.f32 v22, $1.000000000e+00;
	v22 =	vld [tilespmem:$0x11C60];
	(erf) = vrcp.f32 v2  }
0x223: {  	v60 =	vmax.f32 v27, $1.000000000e+00;
	v27 =	vld [tilespmem:$0x11470];
	v44 =	vpop (erf)  }
0x224: {  	v47 =	vmax.f32 v32, $1.000000000e+00;
	v32 =	vld [tilespmem:$0x11540];
	v45 =	vmul.f32 v44, v3  }
0x225: {  	v17 =	vmax.f32 v17, $1.000000000e+00;
	v5 =	vld [tilespmem:$0x113E0];
	v4 =	vmul.f32 v4, v44  }
0x226: {  	v12 =	vld [tilespmem:$0x113D0];
	(erf) = vrcp.f32 v17;
	v51 =	vmul.f32 v6, v44;
	[tilespmem:$0x111C0] =	vst v45  }
0x227: {  	v2 =	vld [tilespmem:$0x113F0];
	v52 =	vmul.f32 v7, v44;
	v53 =	vpop (erf);
	[tilespmem:$0x111D0] =	vst v4  }
0x228: {  	v17 =	vld [tilespmem:$0x11450];
	v8 =	vmul.f32 v53, v8;
	[tilespmem:$0x111E0] =	vst v51  }
0x229: {  	v3 =	vld [tilespmem:$0x11400];
	v9 =	vmul.f32 v9, v53;
	[tilespmem:$0x111F0] =	vst v52  }
0x22a: {  	v6 =	vld [tilespmem:$0x11410];
	(erf) = vrcp.f32 v54;
	v55 =	vmul.f32 v10, v53;
	[tilespmem:$0x11200] =	vst v8  }
0x22b: {  	v7 =	vld [tilespmem:$0x11420];
	v56 =	vmul.f32 v11, v53;
	v57 =	vpop (erf);
	[tilespmem:$0x11210] =	vst v9  }
0x22c: {  	v10 =	vld [tilespmem:$0x11440];
	v58 =	vmul.f32 v57, v13;
	[tilespmem:$0x11220] =	vst v55  }
0x22d: {  	v4 =	vld [tilespmem:$0x11430];
	v59 =	vmul.f32 v14, v57;
	[tilespmem:$0x11230] =	vst v56  }
0x22e: {  	(erf) = vrcp.f32 v60;
	v13 =	vld [tilespmem:$0x11460];
	v61 =	vmul.f32 v15, v57;
	[tilespmem:$0x11240] =	vst v58  }
0x22f: {  	v14 =	vld [tilespmem:$0x11C70];
	v62 =	vmul.f32 v16, v57;
	[tilespmem:$0x11250] =	vst v59;
	v63 =	vpop (erf)  }
0x230: {  	v15 =	vld [tilespmem:$0x11480];
	[tilespmem:$0x11260] =	vst v61;
	v44 =	vmul.f32 v63, v18  }
0x231: {  	v16 =	vld [tilespmem:$0x11490];
	[tilespmem:$0x11270] =	vst v62;
	v45 =	vmul.f32 v19, v63  }
0x232: {  	v8 =	vld [tilespmem:$0x115B0];
	(erf) = vrcp.f32 v47;
	v48 =	vmul.f32 v20, v63;
	[tilespmem:$0x11280] =	vst v44  }
0x233: {  	v19 =	vld [tilespmem:$0x114A0];
	v49 =	vmul.f32 v21, v63;
	v50 =	vpop (erf);
	[tilespmem:$0x11290] =	vst v45  }
0x234: {  	v18 =	vld [tilespmem:$0x114B0];
	v51 =	vmul.f32 v50, v23;
	[tilespmem:$0x112A0] =	vst v48  }
0x235: {  	v53 =	vmax.f32 v37, $1.000000000e+00;
	v20 =	vld [tilespmem:$0x11C80];
	v52 =	vmul.f32 v24, v50;
	[tilespmem:$0x112B0] =	vst v49  }
0x236: {  	v21 =	vld [tilespmem:$0x114C0];
	(erf) = vrcp.f32 v53;
	v54 =	vmul.f32 v25, v50;
	[tilespmem:$0x112C0] =	vst v51  }
0x237: {  	v24 =	vld [tilespmem:$0x114D0];
	v55 =	vmul.f32 v26, v50;
	v56 =	vpop (erf);
	[tilespmem:$0x112D0] =	vst v52  }
0x238: {  	v23 =	vld [tilespmem:$0x114E0];
	v57 =	vmul.f32 v56, v28;
	[tilespmem:$0x112E0] =	vst v54  }
0x239: {  	v59 =	vmax.f32 v42, $1.000000000e+00;
	v25 =	vld [tilespmem:$0x114F0];
	v58 =	vmul.f32 v29, v56;
	[tilespmem:$0x112F0] =	vst v55  }
0x23a: {  	v26 =	vld [tilespmem:$0x11C90];
	(erf) = vrcp.f32 v59;
	v60 =	vmul.f32 v30, v56;
	[tilespmem:$0x11300] =	vst v57  }
0x23b: {  	v59 =	vld [tilespmem:$0x11CC0];
	v61 =	vmul.f32 v31, v56;
	[tilespmem:$0x11310] =	vst v58;
	v62 =	vpop (erf)  }
0x23c: {  	v29 =	vld [tilespmem:$0x11500];
	[tilespmem:$0x11320] =	vst v60;
	v63 =	vmul.f32 v62, v33  }
0x23d: {  	v42 =	vmax.f32 v46, $1.000000000e+00;
	v28 =	vld [tilespmem:$0x11510];
	[tilespmem:$0x11330] =	vst v61;
	v37 =	vmul.f32 v34, v62  }
0x23e: {  	v30 =	vld [tilespmem:$0x11520];
	(erf) = vrcp.f32 v42;
	v45 =	vmul.f32 v35, v62;
	[tilespmem:$0x11340] =	vst v63  }
0x23f: {  	v31 =	vld [tilespmem:$0x11530];
	v46 =	vmul.f32 v36, v62;
	v47 =	vpop (erf);
	[tilespmem:$0x11350] =	vst v37  }
0x240: {  	v51 =	vld [tilespmem:$0x11CB0];
	v48 =	vmul.f32 v47, v38;
	[tilespmem:$0x11360] =	vst v45  }
0x241: {  	v22 =	vmax.f32 v22, $1.000000000e+00;
	v44 =	vld [tilespmem:$0x11CA0];
	v49 =	vmul.f32 v39, v47;
	[tilespmem:$0x11370] =	vst v46  }
0x242: {  	v57 =	vld [tilespmem:$0x115A0];
	(erf) = vrcp.f32 v22;
	v50 =	vmul.f32 v40, v47;
	[tilespmem:$0x11380] =	vst v48  }
0x243: {  	v61 =	vld [tilespmem:$0x115D0];
	v52 =	vmul.f32 v41, v47;
	v53 =	vpop (erf);
	[tilespmem:$0x11390] =	vst v49  }
0x244: {  	v11 =	vmax.f32 v59, $1.000000000e+00;
	v59 =	vld [tilespmem:$0x11720];
	v54 =	vmul.f32 v53, v43;
	[tilespmem:$0x113A0] =	vst v50  }
0x245: {  	v56 =	vmax.f32 v14, $1.000000000e+00;
	v42 =	vmax.f32 v51, $1.000000000e+00;
	v51 =	vld [tilespmem:$0x116D0];
	v55 =	vmul.f32 v12, v53;
	[tilespmem:$0x113B0] =	vst v52  }
0x246: {  	v34 =	vld [tilespmem:$0x11550];
	(erf) = vrcp.f32 v56;
	v5 =	vmul.f32 v5, v53;
	[tilespmem:$0x113C0] =	vst v54  }
0x247: {  	v35 =	vld [tilespmem:$0x11560];
	v2 =	vmul.f32 v2, v53;
	[tilespmem:$0x113D0] =	vst v55;
	v58 =	vpop (erf)  }
0x248: {  	v36 =	vld [tilespmem:$0x11570];
	[tilespmem:$0x113E0] =	vst v5;
	v3 =	vmul.f32 v58, v3  }
0x249: {  	v60 =	vmax.f32 v20, $1.000000000e+00;
	v33 =	vld [tilespmem:$0x11CE0];
	[tilespmem:$0x113F0] =	vst v2;
	v2 =	vmul.f32 v6, v58  }
0x24a: {  	v22 =	vld [tilespmem:$0x11670];
	(erf) = vrcp.f32 v60;
	[tilespmem:$0x11400] =	vst v3;
	v3 =	vmul.f32 v7, v58  }
0x24b: {  	v38 =	vld [tilespmem:$0x11590];
	v62 =	vpop (erf);
	[tilespmem:$0x11410] =	vst v2;
	v2 =	vmul.f32 v4, v58  }
0x24c: {  	v39 =	vld [tilespmem:$0x11640];
	[tilespmem:$0x11420] =	vst v3;
	v3 =	vmul.f32 v62, v10  }
0x24d: {  	v20 =	vmax.f32 v26, $1.000000000e+00;
	v41 =	vld [tilespmem:$0x11650];
	[tilespmem:$0x11430] =	vst v2;
	v2 =	vmul.f32 v17, v62  }
0x24e: {  	v47 =	vld [tilespmem:$0x116A0];
	(erf) = vrcp.f32 v20;
	[tilespmem:$0x11440] =	vst v3;
	v3 =	vmul.f32 v13, v62  }
0x24f: {  	v56 =	vld [tilespmem:$0x11700];
	v26 =	vpop (erf);
	[tilespmem:$0x11450] =	vst v2;
	v2 =	vmul.f32 v27, v62  }
0x250: {  	v37 =	vld [tilespmem:$0x11580];
	[tilespmem:$0x11460] =	vst v3;
	v3 =	vmul.f32 v26, v15  }
0x251: {  	v63 =	vld [tilespmem:$0x11CD0];
	v27 =	vmax.f32 v44, $1.000000000e+00;
	[tilespmem:$0x11470] =	vst v2;
	v2 =	vmul.f32 v16, v26  }
0x252: {  	v43 =	vld [tilespmem:$0x11CF0];
	(erf) = vrcp.f32 v27;
	[tilespmem:$0x11480] =	vst v3;
	v3 =	vmul.f32 v19, v26  }
0x253: {  	v45 =	vld [tilespmem:$0x11680];
	v40 =	vpop (erf);
	[tilespmem:$0x11490] =	vst v2;
	v2 =	vmul.f32 v18, v26  }
0x254: {  	v46 =	vld [tilespmem:$0x11690];
	[tilespmem:$0x114A0] =	vst v3;
	v3 =	vmul.f32 v40, v21  }
0x255: {  	v49 =	vld [tilespmem:$0x11D00];
	[tilespmem:$0x114B0] =	vst v2;
	v2 =	vmul.f32 v24, v40  }
0x256: {  	v50 =	vld [tilespmem:$0x116C0];
	(erf) = vrcp.f32 v42;
	[tilespmem:$0x114C0] =	vst v3;
	v3 =	vmul.f32 v23, v40  }
0x257: {  	v52 =	vld [tilespmem:$0x116E0];
	v44 =	vpop (erf);
	[tilespmem:$0x114D0] =	vst v2;
	v2 =	vmul.f32 v25, v40  }
0x258: {  	v5 =	vld [tilespmem:$0x115C0];
	[tilespmem:$0x114E0] =	vst v3;
	v3 =	vmul.f32 v44, v29  }
0x259: {  	v54 =	vld [tilespmem:$0x116F0];
	[tilespmem:$0x114F0] =	vst v2;
	v2 =	vmul.f32 v28, v44  }
0x25a: {  	v55 =	vld [tilespmem:$0x11D10];
	(erf) = vrcp.f32 v11;
	[tilespmem:$0x11500] =	vst v3;
	v3 =	vmul.f32 v30, v44  }
0x25b: {  	v9 =	vmax.f32 v63, $1.000000000e+00;
	v63 =	vld [tilespmem:$0x11740];
	v48 =	vpop (erf);
	[tilespmem:$0x11510] =	vst v2;
	v2 =	vmul.f32 v31, v44  }
0x25c: {  	v60 =	vld [tilespmem:$0x11730];
	[tilespmem:$0x11520] =	vst v3;
	v3 =	vmul.f32 v48, v32  }
0x25d: {  	v6 =	vld [tilespmem:$0x115E0];
	[tilespmem:$0x11530] =	vst v2;
	v2 =	vmul.f32 v34, v48  }
0x25e: {  	v20 =	vmax.f32 v33, $1.000000000e+00;
	v33 =	vld [tilespmem:$0x11760];
	(erf) = vrcp.f32 v9;
	[tilespmem:$0x11540] =	vst v3;
	v3 =	vmul.f32 v35, v48  }
0x25f: {  	v7 =	vld [tilespmem:$0x115F0];
	v53 =	vpop (erf);
	[tilespmem:$0x11550] =	vst v2;
	v2 =	vmul.f32 v36, v48  }
0x260: {  	v17 =	vld [tilespmem:$0x11600];
	[tilespmem:$0x11560] =	vst v3;
	v3 =	vmul.f32 v53, v37  }
0x261: {  	v10 =	vld [tilespmem:$0x11610];
	[tilespmem:$0x11570] =	vst v2;
	v2 =	vmul.f32 v38, v53  }
0x262: {  	v13 =	vld [tilespmem:$0x11620];
	(erf) = vrcp.f32 v20;
	[tilespmem:$0x11580] =	vst v3;
	v3 =	vmul.f32 v57, v53  }
0x263: {  	v62 =	vld [tilespmem:$0x11D20];
	v58 =	vpop (erf);
	[tilespmem:$0x11590] =	vst v2;
	v2 =	vmul.f32 v8, v53  }
0x264: {  	v27 =	vld [tilespmem:$0x11880];
	[tilespmem:$0x115A0] =	vst v3;
	v3 =	vmul.f32 v58, v5  }
0x265: {  	v15 =	vld [tilespmem:$0x11630];
	[tilespmem:$0x115B0] =	vst v2;
	v2 =	vmul.f32 v61, v58;
	v61 =	vmax.f32 v43, $1.000000000e+00  }
0x266: {  	v42 =	vld [tilespmem:$0x117B0];
	(erf) = vrcp.f32 v61;
	[tilespmem:$0x115C0] =	vst v3;
	v3 =	vmul.f32 v6, v58  }
0x267: {  	v16 =	vld [tilespmem:$0x119D0];
	v21 =	vpop (erf);
	[tilespmem:$0x115D0] =	vst v2;
	v2 =	vmul.f32 v7, v58  }
0x268: {  	v11 =	vld [tilespmem:$0x116B0];
	[tilespmem:$0x115E0] =	vst v3;
	v3 =	vmul.f32 v21, v17  }
0x269: {  	v19 =	vld [tilespmem:$0x11660];
	v34 =	vmax.f32 v49, $1.000000000e+00;
	[tilespmem:$0x115F0] =	vst v2;
	v2 =	vmul.f32 v10, v21  }
0x26a: {  	v24 =	vld [tilespmem:$0x11A10];
	(erf) = vrcp.f32 v34;
	[tilespmem:$0x11600] =	vst v3;
	v3 =	vmul.f32 v13, v21  }
0x26b: {  	v40 =	vmax.f32 v55, $1.000000000e+00;
	v55 =	vld [tilespmem:$0x11830];
	v37 =	vpop (erf);
	[tilespmem:$0x11610] =	vst v2;
	v2 =	vmul.f32 v15, v21  }
0x26c: {  	v23 =	vld [tilespmem:$0x11D70];
	[tilespmem:$0x11620] =	vst v3;
	v3 =	vmul.f32 v37, v39  }
0x26d: {  	v25 =	vld [tilespmem:$0x11DF0];
	[tilespmem:$0x11630] =	vst v2;
	v2 =	vmul.f32 v41, v37  }
0x26e: {  	v28 =	vld [tilespmem:$0x11890];
	(erf) = vrcp.f32 v40;
	[tilespmem:$0x11640] =	vst v3;
	v3 =	vmul.f32 v19, v37  }
0x26f: {  	v44 =	vld [tilespmem:$0x11D40];
	[tilespmem:$0x11650] =	vst v2;
	v2 =	vmul.f32 v22, v37;
	v43 =	vpop (erf)  }
0x270: {  	v36 =	vld [tilespmem:$0x11D30];
	[tilespmem:$0x11660] =	vst v3;
	v3 =	vmul.f32 v43, v45  }
0x271: {  	v20 =	vmax.f32 v62, $1.000000000e+00;
	v30 =	vld [tilespmem:$0x118A0];
	[tilespmem:$0x11670] =	vst v2;
	v2 =	vmul.f32 v46, v43  }
0x272: {  	v31 =	vld [tilespmem:$0x118B0];
	(erf) = vrcp.f32 v20;
	[tilespmem:$0x11680] =	vst v3;
	v3 =	vmul.f32 v47, v43  }
0x273: {  	v32 =	vld [tilespmem:$0x11750];
	v48 =	vpop (erf);
	[tilespmem:$0x11690] =	vst v2;
	v2 =	vmul.f32 v11, v43  }
0x274: {  	v57 =	vld [tilespmem:$0x11710];
	[tilespmem:$0x116A0] =	vst v3;
	v3 =	vmul.f32 v48, v50  }
0x275: {  	v49 =	vld [tilespmem:$0x117F0];
	v10 =	vmax.f32 v36, $1.000000000e+00;
	[tilespmem:$0x116B0] =	vst v2;
	v2 =	vmul.f32 v51, v48  }
0x276: {  	v35 =	vld [tilespmem:$0x11770];
	(erf) = vrcp.f32 v10;
	[tilespmem:$0x116C0] =	vst v3;
	v3 =	vmul.f32 v52, v48  }
0x277: {  	v38 =	vld [tilespmem:$0x11780];
	v53 =	vpop (erf);
	[tilespmem:$0x116D0] =	vst v2;
	v2 =	vmul.f32 v54, v48  }
0x278: {  	v50 =	vld [tilespmem:$0x11D50];
	[tilespmem:$0x116E0] =	vst v3;
	v3 =	vmul.f32 v53, v56  }
0x279: {  	v61 =	vld [tilespmem:$0x11860];
	[tilespmem:$0x116F0] =	vst v2;
	v2 =	vmul.f32 v57, v53;
	v56 =	vmax.f32 v44, $1.000000000e+00  }
0x27a: {  	v58 =	vld [tilespmem:$0x11840];
	(erf) = vrcp.f32 v56;
	[tilespmem:$0x11700] =	vst v3;
	v3 =	vmul.f32 v59, v53  }
0x27b: {  	v39 =	vld [tilespmem:$0x11790];
	[tilespmem:$0x11710] =	vst v2;
	v2 =	vmul.f32 v60, v53;
	v59 =	vpop (erf)  }
0x27c: {  	v57 =	vld [tilespmem:$0x11D60];
	[tilespmem:$0x11720] =	vst v3;
	v3 =	vmul.f32 v59, v63  }
0x27d: {  	v41 =	vld [tilespmem:$0x117A0];
	v62 =	vmax.f32 v50, $1.000000000e+00;
	[tilespmem:$0x11730] =	vst v2;
	v2 =	vmul.f32 v32, v59  }
0x27e: {  	v34 =	vld [tilespmem:$0x118C0];
	(erf) = vrcp.f32 v62;
	[tilespmem:$0x11740] =	vst v3;
	v3 =	vmul.f32 v33, v59  }
0x27f: {  	v45 =	vld [tilespmem:$0x117C0];
	v26 =	vpop (erf);
	[tilespmem:$0x11750] =	vst v2;
	v2 =	vmul.f32 v35, v59  }
0x280: {  	v46 =	vld [tilespmem:$0x117D0];
	[tilespmem:$0x11760] =	vst v3;
	v3 =	vmul.f32 v26, v38  }
0x281: {  	v47 =	vld [tilespmem:$0x117E0];
	v29 =	vmax.f32 v57, $1.000000000e+00;
	[tilespmem:$0x11770] =	vst v2;
	v2 =	vmul.f32 v39, v26  }
0x282: {  	v51 =	vld [tilespmem:$0x11800];
	(erf) = vrcp.f32 v29;
	[tilespmem:$0x11780] =	vst v3;
	v3 =	vmul.f32 v41, v26  }
0x283: {  	v52 =	vld [tilespmem:$0x11810];
	[tilespmem:$0x11790] =	vst v2;
	v2 =	vmul.f32 v42, v26;
	v32 =	vpop (erf)  }
0x284: {  	v33 =	vld [tilespmem:$0x11D80];
	[tilespmem:$0x117A0] =	vst v3;
	v3 =	vmul.f32 v32, v45  }
0x285: {  	v7 =	vmax.f32 v23, $1.000000000e+00;
	v54 =	vld [tilespmem:$0x11820];
	[tilespmem:$0x117B0] =	vst v2;
	v2 =	vmul.f32 v46, v32  }
0x286: {  	v36 =	vld [tilespmem:$0x118E0];
	(erf) = vrcp.f32 v7;
	[tilespmem:$0x117C0] =	vst v3;
	v3 =	vmul.f32 v47, v32  }
0x287: {  	v60 =	vld [tilespmem:$0x11850];
	v37 =	vpop (erf);
	[tilespmem:$0x117D0] =	vst v2;
	v2 =	vmul.f32 v49, v32  }
0x288: {  	v39 =	vld [tilespmem:$0x11D90];
	[tilespmem:$0x117E0] =	vst v3;
	v3 =	vmul.f32 v37, v51  }
0x289: {  	v21 =	vld [tilespmem:$0x119F0];
	v40 =	vmax.f32 v33, $1.000000000e+00;
	[tilespmem:$0x117F0] =	vst v2;
	v2 =	vmul.f32 v52, v37  }
0x28a: {  	v63 =	vld [tilespmem:$0x11870];
	(erf) = vrcp.f32 v40;
	[tilespmem:$0x11800] =	vst v3;
	v3 =	vmul.f32 v54, v37  }
0x28b: {  	v19 =	vld [tilespmem:$0x119E0];
	v43 =	vpop (erf);
	[tilespmem:$0x11810] =	vst v2;
	v2 =	vmul.f32 v55, v37  }
0x28c: {  	v45 =	vld [tilespmem:$0x11DA0];
	[tilespmem:$0x11820] =	vst v3;
	v3 =	vmul.f32 v43, v58  }
0x28d: {  	v20 =	vld [tilespmem:$0x11DE0];
	v46 =	vmax.f32 v39, $1.000000000e+00;
	[tilespmem:$0x11830] =	vst v2;
	v2 =	vmul.f32 v60, v43  }
0x28e: {  	v48 =	vld [tilespmem:$0x11940];
	(erf) = vrcp.f32 v46;
	[tilespmem:$0x11840] =	vst v3;
	v3 =	vmul.f32 v61, v43  }
0x28f: {  	v35 =	vld [tilespmem:$0x118D0];
	v49 =	vpop (erf);
	[tilespmem:$0x11850] =	vst v2;
	v2 =	vmul.f32 v63, v43  }
0x290: {  	v51 =	vld [tilespmem:$0x11DB0];
	[tilespmem:$0x11860] =	vst v3;
	v3 =	vmul.f32 v49, v27  }
0x291: {  	v56 =	vld [tilespmem:$0x11DC0];
	v8 =	vmax.f32 v45, $1.000000000e+00;
	[tilespmem:$0x11870] =	vst v2;
	v2 =	vmul.f32 v28, v49  }
0x292: {  	v38 =	vld [tilespmem:$0x118F0];
	(erf) = vrcp.f32 v8;
	[tilespmem:$0x11880] =	vst v3;
	v3 =	vmul.f32 v30, v49  }
0x293: {  	v41 =	vld [tilespmem:$0x11900];
	v54 =	vpop (erf);
	[tilespmem:$0x11890] =	vst v2;
	v2 =	vmul.f32 v31, v49  }
0x294: {  	v42 =	vld [tilespmem:$0x11910];
	[tilespmem:$0x118A0] =	vst v3;
	v3 =	vmul.f32 v54, v34  }
0x295: {  	v44 =	vld [tilespmem:$0x11920];
	v12 =	vmax.f32 v51, $1.000000000e+00;
	[tilespmem:$0x118B0] =	vst v2;
	v2 =	vmul.f32 v35, v54  }
0x296: {  	v47 =	vld [tilespmem:$0x11930];
	(erf) = vrcp.f32 v12;
	[tilespmem:$0x118C0] =	vst v3;
	v3 =	vmul.f32 v36, v54  }
0x297: {  	v50 =	vld [tilespmem:$0x11950];
	v59 =	vpop (erf);
	[tilespmem:$0x118D0] =	vst v2;
	v2 =	vmul.f32 v38, v54  }
0x298: {  	v61 =	vld [tilespmem:$0x11DD0];
	[tilespmem:$0x118E0] =	vst v3;
	v3 =	vmul.f32 v59, v41  }
0x299: {  	v62 =	vmax.f32 v56, $1.000000000e+00;
	v52 =	vld [tilespmem:$0x11960];
	[tilespmem:$0x118F0] =	vst v2;
	v2 =	vmul.f32 v42, v59  }
0x29a: {  	v53 =	vld [tilespmem:$0x11970];
	(erf) = vrcp.f32 v62;
	[tilespmem:$0x11900] =	vst v3;
	v3 =	vmul.f32 v44, v59  }
0x29b: {  	v55 =	vld [tilespmem:$0x11980];
	v18 =	vpop (erf);
	[tilespmem:$0x11910] =	vst v2;
	v2 =	vmul.f32 v47, v59  }
0x29c: {  	v57 =	vld [tilespmem:$0x11990];
	[tilespmem:$0x11920] =	vst v3;
	v3 =	vmul.f32 v18, v48  }
0x29d: {  	v58 =	vld [tilespmem:$0x119A0];
	v12 =	vmax.f32 v61, $1.000000000e+00;
	[tilespmem:$0x11930] =	vst v2;
	v2 =	vmul.f32 v50, v18  }
0x29e: {  	v60 =	vld [tilespmem:$0x119B0];
	(erf) = vrcp.f32 v12;
	[tilespmem:$0x11940] =	vst v3;
	v3 =	vmul.f32 v52, v18  }
0x29f: {  	v63 =	vld [tilespmem:$0x119C0];
	v23 =	vpop (erf);
	[tilespmem:$0x11950] =	vst v2;
	v2 =	vmul.f32 v53, v18  }
0x2a0: {  	v22 =	vld [tilespmem:$0x11A00];
	[tilespmem:$0x11960] =	vst v3;
	v3 =	vmul.f32 v23, v55  }
0x2a1: {  	v5 =	vmax.f32 v20, $1.000000000e+00;
	v29 =	vld [tilespmem:$0x11A40];
	[tilespmem:$0x11970] =	vst v2;
	v2 =	vmul.f32 v57, v23  }
0x2a2: {  	v26 =	vld [tilespmem:$0x11A20];
	(erf) = vrcp.f32 v5;
	[tilespmem:$0x11980] =	vst v3;
	v3 =	vmul.f32 v58, v23  }
0x2a3: {  	v40 =	vld [tilespmem:$0x11E20];
	v28 =	vpop (erf);
	[tilespmem:$0x11990] =	vst v2;
	v2 =	vmul.f32 v60, v23  }
0x2a4: {  	v30 =	vld [tilespmem:$0x11E00];
	[tilespmem:$0x119A0] =	vst v3;
	v3 =	vmul.f32 v28, v63  }
0x2a5: {  	v13 =	vmax.f32 v25, $1.000000000e+00;
	v39 =	vld [tilespmem:$0x11AA0];
	[tilespmem:$0x119B0] =	vst v2;
	v2 =	vmul.f32 v16, v28  }
0x2a6: {  	v27 =	vld [tilespmem:$0x11A30];
	(erf) = vrcp.f32 v13;
	[tilespmem:$0x119C0] =	vst v3;
	v3 =	vmul.f32 v19, v28  }
0x2a7: {  	v31 =	vld [tilespmem:$0x11A50];
	v33 =	vpop (erf);
	[tilespmem:$0x119D0] =	vst v2;
	v2 =	vmul.f32 v21, v28  }
0x2a8: {  	v35 =	vld [tilespmem:$0x11E10];
	[tilespmem:$0x119E0] =	vst v3;
	v3 =	vmul.f32 v33, v22  }
0x2a9: {  	v32 =	vld [tilespmem:$0x11A60];
	v11 =	vmax.f32 v30, $1.000000000e+00;
	[tilespmem:$0x119F0] =	vst v2;
	v2 =	vmul.f32 v24, v33  }
0x2aa: {  	v34 =	vld [tilespmem:$0x11A70];
	(erf) = vrcp.f32 v11;
	[tilespmem:$0x11A00] =	vst v3;
	v3 =	vmul.f32 v26, v33  }
0x2ab: {  	v36 =	vld [tilespmem:$0x11A80];
	v38 =	vpop (erf);
	[tilespmem:$0x11A10] =	vst v2;
	v2 =	vmul.f32 v27, v33  }
0x2ac: {  	v37 =	vld [tilespmem:$0x11A90];
	[tilespmem:$0x11A20] =	vst v3;
	v3 =	vmul.f32 v38, v29  }
0x2ad: {  	v45 =	vld [tilespmem:$0x11E30];
	v12 =	vmax.f32 v35, $1.000000000e+00;
	[tilespmem:$0x11A30] =	vst v2;
	v2 =	vmul.f32 v31, v38  }
0x2ae: {  	v41 =	vld [tilespmem:$0x11AB0];
	(erf) = vrcp.f32 v12;
	[tilespmem:$0x11A40] =	vst v3;
	v3 =	vmul.f32 v32, v38  }
0x2af: {  	v42 =	vld [tilespmem:$0x11AC0];
	v43 =	vpop (erf);
	[tilespmem:$0x11A50] =	vst v2;
	v2 =	vmul.f32 v34, v38  }
0x2b0: {  	v44 =	vld [tilespmem:$0x11AD0];
	[tilespmem:$0x11A60] =	vst v3;
	v3 =	vmul.f32 v43, v36  }
0x2b1: {  	v46 =	vld [tilespmem:$0x11AE0];
	v7 =	vmax.f32 v40, $1.000000000e+00;
	[tilespmem:$0x11A70] =	vst v2;
	v2 =	vmul.f32 v37, v43  }
0x2b2: {  	v47 =	vld [tilespmem:$0x11AF0];
	(erf) = vrcp.f32 v7;
	[tilespmem:$0x11A80] =	vst v3;
	v3 =	vmul.f32 v39, v43  }
0x2b3: {  	v49 =	vld [tilespmem:$0x11B00];
	v48 =	vpop (erf);
	[tilespmem:$0x11A90] =	vst v2;
	v2 =	vmul.f32 v41, v43  }
0x2b4: {  	v50 =	vld [tilespmem:$0x11B10];
	[tilespmem:$0x11AA0] =	vst v3;
	v3 =	vmul.f32 v48, v42  }
0x2b5: {  	v51 =	vld [tilespmem:$0x11B20];
	v8 =	vmax.f32 v45, $1.000000000e+00;
	[tilespmem:$0x11AB0] =	vst v2;
	v2 =	vmul.f32 v44, v48  }
0x2b6: {  	v52 =	vld [tilespmem:$0x11B30];
	(erf) = vrcp.f32 v8;
	[tilespmem:$0x11AC0] =	vst v3;
	v3 =	vmul.f32 v46, v48  }
0x2b7: {  	v54 =	vld [tilespmem:$0x11B40];
	v53 =	vpop (erf);
	[tilespmem:$0x11AD0] =	vst v2;
	v2 =	vmul.f32 v47, v48  }
0x2b8: {  	v55 =	vld [tilespmem:$0x11B50];
	[tilespmem:$0x11AE0] =	vst v3;
	v3 =	vmul.f32 v53, v49  }
0x2b9: {  	v56 =	vld [tilespmem:$0x11B60];
	[tilespmem:$0x11AF0] =	vst v2;
	v2 =	vmul.f32 v50, v53  }
0x2ba: {  	v57 =	vld [tilespmem:$0x11B70];
	[tilespmem:$0x11B00] =	vst v3;
	v3 =	vmul.f32 v51, v53  }
0x2bb: {  	v59 =	vld [tilespmem:$0x11B80];
	v58 =	vpop (erf);
	[tilespmem:$0x11B10] =	vst v2;
	v2 =	vmul.f32 v52, v53  }
0x2bc: {  	v60 =	vld [tilespmem:$0x11B90];
	[tilespmem:$0x11B20] =	vst v3;
	v3 =	vmul.f32 v58, v54  }
0x2bd: {  	v61 =	vld [tilespmem:$0x11BA0];
	[tilespmem:$0x11B30] =	vst v2;
	v2 =	vmul.f32 v55, v58  }
0x2be: {  	v62 =	vld [tilespmem:$0x11BB0];
	[tilespmem:$0x11B40] =	vst v3;
	v3 =	vmul.f32 v56, v58  }
0x2bf: {  	v63 =	vpop (erf);
	[tilespmem:$0x11B50] =	vst v2;
	v2 =	vmul.f32 v57, v58  }
0x2c0: {  	[tilespmem:$0x11B60] =	vst v3;
	v3 =	vmul.f32 v63, v59  }
0x2c1: {  	[tilespmem:$0x11B70] =	vst v2;
	v2 =	vmul.f32 v60, v63  }
0x2c2: {  	[tilespmem:$0x11B80] =	vst v3;
	v3 =	vmul.f32 v61, v63  }
0x2c3: {  	[tilespmem:$0x11B90] =	vst v2;
	v2 =	vmul.f32 v62, v63  }
0x2c4: {  	s12 =	simm.s32 $0x111C0;
	s7 =	smov.u32 s11;
	p0 =	sne.s32 s10, $0x12C0;
	[tilespmem:$0x11BA0] =	vst v3  }
.Ltmp3:
0x2c5: {  	s8 =	sadd.s32 s10, s11;
	s11 =	simm.s32 $0x0;
	[tilespmem:$0x11BB0] =	vst v2;
	(pc) =	sbr.rel @p0 .LBB2_8-.Ltmp3, $4  }
0x2c6: {  	[hbm4b:s8+s11] =	stream.linear.scatter [tilespmem:s12], [sflag:$0xC], $0xA00, $0x38;
	[tilespmem:$0x1E640] =	vst v63  }
0x2c7: {  	s23 =	sadd.s32 $0xA00, s23;
	s4 =	sadd.s32 $0x280, s4;
	_ =	swait.ge [sflag:s13], $0xA00  }
0x2c8: {  	s10 =	sadd.s32 $0x140, s10;
	s11 =	smov.u32 s7;
	[sflag:s13] =	ssyncset.done $0x0  }
0x2c9: {  	s7 =	simm.s32 $0x111C0;
	s8 =	simm.s32 $0x11BC0;
	[sflag:s13] =	ssyncadd.s32 $0xFFFFF600  }
0x2ca: {  	s8 =	rddreg [dreg:$0x9]  }
0x2cb: {  	s4 =	rddreg [dreg:$0x5];
	s8 =	sadd.s32 $0x1, s8  }
0x2cc: {  	p0 =	sne.s32 s8, s4  }
.Ltmp4:
0x2cd: {  	_ = 	snop;
	(pc) =	sbr.rel @p0 .LBB2_1-.Ltmp4, $2  }
0x2ce: {  	_ =	sdelay $0x2  }
0x2cf: {  	s12 =	simm.s32 $0x10540  }
0x2d0: {  	_ =	sfence.sel $0x180000  }
0x2d1: {  	[bflag:$0x0] =	sbarrier.arrive $0xFFFF  }
0x2d2: {  	_ =	strace $0x90000047  }
0x2d3: {  	s0 =	stileid.u32;
	[bflag:$0x2] =	sbarrier.arrive $0xFFFF  }
0x2d4: {  	p0 =	sne.s32 s0, $0x0;
	s0 =	rddreg [dreg:$0x4]  }
0x2d5: {  	s0 =	sadd.s32 @!p0 $0x100000, s0  }
0x2d6: {  	[sflag:s0] =	ssyncadd.tile.s32 @!p0 $0x1;
	_ =	shalt  }
.Lfunc_end2:
_tile_overlayer_lowered:
.L_overlay_start_2:
0x2d7: {  	(tag) =	ssettag $0x2  }
0x2d8: {  	s0 =	rddreg [dreg:$0x0];
	s2 =	stileid.u32  }
0x2d9: {  	s1 =	rddreg [dreg:$0x1];
	p0 =	sne.s32 s2, $0x0  }
0x2da: {  	s3 =	rddreg [dreg:$0x2];
	[bflag:$0x3] =	sbarrier.arrive $0xFFFF;
	s2 =	simm.s32 @!p0 $0x1C0C  }
0x2db: {  	[timem:s3], [sflag:s2] =	dma.local @!p0 [hbm:s0], s1  }
0x2dc: {  	s0 =	simm.s32 @!p0 $0xC  }
0x2dd: {  	_ =	swait.ge @!p0 [sflag:s0], s1  }
0x2de: {  	s1 =	ssub.s32 @!p0 $0x0, s1;
	[sflag:s0] =	ssyncset.done @!p0 $0x0  }
0x2df: {  	[sflag:s0] =	ssyncadd.s32 @!p0 s1  }
0x2e0: {  	[bflag:$0x3] =	sbarrier.arrive $0xFFFF  }
0x2e1: {  	_ =	shalt  }

</sc_bundles>
